<compile_context>
chip_gen: v7x
topology: tpu7x:2x2x1
jax: 0.10.2.dev20260603
libtpu: 0.0.44.dev20260713+nightly
codegen_flags: <defaults>
</compile_context>

<pallas_src>
import functools

import jax
import jax.numpy as jnp
from jax import lax
from jax.experimental import pallas as pl
from jax.experimental.pallas import tpu as pltpu
from jax.experimental.pallas import tpu_sc as plsc

_B, _T = 16384, 200
_V, _D = 100, 16
_DP = _D + 1
_NW = 32
_W = _B // _NW
_TB = 8
_NTB = _T // _TB
_G = _W // 16

_mesh = plsc.VectorSubcoreMesh(core_axis_name="c", subcore_axis_name="s")


@functools.partial(
    pl.kernel,
    mesh=_mesh,
    out_type=jax.ShapeDtypeStruct((_T, _D, _B), jnp.float32),
    scratch_types=[
        pltpu.VMEM((_V * _DP,), jnp.float32),
        pltpu.VMEM((_T, _W), jnp.int32),
        pltpu.VMEM((_D, _W), jnp.float32),
        pltpu.VMEM((_D, _W), jnp.float32),
        pltpu.SemaphoreType.DMA,
        pltpu.SemaphoreType.DMA,
        pltpu.SemaphoreType.DMA,
    ],
    compiler_params=pltpu.CompilerParams(
        use_tc_tiling_on_sc=True, needs_layout_passes=False
    ),
)
def _emb_lookup(idx_hbm, table_hbm, out_hbm, table_v, idx_v, slab0, slab1,
                sem_t, sem0, sem1):
    wid = lax.axis_index("s") * 2 + lax.axis_index("c")
    b0 = wid * _W
    pltpu.async_copy(table_hbm, table_v, sem_t).wait()
    slabs = (slab0, slab1)
    sems = (sem0, sem1)

    pltpu.sync_copy(idx_hbm.at[:, pl.ds(b0, _W)], idx_v)

    @pl.loop(0, _NTB)
    def _tblock(tb):
        t0 = tb * _TB
        for tl in range(_TB):
            slab = slabs[tl % 2]
            sem = sems[tl % 2]
            dst = out_hbm.at[t0 + tl, :, pl.ds(b0, _W)]

            @pl.when(jnp.logical_or(tb > 0, tl >= 2))
            def _drain():
                pltpu.make_async_copy(slab, dst, sem).wait()

            @plsc.parallel_loop(0, _G, unroll=1)
            def _group(g):
                iv = idx_v[t0 + tl, pl.ds(g * 16, 16)]
                base = iv * _DP
                for d in range(_D):
                    vals = plsc.load_gather(table_v, [base + d])
                    slab[d, pl.ds(g * 16, 16)] = vals

            pltpu.async_copy(slab, dst, sem)

    last = out_hbm.at[_T - 1, :, pl.ds(b0, _W)]
    pltpu.make_async_copy(slab0, last, sem0).wait()
    pltpu.make_async_copy(slab1, last, sem1).wait()


def kernel(src, emb_table):
    idx_t = jnp.swapaxes(src, 0, 1).astype(jnp.int32)
    table_p = jnp.pad(emb_table, ((0, 0), (0, 1))).reshape(-1)
    out = _emb_lookup(idx_t, table_p)
    return jnp.transpose(out, (2, 0, 1))

# --- scband reference (transcript-rebuilt; emitter-appended) ---
"""Pipeline reference for scband-fake-src-emb-81844896792676 (READ-ONLY COPY).

The authoritative reference and input builder live on the scoring server;
editing this copy changes nothing except your own understanding.
"""

import jax, jax.numpy as jnp
import numpy as np

VOCAB = 100
DIM = 16

def setup_inputs(seed: int = 0) -> dict:
    key = jax.random.key(seed)
    k1, k2 = jax.random.split(key)
    src = jax.random.randint(k1, (16384, 200), 0, VOCAB, dtype=jnp.int64 if jax.config.jax_enable_x64 else jnp.int32)
    emb_table = jax.random.normal(k2, (VOCAB, DIM), dtype=jnp.float32)
    return {"src": src, "emb_table": emb_table}

def reference(src, emb_table):
    # nn.Embedding forward: pure gather of rows from the table.
    # (padding_idx only affects gradient accumulation in torch, not the forward values.)
    return jnp.take(emb_table, src, axis=0)

if __name__ == "__main__":
    import jax
    _d = setup_inputs()
    print(jax.jit(kernel)(*tuple(_d.values())))

</pallas_src>

<mosaic_0001>
#map = affine_map<(d0, d1) -> (0, 0)>
#map1 = affine_map<(d0, d1) -> (0)>
#map2 = affine_map<(d0, d1) -> (0, 0, 0)>
module attributes {stable_mosaic.version = 14 : i64} {
  func.func @_emb_lookup(%arg0: i32, %arg1: i32, %arg2: memref<200x16384xi32, #tpu.memory_space<hbm>>, %arg3: memref<1700xf32, #tpu.memory_space<hbm>>, %arg4: memref<200x16x16384xf32, #tpu.memory_space<hbm>>, %arg5: memref<1700xf32, #tpu.memory_space<vmem>>, %arg6: memref<200x512xi32, #tpu.memory_space<vmem>>, %arg7: memref<16x512xf32, #tpu.memory_space<vmem>>, %arg8: memref<16x512xf32, #tpu.memory_space<vmem>>, %arg9: memref<!tpu.dma_semaphore, #tpu.memory_space<semaphore_mem>>, %arg10: memref<!tpu.dma_semaphore, #tpu.memory_space<semaphore_mem>>, %arg11: memref<!tpu.dma_semaphore, #tpu.memory_space<semaphore_mem>>) attributes {dimension_semantics = [#tpu.dimension_semantics<core_parallel>, #tpu.dimension_semantics<subcore_parallel>], iteration_bounds = array<i64: 2, 16>, scalar_prefetch = 0 : i64, scratch_operands = 7 : i64, tpu.core_type = #tpu.core_type<sc_vector_subcore>, window_params = [{transform_indices = #map}, {transform_indices = #map1}, {transform_indices = #map2}]} {
    %mul3A = arith.constant 2 : i32
    %mul3A_0 = arith.muli %arg1, %mul3A : i32
    %add3A = arith.addi %mul3A_0, %arg0 : i32
    %mul3A_1 = arith.constant 512 : i32
    %mul3A_2 = arith.muli %add3A, %mul3A_1 : i32
    tpu.enqueue_dma source(%arg3 : memref<1700xf32, #tpu.memory_space<hbm>>) target(%arg5 : memref<1700xf32, #tpu.memory_space<vmem>>) target_semaphore(%arg9 : memref<!tpu.dma_semaphore, #tpu.memory_space<semaphore_mem>>)
    tpu.wait_dma2 semaphore(%arg9 : memref<!tpu.dma_semaphore, #tpu.memory_space<semaphore_mem>>) src(%arg3 : memref<1700xf32, #tpu.memory_space<hbm>>) dst(%arg5 : memref<1700xf32, #tpu.memory_space<vmem>>)
    "tpu.region"() ({
      %run_scoped3A = tpu.sem_alloc : memref<!tpu.dma_semaphore, #tpu.memory_space<semaphore_mem>>
      %dma_start3A = arith.constant 0 : i32
      %dma_start3A_20 = tpu.memref_slice %arg2[%dma_start3A, %mul3A_2] : memref<200x16384xi32, #tpu.memory_space<hbm>> -> memref<200x512xi32, #tpu.memory_space<hbm>>
      %dma_start3A_21 = arith.constant 0 : i32
      %dma_start3A_22 = tpu.memref_slice %arg2[%dma_start3A_21, %mul3A_2] : memref<200x16384xi32, #tpu.memory_space<hbm>> -> memref<200x512xi32, #tpu.memory_space<hbm>>
      tpu.enqueue_dma source(%dma_start3A_22 : memref<200x512xi32, #tpu.memory_space<hbm>>) target(%arg6 : memref<200x512xi32, #tpu.memory_space<vmem>>) target_semaphore(%run_scoped3A : memref<!tpu.dma_semaphore, #tpu.memory_space<semaphore_mem>>)
      %dma_wait3A_23 = arith.constant 0 : i32
      %dma_wait3A_24 = tpu.memref_slice %arg2[%dma_wait3A_23, %mul3A_2] : memref<200x16384xi32, #tpu.memory_space<hbm>> -> memref<200x512xi32, #tpu.memory_space<hbm>>
      %dma_wait3A_25 = arith.constant 0 : i32
      %dma_wait3A_26 = tpu.memref_slice %arg2[%dma_wait3A_25, %mul3A_2] : memref<200x16384xi32, #tpu.memory_space<hbm>> -> memref<200x512xi32, #tpu.memory_space<hbm>>
      tpu.wait_dma2 semaphore(%run_scoped3A : memref<!tpu.dma_semaphore, #tpu.memory_space<semaphore_mem>>) src(%dma_wait3A_26 : memref<200x512xi32, #tpu.memory_space<hbm>>) dst(%arg6 : memref<200x512xi32, #tpu.memory_space<vmem>>)
      tpu.yield
    }) : () -> ()
    %scan3A = arith.constant 0 : i32
    %scan3A_3 = arith.constant 25 : i32
    %scan3A_4 = arith.addi %scan3A, %scan3A_3 : i32
    %scan3A_5 = arith.constant 1 : i32
    scf.for %scan3A_20 = %scan3A to %scan3A_4 step %scan3A_5  : i32 {
      %mul3A_21 = arith.constant 1 : i32
      %mul3A_22 = arith.muli %scan3A_20, %mul3A_21 : i32
      %add3A_23 = arith.constant 0 : i32
      %add3A_24 = arith.addi %add3A_23, %mul3A_22 : i32
      %mul3A_25 = arith.constant 8 : i32
      %mul3A_26 = arith.muli %add3A_24, %mul3A_25 : i32
      %add3A_27 = arith.constant 0 : i32
      %add3A_28 = arith.addi %mul3A_26, %add3A_27 : i32
      %gt3A = arith.constant 0 : i32
      %gt3A_29 = arith.cmpi sgt, %add3A_24, %gt3A : i32
      %or3A = arith.constant false
      %or3A_30 = arith.ori %gt3A_29, %or3A : i1
      %convert_element_type3A = arith.extui %or3A_30 : i1 to i32
      %cond3A = arith.constant 0 : i32
      %cond3A_31 = arith.cmpi ne, %convert_element_type3A, %cond3A : i32
      scf.if %cond3A_31 {
        %dma_wait3A_165 = arith.constant 0 : i32
        %dma_wait3A_166 = tpu.memref_slice %arg4[%add3A_28, %dma_wait3A_165, %mul3A_2] : memref<200x16x16384xf32, #tpu.memory_space<hbm>> -> memref<1x16x512xf32, #tpu.memory_space<hbm>>
        %dma_wait3A_167 = tpu.memref_squeeze %dma_wait3A_166 : memref<1x16x512xf32, #tpu.memory_space<hbm>> -> memref<16x512xf32, #tpu.memory_space<hbm>>
        %dma_wait3A_168 = arith.constant 0 : i32
        %dma_wait3A_169 = tpu.memref_slice %arg4[%add3A_28, %dma_wait3A_168, %mul3A_2] : memref<200x16x16384xf32, #tpu.memory_space<hbm>> -> memref<1x16x512xf32, #tpu.memory_space<hbm>>
        %dma_wait3A_170 = tpu.memref_squeeze %dma_wait3A_169 : memref<1x16x512xf32, #tpu.memory_space<hbm>> -> memref<16x512xf32, #tpu.memory_space<hbm>>
        tpu.wait_dma2 semaphore(%arg10 : memref<!tpu.dma_semaphore, #tpu.memory_space<semaphore_mem>>) src(%arg7 : memref<16x512xf32, #tpu.memory_space<vmem>>) dst(%dma_wait3A_170 : memref<16x512xf32, #tpu.memory_space<hbm>>)
      } else {
      }
      %parallel_loop3A = arith.constant 0 : i32
      %parallel_loop3A_32 = arith.constant 32 : i32
      %parallel_loop3A_33 = arith.constant 1 : i32
      scf.for %parallel_loop3A_165 = %parallel_loop3A to %parallel_loop3A_32 step %parallel_loop3A_33  : i32 {
        %parallel_loop3A_166 = arith.constant 0 : i32
        %parallel_loop3A_167 = arith.addi %mul3A_26, %parallel_loop3A_166 : i32
        %parallel_loop3A_168 = arith.constant 16 : i32
        %parallel_loop3A_169 = arith.muli %parallel_loop3A_165, %parallel_loop3A_168 : i32
        %parallel_loop3A_170 = arith.index_cast %parallel_loop3A_167 : i32 to index
        %parallel_loop3A_171 = arith.index_cast %parallel_loop3A_169 : i32 to index
        %parallel_loop3A_172 = tpu.vector_load %arg6[%parallel_loop3A_170, %parallel_loop3A_171] {strides = array<i32>} : memref<200x512xi32, #tpu.memory_space<vmem>>, vector<16xi32>,
        %parallel_loop3A_173 = arith.constant 17 : i32
        %parallel_loop3A_174 = vector.broadcast %parallel_loop3A_173 : i32 to vector<16xi32>
        %parallel_loop3A_175 = arith.muli %parallel_loop3A_172, %parallel_loop3A_174 : vector<16xi32>
        %parallel_loop3A_176 = arith.constant 0 : i32
        %parallel_loop3A_177 = vector.broadcast %parallel_loop3A_176 : i32 to vector<16xi32>
        %parallel_loop3A_178 = arith.addi %parallel_loop3A_175, %parallel_loop3A_177 : vector<16xi32>
        %parallel_loop3A_179 = tpu.vector_load_idx %arg5[%parallel_loop3A_178] : memref<1700xf32, #tpu.memory_space<vmem>>[vector<16xi32>], vector<16xf32>,
        %parallel_loop3A_180 = arith.constant 16 : i32
        %parallel_loop3A_181 = arith.muli %parallel_loop3A_165, %parallel_loop3A_180 : i32
        %parallel_loop3A_182 = arith.constant 0 : i32
        %parallel_loop3A_183 = arith.index_cast %parallel_loop3A_182 : i32 to index
        %parallel_loop3A_184 = arith.index_cast %parallel_loop3A_181 : i32 to index
        %parallel_loop3A_185 = tpu.vector_load %arg7[%parallel_loop3A_183, %parallel_loop3A_184] {strides = array<i32>} : memref<16x512xf32, #tpu.memory_space<vmem>>, vector<16xf32>,
        tpu.vector_store %arg7[%parallel_loop3A_183, %parallel_loop3A_184], %parallel_loop3A_179 {strides = array<i32>} : memref<16x512xf32, #tpu.memory_space<vmem>>, vector<16xf32>,
        %parallel_loop3A_186 = arith.constant 1 : i32
        %parallel_loop3A_187 = vector.broadcast %parallel_loop3A_186 : i32 to vector<16xi32>
        %parallel_loop3A_188 = arith.addi %parallel_loop3A_175, %parallel_loop3A_187 : vector<16xi32>
        %parallel_loop3A_189 = tpu.vector_load_idx %arg5[%parallel_loop3A_188] : memref<1700xf32, #tpu.memory_space<vmem>>[vector<16xi32>], vector<16xf32>,
        %parallel_loop3A_190 = arith.constant 16 : i32
        %parallel_loop3A_191 = arith.muli %parallel_loop3A_165, %parallel_loop3A_190 : i32
        %parallel_loop3A_192 = arith.constant 1 : i32
        %parallel_loop3A_193 = arith.index_cast %parallel_loop3A_192 : i32 to index
        %parallel_loop3A_194 = arith.index_cast %parallel_loop3A_191 : i32 to index
        %parallel_loop3A_195 = tpu.vector_load %arg7[%parallel_loop3A_193, %parallel_loop3A_194] {strides = array<i32>} : memref<16x512xf32, #tpu.memory_space<vmem>>, vector<16xf32>,
        tpu.vector_store %arg7[%parallel_loop3A_193, %parallel_loop3A_194], %parallel_loop3A_189 {strides = array<i32>} : memref<16x512xf32, #tpu.memory_space<vmem>>, vector<16xf32>,
        %parallel_loop3A_196 = arith.constant 2 : i32
        %parallel_loop3A_197 = vector.broadcast %parallel_loop3A_196 : i32 to vector<16xi32>
        %parallel_loop3A_198 = arith.addi %parallel_loop3A_175, %parallel_loop3A_197 : vector<16xi32>
        %parallel_loop3A_199 = tpu.vector_load_idx %arg5[%parallel_loop3A_198] : memref<1700xf32, #tpu.memory_space<vmem>>[vector<16xi32>], vector<16xf32>,
        %parallel_loop3A_200 = arith.constant 16 : i32
        %parallel_loop3A_201 = arith.muli %parallel_loop3A_165, %parallel_loop3A_200 : i32
        %parallel_loop3A_202 = arith.constant 2 : i32
        %parallel_loop3A_203 = arith.index_cast %parallel_loop3A_202 : i32 to index
        %parallel_loop3A_204 = arith.index_cast %parallel_loop3A_201 : i32 to index
        %parallel_loop3A_205 = tpu.vector_load %arg7[%parallel_loop3A_203, %parallel_loop3A_204] {strides = array<i32>} : memref<16x512xf32, #tpu.memory_space<vmem>>, vector<16xf32>,
        tpu.vector_store %arg7[%parallel_loop3A_203, %parallel_loop3A_204], %parallel_loop3A_199 {strides = array<i32>} : memref<16x512xf32, #tpu.memory_space<vmem>>, vector<16xf32>,
        %parallel_loop3A_206 = arith.constant 3 : i32
        %parallel_loop3A_207 = vector.broadcast %parallel_loop3A_206 : i32 to vector<16xi32>
        %parallel_loop3A_208 = arith.addi %parallel_loop3A_175, %parallel_loop3A_207 : vector<16xi32>
        %parallel_loop3A_209 = tpu.vector_load_idx %arg5[%parallel_loop3A_208] : memref<1700xf32, #tpu.memory_space<vmem>>[vector<16xi32>], vector<16xf32>,
        %parallel_loop3A_210 = arith.constant 16 : i32
        %parallel_loop3A_211 = arith.muli %parallel_loop3A_165, %parallel_loop3A_210 : i32
        %parallel_loop3A_212 = arith.constant 3 : i32
        %parallel_loop3A_213 = arith.index_cast %parallel_loop3A_212 : i32 to index
        %parallel_loop3A_214 = arith.index_cast %parallel_loop3A_211 : i32 to index
        %parallel_loop3A_215 = tpu.vector_load %arg7[%parallel_loop3A_213, %parallel_loop3A_214] {strides = array<i32>} : memref<16x512xf32, #tpu.memory_space<vmem>>, vector<16xf32>,
        tpu.vector_store %arg7[%parallel_loop3A_213, %parallel_loop3A_214], %parallel_loop3A_209 {strides = array<i32>} : memref<16x512xf32, #tpu.memory_space<vmem>>, vector<16xf32>,
        %parallel_loop3A_216 = arith.constant 4 : i32
        %parallel_loop3A_217 = vector.broadcast %parallel_loop3A_216 : i32 to vector<16xi32>
        %parallel_loop3A_218 = arith.addi %parallel_loop3A_175, %parallel_loop3A_217 : vector<16xi32>
        %parallel_loop3A_219 = tpu.vector_load_idx %arg5[%parallel_loop3A_218] : memref<1700xf32, #tpu.memory_space<vmem>>[vector<16xi32>], vector<16xf32>,
        %parallel_loop3A_220 = arith.constant 16 : i32
        %parallel_loop3A_221 = arith.muli %parallel_loop3A_165, %parallel_loop3A_220 : i32
        %parallel_loop3A_222 = arith.constant 4 : i32
        %parallel_loop3A_223 = arith.index_cast %parallel_loop3A_222 : i32 to index
        %parallel_loop3A_224 = arith.index_cast %parallel_loop3A_221 : i32 to index
        %parallel_loop3A_225 = tpu.vector_load %arg7[%parallel_loop3A_223, %parallel_loop3A_224] {strides = array<i32>} : memref<16x512xf32, #tpu.memory_space<vmem>>, vector<16xf32>,
        tpu.vector_store %arg7[%parallel_loop3A_223, %parallel_loop3A_224], %parallel_loop3A_219 {strides = array<i32>} : memref<16x512xf32, #tpu.memory_space<vmem>>, vector<16xf32>,
        %parallel_loop3A_226 = arith.constant 5 : i32
        %parallel_loop3A_227 = vector.broadcast %parallel_loop3A_226 : i32 to vector<16xi32>
        %parallel_loop3A_228 = arith.addi %parallel_loop3A_175, %parallel_loop3A_227 : vector<16xi32>
        %parallel_loop3A_229 = tpu.vector_load_idx %arg5[%parallel_loop3A_228] : memref<1700xf32, #tpu.memory_space<vmem>>[vector<16xi32>], vector<16xf32>,
        %parallel_loop3A_230 = arith.constant 16 : i32
        %parallel_loop3A_231 = arith.muli %parallel_loop3A_165, %parallel_loop3A_230 : i32
        %parallel_loop3A_232 = arith.constant 5 : i32
        %parallel_loop3A_233 = arith.index_cast %parallel_loop3A_232 : i32 to index
        %parallel_loop3A_234 = arith.index_cast %parallel_loop3A_231 : i32 to index
        %parallel_loop3A_235 = tpu.vector_load %arg7[%parallel_loop3A_233, %parallel_loop3A_234] {strides = array<i32>} : memref<16x512xf32, #tpu.memory_space<vmem>>, vector<16xf32>,
        tpu.vector_store %arg7[%parallel_loop3A_233, %parallel_loop3A_234], %parallel_loop3A_229 {strides = array<i32>} : memref<16x512xf32, #tpu.memory_space<vmem>>, vector<16xf32>,
        %parallel_loop3A_236 = arith.constant 6 : i32
        %parallel_loop3A_237 = vector.broadcast %parallel_loop3A_236 : i32 to vector<16xi32>
        %parallel_loop3A_238 = arith.addi %parallel_loop3A_175, %parallel_loop3A_237 : vector<16xi32>
        %parallel_loop3A_239 = tpu.vector_load_idx %arg5[%parallel_loop3A_238] : memref<1700xf32, #tpu.memory_space<vmem>>[vector<16xi32>], vector<16xf32>,
        %parallel_loop3A_240 = arith.constant 16 : i32
        %parallel_loop3A_241 = arith.muli %parallel_loop3A_165, %parallel_loop3A_240 : i32
        %parallel_loop3A_242 = arith.constant 6 : i32
        %parallel_loop3A_243 = arith.index_cast %parallel_loop3A_242 : i32 to index
        %parallel_loop3A_244 = arith.index_cast %parallel_loop3A_241 : i32 to index
        %parallel_loop3A_245 = tpu.vector_load %arg7[%parallel_loop3A_243, %parallel_loop3A_244] {strides = array<i32>} : memref<16x512xf32, #tpu.memory_space<vmem>>, vector<16xf32>,
        tpu.vector_store %arg7[%parallel_loop3A_243, %parallel_loop3A_244], %parallel_loop3A_239 {strides = array<i32>} : memref<16x512xf32, #tpu.memory_space<vmem>>, vector<16xf32>,
        %parallel_loop3A_246 = arith.constant 7 : i32
        %parallel_loop3A_247 = vector.broadcast %parallel_loop3A_246 : i32 to vector<16xi32>
        %parallel_loop3A_248 = arith.addi %parallel_loop3A_175, %parallel_loop3A_247 : vector<16xi32>
        %parallel_loop3A_249 = tpu.vector_load_idx %arg5[%parallel_loop3A_248] : memref<1700xf32, #tpu.memory_space<vmem>>[vector<16xi32>], vector<16xf32>,
        %parallel_loop3A_250 = arith.constant 16 : i32
        %parallel_loop3A_251 = arith.muli %parallel_loop3A_165, %parallel_loop3A_250 : i32
        %parallel_loop3A_252 = arith.constant 7 : i32
        %parallel_loop3A_253 = arith.index_cast %parallel_loop3A_252 : i32 to index
        %parallel_loop3A_254 = arith.index_cast %parallel_loop3A_251 : i32 to index
        %parallel_loop3A_255 = tpu.vector_load %arg7[%parallel_loop3A_253, %parallel_loop3A_254] {strides = array<i32>} : memref<16x512xf32, #tpu.memory_space<vmem>>, vector<16xf32>,
        tpu.vector_store %arg7[%parallel_loop3A_253, %parallel_loop3A_254], %parallel_loop3A_249 {strides = array<i32>} : memref<16x512xf32, #tpu.memory_space<vmem>>, vector<16xf32>,
        %parallel_loop3A_256 = arith.constant 8 : i32
        %parallel_loop3A_257 = vector.broadcast %parallel_loop3A_256 : i32 to vector<16xi32>
        %parallel_loop3A_258 = arith.addi %parallel_loop3A_175, %parallel_loop3A_257 : vector<16xi32>
        %parallel_loop3A_259 = tpu.vector_load_idx %arg5[%parallel_loop3A_258] : memref<1700xf32, #tpu.memory_space<vmem>>[vector<16xi32>], vector<16xf32>,
        %parallel_loop3A_260 = arith.constant 16 : i32
        %parallel_loop3A_261 = arith.muli %parallel_loop3A_165, %parallel_loop3A_260 : i32
        %parallel_loop3A_262 = arith.constant 8 : i32
        %parallel_loop3A_263 = arith.index_cast %parallel_loop3A_262 : i32 to index
        %parallel_loop3A_264 = arith.index_cast %parallel_loop3A_261 : i32 to index
        %parallel_loop3A_265 = tpu.vector_load %arg7[%parallel_loop3A_263, %parallel_loop3A_264] {strides = array<i32>} : memref<16x512xf32, #tpu.memory_space<vmem>>, vector<16xf32>,
        tpu.vector_store %arg7[%parallel_loop3A_263, %parallel_loop3A_264], %parallel_loop3A_259 {strides = array<i32>} : memref<16x512xf32, #tpu.memory_space<vmem>>, vector<16xf32>,
        %parallel_loop3A_266 = arith.constant 9 : i32
        %parallel_loop3A_267 = vector.broadcast %parallel_loop3A_266 : i32 to vector<16xi32>
        %parallel_loop3A_268 = arith.addi %parallel_loop3A_175, %parallel_loop3A_267 : vector<16xi32>
        %parallel_loop3A_269 = tpu.vector_load_idx %arg5[%parallel_loop3A_268] : memref<1700xf32, #tpu.memory_space<vmem>>[vector<16xi32>], vector<16xf32>,
        %parallel_loop3A_270 = arith.constant 16 : i32
        %parallel_loop3A_271 = arith.muli %parallel_loop3A_165, %parallel_loop3A_270 : i32
        %parallel_loop3A_272 = arith.constant 9 : i32
        %parallel_loop3A_273 = arith.index_cast %parallel_loop3A_272 : i32 to index
        %parallel_loop3A_274 = arith.index_cast %parallel_loop3A_271 : i32 to index
        %parallel_loop3A_275 = tpu.vector_load %arg7[%parallel_loop3A_273, %parallel_loop3A_274] {strides = array<i32>} : memref<16x512xf32, #tpu.memory_space<vmem>>, vector<16xf32>,
        tpu.vector_store %arg7[%parallel_loop3A_273, %parallel_loop3A_274], %parallel_loop3A_269 {strides = array<i32>} : memref<16x512xf32, #tpu.memory_space<vmem>>, vector<16xf32>,
        %parallel_loop3A_276 = arith.constant 10 : i32
        %parallel_loop3A_277 = vector.broadcast %parallel_loop3A_276 : i32 to vector<16xi32>
        %parallel_loop3A_278 = arith.addi %parallel_loop3A_175, %parallel_loop3A_277 : vector<16xi32>
        %parallel_loop3A_279 = tpu.vector_load_idx %arg5[%parallel_loop3A_278] : memref<1700xf32, #tpu.memory_space<vmem>>[vector<16xi32>], vector<16xf32>,
        %parallel_loop3A_280 = arith.constant 16 : i32
        %parallel_loop3A_281 = arith.muli %parallel_loop3A_165, %parallel_loop3A_280 : i32
        %parallel_loop3A_282 = arith.constant 10 : i32
        %parallel_loop3A_283 = arith.index_cast %parallel_loop3A_282 : i32 to index
        %parallel_loop3A_284 = arith.index_cast %parallel_loop3A_281 : i32 to index
        %parallel_loop3A_285 = tpu.vector_load %arg7[%parallel_loop3A_283, %parallel_loop3A_284] {strides = array<i32>} : memref<16x512xf32, #tpu.memory_space<vmem>>, vector<16xf32>,
        tpu.vector_store %arg7[%parallel_loop3A_283, %parallel_loop3A_284], %parallel_loop3A_279 {strides = array<i32>} : memref<16x512xf32, #tpu.memory_space<vmem>>, vector<16xf32>,
        %parallel_loop3A_286 = arith.constant 11 : i32
        %parallel_loop3A_287 = vector.broadcast %parallel_loop3A_286 : i32 to vector<16xi32>
        %parallel_loop3A_288 = arith.addi %parallel_loop3A_175, %parallel_loop3A_287 : vector<16xi32>
        %parallel_loop3A_289 = tpu.vector_load_idx %arg5[%parallel_loop3A_288] : memref<1700xf32, #tpu.memory_space<vmem>>[vector<16xi32>], vector<16xf32>,
        %parallel_loop3A_290 = arith.constant 16 : i32
        %parallel_loop3A_291 = arith.muli %parallel_loop3A_165, %parallel_loop3A_290 : i32
        %parallel_loop3A_292 = arith.constant 11 : i32
        %parallel_loop3A_293 = arith.index_cast %parallel_loop3A_292 : i32 to index
        %parallel_loop3A_294 = arith.index_cast %parallel_loop3A_291 : i32 to index
        %parallel_loop3A_295 = tpu.vector_load %arg7[%parallel_loop3A_293, %parallel_loop3A_294] {strides = array<i32>} : memref<16x512xf32, #tpu.memory_space<vmem>>, vector<16xf32>,
        tpu.vector_store %arg7[%parallel_loop3A_293, %parallel_loop3A_294], %parallel_loop3A_289 {strides = array<i32>} : memref<16x512xf32, #tpu.memory_space<vmem>>, vector<16xf32>,
        %parallel_loop3A_296 = arith.constant 12 : i32
        %parallel_loop3A_297 = vector.broadcast %parallel_loop3A_296 : i32 to vector<16xi32>
        %parallel_loop3A_298 = arith.addi %parallel_loop3A_175, %parallel_loop3A_297 : vector<16xi32>
        %parallel_loop3A_299 = tpu.vector_load_idx %arg5[%parallel_loop3A_298] : memref<1700xf32, #tpu.memory_space<vmem>>[vector<16xi32>], vector<16xf32>,
        %parallel_loop3A_300 = arith.constant 16 : i32
        %parallel_loop3A_301 = arith.muli %parallel_loop3A_165, %parallel_loop3A_300 : i32
        %parallel_loop3A_302 = arith.constant 12 : i32
        %parallel_loop3A_303 = arith.index_cast %parallel_loop3A_302 : i32 to index
        %parallel_loop3A_304 = arith.index_cast %parallel_loop3A_301 : i32 to index
        %parallel_loop3A_305 = tpu.vector_load %arg7[%parallel_loop3A_303, %parallel_loop3A_304] {strides = array<i32>} : memref<16x512xf32, #tpu.memory_space<vmem>>, vector<16xf32>,
        tpu.vector_store %arg7[%parallel_loop3A_303, %parallel_loop3A_304], %parallel_loop3A_299 {strides = array<i32>} : memref<16x512xf32, #tpu.memory_space<vmem>>, vector<16xf32>,
        %parallel_loop3A_306 = arith.constant 13 : i32
        %parallel_loop3A_307 = vector.broadcast %parallel_loop3A_306 : i32 to vector<16xi32>
        %parallel_loop3A_308 = arith.addi %parallel_loop3A_175, %parallel_loop3A_307 : vector<16xi32>
        %parallel_loop3A_309 = tpu.vector_load_idx %arg5[%parallel_loop3A_308] : memref<1700xf32, #tpu.memory_space<vmem>>[vector<16xi32>], vector<16xf32>,
        %parallel_loop3A_310 = arith.constant 16 : i32
        %parallel_loop3A_311 = arith.muli %parallel_loop3A_165, %parallel_loop3A_310 : i32
        %parallel_loop3A_312 = arith.constant 13 : i32
        %parallel_loop3A_313 = arith.index_cast %parallel_loop3A_312 : i32 to index
        %parallel_loop3A_314 = arith.index_cast %parallel_loop3A_311 : i32 to index
        %parallel_loop3A_315 = tpu.vector_load %arg7[%parallel_loop3A_313, %parallel_loop3A_314] {strides = array<i32>} : memref<16x512xf32, #tpu.memory_space<vmem>>, vector<16xf32>,
        tpu.vector_store %arg7[%parallel_loop3A_313, %parallel_loop3A_314], %parallel_loop3A_309 {strides = array<i32>} : memref<16x512xf32, #tpu.memory_space<vmem>>, vector<16xf32>,
        %parallel_loop3A_316 = arith.constant 14 : i32
        %parallel_loop3A_317 = vector.broadcast %parallel_loop3A_316 : i32 to vector<16xi32>
        %parallel_loop3A_318 = arith.addi %parallel_loop3A_175, %parallel_loop3A_317 : vector<16xi32>
        %parallel_loop3A_319 = tpu.vector_load_idx %arg5[%parallel_loop3A_318] : memref<1700xf32, #tpu.memory_space<vmem>>[vector<16xi32>], vector<16xf32>,
        %parallel_loop3A_320 = arith.constant 16 : i32
        %parallel_loop3A_321 = arith.muli %parallel_loop3A_165, %parallel_loop3A_320 : i32
        %parallel_loop3A_322 = arith.constant 14 : i32
        %parallel_loop3A_323 = arith.index_cast %parallel_loop3A_322 : i32 to index
        %parallel_loop3A_324 = arith.index_cast %parallel_loop3A_321 : i32 to index
        %parallel_loop3A_325 = tpu.vector_load %arg7[%parallel_loop3A_323, %parallel_loop3A_324] {strides = array<i32>} : memref<16x512xf32, #tpu.memory_space<vmem>>, vector<16xf32>,
        tpu.vector_store %arg7[%parallel_loop3A_323, %parallel_loop3A_324], %parallel_loop3A_319 {strides = array<i32>} : memref<16x512xf32, #tpu.memory_space<vmem>>, vector<16xf32>,
        %parallel_loop3A_326 = arith.constant 15 : i32
        %parallel_loop3A_327 = vector.broadcast %parallel_loop3A_326 : i32 to vector<16xi32>
        %parallel_loop3A_328 = arith.addi %parallel_loop3A_175, %parallel_loop3A_327 : vector<16xi32>
        %parallel_loop3A_329 = tpu.vector_load_idx %arg5[%parallel_loop3A_328] : memref<1700xf32, #tpu.memory_space<vmem>>[vector<16xi32>], vector<16xf32>,
        %parallel_loop3A_330 = arith.constant 16 : i32
        %parallel_loop3A_331 = arith.muli %parallel_loop3A_165, %parallel_loop3A_330 : i32
        %parallel_loop3A_332 = arith.constant 15 : i32
        %parallel_loop3A_333 = arith.index_cast %parallel_loop3A_332 : i32 to index
        %parallel_loop3A_334 = arith.index_cast %parallel_loop3A_331 : i32 to index
        %parallel_loop3A_335 = tpu.vector_load %arg7[%parallel_loop3A_333, %parallel_loop3A_334] {strides = array<i32>} : memref<16x512xf32, #tpu.memory_space<vmem>>, vector<16xf32>,
        tpu.vector_store %arg7[%parallel_loop3A_333, %parallel_loop3A_334], %parallel_loop3A_329 {strides = array<i32>} : memref<16x512xf32, #tpu.memory_space<vmem>>, vector<16xf32>,
      } {sc.loop_unroll_factor = 1 : i64, sc.parallel_access}
      %dma_start3A = arith.constant 0 : i32
      %dma_start3A_34 = tpu.memref_slice %arg4[%add3A_28, %dma_start3A, %mul3A_2] : memref<200x16x16384xf32, #tpu.memory_space<hbm>> -> memref<1x16x512xf32, #tpu.memory_space<hbm>>
      %dma_start3A_35 = tpu.memref_squeeze %dma_start3A_34 : memref<1x16x512xf32, #tpu.memory_space<hbm>> -> memref<16x512xf32, #tpu.memory_space<hbm>>
      %dma_start3A_36 = arith.constant 0 : i32
      %dma_start3A_37 = tpu.memref_slice %arg4[%add3A_28, %dma_start3A_36, %mul3A_2] : memref<200x16x16384xf32, #tpu.memory_space<hbm>> -> memref<1x16x512xf32, #tpu.memory_space<hbm>>
      %dma_start3A_38 = tpu.memref_squeeze %dma_start3A_37 : memref<1x16x512xf32, #tpu.memory_space<hbm>> -> memref<16x512xf32, #tpu.memory_space<hbm>>
      tpu.enqueue_dma source(%arg7 : memref<16x512xf32, #tpu.memory_space<vmem>>) target(%dma_start3A_38 : memref<16x512xf32, #tpu.memory_space<hbm>>) target_semaphore(%arg10 : memref<!tpu.dma_semaphore, #tpu.memory_space<semaphore_mem>>)
      %add3A_39 = arith.constant 1 : i32
      %add3A_40 = arith.addi %mul3A_26, %add3A_39 : i32
      %gt3A_41 = arith.constant 0 : i32
      %gt3A_42 = arith.cmpi sgt, %add3A_24, %gt3A_41 : i32
      %or3A_43 = arith.constant false
      %or3A_44 = arith.ori %gt3A_42, %or3A_43 : i1
      %convert_element_type3A_45 = arith.extui %or3A_44 : i1 to i32
      %cond3A_46 = arith.constant 0 : i32
      %cond3A_47 = arith.cmpi ne, %convert_element_type3A_45, %cond3A_46 : i32
      scf.if %cond3A_47 {
        %dma_wait3A_165 = arith.constant 0 : i32
        %dma_wait3A_166 = tpu.memref_slice %arg4[%add3A_40, %dma_wait3A_165, %mul3A_2] : memref<200x16x16384xf32, #tpu.memory_space<hbm>> -> memref<1x16x512xf32, #tpu.memory_space<hbm>>
        %dma_wait3A_167 = tpu.memref_squeeze %dma_wait3A_166 : memref<1x16x512xf32, #tpu.memory_space<hbm>> -> memref<16x512xf32, #tpu.memory_space<hbm>>
        %dma_wait3A_168 = arith.constant 0 : i32
        %dma_wait3A_169 = tpu.memref_slice %arg4[%add3A_40, %dma_wait3A_168, %mul3A_2] : memref<200x16x16384xf32, #tpu.memory_space<hbm>> -> memref<1x16x512xf32, #tpu.memory_space<hbm>>
        %dma_wait3A_170 = tpu.memref_squeeze %dma_wait3A_169 : memref<1x16x512xf32, #tpu.memory_space<hbm>> -> memref<16x512xf32, #tpu.memory_space<hbm>>
        tpu.wait_dma2 semaphore(%arg11 : memref<!tpu.dma_semaphore, #tpu.memory_space<semaphore_mem>>) src(%arg8 : memref<16x512xf32, #tpu.memory_space<vmem>>) dst(%dma_wait3A_170 : memref<16x512xf32, #tpu.memory_space<hbm>>)
      } else {
      }
      %parallel_loop3A_48 = arith.constant 0 : i32
      %parallel_loop3A_49 = arith.constant 32 : i32
      %parallel_loop3A_50 = arith.constant 1 : i32
      scf.for %parallel_loop3A_165 = %parallel_loop3A_48 to %parallel_loop3A_49 step %parallel_loop3A_50  : i32 {
        %parallel_loop3A_166 = arith.constant 1 : i32
        %parallel_loop3A_167 = arith.addi %mul3A_26, %parallel_loop3A_166 : i32
        %parallel_loop3A_168 = arith.constant 16 : i32
        %parallel_loop3A_169 = arith.muli %parallel_loop3A_165, %parallel_loop3A_168 : i32
        %parallel_loop3A_170 = arith.index_cast %parallel_loop3A_167 : i32 to index
        %parallel_loop3A_171 = arith.index_cast %parallel_loop3A_169 : i32 to index
        %parallel_loop3A_172 = tpu.vector_load %arg6[%parallel_loop3A_170, %parallel_loop3A_171] {strides = array<i32>} : memref<200x512xi32, #tpu.memory_space<vmem>>, vector<16xi32>,
        %parallel_loop3A_173 = arith.constant 17 : i32
        %parallel_loop3A_174 = vector.broadcast %parallel_loop3A_173 : i32 to vector<16xi32>
        %parallel_loop3A_175 = arith.muli %parallel_loop3A_172, %parallel_loop3A_174 : vector<16xi32>
        %parallel_loop3A_176 = arith.constant 0 : i32
        %parallel_loop3A_177 = vector.broadcast %parallel_loop3A_176 : i32 to vector<16xi32>
        %parallel_loop3A_178 = arith.addi %parallel_loop3A_175, %parallel_loop3A_177 : vector<16xi32>
        %parallel_loop3A_179 = tpu.vector_load_idx %arg5[%parallel_loop3A_178] : memref<1700xf32, #tpu.memory_space<vmem>>[vector<16xi32>], vector<16xf32>,
        %parallel_loop3A_180 = arith.constant 16 : i32
        %parallel_loop3A_181 = arith.muli %parallel_loop3A_165, %parallel_loop3A_180 : i32
        %parallel_loop3A_182 = arith.constant 0 : i32
        %parallel_loop3A_183 = arith.index_cast %parallel_loop3A_182 : i32 to index
        %parallel_loop3A_184 = arith.index_cast %parallel_loop3A_181 : i32 to index
        %parallel_loop3A_185 = tpu.vector_load %arg8[%parallel_loop3A_183, %parallel_loop3A_184] {strides = array<i32>} : memref<16x512xf32, #tpu.memory_space<vmem>>, vector<16xf32>,
        tpu.vector_store %arg8[%parallel_loop3A_183, %parallel_loop3A_184], %parallel_loop3A_179 {strides = array<i32>} : memref<16x512xf32, #tpu.memory_space<vmem>>, vector<16xf32>,
        %parallel_loop3A_186 = arith.constant 1 : i32
        %parallel_loop3A_187 = vector.broadcast %parallel_loop3A_186 : i32 to vector<16xi32>
        %parallel_loop3A_188 = arith.addi %parallel_loop3A_175, %parallel_loop3A_187 : vector<16xi32>
        %parallel_loop3A_189 = tpu.vector_load_idx %arg5[%parallel_loop3A_188] : memref<1700xf32, #tpu.memory_space<vmem>>[vector<16xi32>], vector<16xf32>,
        %parallel_loop3A_190 = arith.constant 16 : i32
        %parallel_loop3A_191 = arith.muli %parallel_loop3A_165, %parallel_loop3A_190 : i32
        %parallel_loop3A_192 = arith.constant 1 : i32
        %parallel_loop3A_193 = arith.index_cast %parallel_loop3A_192 : i32 to index
        %parallel_loop3A_194 = arith.index_cast %parallel_loop3A_191 : i32 to index
        %parallel_loop3A_195 = tpu.vector_load %arg8[%parallel_loop3A_193, %parallel_loop3A_194] {strides = array<i32>} : memref<16x512xf32, #tpu.memory_space<vmem>>, vector<16xf32>,
        tpu.vector_store %arg8[%parallel_loop3A_193, %parallel_loop3A_194], %parallel_loop3A_189 {strides = array<i32>} : memref<16x512xf32, #tpu.memory_space<vmem>>, vector<16xf32>,
        %parallel_loop3A_196 = arith.constant 2 : i32
        %parallel_loop3A_197 = vector.broadcast %parallel_loop3A_196 : i32 to vector<16xi32>
        %parallel_loop3A_198 = arith.addi %parallel_loop3A_175, %parallel_loop3A_197 : vector<16xi32>
        %parallel_loop3A_199 = tpu.vector_load_idx %arg5[%parallel_loop3A_198] : memref<1700xf32, #tpu.memory_space<vmem>>[vector<16xi32>], vector<16xf32>,
        %parallel_loop3A_200 = arith.constant 16 : i32
        %parallel_loop3A_201 = arith.muli %parallel_loop3A_165, %parallel_loop3A_200 : i32
        %parallel_loop3A_202 = arith.constant 2 : i32
        %parallel_loop3A_203 = arith.index_cast %parallel_loop3A_202 : i32 to index
        %parallel_loop3A_204 = arith.index_cast %parallel_loop3A_201 : i32 to index
        %parallel_loop3A_205 = tpu.vector_load %arg8[%parallel_loop3A_203, %parallel_loop3A_204] {strides = array<i32>} : memref<16x512xf32, #tpu.memory_space<vmem>>, vector<16xf32>,
        tpu.vector_store %arg8[%parallel_loop3A_203, %parallel_loop3A_204], %parallel_loop3A_199 {strides = array<i32>} : memref<16x512xf32, #tpu.memory_space<vmem>>, vector<16xf32>,
        %parallel_loop3A_206 = arith.constant 3 : i32
        %parallel_loop3A_207 = vector.broadcast %parallel_loop3A_206 : i32 to vector<16xi32>
        %parallel_loop3A_208 = arith.addi %parallel_loop3A_175, %parallel_loop3A_207 : vector<16xi32>
        %parallel_loop3A_209 = tpu.vector_load_idx %arg5[%parallel_loop3A_208] : memref<1700xf32, #tpu.memory_space<vmem>>[vector<16xi32>], vector<16xf32>,
        %parallel_loop3A_210 = arith.constant 16 : i32
        %parallel_loop3A_211 = arith.muli %parallel_loop3A_165, %parallel_loop3A_210 : i32
        %parallel_loop3A_212 = arith.constant 3 : i32
        %parallel_loop3A_213 = arith.index_cast %parallel_loop3A_212 : i32 to index
        %parallel_loop3A_214 = arith.index_cast %parallel_loop3A_211 : i32 to index
        %parallel_loop3A_215 = tpu.vector_load %arg8[%parallel_loop3A_213, %parallel_loop3A_214] {strides = array<i32>} : memref<16x512xf32, #tpu.memory_space<vmem>>, vector<16xf32>,
        tpu.vector_store %arg8[%parallel_loop3A_213, %parallel_loop3A_214], %parallel_loop3A_209 {strides = array<i32>} : memref<16x512xf32, #tpu.memory_space<vmem>>, vector<16xf32>,
        %parallel_loop3A_216 = arith.constant 4 : i32
        %parallel_loop3A_217 = vector.broadcast %parallel_loop3A_216 : i32 to vector<16xi32>
        %parallel_loop3A_218 = arith.addi %parallel_loop3A_175, %parallel_loop3A_217 : vector<16xi32>
        %parallel_loop3A_219 = tpu.vector_load_idx %arg5[%parallel_loop3A_218] : memref<1700xf32, #tpu.memory_space<vmem>>[vector<16xi32>], vector<16xf32>,
        %parallel_loop3A_220 = arith.constant 16 : i32
        %parallel_loop3A_221 = arith.muli %parallel_loop3A_165, %parallel_loop3A_220 : i32
        %parallel_loop3A_222 = arith.constant 4 : i32
        %parallel_loop3A_223 = arith.index_cast %parallel_loop3A_222 : i32 to index
        %parallel_loop3A_224 = arith.index_cast %parallel_loop3A_221 : i32 to index
        %parallel_loop3A_225 = tpu.vector_load %arg8[%parallel_loop3A_223, %parallel_loop3A_224] {strides = array<i32>} : memref<16x512xf32, #tpu.memory_space<vmem>>, vector<16xf32>,
        tpu.vector_store %arg8[%parallel_loop3A_223, %parallel_loop3A_224], %parallel_loop3A_219 {strides = array<i32>} : memref<16x512xf32, #tpu.memory_space<vmem>>, vector<16xf32>,
        %parallel_loop3A_226 = arith.constant 5 : i32
        %parallel_loop3A_227 = vector.broadcast %parallel_loop3A_226 : i32 to vector<16xi32>
        %parallel_loop3A_228 = arith.addi %parallel_loop3A_175, %parallel_loop3A_227 : vector<16xi32>
        %parallel_loop3A_229 = tpu.vector_load_idx %arg5[%parallel_loop3A_228] : memref<1700xf32, #tpu.memory_space<vmem>>[vector<16xi32>], vector<16xf32>,
        %parallel_loop3A_230 = arith.constant 16 : i32
        %parallel_loop3A_231 = arith.muli %parallel_loop3A_165, %parallel_loop3A_230 : i32
        %parallel_loop3A_232 = arith.constant 5 : i32
        %parallel_loop3A_233 = arith.index_cast %parallel_loop3A_232 : i32 to index
        %parallel_loop3A_234 = arith.index_cast %parallel_loop3A_231 : i32 to index
        %parallel_loop3A_235 = tpu.vector_load %arg8[%parallel_loop3A_233, %parallel_loop3A_234] {strides = array<i32>} : memref<16x512xf32, #tpu.memory_space<vmem>>, vector<16xf32>,
        tpu.vector_store %arg8[%parallel_loop3A_233, %parallel_loop3A_234], %parallel_loop3A_229 {strides = array<i32>} : memref<16x512xf32, #tpu.memory_space<vmem>>, vector<16xf32>,
        %parallel_loop3A_236 = arith.constant 6 : i32
        %parallel_loop3A_237 = vector.broadcast %parallel_loop3A_236 : i32 to vector<16xi32>
        %parallel_loop3A_238 = arith.addi %parallel_loop3A_175, %parallel_loop3A_237 : vector<16xi32>
        %parallel_loop3A_239 = tpu.vector_load_idx %arg5[%parallel_loop3A_238] : memref<1700xf32, #tpu.memory_space<vmem>>[vector<16xi32>], vector<16xf32>,
        %parallel_loop3A_240 = arith.constant 16 : i32
        %parallel_loop3A_241 = arith.muli %parallel_loop3A_165, %parallel_loop3A_240 : i32
        %parallel_loop3A_242 = arith.constant 6 : i32
        %parallel_loop3A_243 = arith.index_cast %parallel_loop3A_242 : i32 to index
        %parallel_loop3A_244 = arith.index_cast %parallel_loop3A_241 : i32 to index
        %parallel_loop3A_245 = tpu.vector_load %arg8[%parallel_loop3A_243, %parallel_loop3A_244] {strides = array<i32>} : memref<16x512xf32, #tpu.memory_space<vmem>>, vector<16xf32>,
        tpu.vector_store %arg8[%parallel_loop3A_243, %parallel_loop3A_244], %parallel_loop3A_239 {strides = array<i32>} : memref<16x512xf32, #tpu.memory_space<vmem>>, vector<16xf32>,
        %parallel_loop3A_246 = arith.constant 7 : i32
        %parallel_loop3A_247 = vector.broadcast %parallel_loop3A_246 : i32 to vector<16xi32>
        %parallel_loop3A_248 = arith.addi %parallel_loop3A_175, %parallel_loop3A_247 : vector<16xi32>
        %parallel_loop3A_249 = tpu.vector_load_idx %arg5[%parallel_loop3A_248] : memref<1700xf32, #tpu.memory_space<vmem>>[vector<16xi32>], vector<16xf32>,
        %parallel_loop3A_250 = arith.constant 16 : i32
        %parallel_loop3A_251 = arith.muli %parallel_loop3A_165, %parallel_loop3A_250 : i32
        %parallel_loop3A_252 = arith.constant 7 : i32
        %parallel_loop3A_253 = arith.index_cast %parallel_loop3A_252 : i32 to index
        %parallel_loop3A_254 = arith.index_cast %parallel_loop3A_251 : i32 to index
        %parallel_loop3A_255 = tpu.vector_load %arg8[%parallel_loop3A_253, %parallel_loop3A_254] {strides = array<i32>} : memref<16x512xf32, #tpu.memory_space<vmem>>, vector<16xf32>,
        tpu.vector_store %arg8[%parallel_loop3A_253, %parallel_loop3A_254], %parallel_loop3A_249 {strides = array<i32>} : memref<16x512xf32, #tpu.memory_space<vmem>>, vector<16xf32>,
        %parallel_loop3A_256 = arith.constant 8 : i32
        %parallel_loop3A_257 = vector.broadcast %parallel_loop3A_256 : i32 to vector<16xi32>
        %parallel_loop3A_258 = arith.addi %parallel_loop3A_175, %parallel_loop3A_257 : vector<16xi32>
        %parallel_loop3A_259 = tpu.vector_load_idx %arg5[%parallel_loop3A_258] : memref<1700xf32, #tpu.memory_space<vmem>>[vector<16xi32>], vector<16xf32>,
        %parallel_loop3A_260 = arith.constant 16 : i32
        %parallel_loop3A_261 = arith.muli %parallel_loop3A_165, %parallel_loop3A_260 : i32
        %parallel_loop3A_262 = arith.constant 8 : i32
        %parallel_loop3A_263 = arith.index_cast %parallel_loop3A_262 : i32 to index
        %parallel_loop3A_264 = arith.index_cast %parallel_loop3A_261 : i32 to index
        %parallel_loop3A_265 = tpu.vector_load %arg8[%parallel_loop3A_263, %parallel_loop3A_264] {strides = array<i32>} : memref<16x512xf32, #tpu.memory_space<vmem>>, vector<16xf32>,
        tpu.vector_store %arg8[%parallel_loop3A_263, %parallel_loop3A_264], %parallel_loop3A_259 {strides = array<i32>} : memref<16x512xf32, #tpu.memory_space<vmem>>, vector<16xf32>,
        %parallel_loop3A_266 = arith.constant 9 : i32
        %parallel_loop3A_267 = vector.broadcast %parallel_loop3A_266 : i32 to vector<16xi32>
        %parallel_loop3A_268 = arith.addi %parallel_loop3A_175, %parallel_loop3A_267 : vector<16xi32>
        %parallel_loop3A_269 = tpu.vector_load_idx %arg5[%parallel_loop3A_268] : memref<1700xf32, #tpu.memory_space<vmem>>[vector<16xi32>], vector<16xf32>,
        %parallel_loop3A_270 = arith.constant 16 : i32
        %parallel_loop3A_271 = arith.muli %parallel_loop3A_165, %parallel_loop3A_270 : i32
        %parallel_loop3A_272 = arith.constant 9 : i32
        %parallel_loop3A_273 = arith.index_cast %parallel_loop3A_272 : i32 to index
        %parallel_loop3A_274 = arith.index_cast %parallel_loop3A_271 : i32 to index
        %parallel_loop3A_275 = tpu.vector_load %arg8[%parallel_loop3A_273, %parallel_loop3A_274] {strides = array<i32>} : memref<16x512xf32, #tpu.memory_space<vmem>>, vector<16xf32>,
        tpu.vector_store %arg8[%parallel_loop3A_273, %parallel_loop3A_274], %parallel_loop3A_269 {strides = array<i32>} : memref<16x512xf32, #tpu.memory_space<vmem>>, vector<16xf32>,
        %parallel_loop3A_276 = arith.constant 10 : i32
        %parallel_loop3A_277 = vector.broadcast %parallel_loop3A_276 : i32 to vector<16xi32>
        %parallel_loop3A_278 = arith.addi %parallel_loop3A_175, %parallel_loop3A_277 : vector<16xi32>
        %parallel_loop3A_279 = tpu.vector_load_idx %arg5[%parallel_loop3A_278] : memref<1700xf32, #tpu.memory_space<vmem>>[vector<16xi32>], vector<16xf32>,
        %parallel_loop3A_280 = arith.constant 16 : i32
        %parallel_loop3A_281 = arith.muli %parallel_loop3A_165, %parallel_loop3A_280 : i32
        %parallel_loop3A_282 = arith.constant 10 : i32
        %parallel_loop3A_283 = arith.index_cast %parallel_loop3A_282 : i32 to index
        %parallel_loop3A_284 = arith.index_cast %parallel_loop3A_281 : i32 to index
        %parallel_loop3A_285 = tpu.vector_load %arg8[%parallel_loop3A_283, %parallel_loop3A_284] {strides = array<i32>} : memref<16x512xf32, #tpu.memory_space<vmem>>, vector<16xf32>,
        tpu.vector_store %arg8[%parallel_loop3A_283, %parallel_loop3A_284], %parallel_loop3A_279 {strides = array<i32>} : memref<16x512xf32, #tpu.memory_space<vmem>>, vector<16xf32>,
        %parallel_loop3A_286 = arith.constant 11 : i32
        %parallel_loop3A_287 = vector.broadcast %parallel_loop3A_286 : i32 to vector<16xi32>
        %parallel_loop3A_288 = arith.addi %parallel_loop3A_175, %parallel_loop3A_287 : vector<16xi32>
        %parallel_loop3A_289 = tpu.vector_load_idx %arg5[%parallel_loop3A_288] : memref<1700xf32, #tpu.memory_space<vmem>>[vector<16xi32>], vector<16xf32>,
        %parallel_loop3A_290 = arith.constant 16 : i32
        %parallel_loop3A_291 = arith.muli %parallel_loop3A_165, %parallel_loop3A_290 : i32
        %parallel_loop3A_292 = arith.constant 11 : i32
        %parallel_loop3A_293 = arith.index_cast %parallel_loop3A_292 : i32 to index
        %parallel_loop3A_294 = arith.index_cast %parallel_loop3A_291 : i32 to index
        %parallel_loop3A_295 = tpu.vector_load %arg8[%parallel_loop3A_293, %parallel_loop3A_294] {strides = array<i32>} : memref<16x512xf32, #tpu.memory_space<vmem>>, vector<16xf32>,
        tpu.vector_store %arg8[%parallel_loop3A_293, %parallel_loop3A_294], %parallel_loop3A_289 {strides = array<i32>} : memref<16x512xf32, #tpu.memory_space<vmem>>, vector<16xf32>,
        %parallel_loop3A_296 = arith.constant 12 : i32
        %parallel_loop3A_297 = vector.broadcast %parallel_loop3A_296 : i32 to vector<16xi32>
        %parallel_loop3A_298 = arith.addi %parallel_loop3A_175, %parallel_loop3A_297 : vector<16xi32>
        %parallel_loop3A_299 = tpu.vector_load_idx %arg5[%parallel_loop3A_298] : memref<1700xf32, #tpu.memory_space<vmem>>[vector<16xi32>], vector<16xf32>,
        %parallel_loop3A_300 = arith.constant 16 : i32
        %parallel_loop3A_301 = arith.muli %parallel_loop3A_165, %parallel_loop3A_300 : i32
        %parallel_loop3A_302 = arith.constant 12 : i32
        %parallel_loop3A_303 = arith.index_cast %parallel_loop3A_302 : i32 to index
        %parallel_loop3A_304 = arith.index_cast %parallel_loop3A_301 : i32 to index
        %parallel_loop3A_305 = tpu.vector_load %arg8[%parallel_loop3A_303, %parallel_loop3A_304] {strides = array<i32>} : memref<16x512xf32, #tpu.memory_space<vmem>>, vector<16xf32>,
        tpu.vector_store %arg8[%parallel_loop3A_303, %parallel_loop3A_304], %parallel_loop3A_299 {strides = array<i32>} : memref<16x512xf32, #tpu.memory_space<vmem>>, vector<16xf32>,
        %parallel_loop3A_306 = arith.constant 13 : i32
        %parallel_loop3A_307 = vector.broadcast %parallel_loop3A_306 : i32 to vector<16xi32>
        %parallel_loop3A_308 = arith.addi %parallel_loop3A_175, %parallel_loop3A_307 : vector<16xi32>
        %parallel_loop3A_309 = tpu.vector_load_idx %arg5[%parallel_loop3A_308] : memref<1700xf32, #tpu.memory_space<vmem>>[vector<16xi32>], vector<16xf32>,
        %parallel_loop3A_310 = arith.constant 16 : i32
        %parallel_loop3A_311 = arith.muli %parallel_loop3A_165, %parallel_loop3A_310 : i32
        %parallel_loop3A_312 = arith.constant 13 : i32
        %parallel_loop3A_313 = arith.index_cast %parallel_loop3A_312 : i32 to index
        %parallel_loop3A_314 = arith.index_cast %parallel_loop3A_311 : i32 to index
        %parallel_loop3A_315 = tpu.vector_load %arg8[%parallel_loop3A_313, %parallel_loop3A_314] {strides = array<i32>} : memref<16x512xf32, #tpu.memory_space<vmem>>, vector<16xf32>,
        tpu.vector_store %arg8[%parallel_loop3A_313, %parallel_loop3A_314], %parallel_loop3A_309 {strides = array<i32>} : memref<16x512xf32, #tpu.memory_space<vmem>>, vector<16xf32>,
        %parallel_loop3A_316 = arith.constant 14 : i32
        %parallel_loop3A_317 = vector.broadcast %parallel_loop3A_316 : i32 to vector<16xi32>
        %parallel_loop3A_318 = arith.addi %parallel_loop3A_175, %parallel_loop3A_317 : vector<16xi32>
        %parallel_loop3A_319 = tpu.vector_load_idx %arg5[%parallel_loop3A_318] : memref<1700xf32, #tpu.memory_space<vmem>>[vector<16xi32>], vector<16xf32>,
        %parallel_loop3A_320 = arith.constant 16 : i32
        %parallel_loop3A_321 = arith.muli %parallel_loop3A_165, %parallel_loop3A_320 : i32
        %parallel_loop3A_322 = arith.constant 14 : i32
        %parallel_loop3A_323 = arith.index_cast %parallel_loop3A_322 : i32 to index
        %parallel_loop3A_324 = arith.index_cast %parallel_loop3A_321 : i32 to index
        %parallel_loop3A_325 = tpu.vector_load %arg8[%parallel_loop3A_323, %parallel_loop3A_324] {strides = array<i32>} : memref<16x512xf32, #tpu.memory_space<vmem>>, vector<16xf32>,
        tpu.vector_store %arg8[%parallel_loop3A_323, %parallel_loop3A_324], %parallel_loop3A_319 {strides = array<i32>} : memref<16x512xf32, #tpu.memory_space<vmem>>, vector<16xf32>,
        %parallel_loop3A_326 = arith.constant 15 : i32
        %parallel_loop3A_327 = vector.broadcast %parallel_loop3A_326 : i32 to vector<16xi32>
        %parallel_loop3A_328 = arith.addi %parallel_loop3A_175, %parallel_loop3A_327 : vector<16xi32>
        %parallel_loop3A_329 = tpu.vector_load_idx %arg5[%parallel_loop3A_328] : memref<1700xf32, #tpu.memory_space<vmem>>[vector<16xi32>], vector<16xf32>,
        %parallel_loop3A_330 = arith.constant 16 : i32
        %parallel_loop3A_331 = arith.muli %parallel_loop3A_165, %parallel_loop3A_330 : i32
        %parallel_loop3A_332 = arith.constant 15 : i32
        %parallel_loop3A_333 = arith.index_cast %parallel_loop3A_332 : i32 to index
        %parallel_loop3A_334 = arith.index_cast %parallel_loop3A_331 : i32 to index
        %parallel_loop3A_335 = tpu.vector_load %arg8[%parallel_loop3A_333, %parallel_loop3A_334] {strides = array<i32>} : memref<16x512xf32, #tpu.memory_space<vmem>>, vector<16xf32>,
        tpu.vector_store %arg8[%parallel_loop3A_333, %parallel_loop3A_334], %parallel_loop3A_329 {strides = array<i32>} : memref<16x512xf32, #tpu.memory_space<vmem>>, vector<16xf32>,
      } {sc.loop_unroll_factor = 1 : i64, sc.parallel_access}
      %dma_start3A_51 = arith.constant 0 : i32
      %dma_start3A_52 = tpu.memref_slice %arg4[%add3A_40, %dma_start3A_51, %mul3A_2] : memref<200x16x16384xf32, #tpu.memory_space<hbm>> -> memref<1x16x512xf32, #tpu.memory_space<hbm>>
      %dma_start3A_53 = tpu.memref_squeeze %dma_start3A_52 : memref<1x16x512xf32, #tpu.memory_space<hbm>> -> memref<16x512xf32, #tpu.memory_space<hbm>>
      %dma_start3A_54 = arith.constant 0 : i32
      %dma_start3A_55 = tpu.memref_slice %arg4[%add3A_40, %dma_start3A_54, %mul3A_2] : memref<200x16x16384xf32, #tpu.memory_space<hbm>> -> memref<1x16x512xf32, #tpu.memory_space<hbm>>
      %dma_start3A_56 = tpu.memref_squeeze %dma_start3A_55 : memref<1x16x512xf32, #tpu.memory_space<hbm>> -> memref<16x512xf32, #tpu.memory_space<hbm>>
      tpu.enqueue_dma source(%arg8 : memref<16x512xf32, #tpu.memory_space<vmem>>) target(%dma_start3A_56 : memref<16x512xf32, #tpu.memory_space<hbm>>) target_semaphore(%arg11 : memref<!tpu.dma_semaphore, #tpu.memory_space<semaphore_mem>>)
      %add3A_57 = arith.constant 2 : i32
      %add3A_58 = arith.addi %mul3A_26, %add3A_57 : i32
      %gt3A_59 = arith.constant 0 : i32
      %gt3A_60 = arith.cmpi sgt, %add3A_24, %gt3A_59 : i32
      %or3A_61 = arith.constant true
      %or3A_62 = arith.ori %gt3A_60, %or3A_61 : i1
      %convert_element_type3A_63 = arith.extui %or3A_62 : i1 to i32
      %cond3A_64 = arith.constant 0 : i32
      %cond3A_65 = arith.cmpi ne, %convert_element_type3A_63, %cond3A_64 : i32
      scf.if %cond3A_65 {
        %dma_wait3A_165 = arith.constant 0 : i32
        %dma_wait3A_166 = tpu.memref_slice %arg4[%add3A_58, %dma_wait3A_165, %mul3A_2] : memref<200x16x16384xf32, #tpu.memory_space<hbm>> -> memref<1x16x512xf32, #tpu.memory_space<hbm>>
        %dma_wait3A_167 = tpu.memref_squeeze %dma_wait3A_166 : memref<1x16x512xf32, #tpu.memory_space<hbm>> -> memref<16x512xf32, #tpu.memory_space<hbm>>
        %dma_wait3A_168 = arith.constant 0 : i32
        %dma_wait3A_169 = tpu.memref_slice %arg4[%add3A_58, %dma_wait3A_168, %mul3A_2] : memref<200x16x16384xf32, #tpu.memory_space<hbm>> -> memref<1x16x512xf32, #tpu.memory_space<hbm>>
        %dma_wait3A_170 = tpu.memref_squeeze %dma_wait3A_169 : memref<1x16x512xf32, #tpu.memory_space<hbm>> -> memref<16x512xf32, #tpu.memory_space<hbm>>
        tpu.wait_dma2 semaphore(%arg10 : memref<!tpu.dma_semaphore, #tpu.memory_space<semaphore_mem>>) src(%arg7 : memref<16x512xf32, #tpu.memory_space<vmem>>) dst(%dma_wait3A_170 : memref<16x512xf32, #tpu.memory_space<hbm>>)
      } else {
      }
      %parallel_loop3A_66 = arith.constant 0 : i32
      %parallel_loop3A_67 = arith.constant 32 : i32
      %parallel_loop3A_68 = arith.constant 1 : i32
      scf.for %parallel_loop3A_165 = %parallel_loop3A_66 to %parallel_loop3A_67 step %parallel_loop3A_68  : i32 {
        %parallel_loop3A_166 = arith.constant 2 : i32
        %parallel_loop3A_167 = arith.addi %mul3A_26, %parallel_loop3A_166 : i32
        %parallel_loop3A_168 = arith.constant 16 : i32
        %parallel_loop3A_169 = arith.muli %parallel_loop3A_165, %parallel_loop3A_168 : i32
        %parallel_loop3A_170 = arith.index_cast %parallel_loop3A_167 : i32 to index
        %parallel_loop3A_171 = arith.index_cast %parallel_loop3A_169 : i32 to index
        %parallel_loop3A_172 = tpu.vector_load %arg6[%parallel_loop3A_170, %parallel_loop3A_171] {strides = array<i32>} : memref<200x512xi32, #tpu.memory_space<vmem>>, vector<16xi32>,
        %parallel_loop3A_173 = arith.constant 17 : i32
        %parallel_loop3A_174 = vector.broadcast %parallel_loop3A_173 : i32 to vector<16xi32>
        %parallel_loop3A_175 = arith.muli %parallel_loop3A_172, %parallel_loop3A_174 : vector<16xi32>
        %parallel_loop3A_176 = arith.constant 0 : i32
        %parallel_loop3A_177 = vector.broadcast %parallel_loop3A_176 : i32 to vector<16xi32>
        %parallel_loop3A_178 = arith.addi %parallel_loop3A_175, %parallel_loop3A_177 : vector<16xi32>
        %parallel_loop3A_179 = tpu.vector_load_idx %arg5[%parallel_loop3A_178] : memref<1700xf32, #tpu.memory_space<vmem>>[vector<16xi32>], vector<16xf32>,
        %parallel_loop3A_180 = arith.constant 16 : i32
        %parallel_loop3A_181 = arith.muli %parallel_loop3A_165, %parallel_loop3A_180 : i32
        %parallel_loop3A_182 = arith.constant 0 : i32
        %parallel_loop3A_183 = arith.index_cast %parallel_loop3A_182 : i32 to index
        %parallel_loop3A_184 = arith.index_cast %parallel_loop3A_181 : i32 to index
        %parallel_loop3A_185 = tpu.vector_load %arg7[%parallel_loop3A_183, %parallel_loop3A_184] {strides = array<i32>} : memref<16x512xf32, #tpu.memory_space<vmem>>, vector<16xf32>,
        tpu.vector_store %arg7[%parallel_loop3A_183, %parallel_loop3A_184], %parallel_loop3A_179 {strides = array<i32>} : memref<16x512xf32, #tpu.memory_space<vmem>>, vector<16xf32>,
        %parallel_loop3A_186 = arith.constant 1 : i32
        %parallel_loop3A_187 = vector.broadcast %parallel_loop3A_186 : i32 to vector<16xi32>
        %parallel_loop3A_188 = arith.addi %parallel_loop3A_175, %parallel_loop3A_187 : vector<16xi32>
        %parallel_loop3A_189 = tpu.vector_load_idx %arg5[%parallel_loop3A_188] : memref<1700xf32, #tpu.memory_space<vmem>>[vector<16xi32>], vector<16xf32>,
        %parallel_loop3A_190 = arith.constant 16 : i32
        %parallel_loop3A_191 = arith.muli %parallel_loop3A_165, %parallel_loop3A_190 : i32
        %parallel_loop3A_192 = arith.constant 1 : i32
        %parallel_loop3A_193 = arith.index_cast %parallel_loop3A_192 : i32 to index
        %parallel_loop3A_194 = arith.index_cast %parallel_loop3A_191 : i32 to index
        %parallel_loop3A_195 = tpu.vector_load %arg7[%parallel_loop3A_193, %parallel_loop3A_194] {strides = array<i32>} : memref<16x512xf32, #tpu.memory_space<vmem>>, vector<16xf32>,
        tpu.vector_store %arg7[%parallel_loop3A_193, %parallel_loop3A_194], %parallel_loop3A_189 {strides = array<i32>} : memref<16x512xf32, #tpu.memory_space<vmem>>, vector<16xf32>,
        %parallel_loop3A_196 = arith.constant 2 : i32
        %parallel_loop3A_197 = vector.broadcast %parallel_loop3A_196 : i32 to vector<16xi32>
        %parallel_loop3A_198 = arith.addi %parallel_loop3A_175, %parallel_loop3A_197 : vector<16xi32>
        %parallel_loop3A_199 = tpu.vector_load_idx %arg5[%parallel_loop3A_198] : memref<1700xf32, #tpu.memory_space<vmem>>[vector<16xi32>], vector<16xf32>,
        %parallel_loop3A_200 = arith.constant 16 : i32
        %parallel_loop3A_201 = arith.muli %parallel_loop3A_165, %parallel_loop3A_200 : i32
        %parallel_loop3A_202 = arith.constant 2 : i32
        %parallel_loop3A_203 = arith.index_cast %parallel_loop3A_202 : i32 to index
        %parallel_loop3A_204 = arith.index_cast %parallel_loop3A_201 : i32 to index
        %parallel_loop3A_205 = tpu.vector_load %arg7[%parallel_loop3A_203, %parallel_loop3A_204] {strides = array<i32>} : memref<16x512xf32, #tpu.memory_space<vmem>>, vector<16xf32>,
        tpu.vector_store %arg7[%parallel_loop3A_203, %parallel_loop3A_204], %parallel_loop3A_199 {strides = array<i32>} : memref<16x512xf32, #tpu.memory_space<vmem>>, vector<16xf32>,
        %parallel_loop3A_206 = arith.constant 3 : i32
        %parallel_loop3A_207 = vector.broadcast %parallel_loop3A_206 : i32 to vector<16xi32>
        %parallel_loop3A_208 = arith.addi %parallel_loop3A_175, %parallel_loop3A_207 : vector<16xi32>
        %parallel_loop3A_209 = tpu.vector_load_idx %arg5[%parallel_loop3A_208] : memref<1700xf32, #tpu.memory_space<vmem>>[vector<16xi32>], vector<16xf32>,
        %parallel_loop3A_210 = arith.constant 16 : i32
        %parallel_loop3A_211 = arith.muli %parallel_loop3A_165, %parallel_loop3A_210 : i32
        %parallel_loop3A_212 = arith.constant 3 : i32
        %parallel_loop3A_213 = arith.index_cast %parallel_loop3A_212 : i32 to index
        %parallel_loop3A_214 = arith.index_cast %parallel_loop3A_211 : i32 to index
        %parallel_loop3A_215 = tpu.vector_load %arg7[%parallel_loop3A_213, %parallel_loop3A_214] {strides = array<i32>} : memref<16x512xf32, #tpu.memory_space<vmem>>, vector<16xf32>,
        tpu.vector_store %arg7[%parallel_loop3A_213, %parallel_loop3A_214], %parallel_loop3A_209 {strides = array<i32>} : memref<16x512xf32, #tpu.memory_space<vmem>>, vector<16xf32>,
        %parallel_loop3A_216 = arith.constant 4 : i32
        %parallel_loop3A_217 = vector.broadcast %parallel_loop3A_216 : i32 to vector<16xi32>
        %parallel_loop3A_218 = arith.addi %parallel_loop3A_175, %parallel_loop3A_217 : vector<16xi32>
        %parallel_loop3A_219 = tpu.vector_load_idx %arg5[%parallel_loop3A_218] : memref<1700xf32, #tpu.memory_space<vmem>>[vector<16xi32>], vector<16xf32>,
        %parallel_loop3A_220 = arith.constant 16 : i32
        %parallel_loop3A_221 = arith.muli %parallel_loop3A_165, %parallel_loop3A_220 : i32
        %parallel_loop3A_222 = arith.constant 4 : i32
        %parallel_loop3A_223 = arith.index_cast %parallel_loop3A_222 : i32 to index
        %parallel_loop3A_224 = arith.index_cast %parallel_loop3A_221 : i32 to index
        %parallel_loop3A_225 = tpu.vector_load %arg7[%parallel_loop3A_223, %parallel_loop3A_224] {strides = array<i32>} : memref<16x512xf32, #tpu.memory_space<vmem>>, vector<16xf32>,
        tpu.vector_store %arg7[%parallel_loop3A_223, %parallel_loop3A_224], %parallel_loop3A_219 {strides = array<i32>} : memref<16x512xf32, #tpu.memory_space<vmem>>, vector<16xf32>,
        %parallel_loop3A_226 = arith.constant 5 : i32
        %parallel_loop3A_227 = vector.broadcast %parallel_loop3A_226 : i32 to vector<16xi32>
        %parallel_loop3A_228 = arith.addi %parallel_loop3A_175, %parallel_loop3A_227 : vector<16xi32>
        %parallel_loop3A_229 = tpu.vector_load_idx %arg5[%parallel_loop3A_228] : memref<1700xf32, #tpu.memory_space<vmem>>[vector<16xi32>], vector<16xf32>,
        %parallel_loop3A_230 = arith.constant 16 : i32
        %parallel_loop3A_231 = arith.muli %parallel_loop3A_165, %parallel_loop3A_230 : i32
        %parallel_loop3A_232 = arith.constant 5 : i32
        %parallel_loop3A_233 = arith.index_cast %parallel_loop3A_232 : i32 to index
        %parallel_loop3A_234 = arith.index_cast %parallel_loop3A_231 : i32 to index
        %parallel_loop3A_235 = tpu.vector_load %arg7[%parallel_loop3A_233, %parallel_loop3A_234] {strides = array<i32>} : memref<16x512xf32, #tpu.memory_space<vmem>>, vector<16xf32>,
        tpu.vector_store %arg7[%parallel_loop3A_233, %parallel_loop3A_234], %parallel_loop3A_229 {strides = array<i32>} : memref<16x512xf32, #tpu.memory_space<vmem>>, vector<16xf32>,
        %parallel_loop3A_236 = arith.constant 6 : i32
        %parallel_loop3A_237 = vector.broadcast %parallel_loop3A_236 : i32 to vector<16xi32>
        %parallel_loop3A_238 = arith.addi %parallel_loop3A_175, %parallel_loop3A_237 : vector<16xi32>
        %parallel_loop3A_239 = tpu.vector_load_idx %arg5[%parallel_loop3A_238] : memref<1700xf32, #tpu.memory_space<vmem>>[vector<16xi32>], vector<16xf32>,
        %parallel_loop3A_240 = arith.constant 16 : i32
        %parallel_loop3A_241 = arith.muli %parallel_loop3A_165, %parallel_loop3A_240 : i32
        %parallel_loop3A_242 = arith.constant 6 : i32
        %parallel_loop3A_243 = arith.index_cast %parallel_loop3A_242 : i32 to index
        %parallel_loop3A_244 = arith.index_cast %parallel_loop3A_241 : i32 to index
        %parallel_loop3A_245 = tpu.vector_load %arg7[%parallel_loop3A_243, %parallel_loop3A_244] {strides = array<i32>} : memref<16x512xf32, #tpu.memory_space<vmem>>, vector<16xf32>,
        tpu.vector_store %arg7[%parallel_loop3A_243, %parallel_loop3A_244], %parallel_loop3A_239 {strides = array<i32>} : memref<16x512xf32, #tpu.memory_space<vmem>>, vector<16xf32>,
        %parallel_loop3A_246 = arith.constant 7 : i32
        %parallel_loop3A_247 = vector.broadcast %parallel_loop3A_246 : i32 to vector<16xi32>
        %parallel_loop3A_248 = arith.addi %parallel_loop3A_175, %parallel_loop3A_247 : vector<16xi32>
        %parallel_loop3A_249 = tpu.vector_load_idx %arg5[%parallel_loop3A_248] : memref<1700xf32, #tpu.memory_space<vmem>>[vector<16xi32>], vector<16xf32>,
        %parallel_loop3A_250 = arith.constant 16 : i32
        %parallel_loop3A_251 = arith.muli %parallel_loop3A_165, %parallel_loop3A_250 : i32
        %parallel_loop3A_252 = arith.constant 7 : i32
        %parallel_loop3A_253 = arith.index_cast %parallel_loop3A_252 : i32 to index
        %parallel_loop3A_254 = arith.index_cast %parallel_loop3A_251 : i32 to index
        %parallel_loop3A_255 = tpu.vector_load %arg7[%parallel_loop3A_253, %parallel_loop3A_254] {strides = array<i32>} : memref<16x512xf32, #tpu.memory_space<vmem>>, vector<16xf32>,
        tpu.vector_store %arg7[%parallel_loop3A_253, %parallel_loop3A_254], %parallel_loop3A_249 {strides = array<i32>} : memref<16x512xf32, #tpu.memory_space<vmem>>, vector<16xf32>,
        %parallel_loop3A_256 = arith.constant 8 : i32
        %parallel_loop3A_257 = vector.broadcast %parallel_loop3A_256 : i32 to vector<16xi32>
        %parallel_loop3A_258 = arith.addi %parallel_loop3A_175, %parallel_loop3A_257 : vector<16xi32>
        %parallel_loop3A_259 = tpu.vector_load_idx %arg5[%parallel_loop3A_258] : memref<1700xf32, #tpu.memory_space<vmem>>[vector<16xi32>], vector<16xf32>,
        %parallel_loop3A_260 = arith.constant 16 : i32
        %parallel_loop3A_261 = arith.muli %parallel_loop3A_165, %parallel_loop3A_260 : i32
        %parallel_loop3A_262 = arith.constant 8 : i32
        %parallel_loop3A_263 = arith.index_cast %parallel_loop3A_262 : i32 to index
        %parallel_loop3A_264 = arith.index_cast %parallel_loop3A_261 : i32 to index
        %parallel_loop3A_265 = tpu.vector_load %arg7[%parallel_loop3A_263, %parallel_loop3A_264] {strides = array<i32>} : memref<16x512xf32, #tpu.memory_space<vmem>>, vector<16xf32>,
        tpu.vector_store %arg7[%parallel_loop3A_263, %parallel_loop3A_264], %parallel_loop3A_259 {strides = array<i32>} : memref<16x512xf32, #tpu.memory_space<vmem>>, vector<16xf32>,
        %parallel_loop3A_266 = arith.constant 9 : i32
        %parallel_loop3A_267 = vector.broadcast %parallel_loop3A_266 : i32 to vector<16xi32>
        %parallel_loop3A_268 = arith.addi %parallel_loop3A_175, %parallel_loop3A_267 : vector<16xi32>
        %parallel_loop3A_269 = tpu.vector_load_idx %arg5[%parallel_loop3A_268] : memref<1700xf32, #tpu.memory_space<vmem>>[vector<16xi32>], vector<16xf32>,
        %parallel_loop3A_270 = arith.constant 16 : i32
        %parallel_loop3A_271 = arith.muli %parallel_loop3A_165, %parallel_loop3A_270 : i32
        %parallel_loop3A_272 = arith.constant 9 : i32
        %parallel_loop3A_273 = arith.index_cast %parallel_loop3A_272 : i32 to index
        %parallel_loop3A_274 = arith.index_cast %parallel_loop3A_271 : i32 to index
        %parallel_loop3A_275 = tpu.vector_load %arg7[%parallel_loop3A_273, %parallel_loop3A_274] {strides = array<i32>} : memref<16x512xf32, #tpu.memory_space<vmem>>, vector<16xf32>,
        tpu.vector_store %arg7[%parallel_loop3A_273, %parallel_loop3A_274], %parallel_loop3A_269 {strides = array<i32>} : memref<16x512xf32, #tpu.memory_space<vmem>>, vector<16xf32>,
        %parallel_loop3A_276 = arith.constant 10 : i32
        %parallel_loop3A_277 = vector.broadcast %parallel_loop3A_276 : i32 to vector<16xi32>
        %parallel_loop3A_278 = arith.addi %parallel_loop3A_175, %parallel_loop3A_277 : vector<16xi32>
        %parallel_loop3A_279 = tpu.vector_load_idx %arg5[%parallel_loop3A_278] : memref<1700xf32, #tpu.memory_space<vmem>>[vector<16xi32>], vector<16xf32>,
        %parallel_loop3A_280 = arith.constant 16 : i32
        %parallel_loop3A_281 = arith.muli %parallel_loop3A_165, %parallel_loop3A_280 : i32
        %parallel_loop3A_282 = arith.constant 10 : i32
        %parallel_loop3A_283 = arith.index_cast %parallel_loop3A_282 : i32 to index
        %parallel_loop3A_284 = arith.index_cast %parallel_loop3A_281 : i32 to index
        %parallel_loop3A_285 = tpu.vector_load %arg7[%parallel_loop3A_283, %parallel_loop3A_284] {strides = array<i32>} : memref<16x512xf32, #tpu.memory_space<vmem>>, vector<16xf32>,
        tpu.vector_store %arg7[%parallel_loop3A_283, %parallel_loop3A_284], %parallel_loop3A_279 {strides = array<i32>} : memref<16x512xf32, #tpu.memory_space<vmem>>, vector<16xf32>,
        %parallel_loop3A_286 = arith.constant 11 : i32
        %parallel_loop3A_287 = vector.broadcast %parallel_loop3A_286 : i32 to vector<16xi32>
        %parallel_loop3A_288 = arith.addi %parallel_loop3A_175, %parallel_loop3A_287 : vector<16xi32>
        %parallel_loop3A_289 = tpu.vector_load_idx %arg5[%parallel_loop3A_288] : memref<1700xf32, #tpu.memory_space<vmem>>[vector<16xi32>], vector<16xf32>,
        %parallel_loop3A_290 = arith.constant 16 : i32
        %parallel_loop3A_291 = arith.muli %parallel_loop3A_165, %parallel_loop3A_290 : i32
        %parallel_loop3A_292 = arith.constant 11 : i32
        %parallel_loop3A_293 = arith.index_cast %parallel_loop3A_292 : i32 to index
        %parallel_loop3A_294 = arith.index_cast %parallel_loop3A_291 : i32 to index
        %parallel_loop3A_295 = tpu.vector_load %arg7[%parallel_loop3A_293, %parallel_loop3A_294] {strides = array<i32>} : memref<16x512xf32, #tpu.memory_space<vmem>>, vector<16xf32>,
        tpu.vector_store %arg7[%parallel_loop3A_293, %parallel_loop3A_294], %parallel_loop3A_289 {strides = array<i32>} : memref<16x512xf32, #tpu.memory_space<vmem>>, vector<16xf32>,
        %parallel_loop3A_296 = arith.constant 12 : i32
        %parallel_loop3A_297 = vector.broadcast %parallel_loop3A_296 : i32 to vector<16xi32>
        %parallel_loop3A_298 = arith.addi %parallel_loop3A_175, %parallel_loop3A_297 : vector<16xi32>
        %parallel_loop3A_299 = tpu.vector_load_idx %arg5[%parallel_loop3A_298] : memref<1700xf32, #tpu.memory_space<vmem>>[vector<16xi32>], vector<16xf32>,
        %parallel_loop3A_300 = arith.constant 16 : i32
        %parallel_loop3A_301 = arith.muli %parallel_loop3A_165, %parallel_loop3A_300 : i32
        %parallel_loop3A_302 = arith.constant 12 : i32
        %parallel_loop3A_303 = arith.index_cast %parallel_loop3A_302 : i32 to index
        %parallel_loop3A_304 = arith.index_cast %parallel_loop3A_301 : i32 to index
        %parallel_loop3A_305 = tpu.vector_load %arg7[%parallel_loop3A_303, %parallel_loop3A_304] {strides = array<i32>} : memref<16x512xf32, #tpu.memory_space<vmem>>, vector<16xf32>,
        tpu.vector_store %arg7[%parallel_loop3A_303, %parallel_loop3A_304], %parallel_loop3A_299 {strides = array<i32>} : memref<16x512xf32, #tpu.memory_space<vmem>>, vector<16xf32>,
        %parallel_loop3A_306 = arith.constant 13 : i32
        %parallel_loop3A_307 = vector.broadcast %parallel_loop3A_306 : i32 to vector<16xi32>
        %parallel_loop3A_308 = arith.addi %parallel_loop3A_175, %parallel_loop3A_307 : vector<16xi32>
        %parallel_loop3A_309 = tpu.vector_load_idx %arg5[%parallel_loop3A_308] : memref<1700xf32, #tpu.memory_space<vmem>>[vector<16xi32>], vector<16xf32>,
        %parallel_loop3A_310 = arith.constant 16 : i32
        %parallel_loop3A_311 = arith.muli %parallel_loop3A_165, %parallel_loop3A_310 : i32
        %parallel_loop3A_312 = arith.constant 13 : i32
        %parallel_loop3A_313 = arith.index_cast %parallel_loop3A_312 : i32 to index
        %parallel_loop3A_314 = arith.index_cast %parallel_loop3A_311 : i32 to index
        %parallel_loop3A_315 = tpu.vector_load %arg7[%parallel_loop3A_313, %parallel_loop3A_314] {strides = array<i32>} : memref<16x512xf32, #tpu.memory_space<vmem>>, vector<16xf32>,
        tpu.vector_store %arg7[%parallel_loop3A_313, %parallel_loop3A_314], %parallel_loop3A_309 {strides = array<i32>} : memref<16x512xf32, #tpu.memory_space<vmem>>, vector<16xf32>,
        %parallel_loop3A_316 = arith.constant 14 : i32
        %parallel_loop3A_317 = vector.broadcast %parallel_loop3A_316 : i32 to vector<16xi32>
        %parallel_loop3A_318 = arith.addi %parallel_loop3A_175, %parallel_loop3A_317 : vector<16xi32>
        %parallel_loop3A_319 = tpu.vector_load_idx %arg5[%parallel_loop3A_318] : memref<1700xf32, #tpu.memory_space<vmem>>[vector<16xi32>], vector<16xf32>,
        %parallel_loop3A_320 = arith.constant 16 : i32
        %parallel_loop3A_321 = arith.muli %parallel_loop3A_165, %parallel_loop3A_320 : i32
        %parallel_loop3A_322 = arith.constant 14 : i32
        %parallel_loop3A_323 = arith.index_cast %parallel_loop3A_322 : i32 to index
        %parallel_loop3A_324 = arith.index_cast %parallel_loop3A_321 : i32 to index
        %parallel_loop3A_325 = tpu.vector_load %arg7[%parallel_loop3A_323, %parallel_loop3A_324] {strides = array<i32>} : memref<16x512xf32, #tpu.memory_space<vmem>>, vector<16xf32>,
        tpu.vector_store %arg7[%parallel_loop3A_323, %parallel_loop3A_324], %parallel_loop3A_319 {strides = array<i32>} : memref<16x512xf32, #tpu.memory_space<vmem>>, vector<16xf32>,
        %parallel_loop3A_326 = arith.constant 15 : i32
        %parallel_loop3A_327 = vector.broadcast %parallel_loop3A_326 : i32 to vector<16xi32>
        %parallel_loop3A_328 = arith.addi %parallel_loop3A_175, %parallel_loop3A_327 : vector<16xi32>
        %parallel_loop3A_329 = tpu.vector_load_idx %arg5[%parallel_loop3A_328] : memref<1700xf32, #tpu.memory_space<vmem>>[vector<16xi32>], vector<16xf32>,
        %parallel_loop3A_330 = arith.constant 16 : i32
        %parallel_loop3A_331 = arith.muli %parallel_loop3A_165, %parallel_loop3A_330 : i32
        %parallel_loop3A_332 = arith.constant 15 : i32
        %parallel_loop3A_333 = arith.index_cast %parallel_loop3A_332 : i32 to index
        %parallel_loop3A_334 = arith.index_cast %parallel_loop3A_331 : i32 to index
        %parallel_loop3A_335 = tpu.vector_load %arg7[%parallel_loop3A_333, %parallel_loop3A_334] {strides = array<i32>} : memref<16x512xf32, #tpu.memory_space<vmem>>, vector<16xf32>,
        tpu.vector_store %arg7[%parallel_loop3A_333, %parallel_loop3A_334], %parallel_loop3A_329 {strides = array<i32>} : memref<16x512xf32, #tpu.memory_space<vmem>>, vector<16xf32>,
      } {sc.loop_unroll_factor = 1 : i64, sc.parallel_access}
      %dma_start3A_69 = arith.constant 0 : i32
      %dma_start3A_70 = tpu.memref_slice %arg4[%add3A_58, %dma_start3A_69, %mul3A_2] : memref<200x16x16384xf32, #tpu.memory_space<hbm>> -> memref<1x16x512xf32, #tpu.memory_space<hbm>>
      %dma_start3A_71 = tpu.memref_squeeze %dma_start3A_70 : memref<1x16x512xf32, #tpu.memory_space<hbm>> -> memref<16x512xf32, #tpu.memory_space<hbm>>
      %dma_start3A_72 = arith.constant 0 : i32
      %dma_start3A_73 = tpu.memref_slice %arg4[%add3A_58, %dma_start3A_72, %mul3A_2] : memref<200x16x16384xf32, #tpu.memory_space<hbm>> -> memref<1x16x512xf32, #tpu.memory_space<hbm>>
      %dma_start3A_74 = tpu.memref_squeeze %dma_start3A_73 : memref<1x16x512xf32, #tpu.memory_space<hbm>> -> memref<16x512xf32, #tpu.memory_space<hbm>>
      tpu.enqueue_dma source(%arg7 : memref<16x512xf32, #tpu.memory_space<vmem>>) target(%dma_start3A_74 : memref<16x512xf32, #tpu.memory_space<hbm>>) target_semaphore(%arg10 : memref<!tpu.dma_semaphore, #tpu.memory_space<semaphore_mem>>)
      %add3A_75 = arith.constant 3 : i32
      %add3A_76 = arith.addi %mul3A_26, %add3A_75 : i32
      %gt3A_77 = arith.constant 0 : i32
      %gt3A_78 = arith.cmpi sgt, %add3A_24, %gt3A_77 : i32
      %or3A_79 = arith.constant true
      %or3A_80 = arith.ori %gt3A_78, %or3A_79 : i1
      %convert_element_type3A_81 = arith.extui %or3A_80 : i1 to i32
      %cond3A_82 = arith.constant 0 : i32
      %cond3A_83 = arith.cmpi ne, %convert_element_type3A_81, %cond3A_82 : i32
      scf.if %cond3A_83 {
        %dma_wait3A_165 = arith.constant 0 : i32
        %dma_wait3A_166 = tpu.memref_slice %arg4[%add3A_76, %dma_wait3A_165, %mul3A_2] : memref<200x16x16384xf32, #tpu.memory_space<hbm>> -> memref<1x16x512xf32, #tpu.memory_space<hbm>>
        %dma_wait3A_167 = tpu.memref_squeeze %dma_wait3A_166 : memref<1x16x512xf32, #tpu.memory_space<hbm>> -> memref<16x512xf32, #tpu.memory_space<hbm>>
        %dma_wait3A_168 = arith.constant 0 : i32
        %dma_wait3A_169 = tpu.memref_slice %arg4[%add3A_76, %dma_wait3A_168, %mul3A_2] : memref<200x16x16384xf32, #tpu.memory_space<hbm>> -> memref<1x16x512xf32, #tpu.memory_space<hbm>>
        %dma_wait3A_170 = tpu.memref_squeeze %dma_wait3A_169 : memref<1x16x512xf32, #tpu.memory_space<hbm>> -> memref<16x512xf32, #tpu.memory_space<hbm>>
        tpu.wait_dma2 semaphore(%arg11 : memref<!tpu.dma_semaphore, #tpu.memory_space<semaphore_mem>>) src(%arg8 : memref<16x512xf32, #tpu.memory_space<vmem>>) dst(%dma_wait3A_170 : memref<16x512xf32, #tpu.memory_space<hbm>>)
      } else {
      }
      %parallel_loop3A_84 = arith.constant 0 : i32
      %parallel_loop3A_85 = arith.constant 32 : i32
      %parallel_loop3A_86 = arith.constant 1 : i32
      scf.for %parallel_loop3A_165 = %parallel_loop3A_84 to %parallel_loop3A_85 step %parallel_loop3A_86  : i32 {
        %parallel_loop3A_166 = arith.constant 3 : i32
        %parallel_loop3A_167 = arith.addi %mul3A_26, %parallel_loop3A_166 : i32
        %parallel_loop3A_168 = arith.constant 16 : i32
        %parallel_loop3A_169 = arith.muli %parallel_loop3A_165, %parallel_loop3A_168 : i32
        %parallel_loop3A_170 = arith.index_cast %parallel_loop3A_167 : i32 to index
        %parallel_loop3A_171 = arith.index_cast %parallel_loop3A_169 : i32 to index
        %parallel_loop3A_172 = tpu.vector_load %arg6[%parallel_loop3A_170, %parallel_loop3A_171] {strides = array<i32>} : memref<200x512xi32, #tpu.memory_space<vmem>>, vector<16xi32>,
        %parallel_loop3A_173 = arith.constant 17 : i32
        %parallel_loop3A_174 = vector.broadcast %parallel_loop3A_173 : i32 to vector<16xi32>
        %parallel_loop3A_175 = arith.muli %parallel_loop3A_172, %parallel_loop3A_174 : vector<16xi32>
        %parallel_loop3A_176 = arith.constant 0 : i32
        %parallel_loop3A_177 = vector.broadcast %parallel_loop3A_176 : i32 to vector<16xi32>
        %parallel_loop3A_178 = arith.addi %parallel_loop3A_175, %parallel_loop3A_177 : vector<16xi32>
        %parallel_loop3A_179 = tpu.vector_load_idx %arg5[%parallel_loop3A_178] : memref<1700xf32, #tpu.memory_space<vmem>>[vector<16xi32>], vector<16xf32>,
        %parallel_loop3A_180 = arith.constant 16 : i32
        %parallel_loop3A_181 = arith.muli %parallel_loop3A_165, %parallel_loop3A_180 : i32
        %parallel_loop3A_182 = arith.constant 0 : i32
        %parallel_loop3A_183 = arith.index_cast %parallel_loop3A_182 : i32 to index
        %parallel_loop3A_184 = arith.index_cast %parallel_loop3A_181 : i32 to index
        %parallel_loop3A_185 = tpu.vector_load %arg8[%parallel_loop3A_183, %parallel_loop3A_184] {strides = array<i32>} : memref<16x512xf32, #tpu.memory_space<vmem>>, vector<16xf32>,
        tpu.vector_store %arg8[%parallel_loop3A_183, %parallel_loop3A_184], %parallel_loop3A_179 {strides = array<i32>} : memref<16x512xf32, #tpu.memory_space<vmem>>, vector<16xf32>,
        %parallel_loop3A_186 = arith.constant 1 : i32
        %parallel_loop3A_187 = vector.broadcast %parallel_loop3A_186 : i32 to vector<16xi32>
        %parallel_loop3A_188 = arith.addi %parallel_loop3A_175, %parallel_loop3A_187 : vector<16xi32>
        %parallel_loop3A_189 = tpu.vector_load_idx %arg5[%parallel_loop3A_188] : memref<1700xf32, #tpu.memory_space<vmem>>[vector<16xi32>], vector<16xf32>,
        %parallel_loop3A_190 = arith.constant 16 : i32
        %parallel_loop3A_191 = arith.muli %parallel_loop3A_165, %parallel_loop3A_190 : i32
        %parallel_loop3A_192 = arith.constant 1 : i32
        %parallel_loop3A_193 = arith.index_cast %parallel_loop3A_192 : i32 to index
        %parallel_loop3A_194 = arith.index_cast %parallel_loop3A_191 : i32 to index
        %parallel_loop3A_195 = tpu.vector_load %arg8[%parallel_loop3A_193, %parallel_loop3A_194] {strides = array<i32>} : memref<16x512xf32, #tpu.memory_space<vmem>>, vector<16xf32>,
        tpu.vector_store %arg8[%parallel_loop3A_193, %parallel_loop3A_194], %parallel_loop3A_189 {strides = array<i32>} : memref<16x512xf32, #tpu.memory_space<vmem>>, vector<16xf32>,
        %parallel_loop3A_196 = arith.constant 2 : i32
        %parallel_loop3A_197 = vector.broadcast %parallel_loop3A_196 : i32 to vector<16xi32>
        %parallel_loop3A_198 = arith.addi %parallel_loop3A_175, %parallel_loop3A_197 : vector<16xi32>
        %parallel_loop3A_199 = tpu.vector_load_idx %arg5[%parallel_loop3A_198] : memref<1700xf32, #tpu.memory_space<vmem>>[vector<16xi32>], vector<16xf32>,
        %parallel_loop3A_200 = arith.constant 16 : i32
        %parallel_loop3A_201 = arith.muli %parallel_loop3A_165, %parallel_loop3A_200 : i32
        %parallel_loop3A_202 = arith.constant 2 : i32
        %parallel_loop3A_203 = arith.index_cast %parallel_loop3A_202 : i32 to index
        %parallel_loop3A_204 = arith.index_cast %parallel_loop3A_201 : i32 to index
        %parallel_loop3A_205 = tpu.vector_load %arg8[%parallel_loop3A_203, %parallel_loop3A_204] {strides = array<i32>} : memref<16x512xf32, #tpu.memory_space<vmem>>, vector<16xf32>,
        tpu.vector_store %arg8[%parallel_loop3A_203, %parallel_loop3A_204], %parallel_loop3A_199 {strides = array<i32>} : memref<16x512xf32, #tpu.memory_space<vmem>>, vector<16xf32>,
        %parallel_loop3A_206 = arith.constant 3 : i32
        %parallel_loop3A_207 = vector.broadcast %parallel_loop3A_206 : i32 to vector<16xi32>
        %parallel_loop3A_208 = arith.addi %parallel_loop3A_175, %parallel_loop3A_207 : vector<16xi32>
        %parallel_loop3A_209 = tpu.vector_load_idx %arg5[%parallel_loop3A_208] : memref<1700xf32, #tpu.memory_space<vmem>>[vector<16xi32>], vector<16xf32>,
        %parallel_loop3A_210 = arith.constant 16 : i32
        %parallel_loop3A_211 = arith.muli %parallel_loop3A_165, %parallel_loop3A_210 : i32
        %parallel_loop3A_212 = arith.constant 3 : i32
        %parallel_loop3A_213 = arith.index_cast %parallel_loop3A_212 : i32 to index
        %parallel_loop3A_214 = arith.index_cast %parallel_loop3A_211 : i32 to index
        %parallel_loop3A_215 = tpu.vector_load %arg8[%parallel_loop3A_213, %parallel_loop3A_214] {strides = array<i32>} : memref<16x512xf32, #tpu.memory_space<vmem>>, vector<16xf32>,
        tpu.vector_store %arg8[%parallel_loop3A_213, %parallel_loop3A_214], %parallel_loop3A_209 {strides = array<i32>} : memref<16x512xf32, #tpu.memory_space<vmem>>, vector<16xf32>,
        %parallel_loop3A_216 = arith.constant 4 : i32
        %parallel_loop3A_217 = vector.broadcast %parallel_loop3A_216 : i32 to vector<16xi32>
        %parallel_loop3A_218 = arith.addi %parallel_loop3A_175, %parallel_loop3A_217 : vector<16xi32>
        %parallel_loop3A_219 = tpu.vector_load_idx %arg5[%parallel_loop3A_218] : memref<1700xf32, #tpu.memory_space<vmem>>[vector<16xi32>], vector<16xf32>,
        %parallel_loop3A_220 = arith.constant 16 : i32
        %parallel_loop3A_221 = arith.muli %parallel_loop3A_165, %parallel_loop3A_220 : i32
        %parallel_loop3A_222 = arith.constant 4 : i32
        %parallel_loop3A_223 = arith.index_cast %parallel_loop3A_222 : i32 to index
        %parallel_loop3A_224 = arith.index_cast %parallel_loop3A_221 : i32 to index
        %parallel_loop3A_225 = tpu.vector_load %arg8[%parallel_loop3A_223, %parallel_loop3A_224] {strides = array<i32>} : memref<16x512xf32, #tpu.memory_space<vmem>>, vector<16xf32>,
        tpu.vector_store %arg8[%parallel_loop3A_223, %parallel_loop3A_224], %parallel_loop3A_219 {strides = array<i32>} : memref<16x512xf32, #tpu.memory_space<vmem>>, vector<16xf32>,
        %parallel_loop3A_226 = arith.constant 5 : i32
        %parallel_loop3A_227 = vector.broadcast %parallel_loop3A_226 : i32 to vector<16xi32>
        %parallel_loop3A_228 = arith.addi %parallel_loop3A_175, %parallel_loop3A_227 : vector<16xi32>
        %parallel_loop3A_229 = tpu.vector_load_idx %arg5[%parallel_loop3A_228] : memref<1700xf32, #tpu.memory_space<vmem>>[vector<16xi32>], vector<16xf32>,
        %parallel_loop3A_230 = arith.constant 16 : i32
        %parallel_loop3A_231 = arith.muli %parallel_loop3A_165, %parallel_loop3A_230 : i32
        %parallel_loop3A_232 = arith.constant 5 : i32
        %parallel_loop3A_233 = arith.index_cast %parallel_loop3A_232 : i32 to index
        %parallel_loop3A_234 = arith.index_cast %parallel_loop3A_231 : i32 to index
        %parallel_loop3A_235 = tpu.vector_load %arg8[%parallel_loop3A_233, %parallel_loop3A_234] {strides = array<i32>} : memref<16x512xf32, #tpu.memory_space<vmem>>, vector<16xf32>,
        tpu.vector_store %arg8[%parallel_loop3A_233, %parallel_loop3A_234], %parallel_loop3A_229 {strides = array<i32>} : memref<16x512xf32, #tpu.memory_space<vmem>>, vector<16xf32>,
        %parallel_loop3A_236 = arith.constant 6 : i32
        %parallel_loop3A_237 = vector.broadcast %parallel_loop3A_236 : i32 to vector<16xi32>
        %parallel_loop3A_238 = arith.addi %parallel_loop3A_175, %parallel_loop3A_237 : vector<16xi32>
        %parallel_loop3A_239 = tpu.vector_load_idx %arg5[%parallel_loop3A_238] : memref<1700xf32, #tpu.memory_space<vmem>>[vector<16xi32>], vector<16xf32>,
        %parallel_loop3A_240 = arith.constant 16 : i32
        %parallel_loop3A_241 = arith.muli %parallel_loop3A_165, %parallel_loop3A_240 : i32
        %parallel_loop3A_242 = arith.constant 6 : i32
        %parallel_loop3A_243 = arith.index_cast %parallel_loop3A_242 : i32 to index
        %parallel_loop3A_244 = arith.index_cast %parallel_loop3A_241 : i32 to index
        %parallel_loop3A_245 = tpu.vector_load %arg8[%parallel_loop3A_243, %parallel_loop3A_244] {strides = array<i32>} : memref<16x512xf32, #tpu.memory_space<vmem>>, vector<16xf32>,
        tpu.vector_store %arg8[%parallel_loop3A_243, %parallel_loop3A_244], %parallel_loop3A_239 {strides = array<i32>} : memref<16x512xf32, #tpu.memory_space<vmem>>, vector<16xf32>,
        %parallel_loop3A_246 = arith.constant 7 : i32
        %parallel_loop3A_247 = vector.broadcast %parallel_loop3A_246 : i32 to vector<16xi32>
        %parallel_loop3A_248 = arith.addi %parallel_loop3A_175, %parallel_loop3A_247 : vector<16xi32>
        %parallel_loop3A_249 = tpu.vector_load_idx %arg5[%parallel_loop3A_248] : memref<1700xf32, #tpu.memory_space<vmem>>[vector<16xi32>], vector<16xf32>,
        %parallel_loop3A_250 = arith.constant 16 : i32
        %parallel_loop3A_251 = arith.muli %parallel_loop3A_165, %parallel_loop3A_250 : i32
        %parallel_loop3A_252 = arith.constant 7 : i32
        %parallel_loop3A_253 = arith.index_cast %parallel_loop3A_252 : i32 to index
        %parallel_loop3A_254 = arith.index_cast %parallel_loop3A_251 : i32 to index
        %parallel_loop3A_255 = tpu.vector_load %arg8[%parallel_loop3A_253, %parallel_loop3A_254] {strides = array<i32>} : memref<16x512xf32, #tpu.memory_space<vmem>>, vector<16xf32>,
        tpu.vector_store %arg8[%parallel_loop3A_253, %parallel_loop3A_254], %parallel_loop3A_249 {strides = array<i32>} : memref<16x512xf32, #tpu.memory_space<vmem>>, vector<16xf32>,
        %parallel_loop3A_256 = arith.constant 8 : i32
        %parallel_loop3A_257 = vector.broadcast %parallel_loop3A_256 : i32 to vector<16xi32>
        %parallel_loop3A_258 = arith.addi %parallel_loop3A_175, %parallel_loop3A_257 : vector<16xi32>
        %parallel_loop3A_259 = tpu.vector_load_idx %arg5[%parallel_loop3A_258] : memref<1700xf32, #tpu.memory_space<vmem>>[vector<16xi32>], vector<16xf32>,
        %parallel_loop3A_260 = arith.constant 16 : i32
        %parallel_loop3A_261 = arith.muli %parallel_loop3A_165, %parallel_loop3A_260 : i32
        %parallel_loop3A_262 = arith.constant 8 : i32
        %parallel_loop3A_263 = arith.index_cast %parallel_loop3A_262 : i32 to index
        %parallel_loop3A_264 = arith.index_cast %parallel_loop3A_261 : i32 to index
        %parallel_loop3A_265 = tpu.vector_load %arg8[%parallel_loop3A_263, %parallel_loop3A_264] {strides = array<i32>} : memref<16x512xf32, #tpu.memory_space<vmem>>, vector<16xf32>,
        tpu.vector_store %arg8[%parallel_loop3A_263, %parallel_loop3A_264], %parallel_loop3A_259 {strides = array<i32>} : memref<16x512xf32, #tpu.memory_space<vmem>>, vector<16xf32>,
        %parallel_loop3A_266 = arith.constant 9 : i32
        %parallel_loop3A_267 = vector.broadcast %parallel_loop3A_266 : i32 to vector<16xi32>
        %parallel_loop3A_268 = arith.addi %parallel_loop3A_175, %parallel_loop3A_267 : vector<16xi32>
        %parallel_loop3A_269 = tpu.vector_load_idx %arg5[%parallel_loop3A_268] : memref<1700xf32, #tpu.memory_space<vmem>>[vector<16xi32>], vector<16xf32>,
        %parallel_loop3A_270 = arith.constant 16 : i32
        %parallel_loop3A_271 = arith.muli %parallel_loop3A_165, %parallel_loop3A_270 : i32
        %parallel_loop3A_272 = arith.constant 9 : i32
        %parallel_loop3A_273 = arith.index_cast %parallel_loop3A_272 : i32 to index
        %parallel_loop3A_274 = arith.index_cast %parallel_loop3A_271 : i32 to index
        %parallel_loop3A_275 = tpu.vector_load %arg8[%parallel_loop3A_273, %parallel_loop3A_274] {strides = array<i32>} : memref<16x512xf32, #tpu.memory_space<vmem>>, vector<16xf32>,
        tpu.vector_store %arg8[%parallel_loop3A_273, %parallel_loop3A_274], %parallel_loop3A_269 {strides = array<i32>} : memref<16x512xf32, #tpu.memory_space<vmem>>, vector<16xf32>,
        %parallel_loop3A_276 = arith.constant 10 : i32
        %parallel_loop3A_277 = vector.broadcast %parallel_loop3A_276 : i32 to vector<16xi32>
        %parallel_loop3A_278 = arith.addi %parallel_loop3A_175, %parallel_loop3A_277 : vector<16xi32>
        %parallel_loop3A_279 = tpu.vector_load_idx %arg5[%parallel_loop3A_278] : memref<1700xf32, #tpu.memory_space<vmem>>[vector<16xi32>], vector<16xf32>,
        %parallel_loop3A_280 = arith.constant 16 : i32
        %parallel_loop3A_281 = arith.muli %parallel_loop3A_165, %parallel_loop3A_280 : i32
        %parallel_loop3A_282 = arith.constant 10 : i32
        %parallel_loop3A_283 = arith.index_cast %parallel_loop3A_282 : i32 to index
        %parallel_loop3A_284 = arith.index_cast %parallel_loop3A_281 : i32 to index
        %parallel_loop3A_285 = tpu.vector_load %arg8[%parallel_loop3A_283, %parallel_loop3A_284] {strides = array<i32>} : memref<16x512xf32, #tpu.memory_space<vmem>>, vector<16xf32>,
        tpu.vector_store %arg8[%parallel_loop3A_283, %parallel_loop3A_284], %parallel_loop3A_279 {strides = array<i32>} : memref<16x512xf32, #tpu.memory_space<vmem>>, vector<16xf32>,
        %parallel_loop3A_286 = arith.constant 11 : i32
        %parallel_loop3A_287 = vector.broadcast %parallel_loop3A_286 : i32 to vector<16xi32>
        %parallel_loop3A_288 = arith.addi %parallel_loop3A_175, %parallel_loop3A_287 : vector<16xi32>
        %parallel_loop3A_289 = tpu.vector_load_idx %arg5[%parallel_loop3A_288] : memref<1700xf32, #tpu.memory_space<vmem>>[vector<16xi32>], vector<16xf32>,
        %parallel_loop3A_290 = arith.constant 16 : i32
        %parallel_loop3A_291 = arith.muli %parallel_loop3A_165, %parallel_loop3A_290 : i32
        %parallel_loop3A_292 = arith.constant 11 : i32
        %parallel_loop3A_293 = arith.index_cast %parallel_loop3A_292 : i32 to index
        %parallel_loop3A_294 = arith.index_cast %parallel_loop3A_291 : i32 to index
        %parallel_loop3A_295 = tpu.vector_load %arg8[%parallel_loop3A_293, %parallel_loop3A_294] {strides = array<i32>} : memref<16x512xf32, #tpu.memory_space<vmem>>, vector<16xf32>,
        tpu.vector_store %arg8[%parallel_loop3A_293, %parallel_loop3A_294], %parallel_loop3A_289 {strides = array<i32>} : memref<16x512xf32, #tpu.memory_space<vmem>>, vector<16xf32>,
        %parallel_loop3A_296 = arith.constant 12 : i32
        %parallel_loop3A_297 = vector.broadcast %parallel_loop3A_296 : i32 to vector<16xi32>
        %parallel_loop3A_298 = arith.addi %parallel_loop3A_175, %parallel_loop3A_297 : vector<16xi32>
        %parallel_loop3A_299 = tpu.vector_load_idx %arg5[%parallel_loop3A_298] : memref<1700xf32, #tpu.memory_space<vmem>>[vector<16xi32>], vector<16xf32>,
        %parallel_loop3A_300 = arith.constant 16 : i32
        %parallel_loop3A_301 = arith.muli %parallel_loop3A_165, %parallel_loop3A_300 : i32
        %parallel_loop3A_302 = arith.constant 12 : i32
        %parallel_loop3A_303 = arith.index_cast %parallel_loop3A_302 : i32 to index
        %parallel_loop3A_304 = arith.index_cast %parallel_loop3A_301 : i32 to index
        %parallel_loop3A_305 = tpu.vector_load %arg8[%parallel_loop3A_303, %parallel_loop3A_304] {strides = array<i32>} : memref<16x512xf32, #tpu.memory_space<vmem>>, vector<16xf32>,
        tpu.vector_store %arg8[%parallel_loop3A_303, %parallel_loop3A_304], %parallel_loop3A_299 {strides = array<i32>} : memref<16x512xf32, #tpu.memory_space<vmem>>, vector<16xf32>,
        %parallel_loop3A_306 = arith.constant 13 : i32
        %parallel_loop3A_307 = vector.broadcast %parallel_loop3A_306 : i32 to vector<16xi32>
        %parallel_loop3A_308 = arith.addi %parallel_loop3A_175, %parallel_loop3A_307 : vector<16xi32>
        %parallel_loop3A_309 = tpu.vector_load_idx %arg5[%parallel_loop3A_308] : memref<1700xf32, #tpu.memory_space<vmem>>[vector<16xi32>], vector<16xf32>,
        %parallel_loop3A_310 = arith.constant 16 : i32
        %parallel_loop3A_311 = arith.muli %parallel_loop3A_165, %parallel_loop3A_310 : i32
        %parallel_loop3A_312 = arith.constant 13 : i32
        %parallel_loop3A_313 = arith.index_cast %parallel_loop3A_312 : i32 to index
        %parallel_loop3A_314 = arith.index_cast %parallel_loop3A_311 : i32 to index
        %parallel_loop3A_315 = tpu.vector_load %arg8[%parallel_loop3A_313, %parallel_loop3A_314] {strides = array<i32>} : memref<16x512xf32, #tpu.memory_space<vmem>>, vector<16xf32>,
        tpu.vector_store %arg8[%parallel_loop3A_313, %parallel_loop3A_314], %parallel_loop3A_309 {strides = array<i32>} : memref<16x512xf32, #tpu.memory_space<vmem>>, vector<16xf32>,
        %parallel_loop3A_316 = arith.constant 14 : i32
        %parallel_loop3A_317 = vector.broadcast %parallel_loop3A_316 : i32 to vector<16xi32>
        %parallel_loop3A_318 = arith.addi %parallel_loop3A_175, %parallel_loop3A_317 : vector<16xi32>
        %parallel_loop3A_319 = tpu.vector_load_idx %arg5[%parallel_loop3A_318] : memref<1700xf32, #tpu.memory_space<vmem>>[vector<16xi32>], vector<16xf32>,
        %parallel_loop3A_320 = arith.constant 16 : i32
        %parallel_loop3A_321 = arith.muli %parallel_loop3A_165, %parallel_loop3A_320 : i32
        %parallel_loop3A_322 = arith.constant 14 : i32
        %parallel_loop3A_323 = arith.index_cast %parallel_loop3A_322 : i32 to index
        %parallel_loop3A_324 = arith.index_cast %parallel_loop3A_321 : i32 to index
        %parallel_loop3A_325 = tpu.vector_load %arg8[%parallel_loop3A_323, %parallel_loop3A_324] {strides = array<i32>} : memref<16x512xf32, #tpu.memory_space<vmem>>, vector<16xf32>,
        tpu.vector_store %arg8[%parallel_loop3A_323, %parallel_loop3A_324], %parallel_loop3A_319 {strides = array<i32>} : memref<16x512xf32, #tpu.memory_space<vmem>>, vector<16xf32>,
        %parallel_loop3A_326 = arith.constant 15 : i32
        %parallel_loop3A_327 = vector.broadcast %parallel_loop3A_326 : i32 to vector<16xi32>
        %parallel_loop3A_328 = arith.addi %parallel_loop3A_175, %parallel_loop3A_327 : vector<16xi32>
        %parallel_loop3A_329 = tpu.vector_load_idx %arg5[%parallel_loop3A_328] : memref<1700xf32, #tpu.memory_space<vmem>>[vector<16xi32>], vector<16xf32>,
        %parallel_loop3A_330 = arith.constant 16 : i32
        %parallel_loop3A_331 = arith.muli %parallel_loop3A_165, %parallel_loop3A_330 : i32
        %parallel_loop3A_332 = arith.constant 15 : i32
        %parallel_loop3A_333 = arith.index_cast %parallel_loop3A_332 : i32 to index
        %parallel_loop3A_334 = arith.index_cast %parallel_loop3A_331 : i32 to index
        %parallel_loop3A_335 = tpu.vector_load %arg8[%parallel_loop3A_333, %parallel_loop3A_334] {strides = array<i32>} : memref<16x512xf32, #tpu.memory_space<vmem>>, vector<16xf32>,
        tpu.vector_store %arg8[%parallel_loop3A_333, %parallel_loop3A_334], %parallel_loop3A_329 {strides = array<i32>} : memref<16x512xf32, #tpu.memory_space<vmem>>, vector<16xf32>,
      } {sc.loop_unroll_factor = 1 : i64, sc.parallel_access}
      %dma_start3A_87 = arith.constant 0 : i32
      %dma_start3A_88 = tpu.memref_slice %arg4[%add3A_76, %dma_start3A_87, %mul3A_2] : memref<200x16x16384xf32, #tpu.memory_space<hbm>> -> memref<1x16x512xf32, #tpu.memory_space<hbm>>
      %dma_start3A_89 = tpu.memref_squeeze %dma_start3A_88 : memref<1x16x512xf32, #tpu.memory_space<hbm>> -> memref<16x512xf32, #tpu.memory_space<hbm>>
      %dma_start3A_90 = arith.constant 0 : i32
      %dma_start3A_91 = tpu.memref_slice %arg4[%add3A_76, %dma_start3A_90, %mul3A_2] : memref<200x16x16384xf32, #tpu.memory_space<hbm>> -> memref<1x16x512xf32, #tpu.memory_space<hbm>>
      %dma_start3A_92 = tpu.memref_squeeze %dma_start3A_91 : memref<1x16x512xf32, #tpu.memory_space<hbm>> -> memref<16x512xf32, #tpu.memory_space<hbm>>
      tpu.enqueue_dma source(%arg8 : memref<16x512xf32, #tpu.memory_space<vmem>>) target(%dma_start3A_92 : memref<16x512xf32, #tpu.memory_space<hbm>>) target_semaphore(%arg11 : memref<!tpu.dma_semaphore, #tpu.memory_space<semaphore_mem>>)
      %add3A_93 = arith.constant 4 : i32
      %add3A_94 = arith.addi %mul3A_26, %add3A_93 : i32
      %gt3A_95 = arith.constant 0 : i32
      %gt3A_96 = arith.cmpi sgt, %add3A_24, %gt3A_95 : i32
      %or3A_97 = arith.constant true
      %or3A_98 = arith.ori %gt3A_96, %or3A_97 : i1
      %convert_element_type3A_99 = arith.extui %or3A_98 : i1 to i32
      %cond3A_100 = arith.constant 0 : i32
      %cond3A_101 = arith.cmpi ne, %convert_element_type3A_99, %cond3A_100 : i32
      scf.if %cond3A_101 {
        %dma_wait3A_165 = arith.constant 0 : i32
        %dma_wait3A_166 = tpu.memref_slice %arg4[%add3A_94, %dma_wait3A_165, %mul3A_2] : memref<200x16x16384xf32, #tpu.memory_space<hbm>> -> memref<1x16x512xf32, #tpu.memory_space<hbm>>
        %dma_wait3A_167 = tpu.memref_squeeze %dma_wait3A_166 : memref<1x16x512xf32, #tpu.memory_space<hbm>> -> memref<16x512xf32, #tpu.memory_space<hbm>>
        %dma_wait3A_168 = arith.constant 0 : i32
        %dma_wait3A_169 = tpu.memref_slice %arg4[%add3A_94, %dma_wait3A_168, %mul3A_2] : memref<200x16x16384xf32, #tpu.memory_space<hbm>> -> memref<1x16x512xf32, #tpu.memory_space<hbm>>
        %dma_wait3A_170 = tpu.memref_squeeze %dma_wait3A_169 : memref<1x16x512xf32, #tpu.memory_space<hbm>> -> memref<16x512xf32, #tpu.memory_space<hbm>>
        tpu.wait_dma2 semaphore(%arg10 : memref<!tpu.dma_semaphore, #tpu.memory_space<semaphore_mem>>) src(%arg7 : memref<16x512xf32, #tpu.memory_space<vmem>>) dst(%dma_wait3A_170 : memref<16x512xf32, #tpu.memory_space<hbm>>)
      } else {
      }
      %parallel_loop3A_102 = arith.constant 0 : i32
      %parallel_loop3A_103 = arith.constant 32 : i32
      %parallel_loop3A_104 = arith.constant 1 : i32
      scf.for %parallel_loop3A_165 = %parallel_loop3A_102 to %parallel_loop3A_103 step %parallel_loop3A_104  : i32 {
        %parallel_loop3A_166 = arith.constant 4 : i32
        %parallel_loop3A_167 = arith.addi %mul3A_26, %parallel_loop3A_166 : i32
        %parallel_loop3A_168 = arith.constant 16 : i32
        %parallel_loop3A_169 = arith.muli %parallel_loop3A_165, %parallel_loop3A_168 : i32
        %parallel_loop3A_170 = arith.index_cast %parallel_loop3A_167 : i32 to index
        %parallel_loop3A_171 = arith.index_cast %parallel_loop3A_169 : i32 to index
        %parallel_loop3A_172 = tpu.vector_load %arg6[%parallel_loop3A_170, %parallel_loop3A_171] {strides = array<i32>} : memref<200x512xi32, #tpu.memory_space<vmem>>, vector<16xi32>,
        %parallel_loop3A_173 = arith.constant 17 : i32
        %parallel_loop3A_174 = vector.broadcast %parallel_loop3A_173 : i32 to vector<16xi32>
        %parallel_loop3A_175 = arith.muli %parallel_loop3A_172, %parallel_loop3A_174 : vector<16xi32>
        %parallel_loop3A_176 = arith.constant 0 : i32
        %parallel_loop3A_177 = vector.broadcast %parallel_loop3A_176 : i32 to vector<16xi32>
        %parallel_loop3A_178 = arith.addi %parallel_loop3A_175, %parallel_loop3A_177 : vector<16xi32>
        %parallel_loop3A_179 = tpu.vector_load_idx %arg5[%parallel_loop3A_178] : memref<1700xf32, #tpu.memory_space<vmem>>[vector<16xi32>], vector<16xf32>,
        %parallel_loop3A_180 = arith.constant 16 : i32
        %parallel_loop3A_181 = arith.muli %parallel_loop3A_165, %parallel_loop3A_180 : i32
        %parallel_loop3A_182 = arith.constant 0 : i32
        %parallel_loop3A_183 = arith.index_cast %parallel_loop3A_182 : i32 to index
        %parallel_loop3A_184 = arith.index_cast %parallel_loop3A_181 : i32 to index
        %parallel_loop3A_185 = tpu.vector_load %arg7[%parallel_loop3A_183, %parallel_loop3A_184] {strides = array<i32>} : memref<16x512xf32, #tpu.memory_space<vmem>>, vector<16xf32>,
        tpu.vector_store %arg7[%parallel_loop3A_183, %parallel_loop3A_184], %parallel_loop3A_179 {strides = array<i32>} : memref<16x512xf32, #tpu.memory_space<vmem>>, vector<16xf32>,
        %parallel_loop3A_186 = arith.constant 1 : i32
        %parallel_loop3A_187 = vector.broadcast %parallel_loop3A_186 : i32 to vector<16xi32>
        %parallel_loop3A_188 = arith.addi %parallel_loop3A_175, %parallel_loop3A_187 : vector<16xi32>
        %parallel_loop3A_189 = tpu.vector_load_idx %arg5[%parallel_loop3A_188] : memref<1700xf32, #tpu.memory_space<vmem>>[vector<16xi32>], vector<16xf32>,
        %parallel_loop3A_190 = arith.constant 16 : i32
        %parallel_loop3A_191 = arith.muli %parallel_loop3A_165, %parallel_loop3A_190 : i32
        %parallel_loop3A_192 = arith.constant 1 : i32
        %parallel_loop3A_193 = arith.index_cast %parallel_loop3A_192 : i32 to index
        %parallel_loop3A_194 = arith.index_cast %parallel_loop3A_191 : i32 to index
        %parallel_loop3A_195 = tpu.vector_load %arg7[%parallel_loop3A_193, %parallel_loop3A_194] {strides = array<i32>} : memref<16x512xf32, #tpu.memory_space<vmem>>, vector<16xf32>,
        tpu.vector_store %arg7[%parallel_loop3A_193, %parallel_loop3A_194], %parallel_loop3A_189 {strides = array<i32>} : memref<16x512xf32, #tpu.memory_space<vmem>>, vector<16xf32>,
        %parallel_loop3A_196 = arith.constant 2 : i32
        %parallel_loop3A_197 = vector.broadcast %parallel_loop3A_196 : i32 to vector<16xi32>
        %parallel_loop3A_198 = arith.addi %parallel_loop3A_175, %parallel_loop3A_197 : vector<16xi32>
        %parallel_loop3A_199 = tpu.vector_load_idx %arg5[%parallel_loop3A_198] : memref<1700xf32, #tpu.memory_space<vmem>>[vector<16xi32>], vector<16xf32>,
        %parallel_loop3A_200 = arith.constant 16 : i32
        %parallel_loop3A_201 = arith.muli %parallel_loop3A_165, %parallel_loop3A_200 : i32
        %parallel_loop3A_202 = arith.constant 2 : i32
        %parallel_loop3A_203 = arith.index_cast %parallel_loop3A_202 : i32 to index
        %parallel_loop3A_204 = arith.index_cast %parallel_loop3A_201 : i32 to index
        %parallel_loop3A_205 = tpu.vector_load %arg7[%parallel_loop3A_203, %parallel_loop3A_204] {strides = array<i32>} : memref<16x512xf32, #tpu.memory_space<vmem>>, vector<16xf32>,
        tpu.vector_store %arg7[%parallel_loop3A_203, %parallel_loop3A_204], %parallel_loop3A_199 {strides = array<i32>} : memref<16x512xf32, #tpu.memory_space<vmem>>, vector<16xf32>,
        %parallel_loop3A_206 = arith.constant 3 : i32
        %parallel_loop3A_207 = vector.broadcast %parallel_loop3A_206 : i32 to vector<16xi32>
        %parallel_loop3A_208 = arith.addi %parallel_loop3A_175, %parallel_loop3A_207 : vector<16xi32>
        %parallel_loop3A_209 = tpu.vector_load_idx %arg5[%parallel_loop3A_208] : memref<1700xf32, #tpu.memory_space<vmem>>[vector<16xi32>], vector<16xf32>,
        %parallel_loop3A_210 = arith.constant 16 : i32
        %parallel_loop3A_211 = arith.muli %parallel_loop3A_165, %parallel_loop3A_210 : i32
        %parallel_loop3A_212 = arith.constant 3 : i32
        %parallel_loop3A_213 = arith.index_cast %parallel_loop3A_212 : i32 to index
        %parallel_loop3A_214 = arith.index_cast %parallel_loop3A_211 : i32 to index
        %parallel_loop3A_215 = tpu.vector_load %arg7[%parallel_loop3A_213, %parallel_loop3A_214] {strides = array<i32>} : memref<16x512xf32, #tpu.memory_space<vmem>>, vector<16xf32>,
        tpu.vector_store %arg7[%parallel_loop3A_213, %parallel_loop3A_214], %parallel_loop3A_209 {strides = array<i32>} : memref<16x512xf32, #tpu.memory_space<vmem>>, vector<16xf32>,
        %parallel_loop3A_216 = arith.constant 4 : i32
        %parallel_loop3A_217 = vector.broadcast %parallel_loop3A_216 : i32 to vector<16xi32>
        %parallel_loop3A_218 = arith.addi %parallel_loop3A_175, %parallel_loop3A_217 : vector<16xi32>
        %parallel_loop3A_219 = tpu.vector_load_idx %arg5[%parallel_loop3A_218] : memref<1700xf32, #tpu.memory_space<vmem>>[vector<16xi32>], vector<16xf32>,
        %parallel_loop3A_220 = arith.constant 16 : i32
        %parallel_loop3A_221 = arith.muli %parallel_loop3A_165, %parallel_loop3A_220 : i32
        %parallel_loop3A_222 = arith.constant 4 : i32
        %parallel_loop3A_223 = arith.index_cast %parallel_loop3A_222 : i32 to index
        %parallel_loop3A_224 = arith.index_cast %parallel_loop3A_221 : i32 to index
        %parallel_loop3A_225 = tpu.vector_load %arg7[%parallel_loop3A_223, %parallel_loop3A_224] {strides = array<i32>} : memref<16x512xf32, #tpu.memory_space<vmem>>, vector<16xf32>,
        tpu.vector_store %arg7[%parallel_loop3A_223, %parallel_loop3A_224], %parallel_loop3A_219 {strides = array<i32>} : memref<16x512xf32, #tpu.memory_space<vmem>>, vector<16xf32>,
        %parallel_loop3A_226 = arith.constant 5 : i32
        %parallel_loop3A_227 = vector.broadcast %parallel_loop3A_226 : i32 to vector<16xi32>
        %parallel_loop3A_228 = arith.addi %parallel_loop3A_175, %parallel_loop3A_227 : vector<16xi32>
        %parallel_loop3A_229 = tpu.vector_load_idx %arg5[%parallel_loop3A_228] : memref<1700xf32, #tpu.memory_space<vmem>>[vector<16xi32>], vector<16xf32>,
        %parallel_loop3A_230 = arith.constant 16 : i32
        %parallel_loop3A_231 = arith.muli %parallel_loop3A_165, %parallel_loop3A_230 : i32
        %parallel_loop3A_232 = arith.constant 5 : i32
        %parallel_loop3A_233 = arith.index_cast %parallel_loop3A_232 : i32 to index
        %parallel_loop3A_234 = arith.index_cast %parallel_loop3A_231 : i32 to index
        %parallel_loop3A_235 = tpu.vector_load %arg7[%parallel_loop3A_233, %parallel_loop3A_234] {strides = array<i32>} : memref<16x512xf32, #tpu.memory_space<vmem>>, vector<16xf32>,
        tpu.vector_store %arg7[%parallel_loop3A_233, %parallel_loop3A_234], %parallel_loop3A_229 {strides = array<i32>} : memref<16x512xf32, #tpu.memory_space<vmem>>, vector<16xf32>,
        %parallel_loop3A_236 = arith.constant 6 : i32
        %parallel_loop3A_237 = vector.broadcast %parallel_loop3A_236 : i32 to vector<16xi32>
        %parallel_loop3A_238 = arith.addi %parallel_loop3A_175, %parallel_loop3A_237 : vector<16xi32>
        %parallel_loop3A_239 = tpu.vector_load_idx %arg5[%parallel_loop3A_238] : memref<1700xf32, #tpu.memory_space<vmem>>[vector<16xi32>], vector<16xf32>,
        %parallel_loop3A_240 = arith.constant 16 : i32
        %parallel_loop3A_241 = arith.muli %parallel_loop3A_165, %parallel_loop3A_240 : i32
        %parallel_loop3A_242 = arith.constant 6 : i32
        %parallel_loop3A_243 = arith.index_cast %parallel_loop3A_242 : i32 to index
        %parallel_loop3A_244 = arith.index_cast %parallel_loop3A_241 : i32 to index
        %parallel_loop3A_245 = tpu.vector_load %arg7[%parallel_loop3A_243, %parallel_loop3A_244] {strides = array<i32>} : memref<16x512xf32, #tpu.memory_space<vmem>>, vector<16xf32>,
        tpu.vector_store %arg7[%parallel_loop3A_243, %parallel_loop3A_244], %parallel_loop3A_239 {strides = array<i32>} : memref<16x512xf32, #tpu.memory_space<vmem>>, vector<16xf32>,
        %parallel_loop3A_246 = arith.constant 7 : i32
        %parallel_loop3A_247 = vector.broadcast %parallel_loop3A_246 : i32 to vector<16xi32>
        %parallel_loop3A_248 = arith.addi %parallel_loop3A_175, %parallel_loop3A_247 : vector<16xi32>
        %parallel_loop3A_249 = tpu.vector_load_idx %arg5[%parallel_loop3A_248] : memref<1700xf32, #tpu.memory_space<vmem>>[vector<16xi32>], vector<16xf32>,
        %parallel_loop3A_250 = arith.constant 16 : i32
        %parallel_loop3A_251 = arith.muli %parallel_loop3A_165, %parallel_loop3A_250 : i32
        %parallel_loop3A_252 = arith.constant 7 : i32
        %parallel_loop3A_253 = arith.index_cast %parallel_loop3A_252 : i32 to index
        %parallel_loop3A_254 = arith.index_cast %parallel_loop3A_251 : i32 to index
        %parallel_loop3A_255 = tpu.vector_load %arg7[%parallel_loop3A_253, %parallel_loop3A_254] {strides = array<i32>} : memref<16x512xf32, #tpu.memory_space<vmem>>, vector<16xf32>,
        tpu.vector_store %arg7[%parallel_loop3A_253, %parallel_loop3A_254], %parallel_loop3A_249 {strides = array<i32>} : memref<16x512xf32, #tpu.memory_space<vmem>>, vector<16xf32>,
        %parallel_loop3A_256 = arith.constant 8 : i32
        %parallel_loop3A_257 = vector.broadcast %parallel_loop3A_256 : i32 to vector<16xi32>
        %parallel_loop3A_258 = arith.addi %parallel_loop3A_175, %parallel_loop3A_257 : vector<16xi32>
        %parallel_loop3A_259 = tpu.vector_load_idx %arg5[%parallel_loop3A_258] : memref<1700xf32, #tpu.memory_space<vmem>>[vector<16xi32>], vector<16xf32>,
        %parallel_loop3A_260 = arith.constant 16 : i32
        %parallel_loop3A_261 = arith.muli %parallel_loop3A_165, %parallel_loop3A_260 : i32
        %parallel_loop3A_262 = arith.constant 8 : i32
        %parallel_loop3A_263 = arith.index_cast %parallel_loop3A_262 : i32 to index
        %parallel_loop3A_264 = arith.index_cast %parallel_loop3A_261 : i32 to index
        %parallel_loop3A_265 = tpu.vector_load %arg7[%parallel_loop3A_263, %parallel_loop3A_264] {strides = array<i32>} : memref<16x512xf32, #tpu.memory_space<vmem>>, vector<16xf32>,
        tpu.vector_store %arg7[%parallel_loop3A_263, %parallel_loop3A_264], %parallel_loop3A_259 {strides = array<i32>} : memref<16x512xf32, #tpu.memory_space<vmem>>, vector<16xf32>,
        %parallel_loop3A_266 = arith.constant 9 : i32
        %parallel_loop3A_267 = vector.broadcast %parallel_loop3A_266 : i32 to vector<16xi32>
        %parallel_loop3A_268 = arith.addi %parallel_loop3A_175, %parallel_loop3A_267 : vector<16xi32>
        %parallel_loop3A_269 = tpu.vector_load_idx %arg5[%parallel_loop3A_268] : memref<1700xf32, #tpu.memory_space<vmem>>[vector<16xi32>], vector<16xf32>,
        %parallel_loop3A_270 = arith.constant 16 : i32
        %parallel_loop3A_271 = arith.muli %parallel_loop3A_165, %parallel_loop3A_270 : i32
        %parallel_loop3A_272 = arith.constant 9 : i32
        %parallel_loop3A_273 = arith.index_cast %parallel_loop3A_272 : i32 to index
        %parallel_loop3A_274 = arith.index_cast %parallel_loop3A_271 : i32 to index
        %parallel_loop3A_275 = tpu.vector_load %arg7[%parallel_loop3A_273, %parallel_loop3A_274] {strides = array<i32>} : memref<16x512xf32, #tpu.memory_space<vmem>>, vector<16xf32>,
        tpu.vector_store %arg7[%parallel_loop3A_273, %parallel_loop3A_274], %parallel_loop3A_269 {strides = array<i32>} : memref<16x512xf32, #tpu.memory_space<vmem>>, vector<16xf32>,
        %parallel_loop3A_276 = arith.constant 10 : i32
        %parallel_loop3A_277 = vector.broadcast %parallel_loop3A_276 : i32 to vector<16xi32>
        %parallel_loop3A_278 = arith.addi %parallel_loop3A_175, %parallel_loop3A_277 : vector<16xi32>
        %parallel_loop3A_279 = tpu.vector_load_idx %arg5[%parallel_loop3A_278] : memref<1700xf32, #tpu.memory_space<vmem>>[vector<16xi32>], vector<16xf32>,
        %parallel_loop3A_280 = arith.constant 16 : i32
        %parallel_loop3A_281 = arith.muli %parallel_loop3A_165, %parallel_loop3A_280 : i32
        %parallel_loop3A_282 = arith.constant 10 : i32
        %parallel_loop3A_283 = arith.index_cast %parallel_loop3A_282 : i32 to index
        %parallel_loop3A_284 = arith.index_cast %parallel_loop3A_281 : i32 to index
        %parallel_loop3A_285 = tpu.vector_load %arg7[%parallel_loop3A_283, %parallel_loop3A_284] {strides = array<i32>} : memref<16x512xf32, #tpu.memory_space<vmem>>, vector<16xf32>,
        tpu.vector_store %arg7[%parallel_loop3A_283, %parallel_loop3A_284], %parallel_loop3A_279 {strides = array<i32>} : memref<16x512xf32, #tpu.memory_space<vmem>>, vector<16xf32>,
        %parallel_loop3A_286 = arith.constant 11 : i32
        %parallel_loop3A_287 = vector.broadcast %parallel_loop3A_286 : i32 to vector<16xi32>
        %parallel_loop3A_288 = arith.addi %parallel_loop3A_175, %parallel_loop3A_287 : vector<16xi32>
        %parallel_loop3A_289 = tpu.vector_load_idx %arg5[%parallel_loop3A_288] : memref<1700xf32, #tpu.memory_space<vmem>>[vector<16xi32>], vector<16xf32>,
        %parallel_loop3A_290 = arith.constant 16 : i32
        %parallel_loop3A_291 = arith.muli %parallel_loop3A_165, %parallel_loop3A_290 : i32
        %parallel_loop3A_292 = arith.constant 11 : i32
        %parallel_loop3A_293 = arith.index_cast %parallel_loop3A_292 : i32 to index
        %parallel_loop3A_294 = arith.index_cast %parallel_loop3A_291 : i32 to index
        %parallel_loop3A_295 = tpu.vector_load %arg7[%parallel_loop3A_293, %parallel_loop3A_294] {strides = array<i32>} : memref<16x512xf32, #tpu.memory_space<vmem>>, vector<16xf32>,
        tpu.vector_store %arg7[%parallel_loop3A_293, %parallel_loop3A_294], %parallel_loop3A_289 {strides = array<i32>} : memref<16x512xf32, #tpu.memory_space<vmem>>, vector<16xf32>,
        %parallel_loop3A_296 = arith.constant 12 : i32
        %parallel_loop3A_297 = vector.broadcast %parallel_loop3A_296 : i32 to vector<16xi32>
        %parallel_loop3A_298 = arith.addi %parallel_loop3A_175, %parallel_loop3A_297 : vector<16xi32>
        %parallel_loop3A_299 = tpu.vector_load_idx %arg5[%parallel_loop3A_298] : memref<1700xf32, #tpu.memory_space<vmem>>[vector<16xi32>], vector<16xf32>,
        %parallel_loop3A_300 = arith.constant 16 : i32
        %parallel_loop3A_301 = arith.muli %parallel_loop3A_165, %parallel_loop3A_300 : i32
        %parallel_loop3A_302 = arith.constant 12 : i32
        %parallel_loop3A_303 = arith.index_cast %parallel_loop3A_302 : i32 to index
        %parallel_loop3A_304 = arith.index_cast %parallel_loop3A_301 : i32 to index
        %parallel_loop3A_305 = tpu.vector_load %arg7[%parallel_loop3A_303, %parallel_loop3A_304] {strides = array<i32>} : memref<16x512xf32, #tpu.memory_space<vmem>>, vector<16xf32>,
        tpu.vector_store %arg7[%parallel_loop3A_303, %parallel_loop3A_304], %parallel_loop3A_299 {strides = array<i32>} : memref<16x512xf32, #tpu.memory_space<vmem>>, vector<16xf32>,
        %parallel_loop3A_306 = arith.constant 13 : i32
        %parallel_loop3A_307 = vector.broadcast %parallel_loop3A_306 : i32 to vector<16xi32>
        %parallel_loop3A_308 = arith.addi %parallel_loop3A_175, %parallel_loop3A_307 : vector<16xi32>
        %parallel_loop3A_309 = tpu.vector_load_idx %arg5[%parallel_loop3A_308] : memref<1700xf32, #tpu.memory_space<vmem>>[vector<16xi32>], vector<16xf32>,
        %parallel_loop3A_310 = arith.constant 16 : i32
        %parallel_loop3A_311 = arith.muli %parallel_loop3A_165, %parallel_loop3A_310 : i32
        %parallel_loop3A_312 = arith.constant 13 : i32
        %parallel_loop3A_313 = arith.index_cast %parallel_loop3A_312 : i32 to index
        %parallel_loop3A_314 = arith.index_cast %parallel_loop3A_311 : i32 to index
        %parallel_loop3A_315 = tpu.vector_load %arg7[%parallel_loop3A_313, %parallel_loop3A_314] {strides = array<i32>} : memref<16x512xf32, #tpu.memory_space<vmem>>, vector<16xf32>,
        tpu.vector_store %arg7[%parallel_loop3A_313, %parallel_loop3A_314], %parallel_loop3A_309 {strides = array<i32>} : memref<16x512xf32, #tpu.memory_space<vmem>>, vector<16xf32>,
        %parallel_loop3A_316 = arith.constant 14 : i32
        %parallel_loop3A_317 = vector.broadcast %parallel_loop3A_316 : i32 to vector<16xi32>
        %parallel_loop3A_318 = arith.addi %parallel_loop3A_175, %parallel_loop3A_317 : vector<16xi32>
        %parallel_loop3A_319 = tpu.vector_load_idx %arg5[%parallel_loop3A_318] : memref<1700xf32, #tpu.memory_space<vmem>>[vector<16xi32>], vector<16xf32>,
        %parallel_loop3A_320 = arith.constant 16 : i32
        %parallel_loop3A_321 = arith.muli %parallel_loop3A_165, %parallel_loop3A_320 : i32
        %parallel_loop3A_322 = arith.constant 14 : i32
        %parallel_loop3A_323 = arith.index_cast %parallel_loop3A_322 : i32 to index
        %parallel_loop3A_324 = arith.index_cast %parallel_loop3A_321 : i32 to index
        %parallel_loop3A_325 = tpu.vector_load %arg7[%parallel_loop3A_323, %parallel_loop3A_324] {strides = array<i32>} : memref<16x512xf32, #tpu.memory_space<vmem>>, vector<16xf32>,
        tpu.vector_store %arg7[%parallel_loop3A_323, %parallel_loop3A_324], %parallel_loop3A_319 {strides = array<i32>} : memref<16x512xf32, #tpu.memory_space<vmem>>, vector<16xf32>,
        %parallel_loop3A_326 = arith.constant 15 : i32
        %parallel_loop3A_327 = vector.broadcast %parallel_loop3A_326 : i32 to vector<16xi32>
        %parallel_loop3A_328 = arith.addi %parallel_loop3A_175, %parallel_loop3A_327 : vector<16xi32>
        %parallel_loop3A_329 = tpu.vector_load_idx %arg5[%parallel_loop3A_328] : memref<1700xf32, #tpu.memory_space<vmem>>[vector<16xi32>], vector<16xf32>,
        %parallel_loop3A_330 = arith.constant 16 : i32
        %parallel_loop3A_331 = arith.muli %parallel_loop3A_165, %parallel_loop3A_330 : i32
        %parallel_loop3A_332 = arith.constant 15 : i32
        %parallel_loop3A_333 = arith.index_cast %parallel_loop3A_332 : i32 to index
        %parallel_loop3A_334 = arith.index_cast %parallel_loop3A_331 : i32 to index
        %parallel_loop3A_335 = tpu.vector_load %arg7[%parallel_loop3A_333, %parallel_loop3A_334] {strides = array<i32>} : memref<16x512xf32, #tpu.memory_space<vmem>>, vector<16xf32>,
        tpu.vector_store %arg7[%parallel_loop3A_333, %parallel_loop3A_334], %parallel_loop3A_329 {strides = array<i32>} : memref<16x512xf32, #tpu.memory_space<vmem>>, vector<16xf32>,
      } {sc.loop_unroll_factor = 1 : i64, sc.parallel_access}
      %dma_start3A_105 = arith.constant 0 : i32
      %dma_start3A_106 = tpu.memref_slice %arg4[%add3A_94, %dma_start3A_105, %mul3A_2] : memref<200x16x16384xf32, #tpu.memory_space<hbm>> -> memref<1x16x512xf32, #tpu.memory_space<hbm>>
      %dma_start3A_107 = tpu.memref_squeeze %dma_start3A_106 : memref<1x16x512xf32, #tpu.memory_space<hbm>> -> memref<16x512xf32, #tpu.memory_space<hbm>>
      %dma_start3A_108 = arith.constant 0 : i32
      %dma_start3A_109 = tpu.memref_slice %arg4[%add3A_94, %dma_start3A_108, %mul3A_2] : memref<200x16x16384xf32, #tpu.memory_space<hbm>> -> memref<1x16x512xf32, #tpu.memory_space<hbm>>
      %dma_start3A_110 = tpu.memref_squeeze %dma_start3A_109 : memref<1x16x512xf32, #tpu.memory_space<hbm>> -> memref<16x512xf32, #tpu.memory_space<hbm>>
      tpu.enqueue_dma source(%arg7 : memref<16x512xf32, #tpu.memory_space<vmem>>) target(%dma_start3A_110 : memref<16x512xf32, #tpu.memory_space<hbm>>) target_semaphore(%arg10 : memref<!tpu.dma_semaphore, #tpu.memory_space<semaphore_mem>>)
      %add3A_111 = arith.constant 5 : i32
      %add3A_112 = arith.addi %mul3A_26, %add3A_111 : i32
      %gt3A_113 = arith.constant 0 : i32
      %gt3A_114 = arith.cmpi sgt, %add3A_24, %gt3A_113 : i32
      %or3A_115 = arith.constant true
      %or3A_116 = arith.ori %gt3A_114, %or3A_115 : i1
      %convert_element_type3A_117 = arith.extui %or3A_116 : i1 to i32
      %cond3A_118 = arith.constant 0 : i32
      %cond3A_119 = arith.cmpi ne, %convert_element_type3A_117, %cond3A_118 : i32
      scf.if %cond3A_119 {
        %dma_wait3A_165 = arith.constant 0 : i32
        %dma_wait3A_166 = tpu.memref_slice %arg4[%add3A_112, %dma_wait3A_165, %mul3A_2] : memref<200x16x16384xf32, #tpu.memory_space<hbm>> -> memref<1x16x512xf32, #tpu.memory_space<hbm>>
        %dma_wait3A_167 = tpu.memref_squeeze %dma_wait3A_166 : memref<1x16x512xf32, #tpu.memory_space<hbm>> -> memref<16x512xf32, #tpu.memory_space<hbm>>
        %dma_wait3A_168 = arith.constant 0 : i32
        %dma_wait3A_169 = tpu.memref_slice %arg4[%add3A_112, %dma_wait3A_168, %mul3A_2] : memref<200x16x16384xf32, #tpu.memory_space<hbm>> -> memref<1x16x512xf32, #tpu.memory_space<hbm>>
        %dma_wait3A_170 = tpu.memref_squeeze %dma_wait3A_169 : memref<1x16x512xf32, #tpu.memory_space<hbm>> -> memref<16x512xf32, #tpu.memory_space<hbm>>
        tpu.wait_dma2 semaphore(%arg11 : memref<!tpu.dma_semaphore, #tpu.memory_space<semaphore_mem>>) src(%arg8 : memref<16x512xf32, #tpu.memory_space<vmem>>) dst(%dma_wait3A_170 : memref<16x512xf32, #tpu.memory_space<hbm>>)
      } else {
      }
      %parallel_loop3A_120 = arith.constant 0 : i32
      %parallel_loop3A_121 = arith.constant 32 : i32
      %parallel_loop3A_122 = arith.constant 1 : i32
      scf.for %parallel_loop3A_165 = %parallel_loop3A_120 to %parallel_loop3A_121 step %parallel_loop3A_122  : i32 {
        %parallel_loop3A_166 = arith.constant 5 : i32
        %parallel_loop3A_167 = arith.addi %mul3A_26, %parallel_loop3A_166 : i32
        %parallel_loop3A_168 = arith.constant 16 : i32
        %parallel_loop3A_169 = arith.muli %parallel_loop3A_165, %parallel_loop3A_168 : i32
        %parallel_loop3A_170 = arith.index_cast %parallel_loop3A_167 : i32 to index
        %parallel_loop3A_171 = arith.index_cast %parallel_loop3A_169 : i32 to index
        %parallel_loop3A_172 = tpu.vector_load %arg6[%parallel_loop3A_170, %parallel_loop3A_171] {strides = array<i32>} : memref<200x512xi32, #tpu.memory_space<vmem>>, vector<16xi32>,
        %parallel_loop3A_173 = arith.constant 17 : i32
        %parallel_loop3A_174 = vector.broadcast %parallel_loop3A_173 : i32 to vector<16xi32>
        %parallel_loop3A_175 = arith.muli %parallel_loop3A_172, %parallel_loop3A_174 : vector<16xi32>
        %parallel_loop3A_176 = arith.constant 0 : i32
        %parallel_loop3A_177 = vector.broadcast %parallel_loop3A_176 : i32 to vector<16xi32>
        %parallel_loop3A_178 = arith.addi %parallel_loop3A_175, %parallel_loop3A_177 : vector<16xi32>
        %parallel_loop3A_179 = tpu.vector_load_idx %arg5[%parallel_loop3A_178] : memref<1700xf32, #tpu.memory_space<vmem>>[vector<16xi32>], vector<16xf32>,
        %parallel_loop3A_180 = arith.constant 16 : i32
        %parallel_loop3A_181 = arith.muli %parallel_loop3A_165, %parallel_loop3A_180 : i32
        %parallel_loop3A_182 = arith.constant 0 : i32
        %parallel_loop3A_183 = arith.index_cast %parallel_loop3A_182 : i32 to index
        %parallel_loop3A_184 = arith.index_cast %parallel_loop3A_181 : i32 to index
        %parallel_loop3A_185 = tpu.vector_load %arg8[%parallel_loop3A_183, %parallel_loop3A_184] {strides = array<i32>} : memref<16x512xf32, #tpu.memory_space<vmem>>, vector<16xf32>,
        tpu.vector_store %arg8[%parallel_loop3A_183, %parallel_loop3A_184], %parallel_loop3A_179 {strides = array<i32>} : memref<16x512xf32, #tpu.memory_space<vmem>>, vector<16xf32>,
        %parallel_loop3A_186 = arith.constant 1 : i32
        %parallel_loop3A_187 = vector.broadcast %parallel_loop3A_186 : i32 to vector<16xi32>
        %parallel_loop3A_188 = arith.addi %parallel_loop3A_175, %parallel_loop3A_187 : vector<16xi32>
        %parallel_loop3A_189 = tpu.vector_load_idx %arg5[%parallel_loop3A_188] : memref<1700xf32, #tpu.memory_space<vmem>>[vector<16xi32>], vector<16xf32>,
        %parallel_loop3A_190 = arith.constant 16 : i32
        %parallel_loop3A_191 = arith.muli %parallel_loop3A_165, %parallel_loop3A_190 : i32
        %parallel_loop3A_192 = arith.constant 1 : i32
        %parallel_loop3A_193 = arith.index_cast %parallel_loop3A_192 : i32 to index
        %parallel_loop3A_194 = arith.index_cast %parallel_loop3A_191 : i32 to index
        %parallel_loop3A_195 = tpu.vector_load %arg8[%parallel_loop3A_193, %parallel_loop3A_194] {strides = array<i32>} : memref<16x512xf32, #tpu.memory_space<vmem>>, vector<16xf32>,
        tpu.vector_store %arg8[%parallel_loop3A_193, %parallel_loop3A_194], %parallel_loop3A_189 {strides = array<i32>} : memref<16x512xf32, #tpu.memory_space<vmem>>, vector<16xf32>,
        %parallel_loop3A_196 = arith.constant 2 : i32
        %parallel_loop3A_197 = vector.broadcast %parallel_loop3A_196 : i32 to vector<16xi32>
        %parallel_loop3A_198 = arith.addi %parallel_loop3A_175, %parallel_loop3A_197 : vector<16xi32>
        %parallel_loop3A_199 = tpu.vector_load_idx %arg5[%parallel_loop3A_198] : memref<1700xf32, #tpu.memory_space<vmem>>[vector<16xi32>], vector<16xf32>,
        %parallel_loop3A_200 = arith.constant 16 : i32
        %parallel_loop3A_201 = arith.muli %parallel_loop3A_165, %parallel_loop3A_200 : i32
        %parallel_loop3A_202 = arith.constant 2 : i32
        %parallel_loop3A_203 = arith.index_cast %parallel_loop3A_202 : i32 to index
        %parallel_loop3A_204 = arith.index_cast %parallel_loop3A_201 : i32 to index
        %parallel_loop3A_205 = tpu.vector_load %arg8[%parallel_loop3A_203, %parallel_loop3A_204] {strides = array<i32>} : memref<16x512xf32, #tpu.memory_space<vmem>>, vector<16xf32>,
        tpu.vector_store %arg8[%parallel_loop3A_203, %parallel_loop3A_204], %parallel_loop3A_199 {strides = array<i32>} : memref<16x512xf32, #tpu.memory_space<vmem>>, vector<16xf32>,
        %parallel_loop3A_206 = arith.constant 3 : i32
        %parallel_loop3A_207 = vector.broadcast %parallel_loop3A_206 : i32 to vector<16xi32>
        %parallel_loop3A_208 = arith.addi %parallel_loop3A_175, %parallel_loop3A_207 : vector<16xi32>
        %parallel_loop3A_209 = tpu.vector_load_idx %arg5[%parallel_loop3A_208] : memref<1700xf32, #tpu.memory_space<vmem>>[vector<16xi32>], vector<16xf32>,
        %parallel_loop3A_210 = arith.constant 16 : i32
        %parallel_loop3A_211 = arith.muli %parallel_loop3A_165, %parallel_loop3A_210 : i32
        %parallel_loop3A_212 = arith.constant 3 : i32
        %parallel_loop3A_213 = arith.index_cast %parallel_loop3A_212 : i32 to index
        %parallel_loop3A_214 = arith.index_cast %parallel_loop3A_211 : i32 to index
        %parallel_loop3A_215 = tpu.vector_load %arg8[%parallel_loop3A_213, %parallel_loop3A_214] {strides = array<i32>} : memref<16x512xf32, #tpu.memory_space<vmem>>, vector<16xf32>,
        tpu.vector_store %arg8[%parallel_loop3A_213, %parallel_loop3A_214], %parallel_loop3A_209 {strides = array<i32>} : memref<16x512xf32, #tpu.memory_space<vmem>>, vector<16xf32>,
        %parallel_loop3A_216 = arith.constant 4 : i32
        %parallel_loop3A_217 = vector.broadcast %parallel_loop3A_216 : i32 to vector<16xi32>
        %parallel_loop3A_218 = arith.addi %parallel_loop3A_175, %parallel_loop3A_217 : vector<16xi32>
        %parallel_loop3A_219 = tpu.vector_load_idx %arg5[%parallel_loop3A_218] : memref<1700xf32, #tpu.memory_space<vmem>>[vector<16xi32>], vector<16xf32>,
        %parallel_loop3A_220 = arith.constant 16 : i32
        %parallel_loop3A_221 = arith.muli %parallel_loop3A_165, %parallel_loop3A_220 : i32
        %parallel_loop3A_222 = arith.constant 4 : i32
        %parallel_loop3A_223 = arith.index_cast %parallel_loop3A_222 : i32 to index
        %parallel_loop3A_224 = arith.index_cast %parallel_loop3A_221 : i32 to index
        %parallel_loop3A_225 = tpu.vector_load %arg8[%parallel_loop3A_223, %parallel_loop3A_224] {strides = array<i32>} : memref<16x512xf32, #tpu.memory_space<vmem>>, vector<16xf32>,
        tpu.vector_store %arg8[%parallel_loop3A_223, %parallel_loop3A_224], %parallel_loop3A_219 {strides = array<i32>} : memref<16x512xf32, #tpu.memory_space<vmem>>, vector<16xf32>,
        %parallel_loop3A_226 = arith.constant 5 : i32
        %parallel_loop3A_227 = vector.broadcast %parallel_loop3A_226 : i32 to vector<16xi32>
        %parallel_loop3A_228 = arith.addi %parallel_loop3A_175, %parallel_loop3A_227 : vector<16xi32>
        %parallel_loop3A_229 = tpu.vector_load_idx %arg5[%parallel_loop3A_228] : memref<1700xf32, #tpu.memory_space<vmem>>[vector<16xi32>], vector<16xf32>,
        %parallel_loop3A_230 = arith.constant 16 : i32
        %parallel_loop3A_231 = arith.muli %parallel_loop3A_165, %parallel_loop3A_230 : i32
        %parallel_loop3A_232 = arith.constant 5 : i32
        %parallel_loop3A_233 = arith.index_cast %parallel_loop3A_232 : i32 to index
        %parallel_loop3A_234 = arith.index_cast %parallel_loop3A_231 : i32 to index
        %parallel_loop3A_235 = tpu.vector_load %arg8[%parallel_loop3A_233, %parallel_loop3A_234] {strides = array<i32>} : memref<16x512xf32, #tpu.memory_space<vmem>>, vector<16xf32>,
        tpu.vector_store %arg8[%parallel_loop3A_233, %parallel_loop3A_234], %parallel_loop3A_229 {strides = array<i32>} : memref<16x512xf32, #tpu.memory_space<vmem>>, vector<16xf32>,
        %parallel_loop3A_236 = arith.constant 6 : i32
        %parallel_loop3A_237 = vector.broadcast %parallel_loop3A_236 : i32 to vector<16xi32>
        %parallel_loop3A_238 = arith.addi %parallel_loop3A_175, %parallel_loop3A_237 : vector<16xi32>
        %parallel_loop3A_239 = tpu.vector_load_idx %arg5[%parallel_loop3A_238] : memref<1700xf32, #tpu.memory_space<vmem>>[vector<16xi32>], vector<16xf32>,
        %parallel_loop3A_240 = arith.constant 16 : i32
        %parallel_loop3A_241 = arith.muli %parallel_loop3A_165, %parallel_loop3A_240 : i32
        %parallel_loop3A_242 = arith.constant 6 : i32
        %parallel_loop3A_243 = arith.index_cast %parallel_loop3A_242 : i32 to index
        %parallel_loop3A_244 = arith.index_cast %parallel_loop3A_241 : i32 to index
        %parallel_loop3A_245 = tpu.vector_load %arg8[%parallel_loop3A_243, %parallel_loop3A_244] {strides = array<i32>} : memref<16x512xf32, #tpu.memory_space<vmem>>, vector<16xf32>,
        tpu.vector_store %arg8[%parallel_loop3A_243, %parallel_loop3A_244], %parallel_loop3A_239 {strides = array<i32>} : memref<16x512xf32, #tpu.memory_space<vmem>>, vector<16xf32>,
        %parallel_loop3A_246 = arith.constant 7 : i32
        %parallel_loop3A_247 = vector.broadcast %parallel_loop3A_246 : i32 to vector<16xi32>
        %parallel_loop3A_248 = arith.addi %parallel_loop3A_175, %parallel_loop3A_247 : vector<16xi32>
        %parallel_loop3A_249 = tpu.vector_load_idx %arg5[%parallel_loop3A_248] : memref<1700xf32, #tpu.memory_space<vmem>>[vector<16xi32>], vector<16xf32>,
        %parallel_loop3A_250 = arith.constant 16 : i32
        %parallel_loop3A_251 = arith.muli %parallel_loop3A_165, %parallel_loop3A_250 : i32
        %parallel_loop3A_252 = arith.constant 7 : i32
        %parallel_loop3A_253 = arith.index_cast %parallel_loop3A_252 : i32 to index
        %parallel_loop3A_254 = arith.index_cast %parallel_loop3A_251 : i32 to index
        %parallel_loop3A_255 = tpu.vector_load %arg8[%parallel_loop3A_253, %parallel_loop3A_254] {strides = array<i32>} : memref<16x512xf32, #tpu.memory_space<vmem>>, vector<16xf32>,
        tpu.vector_store %arg8[%parallel_loop3A_253, %parallel_loop3A_254], %parallel_loop3A_249 {strides = array<i32>} : memref<16x512xf32, #tpu.memory_space<vmem>>, vector<16xf32>,
        %parallel_loop3A_256 = arith.constant 8 : i32
        %parallel_loop3A_257 = vector.broadcast %parallel_loop3A_256 : i32 to vector<16xi32>
        %parallel_loop3A_258 = arith.addi %parallel_loop3A_175, %parallel_loop3A_257 : vector<16xi32>
        %parallel_loop3A_259 = tpu.vector_load_idx %arg5[%parallel_loop3A_258] : memref<1700xf32, #tpu.memory_space<vmem>>[vector<16xi32>], vector<16xf32>,
        %parallel_loop3A_260 = arith.constant 16 : i32
        %parallel_loop3A_261 = arith.muli %parallel_loop3A_165, %parallel_loop3A_260 : i32
        %parallel_loop3A_262 = arith.constant 8 : i32
        %parallel_loop3A_263 = arith.index_cast %parallel_loop3A_262 : i32 to index
        %parallel_loop3A_264 = arith.index_cast %parallel_loop3A_261 : i32 to index
        %parallel_loop3A_265 = tpu.vector_load %arg8[%parallel_loop3A_263, %parallel_loop3A_264] {strides = array<i32>} : memref<16x512xf32, #tpu.memory_space<vmem>>, vector<16xf32>,
        tpu.vector_store %arg8[%parallel_loop3A_263, %parallel_loop3A_264], %parallel_loop3A_259 {strides = array<i32>} : memref<16x512xf32, #tpu.memory_space<vmem>>, vector<16xf32>,
        %parallel_loop3A_266 = arith.constant 9 : i32
        %parallel_loop3A_267 = vector.broadcast %parallel_loop3A_266 : i32 to vector<16xi32>
        %parallel_loop3A_268 = arith.addi %parallel_loop3A_175, %parallel_loop3A_267 : vector<16xi32>
        %parallel_loop3A_269 = tpu.vector_load_idx %arg5[%parallel_loop3A_268] : memref<1700xf32, #tpu.memory_space<vmem>>[vector<16xi32>], vector<16xf32>,
        %parallel_loop3A_270 = arith.constant 16 : i32
        %parallel_loop3A_271 = arith.muli %parallel_loop3A_165, %parallel_loop3A_270 : i32
        %parallel_loop3A_272 = arith.constant 9 : i32
        %parallel_loop3A_273 = arith.index_cast %parallel_loop3A_272 : i32 to index
        %parallel_loop3A_274 = arith.index_cast %parallel_loop3A_271 : i32 to index
        %parallel_loop3A_275 = tpu.vector_load %arg8[%parallel_loop3A_273, %parallel_loop3A_274] {strides = array<i32>} : memref<16x512xf32, #tpu.memory_space<vmem>>, vector<16xf32>,
        tpu.vector_store %arg8[%parallel_loop3A_273, %parallel_loop3A_274], %parallel_loop3A_269 {strides = array<i32>} : memref<16x512xf32, #tpu.memory_space<vmem>>, vector<16xf32>,
        %parallel_loop3A_276 = arith.constant 10 : i32
        %parallel_loop3A_277 = vector.broadcast %parallel_loop3A_276 : i32 to vector<16xi32>
        %parallel_loop3A_278 = arith.addi %parallel_loop3A_175, %parallel_loop3A_277 : vector<16xi32>
        %parallel_loop3A_279 = tpu.vector_load_idx %arg5[%parallel_loop3A_278] : memref<1700xf32, #tpu.memory_space<vmem>>[vector<16xi32>], vector<16xf32>,
        %parallel_loop3A_280 = arith.constant 16 : i32
        %parallel_loop3A_281 = arith.muli %parallel_loop3A_165, %parallel_loop3A_280 : i32
        %parallel_loop3A_282 = arith.constant 10 : i32
        %parallel_loop3A_283 = arith.index_cast %parallel_loop3A_282 : i32 to index
        %parallel_loop3A_284 = arith.index_cast %parallel_loop3A_281 : i32 to index
        %parallel_loop3A_285 = tpu.vector_load %arg8[%parallel_loop3A_283, %parallel_loop3A_284] {strides = array<i32>} : memref<16x512xf32, #tpu.memory_space<vmem>>, vector<16xf32>,
        tpu.vector_store %arg8[%parallel_loop3A_283, %parallel_loop3A_284], %parallel_loop3A_279 {strides = array<i32>} : memref<16x512xf32, #tpu.memory_space<vmem>>, vector<16xf32>,
        %parallel_loop3A_286 = arith.constant 11 : i32
        %parallel_loop3A_287 = vector.broadcast %parallel_loop3A_286 : i32 to vector<16xi32>
        %parallel_loop3A_288 = arith.addi %parallel_loop3A_175, %parallel_loop3A_287 : vector<16xi32>
        %parallel_loop3A_289 = tpu.vector_load_idx %arg5[%parallel_loop3A_288] : memref<1700xf32, #tpu.memory_space<vmem>>[vector<16xi32>], vector<16xf32>,
        %parallel_loop3A_290 = arith.constant 16 : i32
        %parallel_loop3A_291 = arith.muli %parallel_loop3A_165, %parallel_loop3A_290 : i32
        %parallel_loop3A_292 = arith.constant 11 : i32
        %parallel_loop3A_293 = arith.index_cast %parallel_loop3A_292 : i32 to index
        %parallel_loop3A_294 = arith.index_cast %parallel_loop3A_291 : i32 to index
        %parallel_loop3A_295 = tpu.vector_load %arg8[%parallel_loop3A_293, %parallel_loop3A_294] {strides = array<i32>} : memref<16x512xf32, #tpu.memory_space<vmem>>, vector<16xf32>,
        tpu.vector_store %arg8[%parallel_loop3A_293, %parallel_loop3A_294], %parallel_loop3A_289 {strides = array<i32>} : memref<16x512xf32, #tpu.memory_space<vmem>>, vector<16xf32>,
        %parallel_loop3A_296 = arith.constant 12 : i32
        %parallel_loop3A_297 = vector.broadcast %parallel_loop3A_296 : i32 to vector<16xi32>
        %parallel_loop3A_298 = arith.addi %parallel_loop3A_175, %parallel_loop3A_297 : vector<16xi32>
        %parallel_loop3A_299 = tpu.vector_load_idx %arg5[%parallel_loop3A_298] : memref<1700xf32, #tpu.memory_space<vmem>>[vector<16xi32>], vector<16xf32>,
        %parallel_loop3A_300 = arith.constant 16 : i32
        %parallel_loop3A_301 = arith.muli %parallel_loop3A_165, %parallel_loop3A_300 : i32
        %parallel_loop3A_302 = arith.constant 12 : i32
        %parallel_loop3A_303 = arith.index_cast %parallel_loop3A_302 : i32 to index
        %parallel_loop3A_304 = arith.index_cast %parallel_loop3A_301 : i32 to index
        %parallel_loop3A_305 = tpu.vector_load %arg8[%parallel_loop3A_303, %parallel_loop3A_304] {strides = array<i32>} : memref<16x512xf32, #tpu.memory_space<vmem>>, vector<16xf32>,
        tpu.vector_store %arg8[%parallel_loop3A_303, %parallel_loop3A_304], %parallel_loop3A_299 {strides = array<i32>} : memref<16x512xf32, #tpu.memory_space<vmem>>, vector<16xf32>,
        %parallel_loop3A_306 = arith.constant 13 : i32
        %parallel_loop3A_307 = vector.broadcast %parallel_loop3A_306 : i32 to vector<16xi32>
        %parallel_loop3A_308 = arith.addi %parallel_loop3A_175, %parallel_loop3A_307 : vector<16xi32>
        %parallel_loop3A_309 = tpu.vector_load_idx %arg5[%parallel_loop3A_308] : memref<1700xf32, #tpu.memory_space<vmem>>[vector<16xi32>], vector<16xf32>,
        %parallel_loop3A_310 = arith.constant 16 : i32
        %parallel_loop3A_311 = arith.muli %parallel_loop3A_165, %parallel_loop3A_310 : i32
        %parallel_loop3A_312 = arith.constant 13 : i32
        %parallel_loop3A_313 = arith.index_cast %parallel_loop3A_312 : i32 to index
        %parallel_loop3A_314 = arith.index_cast %parallel_loop3A_311 : i32 to index
        %parallel_loop3A_315 = tpu.vector_load %arg8[%parallel_loop3A_313, %parallel_loop3A_314] {strides = array<i32>} : memref<16x512xf32, #tpu.memory_space<vmem>>, vector<16xf32>,
        tpu.vector_store %arg8[%parallel_loop3A_313, %parallel_loop3A_314], %parallel_loop3A_309 {strides = array<i32>} : memref<16x512xf32, #tpu.memory_space<vmem>>, vector<16xf32>,
        %parallel_loop3A_316 = arith.constant 14 : i32
        %parallel_loop3A_317 = vector.broadcast %parallel_loop3A_316 : i32 to vector<16xi32>
        %parallel_loop3A_318 = arith.addi %parallel_loop3A_175, %parallel_loop3A_317 : vector<16xi32>
        %parallel_loop3A_319 = tpu.vector_load_idx %arg5[%parallel_loop3A_318] : memref<1700xf32, #tpu.memory_space<vmem>>[vector<16xi32>], vector<16xf32>,
        %parallel_loop3A_320 = arith.constant 16 : i32
        %parallel_loop3A_321 = arith.muli %parallel_loop3A_165, %parallel_loop3A_320 : i32
        %parallel_loop3A_322 = arith.constant 14 : i32
        %parallel_loop3A_323 = arith.index_cast %parallel_loop3A_322 : i32 to index
        %parallel_loop3A_324 = arith.index_cast %parallel_loop3A_321 : i32 to index
        %parallel_loop3A_325 = tpu.vector_load %arg8[%parallel_loop3A_323, %parallel_loop3A_324] {strides = array<i32>} : memref<16x512xf32, #tpu.memory_space<vmem>>, vector<16xf32>,
        tpu.vector_store %arg8[%parallel_loop3A_323, %parallel_loop3A_324], %parallel_loop3A_319 {strides = array<i32>} : memref<16x512xf32, #tpu.memory_space<vmem>>, vector<16xf32>,
        %parallel_loop3A_326 = arith.constant 15 : i32
        %parallel_loop3A_327 = vector.broadcast %parallel_loop3A_326 : i32 to vector<16xi32>
        %parallel_loop3A_328 = arith.addi %parallel_loop3A_175, %parallel_loop3A_327 : vector<16xi32>
        %parallel_loop3A_329 = tpu.vector_load_idx %arg5[%parallel_loop3A_328] : memref<1700xf32, #tpu.memory_space<vmem>>[vector<16xi32>], vector<16xf32>,
        %parallel_loop3A_330 = arith.constant 16 : i32
        %parallel_loop3A_331 = arith.muli %parallel_loop3A_165, %parallel_loop3A_330 : i32
        %parallel_loop3A_332 = arith.constant 15 : i32
        %parallel_loop3A_333 = arith.index_cast %parallel_loop3A_332 : i32 to index
        %parallel_loop3A_334 = arith.index_cast %parallel_loop3A_331 : i32 to index
        %parallel_loop3A_335 = tpu.vector_load %arg8[%parallel_loop3A_333, %parallel_loop3A_334] {strides = array<i32>} : memref<16x512xf32, #tpu.memory_space<vmem>>, vector<16xf32>,
        tpu.vector_store %arg8[%parallel_loop3A_333, %parallel_loop3A_334], %parallel_loop3A_329 {strides = array<i32>} : memref<16x512xf32, #tpu.memory_space<vmem>>, vector<16xf32>,
      } {sc.loop_unroll_factor = 1 : i64, sc.parallel_access}
      %dma_start3A_123 = arith.constant 0 : i32
      %dma_start3A_124 = tpu.memref_slice %arg4[%add3A_112, %dma_start3A_123, %mul3A_2] : memref<200x16x16384xf32, #tpu.memory_space<hbm>> -> memref<1x16x512xf32, #tpu.memory_space<hbm>>
      %dma_start3A_125 = tpu.memref_squeeze %dma_start3A_124 : memref<1x16x512xf32, #tpu.memory_space<hbm>> -> memref<16x512xf32, #tpu.memory_space<hbm>>
      %dma_start3A_126 = arith.constant 0 : i32
      %dma_start3A_127 = tpu.memref_slice %arg4[%add3A_112, %dma_start3A_126, %mul3A_2] : memref<200x16x16384xf32, #tpu.memory_space<hbm>> -> memref<1x16x512xf32, #tpu.memory_space<hbm>>
      %dma_start3A_128 = tpu.memref_squeeze %dma_start3A_127 : memref<1x16x512xf32, #tpu.memory_space<hbm>> -> memref<16x512xf32, #tpu.memory_space<hbm>>
      tpu.enqueue_dma source(%arg8 : memref<16x512xf32, #tpu.memory_space<vmem>>) target(%dma_start3A_128 : memref<16x512xf32, #tpu.memory_space<hbm>>) target_semaphore(%arg11 : memref<!tpu.dma_semaphore, #tpu.memory_space<semaphore_mem>>)
      %add3A_129 = arith.constant 6 : i32
      %add3A_130 = arith.addi %mul3A_26, %add3A_129 : i32
      %gt3A_131 = arith.constant 0 : i32
      %gt3A_132 = arith.cmpi sgt, %add3A_24, %gt3A_131 : i32
      %or3A_133 = arith.constant true
      %or3A_134 = arith.ori %gt3A_132, %or3A_133 : i1
      %convert_element_type3A_135 = arith.extui %or3A_134 : i1 to i32
      %cond3A_136 = arith.constant 0 : i32
      %cond3A_137 = arith.cmpi ne, %convert_element_type3A_135, %cond3A_136 : i32
      scf.if %cond3A_137 {
        %dma_wait3A_165 = arith.constant 0 : i32
        %dma_wait3A_166 = tpu.memref_slice %arg4[%add3A_130, %dma_wait3A_165, %mul3A_2] : memref<200x16x16384xf32, #tpu.memory_space<hbm>> -> memref<1x16x512xf32, #tpu.memory_space<hbm>>
        %dma_wait3A_167 = tpu.memref_squeeze %dma_wait3A_166 : memref<1x16x512xf32, #tpu.memory_space<hbm>> -> memref<16x512xf32, #tpu.memory_space<hbm>>
        %dma_wait3A_168 = arith.constant 0 : i32
        %dma_wait3A_169 = tpu.memref_slice %arg4[%add3A_130, %dma_wait3A_168, %mul3A_2] : memref<200x16x16384xf32, #tpu.memory_space<hbm>> -> memref<1x16x512xf32, #tpu.memory_space<hbm>>
        %dma_wait3A_170 = tpu.memref_squeeze %dma_wait3A_169 : memref<1x16x512xf32, #tpu.memory_space<hbm>> -> memref<16x512xf32, #tpu.memory_space<hbm>>
        tpu.wait_dma2 semaphore(%arg10 : memref<!tpu.dma_semaphore, #tpu.memory_space<semaphore_mem>>) src(%arg7 : memref<16x512xf32, #tpu.memory_space<vmem>>) dst(%dma_wait3A_170 : memref<16x512xf32, #tpu.memory_space<hbm>>)
      } else {
      }
      %parallel_loop3A_138 = arith.constant 0 : i32
      %parallel_loop3A_139 = arith.constant 32 : i32
      %parallel_loop3A_140 = arith.constant 1 : i32
      scf.for %parallel_loop3A_165 = %parallel_loop3A_138 to %parallel_loop3A_139 step %parallel_loop3A_140  : i32 {
        %parallel_loop3A_166 = arith.constant 6 : i32
        %parallel_loop3A_167 = arith.addi %mul3A_26, %parallel_loop3A_166 : i32
        %parallel_loop3A_168 = arith.constant 16 : i32
        %parallel_loop3A_169 = arith.muli %parallel_loop3A_165, %parallel_loop3A_168 : i32
        %parallel_loop3A_170 = arith.index_cast %parallel_loop3A_167 : i32 to index
        %parallel_loop3A_171 = arith.index_cast %parallel_loop3A_169 : i32 to index
        %parallel_loop3A_172 = tpu.vector_load %arg6[%parallel_loop3A_170, %parallel_loop3A_171] {strides = array<i32>} : memref<200x512xi32, #tpu.memory_space<vmem>>, vector<16xi32>,
        %parallel_loop3A_173 = arith.constant 17 : i32
        %parallel_loop3A_174 = vector.broadcast %parallel_loop3A_173 : i32 to vector<16xi32>
        %parallel_loop3A_175 = arith.muli %parallel_loop3A_172, %parallel_loop3A_174 : vector<16xi32>
        %parallel_loop3A_176 = arith.constant 0 : i32
        %parallel_loop3A_177 = vector.broadcast %parallel_loop3A_176 : i32 to vector<16xi32>
        %parallel_loop3A_178 = arith.addi %parallel_loop3A_175, %parallel_loop3A_177 : vector<16xi32>
        %parallel_loop3A_179 = tpu.vector_load_idx %arg5[%parallel_loop3A_178] : memref<1700xf32, #tpu.memory_space<vmem>>[vector<16xi32>], vector<16xf32>,
        %parallel_loop3A_180 = arith.constant 16 : i32
        %parallel_loop3A_181 = arith.muli %parallel_loop3A_165, %parallel_loop3A_180 : i32
        %parallel_loop3A_182 = arith.constant 0 : i32
        %parallel_loop3A_183 = arith.index_cast %parallel_loop3A_182 : i32 to index
        %parallel_loop3A_184 = arith.index_cast %parallel_loop3A_181 : i32 to index
        %parallel_loop3A_185 = tpu.vector_load %arg7[%parallel_loop3A_183, %parallel_loop3A_184] {strides = array<i32>} : memref<16x512xf32, #tpu.memory_space<vmem>>, vector<16xf32>,
        tpu.vector_store %arg7[%parallel_loop3A_183, %parallel_loop3A_184], %parallel_loop3A_179 {strides = array<i32>} : memref<16x512xf32, #tpu.memory_space<vmem>>, vector<16xf32>,
        %parallel_loop3A_186 = arith.constant 1 : i32
        %parallel_loop3A_187 = vector.broadcast %parallel_loop3A_186 : i32 to vector<16xi32>
        %parallel_loop3A_188 = arith.addi %parallel_loop3A_175, %parallel_loop3A_187 : vector<16xi32>
        %parallel_loop3A_189 = tpu.vector_load_idx %arg5[%parallel_loop3A_188] : memref<1700xf32, #tpu.memory_space<vmem>>[vector<16xi32>], vector<16xf32>,
        %parallel_loop3A_190 = arith.constant 16 : i32
        %parallel_loop3A_191 = arith.muli %parallel_loop3A_165, %parallel_loop3A_190 : i32
        %parallel_loop3A_192 = arith.constant 1 : i32
        %parallel_loop3A_193 = arith.index_cast %parallel_loop3A_192 : i32 to index
        %parallel_loop3A_194 = arith.index_cast %parallel_loop3A_191 : i32 to index
        %parallel_loop3A_195 = tpu.vector_load %arg7[%parallel_loop3A_193, %parallel_loop3A_194] {strides = array<i32>} : memref<16x512xf32, #tpu.memory_space<vmem>>, vector<16xf32>,
        tpu.vector_store %arg7[%parallel_loop3A_193, %parallel_loop3A_194], %parallel_loop3A_189 {strides = array<i32>} : memref<16x512xf32, #tpu.memory_space<vmem>>, vector<16xf32>,
        %parallel_loop3A_196 = arith.constant 2 : i32
        %parallel_loop3A_197 = vector.broadcast %parallel_loop3A_196 : i32 to vector<16xi32>
        %parallel_loop3A_198 = arith.addi %parallel_loop3A_175, %parallel_loop3A_197 : vector<16xi32>
        %parallel_loop3A_199 = tpu.vector_load_idx %arg5[%parallel_loop3A_198] : memref<1700xf32, #tpu.memory_space<vmem>>[vector<16xi32>], vector<16xf32>,
        %parallel_loop3A_200 = arith.constant 16 : i32
        %parallel_loop3A_201 = arith.muli %parallel_loop3A_165, %parallel_loop3A_200 : i32
        %parallel_loop3A_202 = arith.constant 2 : i32
        %parallel_loop3A_203 = arith.index_cast %parallel_loop3A_202 : i32 to index
        %parallel_loop3A_204 = arith.index_cast %parallel_loop3A_201 : i32 to index
        %parallel_loop3A_205 = tpu.vector_load %arg7[%parallel_loop3A_203, %parallel_loop3A_204] {strides = array<i32>} : memref<16x512xf32, #tpu.memory_space<vmem>>, vector<16xf32>,
        tpu.vector_store %arg7[%parallel_loop3A_203, %parallel_loop3A_204], %parallel_loop3A_199 {strides = array<i32>} : memref<16x512xf32, #tpu.memory_space<vmem>>, vector<16xf32>,
        %parallel_loop3A_206 = arith.constant 3 : i32
        %parallel_loop3A_207 = vector.broadcast %parallel_loop3A_206 : i32 to vector<16xi32>
        %parallel_loop3A_208 = arith.addi %parallel_loop3A_175, %parallel_loop3A_207 : vector<16xi32>
        %parallel_loop3A_209 = tpu.vector_load_idx %arg5[%parallel_loop3A_208] : memref<1700xf32, #tpu.memory_space<vmem>>[vector<16xi32>], vector<16xf32>,
        %parallel_loop3A_210 = arith.constant 16 : i32
        %parallel_loop3A_211 = arith.muli %parallel_loop3A_165, %parallel_loop3A_210 : i32
        %parallel_loop3A_212 = arith.constant 3 : i32
        %parallel_loop3A_213 = arith.index_cast %parallel_loop3A_212 : i32 to index
        %parallel_loop3A_214 = arith.index_cast %parallel_loop3A_211 : i32 to index
        %parallel_loop3A_215 = tpu.vector_load %arg7[%parallel_loop3A_213, %parallel_loop3A_214] {strides = array<i32>} : memref<16x512xf32, #tpu.memory_space<vmem>>, vector<16xf32>,
        tpu.vector_store %arg7[%parallel_loop3A_213, %parallel_loop3A_214], %parallel_loop3A_209 {strides = array<i32>} : memref<16x512xf32, #tpu.memory_space<vmem>>, vector<16xf32>,
        %parallel_loop3A_216 = arith.constant 4 : i32
        %parallel_loop3A_217 = vector.broadcast %parallel_loop3A_216 : i32 to vector<16xi32>
        %parallel_loop3A_218 = arith.addi %parallel_loop3A_175, %parallel_loop3A_217 : vector<16xi32>
        %parallel_loop3A_219 = tpu.vector_load_idx %arg5[%parallel_loop3A_218] : memref<1700xf32, #tpu.memory_space<vmem>>[vector<16xi32>], vector<16xf32>,
        %parallel_loop3A_220 = arith.constant 16 : i32
        %parallel_loop3A_221 = arith.muli %parallel_loop3A_165, %parallel_loop3A_220 : i32
        %parallel_loop3A_222 = arith.constant 4 : i32
        %parallel_loop3A_223 = arith.index_cast %parallel_loop3A_222 : i32 to index
        %parallel_loop3A_224 = arith.index_cast %parallel_loop3A_221 : i32 to index
        %parallel_loop3A_225 = tpu.vector_load %arg7[%parallel_loop3A_223, %parallel_loop3A_224] {strides = array<i32>} : memref<16x512xf32, #tpu.memory_space<vmem>>, vector<16xf32>,
        tpu.vector_store %arg7[%parallel_loop3A_223, %parallel_loop3A_224], %parallel_loop3A_219 {strides = array<i32>} : memref<16x512xf32, #tpu.memory_space<vmem>>, vector<16xf32>,
        %parallel_loop3A_226 = arith.constant 5 : i32
        %parallel_loop3A_227 = vector.broadcast %parallel_loop3A_226 : i32 to vector<16xi32>
        %parallel_loop3A_228 = arith.addi %parallel_loop3A_175, %parallel_loop3A_227 : vector<16xi32>
        %parallel_loop3A_229 = tpu.vector_load_idx %arg5[%parallel_loop3A_228] : memref<1700xf32, #tpu.memory_space<vmem>>[vector<16xi32>], vector<16xf32>,
        %parallel_loop3A_230 = arith.constant 16 : i32
        %parallel_loop3A_231 = arith.muli %parallel_loop3A_165, %parallel_loop3A_230 : i32
        %parallel_loop3A_232 = arith.constant 5 : i32
        %parallel_loop3A_233 = arith.index_cast %parallel_loop3A_232 : i32 to index
        %parallel_loop3A_234 = arith.index_cast %parallel_loop3A_231 : i32 to index
        %parallel_loop3A_235 = tpu.vector_load %arg7[%parallel_loop3A_233, %parallel_loop3A_234] {strides = array<i32>} : memref<16x512xf32, #tpu.memory_space<vmem>>, vector<16xf32>,
        tpu.vector_store %arg7[%parallel_loop3A_233, %parallel_loop3A_234], %parallel_loop3A_229 {strides = array<i32>} : memref<16x512xf32, #tpu.memory_space<vmem>>, vector<16xf32>,
        %parallel_loop3A_236 = arith.constant 6 : i32
        %parallel_loop3A_237 = vector.broadcast %parallel_loop3A_236 : i32 to vector<16xi32>
        %parallel_loop3A_238 = arith.addi %parallel_loop3A_175, %parallel_loop3A_237 : vector<16xi32>
        %parallel_loop3A_239 = tpu.vector_load_idx %arg5[%parallel_loop3A_238] : memref<1700xf32, #tpu.memory_space<vmem>>[vector<16xi32>], vector<16xf32>,
        %parallel_loop3A_240 = arith.constant 16 : i32
        %parallel_loop3A_241 = arith.muli %parallel_loop3A_165, %parallel_loop3A_240 : i32
        %parallel_loop3A_242 = arith.constant 6 : i32
        %parallel_loop3A_243 = arith.index_cast %parallel_loop3A_242 : i32 to index
        %parallel_loop3A_244 = arith.index_cast %parallel_loop3A_241 : i32 to index
        %parallel_loop3A_245 = tpu.vector_load %arg7[%parallel_loop3A_243, %parallel_loop3A_244] {strides = array<i32>} : memref<16x512xf32, #tpu.memory_space<vmem>>, vector<16xf32>,
        tpu.vector_store %arg7[%parallel_loop3A_243, %parallel_loop3A_244], %parallel_loop3A_239 {strides = array<i32>} : memref<16x512xf32, #tpu.memory_space<vmem>>, vector<16xf32>,
        %parallel_loop3A_246 = arith.constant 7 : i32
        %parallel_loop3A_247 = vector.broadcast %parallel_loop3A_246 : i32 to vector<16xi32>
        %parallel_loop3A_248 = arith.addi %parallel_loop3A_175, %parallel_loop3A_247 : vector<16xi32>
        %parallel_loop3A_249 = tpu.vector_load_idx %arg5[%parallel_loop3A_248] : memref<1700xf32, #tpu.memory_space<vmem>>[vector<16xi32>], vector<16xf32>,
        %parallel_loop3A_250 = arith.constant 16 : i32
        %parallel_loop3A_251 = arith.muli %parallel_loop3A_165, %parallel_loop3A_250 : i32
        %parallel_loop3A_252 = arith.constant 7 : i32
        %parallel_loop3A_253 = arith.index_cast %parallel_loop3A_252 : i32 to index
        %parallel_loop3A_254 = arith.index_cast %parallel_loop3A_251 : i32 to index
        %parallel_loop3A_255 = tpu.vector_load %arg7[%parallel_loop3A_253, %parallel_loop3A_254] {strides = array<i32>} : memref<16x512xf32, #tpu.memory_space<vmem>>, vector<16xf32>,
        tpu.vector_store %arg7[%parallel_loop3A_253, %parallel_loop3A_254], %parallel_loop3A_249 {strides = array<i32>} : memref<16x512xf32, #tpu.memory_space<vmem>>, vector<16xf32>,
        %parallel_loop3A_256 = arith.constant 8 : i32
        %parallel_loop3A_257 = vector.broadcast %parallel_loop3A_256 : i32 to vector<16xi32>
        %parallel_loop3A_258 = arith.addi %parallel_loop3A_175, %parallel_loop3A_257 : vector<16xi32>
        %parallel_loop3A_259 = tpu.vector_load_idx %arg5[%parallel_loop3A_258] : memref<1700xf32, #tpu.memory_space<vmem>>[vector<16xi32>], vector<16xf32>,
        %parallel_loop3A_260 = arith.constant 16 : i32
        %parallel_loop3A_261 = arith.muli %parallel_loop3A_165, %parallel_loop3A_260 : i32
        %parallel_loop3A_262 = arith.constant 8 : i32
        %parallel_loop3A_263 = arith.index_cast %parallel_loop3A_262 : i32 to index
        %parallel_loop3A_264 = arith.index_cast %parallel_loop3A_261 : i32 to index
        %parallel_loop3A_265 = tpu.vector_load %arg7[%parallel_loop3A_263, %parallel_loop3A_264] {strides = array<i32>} : memref<16x512xf32, #tpu.memory_space<vmem>>, vector<16xf32>,
        tpu.vector_store %arg7[%parallel_loop3A_263, %parallel_loop3A_264], %parallel_loop3A_259 {strides = array<i32>} : memref<16x512xf32, #tpu.memory_space<vmem>>, vector<16xf32>,
        %parallel_loop3A_266 = arith.constant 9 : i32
        %parallel_loop3A_267 = vector.broadcast %parallel_loop3A_266 : i32 to vector<16xi32>
        %parallel_loop3A_268 = arith.addi %parallel_loop3A_175, %parallel_loop3A_267 : vector<16xi32>
        %parallel_loop3A_269 = tpu.vector_load_idx %arg5[%parallel_loop3A_268] : memref<1700xf32, #tpu.memory_space<vmem>>[vector<16xi32>], vector<16xf32>,
        %parallel_loop3A_270 = arith.constant 16 : i32
        %parallel_loop3A_271 = arith.muli %parallel_loop3A_165, %parallel_loop3A_270 : i32
        %parallel_loop3A_272 = arith.constant 9 : i32
        %parallel_loop3A_273 = arith.index_cast %parallel_loop3A_272 : i32 to index
        %parallel_loop3A_274 = arith.index_cast %parallel_loop3A_271 : i32 to index
        %parallel_loop3A_275 = tpu.vector_load %arg7[%parallel_loop3A_273, %parallel_loop3A_274] {strides = array<i32>} : memref<16x512xf32, #tpu.memory_space<vmem>>, vector<16xf32>,
        tpu.vector_store %arg7[%parallel_loop3A_273, %parallel_loop3A_274], %parallel_loop3A_269 {strides = array<i32>} : memref<16x512xf32, #tpu.memory_space<vmem>>, vector<16xf32>,
        %parallel_loop3A_276 = arith.constant 10 : i32
        %parallel_loop3A_277 = vector.broadcast %parallel_loop3A_276 : i32 to vector<16xi32>
        %parallel_loop3A_278 = arith.addi %parallel_loop3A_175, %parallel_loop3A_277 : vector<16xi32>
        %parallel_loop3A_279 = tpu.vector_load_idx %arg5[%parallel_loop3A_278] : memref<1700xf32, #tpu.memory_space<vmem>>[vector<16xi32>], vector<16xf32>,
        %parallel_loop3A_280 = arith.constant 16 : i32
        %parallel_loop3A_281 = arith.muli %parallel_loop3A_165, %parallel_loop3A_280 : i32
        %parallel_loop3A_282 = arith.constant 10 : i32
        %parallel_loop3A_283 = arith.index_cast %parallel_loop3A_282 : i32 to index
        %parallel_loop3A_284 = arith.index_cast %parallel_loop3A_281 : i32 to index
        %parallel_loop3A_285 = tpu.vector_load %arg7[%parallel_loop3A_283, %parallel_loop3A_284] {strides = array<i32>} : memref<16x512xf32, #tpu.memory_space<vmem>>, vector<16xf32>,
        tpu.vector_store %arg7[%parallel_loop3A_283, %parallel_loop3A_284], %parallel_loop3A_279 {strides = array<i32>} : memref<16x512xf32, #tpu.memory_space<vmem>>, vector<16xf32>,
        %parallel_loop3A_286 = arith.constant 11 : i32
        %parallel_loop3A_287 = vector.broadcast %parallel_loop3A_286 : i32 to vector<16xi32>
        %parallel_loop3A_288 = arith.addi %parallel_loop3A_175, %parallel_loop3A_287 : vector<16xi32>
        %parallel_loop3A_289 = tpu.vector_load_idx %arg5[%parallel_loop3A_288] : memref<1700xf32, #tpu.memory_space<vmem>>[vector<16xi32>], vector<16xf32>,
        %parallel_loop3A_290 = arith.constant 16 : i32
        %parallel_loop3A_291 = arith.muli %parallel_loop3A_165, %parallel_loop3A_290 : i32
        %parallel_loop3A_292 = arith.constant 11 : i32
        %parallel_loop3A_293 = arith.index_cast %parallel_loop3A_292 : i32 to index
        %parallel_loop3A_294 = arith.index_cast %parallel_loop3A_291 : i32 to index
        %parallel_loop3A_295 = tpu.vector_load %arg7[%parallel_loop3A_293, %parallel_loop3A_294] {strides = array<i32>} : memref<16x512xf32, #tpu.memory_space<vmem>>, vector<16xf32>,
        tpu.vector_store %arg7[%parallel_loop3A_293, %parallel_loop3A_294], %parallel_loop3A_289 {strides = array<i32>} : memref<16x512xf32, #tpu.memory_space<vmem>>, vector<16xf32>,
        %parallel_loop3A_296 = arith.constant 12 : i32
        %parallel_loop3A_297 = vector.broadcast %parallel_loop3A_296 : i32 to vector<16xi32>
        %parallel_loop3A_298 = arith.addi %parallel_loop3A_175, %parallel_loop3A_297 : vector<16xi32>
        %parallel_loop3A_299 = tpu.vector_load_idx %arg5[%parallel_loop3A_298] : memref<1700xf32, #tpu.memory_space<vmem>>[vector<16xi32>], vector<16xf32>,
        %parallel_loop3A_300 = arith.constant 16 : i32
        %parallel_loop3A_301 = arith.muli %parallel_loop3A_165, %parallel_loop3A_300 : i32
        %parallel_loop3A_302 = arith.constant 12 : i32
        %parallel_loop3A_303 = arith.index_cast %parallel_loop3A_302 : i32 to index
        %parallel_loop3A_304 = arith.index_cast %parallel_loop3A_301 : i32 to index
        %parallel_loop3A_305 = tpu.vector_load %arg7[%parallel_loop3A_303, %parallel_loop3A_304] {strides = array<i32>} : memref<16x512xf32, #tpu.memory_space<vmem>>, vector<16xf32>,
        tpu.vector_store %arg7[%parallel_loop3A_303, %parallel_loop3A_304], %parallel_loop3A_299 {strides = array<i32>} : memref<16x512xf32, #tpu.memory_space<vmem>>, vector<16xf32>,
        %parallel_loop3A_306 = arith.constant 13 : i32
        %parallel_loop3A_307 = vector.broadcast %parallel_loop3A_306 : i32 to vector<16xi32>
        %parallel_loop3A_308 = arith.addi %parallel_loop3A_175, %parallel_loop3A_307 : vector<16xi32>
        %parallel_loop3A_309 = tpu.vector_load_idx %arg5[%parallel_loop3A_308] : memref<1700xf32, #tpu.memory_space<vmem>>[vector<16xi32>], vector<16xf32>,
        %parallel_loop3A_310 = arith.constant 16 : i32
        %parallel_loop3A_311 = arith.muli %parallel_loop3A_165, %parallel_loop3A_310 : i32
        %parallel_loop3A_312 = arith.constant 13 : i32
        %parallel_loop3A_313 = arith.index_cast %parallel_loop3A_312 : i32 to index
        %parallel_loop3A_314 = arith.index_cast %parallel_loop3A_311 : i32 to index
        %parallel_loop3A_315 = tpu.vector_load %arg7[%parallel_loop3A_313, %parallel_loop3A_314] {strides = array<i32>} : memref<16x512xf32, #tpu.memory_space<vmem>>, vector<16xf32>,
        tpu.vector_store %arg7[%parallel_loop3A_313, %parallel_loop3A_314], %parallel_loop3A_309 {strides = array<i32>} : memref<16x512xf32, #tpu.memory_space<vmem>>, vector<16xf32>,
        %parallel_loop3A_316 = arith.constant 14 : i32
        %parallel_loop3A_317 = vector.broadcast %parallel_loop3A_316 : i32 to vector<16xi32>
        %parallel_loop3A_318 = arith.addi %parallel_loop3A_175, %parallel_loop3A_317 : vector<16xi32>
        %parallel_loop3A_319 = tpu.vector_load_idx %arg5[%parallel_loop3A_318] : memref<1700xf32, #tpu.memory_space<vmem>>[vector<16xi32>], vector<16xf32>,
        %parallel_loop3A_320 = arith.constant 16 : i32
        %parallel_loop3A_321 = arith.muli %parallel_loop3A_165, %parallel_loop3A_320 : i32
        %parallel_loop3A_322 = arith.constant 14 : i32
        %parallel_loop3A_323 = arith.index_cast %parallel_loop3A_322 : i32 to index
        %parallel_loop3A_324 = arith.index_cast %parallel_loop3A_321 : i32 to index
        %parallel_loop3A_325 = tpu.vector_load %arg7[%parallel_loop3A_323, %parallel_loop3A_324] {strides = array<i32>} : memref<16x512xf32, #tpu.memory_space<vmem>>, vector<16xf32>,
        tpu.vector_store %arg7[%parallel_loop3A_323, %parallel_loop3A_324], %parallel_loop3A_319 {strides = array<i32>} : memref<16x512xf32, #tpu.memory_space<vmem>>, vector<16xf32>,
        %parallel_loop3A_326 = arith.constant 15 : i32
        %parallel_loop3A_327 = vector.broadcast %parallel_loop3A_326 : i32 to vector<16xi32>
        %parallel_loop3A_328 = arith.addi %parallel_loop3A_175, %parallel_loop3A_327 : vector<16xi32>
        %parallel_loop3A_329 = tpu.vector_load_idx %arg5[%parallel_loop3A_328] : memref<1700xf32, #tpu.memory_space<vmem>>[vector<16xi32>], vector<16xf32>,
        %parallel_loop3A_330 = arith.constant 16 : i32
        %parallel_loop3A_331 = arith.muli %parallel_loop3A_165, %parallel_loop3A_330 : i32
        %parallel_loop3A_332 = arith.constant 15 : i32
        %parallel_loop3A_333 = arith.index_cast %parallel_loop3A_332 : i32 to index
        %parallel_loop3A_334 = arith.index_cast %parallel_loop3A_331 : i32 to index
        %parallel_loop3A_335 = tpu.vector_load %arg7[%parallel_loop3A_333, %parallel_loop3A_334] {strides = array<i32>} : memref<16x512xf32, #tpu.memory_space<vmem>>, vector<16xf32>,
        tpu.vector_store %arg7[%parallel_loop3A_333, %parallel_loop3A_334], %parallel_loop3A_329 {strides = array<i32>} : memref<16x512xf32, #tpu.memory_space<vmem>>, vector<16xf32>,
      } {sc.loop_unroll_factor = 1 : i64, sc.parallel_access}
      %dma_start3A_141 = arith.constant 0 : i32
      %dma_start3A_142 = tpu.memref_slice %arg4[%add3A_130, %dma_start3A_141, %mul3A_2] : memref<200x16x16384xf32, #tpu.memory_space<hbm>> -> memref<1x16x512xf32, #tpu.memory_space<hbm>>
      %dma_start3A_143 = tpu.memref_squeeze %dma_start3A_142 : memref<1x16x512xf32, #tpu.memory_space<hbm>> -> memref<16x512xf32, #tpu.memory_space<hbm>>
      %dma_start3A_144 = arith.constant 0 : i32
      %dma_start3A_145 = tpu.memref_slice %arg4[%add3A_130, %dma_start3A_144, %mul3A_2] : memref<200x16x16384xf32, #tpu.memory_space<hbm>> -> memref<1x16x512xf32, #tpu.memory_space<hbm>>
      %dma_start3A_146 = tpu.memref_squeeze %dma_start3A_145 : memref<1x16x512xf32, #tpu.memory_space<hbm>> -> memref<16x512xf32, #tpu.memory_space<hbm>>
      tpu.enqueue_dma source(%arg7 : memref<16x512xf32, #tpu.memory_space<vmem>>) target(%dma_start3A_146 : memref<16x512xf32, #tpu.memory_space<hbm>>) target_semaphore(%arg10 : memref<!tpu.dma_semaphore, #tpu.memory_space<semaphore_mem>>)
      %add3A_147 = arith.constant 7 : i32
      %add3A_148 = arith.addi %mul3A_26, %add3A_147 : i32
      %gt3A_149 = arith.constant 0 : i32
      %gt3A_150 = arith.cmpi sgt, %add3A_24, %gt3A_149 : i32
      %or3A_151 = arith.constant true
      %or3A_152 = arith.ori %gt3A_150, %or3A_151 : i1
      %convert_element_type3A_153 = arith.extui %or3A_152 : i1 to i32
      %cond3A_154 = arith.constant 0 : i32
      %cond3A_155 = arith.cmpi ne, %convert_element_type3A_153, %cond3A_154 : i32
      scf.if %cond3A_155 {
        %dma_wait3A_165 = arith.constant 0 : i32
        %dma_wait3A_166 = tpu.memref_slice %arg4[%add3A_148, %dma_wait3A_165, %mul3A_2] : memref<200x16x16384xf32, #tpu.memory_space<hbm>> -> memref<1x16x512xf32, #tpu.memory_space<hbm>>
        %dma_wait3A_167 = tpu.memref_squeeze %dma_wait3A_166 : memref<1x16x512xf32, #tpu.memory_space<hbm>> -> memref<16x512xf32, #tpu.memory_space<hbm>>
        %dma_wait3A_168 = arith.constant 0 : i32
        %dma_wait3A_169 = tpu.memref_slice %arg4[%add3A_148, %dma_wait3A_168, %mul3A_2] : memref<200x16x16384xf32, #tpu.memory_space<hbm>> -> memref<1x16x512xf32, #tpu.memory_space<hbm>>
        %dma_wait3A_170 = tpu.memref_squeeze %dma_wait3A_169 : memref<1x16x512xf32, #tpu.memory_space<hbm>> -> memref<16x512xf32, #tpu.memory_space<hbm>>
        tpu.wait_dma2 semaphore(%arg11 : memref<!tpu.dma_semaphore, #tpu.memory_space<semaphore_mem>>) src(%arg8 : memref<16x512xf32, #tpu.memory_space<vmem>>) dst(%dma_wait3A_170 : memref<16x512xf32, #tpu.memory_space<hbm>>)
      } else {
      }
      %parallel_loop3A_156 = arith.constant 0 : i32
      %parallel_loop3A_157 = arith.constant 32 : i32
      %parallel_loop3A_158 = arith.constant 1 : i32
      scf.for %parallel_loop3A_165 = %parallel_loop3A_156 to %parallel_loop3A_157 step %parallel_loop3A_158  : i32 {
        %parallel_loop3A_166 = arith.constant 7 : i32
        %parallel_loop3A_167 = arith.addi %mul3A_26, %parallel_loop3A_166 : i32
        %parallel_loop3A_168 = arith.constant 16 : i32
        %parallel_loop3A_169 = arith.muli %parallel_loop3A_165, %parallel_loop3A_168 : i32
        %parallel_loop3A_170 = arith.index_cast %parallel_loop3A_167 : i32 to index
        %parallel_loop3A_171 = arith.index_cast %parallel_loop3A_169 : i32 to index
        %parallel_loop3A_172 = tpu.vector_load %arg6[%parallel_loop3A_170, %parallel_loop3A_171] {strides = array<i32>} : memref<200x512xi32, #tpu.memory_space<vmem>>, vector<16xi32>,
        %parallel_loop3A_173 = arith.constant 17 : i32
        %parallel_loop3A_174 = vector.broadcast %parallel_loop3A_173 : i32 to vector<16xi32>
        %parallel_loop3A_175 = arith.muli %parallel_loop3A_172, %parallel_loop3A_174 : vector<16xi32>
        %parallel_loop3A_176 = arith.constant 0 : i32
        %parallel_loop3A_177 = vector.broadcast %parallel_loop3A_176 : i32 to vector<16xi32>
        %parallel_loop3A_178 = arith.addi %parallel_loop3A_175, %parallel_loop3A_177 : vector<16xi32>
        %parallel_loop3A_179 = tpu.vector_load_idx %arg5[%parallel_loop3A_178] : memref<1700xf32, #tpu.memory_space<vmem>>[vector<16xi32>], vector<16xf32>,
        %parallel_loop3A_180 = arith.constant 16 : i32
        %parallel_loop3A_181 = arith.muli %parallel_loop3A_165, %parallel_loop3A_180 : i32
        %parallel_loop3A_182 = arith.constant 0 : i32
        %parallel_loop3A_183 = arith.index_cast %parallel_loop3A_182 : i32 to index
        %parallel_loop3A_184 = arith.index_cast %parallel_loop3A_181 : i32 to index
        %parallel_loop3A_185 = tpu.vector_load %arg8[%parallel_loop3A_183, %parallel_loop3A_184] {strides = array<i32>} : memref<16x512xf32, #tpu.memory_space<vmem>>, vector<16xf32>,
        tpu.vector_store %arg8[%parallel_loop3A_183, %parallel_loop3A_184], %parallel_loop3A_179 {strides = array<i32>} : memref<16x512xf32, #tpu.memory_space<vmem>>, vector<16xf32>,
        %parallel_loop3A_186 = arith.constant 1 : i32
        %parallel_loop3A_187 = vector.broadcast %parallel_loop3A_186 : i32 to vector<16xi32>
        %parallel_loop3A_188 = arith.addi %parallel_loop3A_175, %parallel_loop3A_187 : vector<16xi32>
        %parallel_loop3A_189 = tpu.vector_load_idx %arg5[%parallel_loop3A_188] : memref<1700xf32, #tpu.memory_space<vmem>>[vector<16xi32>], vector<16xf32>,
        %parallel_loop3A_190 = arith.constant 16 : i32
        %parallel_loop3A_191 = arith.muli %parallel_loop3A_165, %parallel_loop3A_190 : i32
        %parallel_loop3A_192 = arith.constant 1 : i32
        %parallel_loop3A_193 = arith.index_cast %parallel_loop3A_192 : i32 to index
        %parallel_loop3A_194 = arith.index_cast %parallel_loop3A_191 : i32 to index
        %parallel_loop3A_195 = tpu.vector_load %arg8[%parallel_loop3A_193, %parallel_loop3A_194] {strides = array<i32>} : memref<16x512xf32, #tpu.memory_space<vmem>>, vector<16xf32>,
        tpu.vector_store %arg8[%parallel_loop3A_193, %parallel_loop3A_194], %parallel_loop3A_189 {strides = array<i32>} : memref<16x512xf32, #tpu.memory_space<vmem>>, vector<16xf32>,
        %parallel_loop3A_196 = arith.constant 2 : i32
        %parallel_loop3A_197 = vector.broadcast %parallel_loop3A_196 : i32 to vector<16xi32>
        %parallel_loop3A_198 = arith.addi %parallel_loop3A_175, %parallel_loop3A_197 : vector<16xi32>
        %parallel_loop3A_199 = tpu.vector_load_idx %arg5[%parallel_loop3A_198] : memref<1700xf32, #tpu.memory_space<vmem>>[vector<16xi32>], vector<16xf32>,
        %parallel_loop3A_200 = arith.constant 16 : i32
        %parallel_loop3A_201 = arith.muli %parallel_loop3A_165, %parallel_loop3A_200 : i32
        %parallel_loop3A_202 = arith.constant 2 : i32
        %parallel_loop3A_203 = arith.index_cast %parallel_loop3A_202 : i32 to index
        %parallel_loop3A_204 = arith.index_cast %parallel_loop3A_201 : i32 to index
        %parallel_loop3A_205 = tpu.vector_load %arg8[%parallel_loop3A_203, %parallel_loop3A_204] {strides = array<i32>} : memref<16x512xf32, #tpu.memory_space<vmem>>, vector<16xf32>,
        tpu.vector_store %arg8[%parallel_loop3A_203, %parallel_loop3A_204], %parallel_loop3A_199 {strides = array<i32>} : memref<16x512xf32, #tpu.memory_space<vmem>>, vector<16xf32>,
        %parallel_loop3A_206 = arith.constant 3 : i32
        %parallel_loop3A_207 = vector.broadcast %parallel_loop3A_206 : i32 to vector<16xi32>
        %parallel_loop3A_208 = arith.addi %parallel_loop3A_175, %parallel_loop3A_207 : vector<16xi32>
        %parallel_loop3A_209 = tpu.vector_load_idx %arg5[%parallel_loop3A_208] : memref<1700xf32, #tpu.memory_space<vmem>>[vector<16xi32>], vector<16xf32>,
        %parallel_loop3A_210 = arith.constant 16 : i32
        %parallel_loop3A_211 = arith.muli %parallel_loop3A_165, %parallel_loop3A_210 : i32
        %parallel_loop3A_212 = arith.constant 3 : i32
        %parallel_loop3A_213 = arith.index_cast %parallel_loop3A_212 : i32 to index
        %parallel_loop3A_214 = arith.index_cast %parallel_loop3A_211 : i32 to index
        %parallel_loop3A_215 = tpu.vector_load %arg8[%parallel_loop3A_213, %parallel_loop3A_214] {strides = array<i32>} : memref<16x512xf32, #tpu.memory_space<vmem>>, vector<16xf32>,
        tpu.vector_store %arg8[%parallel_loop3A_213, %parallel_loop3A_214], %parallel_loop3A_209 {strides = array<i32>} : memref<16x512xf32, #tpu.memory_space<vmem>>, vector<16xf32>,
        %parallel_loop3A_216 = arith.constant 4 : i32
        %parallel_loop3A_217 = vector.broadcast %parallel_loop3A_216 : i32 to vector<16xi32>
        %parallel_loop3A_218 = arith.addi %parallel_loop3A_175, %parallel_loop3A_217 : vector<16xi32>
        %parallel_loop3A_219 = tpu.vector_load_idx %arg5[%parallel_loop3A_218] : memref<1700xf32, #tpu.memory_space<vmem>>[vector<16xi32>], vector<16xf32>,
        %parallel_loop3A_220 = arith.constant 16 : i32
        %parallel_loop3A_221 = arith.muli %parallel_loop3A_165, %parallel_loop3A_220 : i32
        %parallel_loop3A_222 = arith.constant 4 : i32
        %parallel_loop3A_223 = arith.index_cast %parallel_loop3A_222 : i32 to index
        %parallel_loop3A_224 = arith.index_cast %parallel_loop3A_221 : i32 to index
        %parallel_loop3A_225 = tpu.vector_load %arg8[%parallel_loop3A_223, %parallel_loop3A_224] {strides = array<i32>} : memref<16x512xf32, #tpu.memory_space<vmem>>, vector<16xf32>,
        tpu.vector_store %arg8[%parallel_loop3A_223, %parallel_loop3A_224], %parallel_loop3A_219 {strides = array<i32>} : memref<16x512xf32, #tpu.memory_space<vmem>>, vector<16xf32>,
        %parallel_loop3A_226 = arith.constant 5 : i32
        %parallel_loop3A_227 = vector.broadcast %parallel_loop3A_226 : i32 to vector<16xi32>
        %parallel_loop3A_228 = arith.addi %parallel_loop3A_175, %parallel_loop3A_227 : vector<16xi32>
        %parallel_loop3A_229 = tpu.vector_load_idx %arg5[%parallel_loop3A_228] : memref<1700xf32, #tpu.memory_space<vmem>>[vector<16xi32>], vector<16xf32>,
        %parallel_loop3A_230 = arith.constant 16 : i32
        %parallel_loop3A_231 = arith.muli %parallel_loop3A_165, %parallel_loop3A_230 : i32
        %parallel_loop3A_232 = arith.constant 5 : i32
        %parallel_loop3A_233 = arith.index_cast %parallel_loop3A_232 : i32 to index
        %parallel_loop3A_234 = arith.index_cast %parallel_loop3A_231 : i32 to index
        %parallel_loop3A_235 = tpu.vector_load %arg8[%parallel_loop3A_233, %parallel_loop3A_234] {strides = array<i32>} : memref<16x512xf32, #tpu.memory_space<vmem>>, vector<16xf32>,
        tpu.vector_store %arg8[%parallel_loop3A_233, %parallel_loop3A_234], %parallel_loop3A_229 {strides = array<i32>} : memref<16x512xf32, #tpu.memory_space<vmem>>, vector<16xf32>,
        %parallel_loop3A_236 = arith.constant 6 : i32
        %parallel_loop3A_237 = vector.broadcast %parallel_loop3A_236 : i32 to vector<16xi32>
        %parallel_loop3A_238 = arith.addi %parallel_loop3A_175, %parallel_loop3A_237 : vector<16xi32>
        %parallel_loop3A_239 = tpu.vector_load_idx %arg5[%parallel_loop3A_238] : memref<1700xf32, #tpu.memory_space<vmem>>[vector<16xi32>], vector<16xf32>,
        %parallel_loop3A_240 = arith.constant 16 : i32
        %parallel_loop3A_241 = arith.muli %parallel_loop3A_165, %parallel_loop3A_240 : i32
        %parallel_loop3A_242 = arith.constant 6 : i32
        %parallel_loop3A_243 = arith.index_cast %parallel_loop3A_242 : i32 to index
        %parallel_loop3A_244 = arith.index_cast %parallel_loop3A_241 : i32 to index
        %parallel_loop3A_245 = tpu.vector_load %arg8[%parallel_loop3A_243, %parallel_loop3A_244] {strides = array<i32>} : memref<16x512xf32, #tpu.memory_space<vmem>>, vector<16xf32>,
        tpu.vector_store %arg8[%parallel_loop3A_243, %parallel_loop3A_244], %parallel_loop3A_239 {strides = array<i32>} : memref<16x512xf32, #tpu.memory_space<vmem>>, vector<16xf32>,
        %parallel_loop3A_246 = arith.constant 7 : i32
        %parallel_loop3A_247 = vector.broadcast %parallel_loop3A_246 : i32 to vector<16xi32>
        %parallel_loop3A_248 = arith.addi %parallel_loop3A_175, %parallel_loop3A_247 : vector<16xi32>
        %parallel_loop3A_249 = tpu.vector_load_idx %arg5[%parallel_loop3A_248] : memref<1700xf32, #tpu.memory_space<vmem>>[vector<16xi32>], vector<16xf32>,
        %parallel_loop3A_250 = arith.constant 16 : i32
        %parallel_loop3A_251 = arith.muli %parallel_loop3A_165, %parallel_loop3A_250 : i32
        %parallel_loop3A_252 = arith.constant 7 : i32
        %parallel_loop3A_253 = arith.index_cast %parallel_loop3A_252 : i32 to index
        %parallel_loop3A_254 = arith.index_cast %parallel_loop3A_251 : i32 to index
        %parallel_loop3A_255 = tpu.vector_load %arg8[%parallel_loop3A_253, %parallel_loop3A_254] {strides = array<i32>} : memref<16x512xf32, #tpu.memory_space<vmem>>, vector<16xf32>,
        tpu.vector_store %arg8[%parallel_loop3A_253, %parallel_loop3A_254], %parallel_loop3A_249 {strides = array<i32>} : memref<16x512xf32, #tpu.memory_space<vmem>>, vector<16xf32>,
        %parallel_loop3A_256 = arith.constant 8 : i32
        %parallel_loop3A_257 = vector.broadcast %parallel_loop3A_256 : i32 to vector<16xi32>
        %parallel_loop3A_258 = arith.addi %parallel_loop3A_175, %parallel_loop3A_257 : vector<16xi32>
        %parallel_loop3A_259 = tpu.vector_load_idx %arg5[%parallel_loop3A_258] : memref<1700xf32, #tpu.memory_space<vmem>>[vector<16xi32>], vector<16xf32>,
        %parallel_loop3A_260 = arith.constant 16 : i32
        %parallel_loop3A_261 = arith.muli %parallel_loop3A_165, %parallel_loop3A_260 : i32
        %parallel_loop3A_262 = arith.constant 8 : i32
        %parallel_loop3A_263 = arith.index_cast %parallel_loop3A_262 : i32 to index
        %parallel_loop3A_264 = arith.index_cast %parallel_loop3A_261 : i32 to index
        %parallel_loop3A_265 = tpu.vector_load %arg8[%parallel_loop3A_263, %parallel_loop3A_264] {strides = array<i32>} : memref<16x512xf32, #tpu.memory_space<vmem>>, vector<16xf32>,
        tpu.vector_store %arg8[%parallel_loop3A_263, %parallel_loop3A_264], %parallel_loop3A_259 {strides = array<i32>} : memref<16x512xf32, #tpu.memory_space<vmem>>, vector<16xf32>,
        %parallel_loop3A_266 = arith.constant 9 : i32
        %parallel_loop3A_267 = vector.broadcast %parallel_loop3A_266 : i32 to vector<16xi32>
        %parallel_loop3A_268 = arith.addi %parallel_loop3A_175, %parallel_loop3A_267 : vector<16xi32>
        %parallel_loop3A_269 = tpu.vector_load_idx %arg5[%parallel_loop3A_268] : memref<1700xf32, #tpu.memory_space<vmem>>[vector<16xi32>], vector<16xf32>,
        %parallel_loop3A_270 = arith.constant 16 : i32
        %parallel_loop3A_271 = arith.muli %parallel_loop3A_165, %parallel_loop3A_270 : i32
        %parallel_loop3A_272 = arith.constant 9 : i32
        %parallel_loop3A_273 = arith.index_cast %parallel_loop3A_272 : i32 to index
        %parallel_loop3A_274 = arith.index_cast %parallel_loop3A_271 : i32 to index
        %parallel_loop3A_275 = tpu.vector_load %arg8[%parallel_loop3A_273, %parallel_loop3A_274] {strides = array<i32>} : memref<16x512xf32, #tpu.memory_space<vmem>>, vector<16xf32>,
        tpu.vector_store %arg8[%parallel_loop3A_273, %parallel_loop3A_274], %parallel_loop3A_269 {strides = array<i32>} : memref<16x512xf32, #tpu.memory_space<vmem>>, vector<16xf32>,
        %parallel_loop3A_276 = arith.constant 10 : i32
        %parallel_loop3A_277 = vector.broadcast %parallel_loop3A_276 : i32 to vector<16xi32>
        %parallel_loop3A_278 = arith.addi %parallel_loop3A_175, %parallel_loop3A_277 : vector<16xi32>
        %parallel_loop3A_279 = tpu.vector_load_idx %arg5[%parallel_loop3A_278] : memref<1700xf32, #tpu.memory_space<vmem>>[vector<16xi32>], vector<16xf32>,
        %parallel_loop3A_280 = arith.constant 16 : i32
        %parallel_loop3A_281 = arith.muli %parallel_loop3A_165, %parallel_loop3A_280 : i32
        %parallel_loop3A_282 = arith.constant 10 : i32
        %parallel_loop3A_283 = arith.index_cast %parallel_loop3A_282 : i32 to index
        %parallel_loop3A_284 = arith.index_cast %parallel_loop3A_281 : i32 to index
        %parallel_loop3A_285 = tpu.vector_load %arg8[%parallel_loop3A_283, %parallel_loop3A_284] {strides = array<i32>} : memref<16x512xf32, #tpu.memory_space<vmem>>, vector<16xf32>,
        tpu.vector_store %arg8[%parallel_loop3A_283, %parallel_loop3A_284], %parallel_loop3A_279 {strides = array<i32>} : memref<16x512xf32, #tpu.memory_space<vmem>>, vector<16xf32>,
        %parallel_loop3A_286 = arith.constant 11 : i32
        %parallel_loop3A_287 = vector.broadcast %parallel_loop3A_286 : i32 to vector<16xi32>
        %parallel_loop3A_288 = arith.addi %parallel_loop3A_175, %parallel_loop3A_287 : vector<16xi32>
        %parallel_loop3A_289 = tpu.vector_load_idx %arg5[%parallel_loop3A_288] : memref<1700xf32, #tpu.memory_space<vmem>>[vector<16xi32>], vector<16xf32>,
        %parallel_loop3A_290 = arith.constant 16 : i32
        %parallel_loop3A_291 = arith.muli %parallel_loop3A_165, %parallel_loop3A_290 : i32
        %parallel_loop3A_292 = arith.constant 11 : i32
        %parallel_loop3A_293 = arith.index_cast %parallel_loop3A_292 : i32 to index
        %parallel_loop3A_294 = arith.index_cast %parallel_loop3A_291 : i32 to index
        %parallel_loop3A_295 = tpu.vector_load %arg8[%parallel_loop3A_293, %parallel_loop3A_294] {strides = array<i32>} : memref<16x512xf32, #tpu.memory_space<vmem>>, vector<16xf32>,
        tpu.vector_store %arg8[%parallel_loop3A_293, %parallel_loop3A_294], %parallel_loop3A_289 {strides = array<i32>} : memref<16x512xf32, #tpu.memory_space<vmem>>, vector<16xf32>,
        %parallel_loop3A_296 = arith.constant 12 : i32
        %parallel_loop3A_297 = vector.broadcast %parallel_loop3A_296 : i32 to vector<16xi32>
        %parallel_loop3A_298 = arith.addi %parallel_loop3A_175, %parallel_loop3A_297 : vector<16xi32>
        %parallel_loop3A_299 = tpu.vector_load_idx %arg5[%parallel_loop3A_298] : memref<1700xf32, #tpu.memory_space<vmem>>[vector<16xi32>], vector<16xf32>,
        %parallel_loop3A_300 = arith.constant 16 : i32
        %parallel_loop3A_301 = arith.muli %parallel_loop3A_165, %parallel_loop3A_300 : i32
        %parallel_loop3A_302 = arith.constant 12 : i32
        %parallel_loop3A_303 = arith.index_cast %parallel_loop3A_302 : i32 to index
        %parallel_loop3A_304 = arith.index_cast %parallel_loop3A_301 : i32 to index
        %parallel_loop3A_305 = tpu.vector_load %arg8[%parallel_loop3A_303, %parallel_loop3A_304] {strides = array<i32>} : memref<16x512xf32, #tpu.memory_space<vmem>>, vector<16xf32>,
        tpu.vector_store %arg8[%parallel_loop3A_303, %parallel_loop3A_304], %parallel_loop3A_299 {strides = array<i32>} : memref<16x512xf32, #tpu.memory_space<vmem>>, vector<16xf32>,
        %parallel_loop3A_306 = arith.constant 13 : i32
        %parallel_loop3A_307 = vector.broadcast %parallel_loop3A_306 : i32 to vector<16xi32>
        %parallel_loop3A_308 = arith.addi %parallel_loop3A_175, %parallel_loop3A_307 : vector<16xi32>
        %parallel_loop3A_309 = tpu.vector_load_idx %arg5[%parallel_loop3A_308] : memref<1700xf32, #tpu.memory_space<vmem>>[vector<16xi32>], vector<16xf32>,
        %parallel_loop3A_310 = arith.constant 16 : i32
        %parallel_loop3A_311 = arith.muli %parallel_loop3A_165, %parallel_loop3A_310 : i32
        %parallel_loop3A_312 = arith.constant 13 : i32
        %parallel_loop3A_313 = arith.index_cast %parallel_loop3A_312 : i32 to index
        %parallel_loop3A_314 = arith.index_cast %parallel_loop3A_311 : i32 to index
        %parallel_loop3A_315 = tpu.vector_load %arg8[%parallel_loop3A_313, %parallel_loop3A_314] {strides = array<i32>} : memref<16x512xf32, #tpu.memory_space<vmem>>, vector<16xf32>,
        tpu.vector_store %arg8[%parallel_loop3A_313, %parallel_loop3A_314], %parallel_loop3A_309 {strides = array<i32>} : memref<16x512xf32, #tpu.memory_space<vmem>>, vector<16xf32>,
        %parallel_loop3A_316 = arith.constant 14 : i32
        %parallel_loop3A_317 = vector.broadcast %parallel_loop3A_316 : i32 to vector<16xi32>
        %parallel_loop3A_318 = arith.addi %parallel_loop3A_175, %parallel_loop3A_317 : vector<16xi32>
        %parallel_loop3A_319 = tpu.vector_load_idx %arg5[%parallel_loop3A_318] : memref<1700xf32, #tpu.memory_space<vmem>>[vector<16xi32>], vector<16xf32>,
        %parallel_loop3A_320 = arith.constant 16 : i32
        %parallel_loop3A_321 = arith.muli %parallel_loop3A_165, %parallel_loop3A_320 : i32
        %parallel_loop3A_322 = arith.constant 14 : i32
        %parallel_loop3A_323 = arith.index_cast %parallel_loop3A_322 : i32 to index
        %parallel_loop3A_324 = arith.index_cast %parallel_loop3A_321 : i32 to index
        %parallel_loop3A_325 = tpu.vector_load %arg8[%parallel_loop3A_323, %parallel_loop3A_324] {strides = array<i32>} : memref<16x512xf32, #tpu.memory_space<vmem>>, vector<16xf32>,
        tpu.vector_store %arg8[%parallel_loop3A_323, %parallel_loop3A_324], %parallel_loop3A_319 {strides = array<i32>} : memref<16x512xf32, #tpu.memory_space<vmem>>, vector<16xf32>,
        %parallel_loop3A_326 = arith.constant 15 : i32
        %parallel_loop3A_327 = vector.broadcast %parallel_loop3A_326 : i32 to vector<16xi32>
        %parallel_loop3A_328 = arith.addi %parallel_loop3A_175, %parallel_loop3A_327 : vector<16xi32>
        %parallel_loop3A_329 = tpu.vector_load_idx %arg5[%parallel_loop3A_328] : memref<1700xf32, #tpu.memory_space<vmem>>[vector<16xi32>], vector<16xf32>,
        %parallel_loop3A_330 = arith.constant 16 : i32
        %parallel_loop3A_331 = arith.muli %parallel_loop3A_165, %parallel_loop3A_330 : i32
        %parallel_loop3A_332 = arith.constant 15 : i32
        %parallel_loop3A_333 = arith.index_cast %parallel_loop3A_332 : i32 to index
        %parallel_loop3A_334 = arith.index_cast %parallel_loop3A_331 : i32 to index
        %parallel_loop3A_335 = tpu.vector_load %arg8[%parallel_loop3A_333, %parallel_loop3A_334] {strides = array<i32>} : memref<16x512xf32, #tpu.memory_space<vmem>>, vector<16xf32>,
        tpu.vector_store %arg8[%parallel_loop3A_333, %parallel_loop3A_334], %parallel_loop3A_329 {strides = array<i32>} : memref<16x512xf32, #tpu.memory_space<vmem>>, vector<16xf32>,
      } {sc.loop_unroll_factor = 1 : i64, sc.parallel_access}
      %dma_start3A_159 = arith.constant 0 : i32
      %dma_start3A_160 = tpu.memref_slice %arg4[%add3A_148, %dma_start3A_159, %mul3A_2] : memref<200x16x16384xf32, #tpu.memory_space<hbm>> -> memref<1x16x512xf32, #tpu.memory_space<hbm>>
      %dma_start3A_161 = tpu.memref_squeeze %dma_start3A_160 : memref<1x16x512xf32, #tpu.memory_space<hbm>> -> memref<16x512xf32, #tpu.memory_space<hbm>>
      %dma_start3A_162 = arith.constant 0 : i32
      %dma_start3A_163 = tpu.memref_slice %arg4[%add3A_148, %dma_start3A_162, %mul3A_2] : memref<200x16x16384xf32, #tpu.memory_space<hbm>> -> memref<1x16x512xf32, #tpu.memory_space<hbm>>
      %dma_start3A_164 = tpu.memref_squeeze %dma_start3A_163 : memref<1x16x512xf32, #tpu.memory_space<hbm>> -> memref<16x512xf32, #tpu.memory_space<hbm>>
      tpu.enqueue_dma source(%arg8 : memref<16x512xf32, #tpu.memory_space<vmem>>) target(%dma_start3A_164 : memref<16x512xf32, #tpu.memory_space<hbm>>) target_semaphore(%arg11 : memref<!tpu.dma_semaphore, #tpu.memory_space<semaphore_mem>>)
    }
    %scan3A_6 = arith.constant 25 : i32
    %dma_wait3A = arith.constant 199 : i32
    %dma_wait3A_7 = arith.constant 0 : i32
    %dma_wait3A_8 = tpu.memref_slice %arg4[%dma_wait3A, %dma_wait3A_7, %mul3A_2] : memref<200x16x16384xf32, #tpu.memory_space<hbm>> -> memref<1x16x512xf32, #tpu.memory_space<hbm>>
    %dma_wait3A_9 = tpu.memref_squeeze %dma_wait3A_8 : memref<1x16x512xf32, #tpu.memory_space<hbm>> -> memref<16x512xf32, #tpu.memory_space<hbm>>
    %dma_wait3A_10 = arith.constant 0 : i32
    %dma_wait3A_11 = tpu.memref_slice %arg4[%dma_wait3A, %dma_wait3A_10, %mul3A_2] : memref<200x16x16384xf32, #tpu.memory_space<hbm>> -> memref<1x16x512xf32, #tpu.memory_space<hbm>>
    %dma_wait3A_12 = tpu.memref_squeeze %dma_wait3A_11 : memref<1x16x512xf32, #tpu.memory_space<hbm>> -> memref<16x512xf32, #tpu.memory_space<hbm>>
    tpu.wait_dma2 semaphore(%arg10 : memref<!tpu.dma_semaphore, #tpu.memory_space<semaphore_mem>>) src(%arg7 : memref<16x512xf32, #tpu.memory_space<vmem>>) dst(%dma_wait3A_12 : memref<16x512xf32, #tpu.memory_space<hbm>>)
    %dma_wait3A_13 = arith.constant 199 : i32
    %dma_wait3A_14 = arith.constant 0 : i32
    %dma_wait3A_15 = tpu.memref_slice %arg4[%dma_wait3A_13, %dma_wait3A_14, %mul3A_2] : memref<200x16x16384xf32, #tpu.memory_space<hbm>> -> memref<1x16x512xf32, #tpu.memory_space<hbm>>
    %dma_wait3A_16 = tpu.memref_squeeze %dma_wait3A_15 : memref<1x16x512xf32, #tpu.memory_space<hbm>> -> memref<16x512xf32, #tpu.memory_space<hbm>>
    %dma_wait3A_17 = arith.constant 0 : i32
    %dma_wait3A_18 = tpu.memref_slice %arg4[%dma_wait3A_13, %dma_wait3A_17, %mul3A_2] : memref<200x16x16384xf32, #tpu.memory_space<hbm>> -> memref<1x16x512xf32, #tpu.memory_space<hbm>>
    %dma_wait3A_19 = tpu.memref_squeeze %dma_wait3A_18 : memref<1x16x512xf32, #tpu.memory_space<hbm>> -> memref<16x512xf32, #tpu.memory_space<hbm>>
    tpu.wait_dma2 semaphore(%arg11 : memref<!tpu.dma_semaphore, #tpu.memory_space<semaphore_mem>>) src(%arg8 : memref<16x512xf32, #tpu.memory_space<vmem>>) dst(%dma_wait3A_19 : memref<16x512xf32, #tpu.memory_space<hbm>>)
    return
  }
}

</mosaic_0001>

<sc_bundles>
// kernel: kernel.3.cloned.1.call-start
scs
__scs_entry_jumppad:
0x0: {  	(pc) =	sbr.rel $0x88, $3  }
0x1: {  	(tag) =	ssettag $0x0;
	lr =	simm.s32 $0x1  }
0x2: {  	[smem:$0x3F9F] =	sst lr;
	_ =	strace $0xD0000000  }
0x3: {  	_ = 	snop  }
0x4: {  	_ = 	snop  }
0x5: {  	_ = 	snop  }
0x6: {  	_ = 	snop  }
0x7: {  	_ = 	snop  }
__scs_overlays_trampoline_lowered:
0x8: {  	[smem:$0x3FAE] =	sst s0  }
0x9: {  	[smem:$0x3FAF] =	sst s1  }
0xa: {  	[smem:$0x3FB0] =	sst s2  }
0xb: {  	[smem:$0x3FB1] =	sst s3  }
0xc: {  	[smem:$0x3FB2] =	sst s4  }
0xd: {  	[smem:$0x3FB3] =	sst s5  }
0xe: {  	[smem:$0x3FB4] =	sst s6  }
0xf: {  	[smem:$0x3FB5] =	sst s7  }
0x10: {  	[smem:$0x3FB6] =	sst s8  }
0x11: {  	[smem:$0x3FB7] =	sst s9;
	s0 =	simm.s32 @!p0 $0x0  }
0x12: {  	s1 =	sld [smem:$0x3F9D];
	s0 =	simm.s32 @p0 $0x1  }
0x13: {  	[smem:$0x3FB8] =	sst s0;
	s0 =	simm.s32 @!p1 $0x0  }
0x14: {  	s2 =	sld [smem:$0x3F9C];
	s0 =	simm.s32 @p1 $0x1  }
0x15: {  	[smem:$0x3FB9] =	sst s0;
	s0 =	simm.s32 @!p2 $0x0  }
0x16: {  	s3 =	sld [smem:$0x3FDB];
	s0 =	simm.s32 @p2 $0x1  }
0x17: {  	s4 =	simm.s32 $0x1BF5;
	[smem:$0x3FBB] =	sst s0  }
0x18: {  	s0 =	sld [smem:$0x3F9E];
	_ =	swait.ge [sflag:s4], $0x0  }
0x19: {  	s7 =	sld [smem:$0x3F9F]  }
0x1a: {  	s8 =	sadd.s32 $0xFFFFE003, lr  }
0x1b: {  	s9 =	sadd.s32 $0xFFFFFEF7, lr;
	s5 =	simm.s32 $0xFFFFFFFF;
	p2 =	slt.u32 s8, $0xFFFFF086  }
0x1c: {  	p1 =	slt.u32 s9, $0xF7A;
	s5 =	simm.s32 @!p2 $0x0  }
0x1d: {  	s5 =	simm.s32 @p1 $0x1;
	p0 =	seq.s32 s7, s2  }
0x1e: {  	s7 =	smul.u32 @!p0 $0xF7A, s2;
	p2 =	seq.s32 @!p0 s5, $0x0  }
0x1f: {  	s9 =	smul.u32 $0xF7A, s1;
	s8 =	simm.s32 @!p0 $0x1BF5;
	p2 =	por !p2, p0  }
0x20: {  	[sflag:s8] =	ssyncset.s32 @!p0 $0xFFFFF086;
	s6 =	sadd.s32 @!p0 s3, s7;
	s7 =	simm.s32 @!p0 $0x108  }
0x21: {  	s3 =	sadd.s32 s3, s9;
	s6 =	sadd.s32 @!p0 $0x88, s6;
	s7 =	simm.s32 @p2 $0x1082  }
0x22: {  	[simem:s7], [sflag:s8] =	dma.local @!p0 [hbm:s6], $0xF7A  }
0x23: {  	s9 =	sor.u32 $0xD0000000, s2;
	s6 =	simm.s32 $0x108;
	_ =	swait.ge @!p0 [sflag:s8], $0x0  }
0x24: {  	s3 =	sadd.s32 $0x88, s3;
	s6 =	simm.s32 @!p1 $0x1082;
	[sflag:s4] =	ssyncset.s32 $0xFFFFF086  }
0x25: {  	[simem:s6], [sflag:s4] =	dma.local [hbm:s3], $0xF7A  }
0x26: {  	[smem:$0x3F9F] =	sst s1;
	(tag) =	ssettag s2;
	_ =	strace s9  }
0x27: {  	s1 =	sld [smem:$0x3FAF]  }
0x28: {  	s2 =	sld [smem:$0x3FB0]  }
0x29: {  	s4 =	sld [smem:$0x3FB2]  }
0x2a: {  	p0 =	seq.s32 s5, $0x0;
	s5 =	sld [smem:$0x3FB3]  }
0x2b: {  	s6 =	sld [smem:$0x3FB4]  }
0x2c: {  	s7 =	sld [smem:$0x3FB5]  }
0x2d: {  	s3 =	simm.s32 $0x108;
	s8 =	sld [smem:$0x3FB6]  }
0x2e: {  	s3 =	simm.s32 @!p0 $0x1082;
	s9 =	sld [smem:$0x3FB7]  }
0x2f: {  	lr =	sadd.s32 s0, s3;
	s0 =	sld [smem:$0x3FAE]  }
0x30: {  	s3 =	sld [smem:$0x3FB1]  }
0x31: {  	[smem:$0x3FBA] =	sst s10  }
0x32: {  	s10 =	sld [smem:$0x3FB8];
	_ =	sdelay $0x3  }
0x33: {  	p0 =	seq.s32 s10, $0x1;
	s10 =	sld [smem:$0x3FBA];
	_ =	sdelay $0x3  }
0x34: {  	[smem:$0x3FBA] =	sst s10  }
0x35: {  	s10 =	sld [smem:$0x3FB9];
	_ =	sdelay $0x3  }
0x36: {  	p1 =	seq.s32 s10, $0x1;
	s10 =	sld [smem:$0x3FBA];
	_ =	sdelay $0x3  }
0x37: {  	[smem:$0x3FBA] =	sst s10  }
0x38: {  	s10 =	sld [smem:$0x3FBB]  }
0x39: {  	_ = 	snop;
	(pc) =	sbr.ind lr, $3  }
0x3a: {  	_ = 	snop  }
0x3b: {  	_ = 	snop  }
0x3c: {  	p2 =	seq.s32 s10, $0x1;
	s10 =	sld [smem:$0x3FBA]  }
0x3d: {  	_ =	shalt  }
0x3e: {  	_ =	shalt  }
0x3f: {  	_ =	shalt  }
0x40: {  	_ =	shalt  }
0x41: {  	_ =	shalt  }
0x42: {  	_ =	shalt  }
0x43: {  	_ =	shalt  }
0x44: {  	_ =	shalt  }
0x45: {  	_ =	shalt  }
0x46: {  	_ =	shalt  }
0x47: {  	_ =	shalt  }
0x48: {  	_ =	shalt  }
0x49: {  	_ =	shalt  }
0x4a: {  	_ =	shalt  }
0x4b: {  	_ =	shalt  }
0x4c: {  	_ =	shalt  }
0x4d: {  	_ =	shalt  }
0x4e: {  	_ =	shalt  }
0x4f: {  	_ =	shalt  }
0x50: {  	_ =	shalt  }
0x51: {  	_ =	shalt  }
0x52: {  	_ =	shalt  }
0x53: {  	_ =	shalt  }
0x54: {  	_ =	shalt  }
0x55: {  	_ =	shalt  }
0x56: {  	_ =	shalt  }
0x57: {  	_ =	shalt  }
0x58: {  	_ =	shalt  }
0x59: {  	_ =	shalt  }
0x5a: {  	_ =	shalt  }
0x5b: {  	_ =	shalt  }
0x5c: {  	_ =	shalt  }
0x5d: {  	_ =	shalt  }
0x5e: {  	_ =	shalt  }
0x5f: {  	_ =	shalt  }
0x60: {  	_ =	shalt  }
0x61: {  	_ =	shalt  }
0x62: {  	_ =	shalt  }
0x63: {  	_ =	shalt  }
0x64: {  	_ =	shalt  }
0x65: {  	_ =	shalt  }
0x66: {  	_ =	shalt  }
0x67: {  	_ =	shalt  }
0x68: {  	_ =	shalt  }
0x69: {  	_ =	shalt  }
0x6a: {  	_ =	shalt  }
0x6b: {  	_ =	shalt  }
0x6c: {  	_ =	shalt  }
0x6d: {  	_ =	shalt  }
0x6e: {  	_ =	shalt  }
0x6f: {  	_ =	shalt  }
0x70: {  	_ =	shalt  }
0x71: {  	_ =	shalt  }
0x72: {  	_ =	shalt  }
0x73: {  	_ =	shalt  }
0x74: {  	_ =	shalt  }
0x75: {  	_ =	shalt  }
0x76: {  	_ =	shalt  }
0x77: {  	_ =	shalt  }
0x78: {  	_ =	shalt  }
0x79: {  	_ =	shalt  }
0x7a: {  	_ =	shalt  }
0x7b: {  	_ =	shalt  }
0x7c: {  	_ =	shalt  }
0x7d: {  	_ =	shalt  }
0x7e: {  	_ =	shalt  }
0x7f: {  	_ =	shalt  }
0x80: {  	_ =	shalt  }
0x81: {  	_ =	shalt  }
0x82: {  	_ =	shalt  }
0x83: {  	_ =	shalt  }
0x84: {  	_ =	shalt  }
0x85: {  	_ =	shalt  }
0x86: {  	_ =	shalt  }
0x87: {  	_ =	shalt  }
.Lfunc_end0:
.L_simem_size_0:
called_computation_lowered:
.L_overlay_start_0:
0x88: {  	s2 =	sld [smem:$0x3FD9]  }
0x89: {  	s3 =	sld [smem:$0x3FFE];
	_ =	sdelay $0x1  }
0x8a: {  	s1 =	srdreg.scid  }
0x8b: {  	s0 =	sand.u32 $0x1, s1  }
0x8c: {  	s17 =	sshll.u32 s0, $0xA;
	s2 =	sadd.s32 s3, s2  }
0x8d: {  	s2 =	sadd.s32 s2, s17  }
0x8e: {  	[smem:$0x3FC6] =	sst s2  }
0x8f: {  	_ = 	snop  }
0x90: {  	s2 =	sld [smem:$0x3FC9]  }
0x91: {  	s18 =	sld [smem:$0x3FD0];
	(tm) =	ssettm $0x1  }
0x92: {  	s4 =	sld [smem:$0x3FFB];
	_ =	sdelay $0x3  }
0x93: {  	_ =	strace s4  }
0x94: {  	s4 =	sld [smem:$0x3FFC];
	_ =	sdelay $0x3  }
0x95: {  	_ =	strace s4  }
0x96: {  	s4 =	sld [smem:$0x3FFD];
	_ =	sdelay $0x3  }
0x97: {  	_ =	strace s4  }
0x98: {  	_ =	strace $0x8FFFFFFF  }
0x99: {  	s19 =	sld [smem:$0x3FDB];
	_ =	sdelay $0x1  }
0x9a: {  	s5 =	simm.s32 $_scs_section_size  }
0x9b: {  	s6 =	simm.s32 $_size__tile_overlayer_lowered;
	s7 =	simm.s32 $_tile_overlayer_lowered  }
0x9c: {  	s22 =	simm.s32 $0x1BFF;
	s21 =	sshll.u32 s7, $0x1;
	s4 =	sadd.s32 s5, s19  }
0x9d: {  	s8 =	simm.s32 $0x0;
	s20 =	sshll.u32 s6, $0x1;
	s6 =	sadd.s32 s21, s4  }
0x9e: {  	[timem:s8], [sflag:s22] =	dma.local [hbm:s6], s20  }
0x9f: {  	_ =	swait.ge [sflag:s22], s20  }
0xa0: {  	s5 =	ssub.s32 $0x0, s20;
	[sflag:s22] =	ssyncset.done $0x0  }
0xa1: {  	[sflag:s22] =	ssyncadd.s32 s5;
	_ =	sdelay $0x1  }
0xa2: {  	s23 =	simm.s32 $0x1B8B  }
0xa3: {  	_ =	swait.ge [sflag:s23], $0x1  }
0xa4: {  	[sflag:s23] =	ssyncset.done $0x0  }
0xa5: {  	s25 =	simm.s32 $0x1B8E;
	s24 =	sld [smem:$0x3FFE];
	[sflag:s23] =	ssyncadd.s32 $0xFFFFFFFF  }
0xa6: {  	s26 =	simm.s32 $execute0_lowered;
	[smem:$0x3FD2] =	sst s25  }
0xa7: {  	s6 =	sshll.u32 s26, $0x1;
	_ =	strace $0x80000046;
	[dreg:$0x1] =	wrdreg $0xFFFFFFFF  }
0xa8: {  	s28 =	simm.s32 $_size_execute0_lowered;
	s4 =	sadd.s32 s4, s6;
	[dreg:$0x0] =	wrdreg $0x0  }
0xa9: {  	s6 =	sshll.u32 s28, $0x1;
	[dreg:$0x2] =	wrdreg s4  }
0xaa: {  	[dreg:$0x3] =	wrdreg s6  }
0xab: {  	[dreg:$0x4] =	wrdreg $0xC0  }
0xac: {  	_ =	task [dreg:s8], $0x5FFFF  }
0xad: {  	[dreg:$0x1] =	wrdreg $0xFFFFFFFF  }
0xae: {  	[dreg:$0x0] =	wrdreg $0x60  }
0xaf: {  	[dreg:$0x2] =	wrdreg s2  }
0xb0: {  	[dreg:$0x3] =	wrdreg s24  }
0xb1: {  	[dreg:$0x4] =	wrdreg s18  }
0xb2: {  	[dreg:$0x5] =	wrdreg $0x9  }
0xb3: {  	_ =	task.clear_ibuf [dreg:s8], $0x6FFFF;
	_ =	strace $0x90000046  }
0xb4: {  	s29 =	simm.s32 $0x9;
	_ =	strace $0x80000048  }
0xb5: {  	_ =	swait.ge [sflag:s29], $0x1  }
0xb6: {  	[sflag:s29] =	ssyncadd.s32 $0xFFFFFFFF  }
0xb7: {  	_ =	strace $0x90000048  }
0xb8: {  	_ =	sfence  }
0xb9: {  	s30 =	sld [smem:$0x0];
	_ =	sdelay $0x2  }
0xba: {  	s31 =	sshll.u32 s1, $0xD;
	s1 =	sshrl.u32 s1, $0x2  }
0xbb: {  	s3 =	sand.u32 $0x4000, s31;
	s1 =	sadd.s32 s1, s30  }
0xbc: {  	s0 =	sor.u32 s3, s0;
	s1 =	sshll.u32 s1, $0x11  }
0xbd: {  	s0 =	sor.u32 s1, s0  }
0xbe: {  	s0 =	sadd.s32 $0x8F2B, s0  }
0xbf: {  	[sflag:s0] =	ssyncadd.remote.s32 $0x1  }
0xc0: {  	_ =	sfence.sel $0xFFFF  }
0xc1: {  	[dreg:$0x0] =	wrdreg $0xFFFFFFFF;
	(pc) =	sbr.abs _section_cstart, $3  }
0xc2: {  	[dreg:$0x1] =	wrdreg $0xFFFFFFFF  }
0xc3: {  	_ =	task.clear_ibuf [dreg:s8], $0x2FFFF;
	_ =	strace $0x9FFFFFFF  }
0xc4: {  	(tm) =	ssettm $0x7FFFFFFF  }
0xc5: {  	_ =	shalt  }
tec
execute0_lowered:
.L_overlay_start_1:
0x0: {  	(tag) =	ssettag $0x1  }
0x1: {  	s0 =	rddreg [dreg:$0x0]  }
0x2: {  	s1 =	rddreg [dreg:$0x1]  }
0x3: {  	s6 =	rddreg [dreg:$0x2];
	s3 =	simm.s32 $0x0  }
0x4: {  	s2 =	srdreg.scid;
	[smem:$0x7FF] =	sst s3;
	s1 =	sadd.s32 $0x400, s1  }
0x5: {  	s23 =	sadd.s32 $0x8000, s6;
	_ =	strace $0x80000047;
	[dreg:$0x5] =	wrdreg s1  }
0x6: {  	s4 =	stileid.u32;
	s24 =	sadd.s32 $0x10000, s6;
	[dreg:$0x7] =	wrdreg s23  }
0x7: {  	s2 =	sand.u32 $0x1, s2;
	s25 =	sadd.s32 $0x18000, s6;
	[dreg:$0x8] =	wrdreg s24  }
0x8: {  	s4 =	sshll.u32 s4, $0xD;
	s26 =	sadd.s32 $0x20000, s6;
	[dreg:$0x9] =	wrdreg s25  }
0x9: {  	s28 =	sadd.s32 $0x28000, s6;
	s29 =	sadd.s32 $0x30000, s6;
	[dreg:$0xa] =	wrdreg s26  }
0xa: {  	s30 =	sadd.s32 $0x38000, s6;
	s5 =	sshll.u32 s2, $0xC;
	[dreg:$0xb] =	wrdreg s28  }
0xb: {  	s2 =	ssub.s32 $0x2, s2;
	[dreg:$0xc] =	wrdreg s29;
	s5 =	sor.u32 s5, s4  }
0xc: {  	s21 =	sshrl.u32 s2, $0x1;
	[dreg:$0x4] =	wrdreg s5;
	s5 =	sshrl.u32 s5, $0x3  }
0xd: {  	[dreg:$0xd] =	wrdreg s30;
	s22 =	ssub.s32 s2, s21;
	s0 =	sadd.s32 s0, s5  }
0xe: {  	s31 =	smax.u32 s22, $0x1;
	[dreg:$0x6] =	wrdreg s0  }
0xf: {  	s23 =	simm.s32 $0x3;
	s1 =	simm.s32 $0x0;
	[dreg:$0xe] =	wrdreg s31  }
.LBB2_1:
0x10: {  	[dreg:$0xf] =	wrdreg s1  }
0x11: {  	s0 =	rddreg [dreg:$0x5];
	s28 =	simm.s32 $0x1  }
0x12: {  	[tilespmem:s3], [sflag:$0x1] =	stream.linear.gather [hbm4b:s0+s3], $0x700, $0x38;
	[tilespmem:$0x1D700] =	vst v63  }
0x13: {  	s30 =	simm.s32 $0x1000;
	_ =	swait.ge [sflag:s28], $0x700  }
0x14: {  	s2 =	simm.s32 $0x20000;
	s4 =	simm.s32 $0x700;
	[sflag:s28] =	ssyncset.done $0x0  }
0x15: {  	s31 =	simm.s32 $0x4;
	s29 =	rddreg [dreg:$0x6];
	[sflag:s28] =	ssyncadd.s32 $0xFFFFF900  }
0x16: {  	[tilespmem:s4], [sflag:$0x4] =	stream.strided.gather [hbm4b:s29+s30], $0x19000, s2, s30, $0x38;
	[tilespmem:$0x1D700] =	vst v63  }
0x17: {  	_ =	swait.ge [sflag:s31], $0x19000  }
0x18: {  	[sflag:s31] =	ssyncset.done $0x0  }
0x19: {  	s25 =	simm.s32 $0x0;
	[sflag:s31] =	ssyncadd.s32 $0xFFFE7000  }
.LBB2_2:
0x1a: {  	p0 =	seq.s32 s25, $0x0;
	s0 =	sshll.u32 s25, $0xC  }
0x1b: {  	s4 =	simm.s32 $0x0;
	s1 =	simm.s32 @!p0 $0x2;
	s0 =	sand.u32 $0x3FFFF000, s0  }
0x1c: {  	s5 =	sand.u32 $0xC00, s4;
	_ =	swait.ge @!p0 [sflag:s1], $0x2000;
	s26 =	sor.u32 $0x700, s0  }
0x1d: {  	s6 =	sand.u32 $0x70, s4;
	[sflag:s1] =	ssyncset.done @!p0 $0x0;
	s0 =	sadd.s32 s5, s26  }
0x1e: {  	[sflag:s1] =	ssyncadd.s32 @!p0 $0xFFFFE000;
	s0 =	sadd.s32 s6, s0  }
0x1f: {  	v0 =	vld [tilespmem:s0+$0x0];
	_ =	sdelay $0x4  }
0x20: {  	v6 =	vmul.u32 $0x11, v0;
	_ =	sdelay $0x5  }
0x21: {  	s0 =	simm.s32 $0x80;
	v0 =	vld.idx.msk [tilespmem:v6+s3+$0x0], $0xffff  }
0x22: {  	s2 =	simm.s32 $0x10;
	s9 =	sand.u32 $0xC00, s0;
	v1 =	vadd.s32 $0x1, v6  }
0x23: {  	s10 =	sand.u32 $0x70, s2;
	s17 =	sadd.s32 s9, s26  }
0x24: {  	s1 =	sadd.s32 s10, s17  }
0x25: {  	v2 =	vld [tilespmem:s1+$0x0];
	s1 =	sor.u32 s6, s5  }
0x26: {  	[tilespmem:s1+$0x19700] =	vst v0  }
0x27: {  	v0 =	vld.idx.msk [tilespmem:v1+s3+$0x0], $0xffff  }
0x28: {  	v1 =	vadd.s32 $0x2, v6;
	_ =	sdelay $0x1  }
0x29: {  	v2 =	vmul.u32 $0x11, v2  }
0x2a: {  	s5 =	sadd.s32 $0x19700, s1  }
0x2b: {  	[tilespmem:s5+$0x80] =	vst v0  }
0x2c: {  	v0 =	vld.idx.msk [tilespmem:v1+s3+$0x0], $0xffff  }
0x2d: {  	s7 =	simm.s32 $0x100;
	v1 =	vadd.s32 $0x3, v6  }
0x2e: {  	s8 =	simm.s32 $0x20;
	s18 =	sand.u32 $0xC00, s7  }
0x2f: {  	s11 =	sand.u32 $0x70, s8;
	s12 =	sadd.s32 s18, s26;
	v3 =	vld.idx.msk [tilespmem:v2+s3+$0x0], $0xffff  }
0x30: {  	s12 =	sadd.s32 s11, s12;
	v4 =	vadd.s32 $0x1, v2  }
0x31: {  	v5 =	vld [tilespmem:s12+$0x0];
	[tilespmem:s5+$0x100] =	vst v0  }
0x32: {  	v0 =	vld.idx.msk [tilespmem:v1+s3+$0x0], $0xffff  }
0x33: {  	s29 =	sor.u32 s10, s9;
	v1 =	vadd.s32 $0x4, v6  }
0x34: {  	[tilespmem:s29+$0x19700] =	vst v3  }
0x35: {  	v3 =	vld.idx.msk [tilespmem:v4+s3+$0x0], $0xffff  }
0x36: {  	v4 =	vadd.s32 $0x2, v2  }
0x37: {  	[tilespmem:s5+$0x180] =	vst v0;
	v0 =	vmul.u32 $0x11, v5  }
0x38: {  	v1 =	vld.idx.msk [tilespmem:v1+s3+$0x0], $0xffff  }
0x39: {  	s9 =	sadd.s32 $0x19700, s29;
	v5 =	vadd.s32 $0x5, v6  }
0x3a: {  	[tilespmem:s9+$0x80] =	vst v3  }
0x3b: {  	v3 =	vld.idx.msk [tilespmem:v4+s3+$0x0], $0xffff  }
0x3c: {  	s19 =	simm.s32 $0x180;
	v4 =	vadd.s32 $0x3, v2  }
0x3d: {  	s24 =	simm.s32 $0x30;
	s20 =	sand.u32 $0xC00, s19;
	v7 =	vld.idx.msk [tilespmem:v0+s3+$0x0], $0xffff;
	[tilespmem:s5+$0x200] =	vst v1  }
0x3e: {  	s21 =	sand.u32 $0x70, s24;
	s13 =	sadd.s32 s20, s26;
	v1 =	vld.idx.msk [tilespmem:v5+s3+$0x0], $0xffff;
	v5 =	vadd.s32 $0x1, v0  }
0x3f: {  	s13 =	sadd.s32 s21, s13;
	v8 =	vadd.s32 $0x6, v6  }
0x40: {  	v9 =	vld [tilespmem:s13+$0x0];
	[tilespmem:s9+$0x100] =	vst v3  }
0x41: {  	s28 =	sor.u32 s11, s18;
	v3 =	vld.idx.msk [tilespmem:v4+s3+$0x0], $0xffff  }
0x42: {  	v4 =	vadd.s32 $0x4, v2;
	[tilespmem:s28+$0x19700] =	vst v7  }
0x43: {  	v5 =	vld.idx.msk [tilespmem:v5+s3+$0x0], $0xffff;
	[tilespmem:s5+$0x280] =	vst v1  }
0x44: {  	v7 =	vld.idx.msk [tilespmem:v8+s3+$0x0], $0xffff;
	v8 =	vadd.s32 $0x2, v0  }
0x45: {  	v10 =	vadd.s32 $0x7, v6  }
0x46: {  	[tilespmem:s9+$0x180] =	vst v3;
	v1 =	vmul.u32 $0x11, v9  }
0x47: {  	s11 =	sadd.s32 $0x19700, s28;
	v3 =	vld.idx.msk [tilespmem:v4+s3+$0x0], $0xffff  }
0x48: {  	v4 =	vadd.s32 $0x5, v2;
	[tilespmem:s11+$0x80] =	vst v5  }
0x49: {  	v5 =	vld.idx.msk [tilespmem:v8+s3+$0x0], $0xffff;
	[tilespmem:s5+$0x300] =	vst v7  }
0x4a: {  	s5 =	simm.s32 $0x200;
	v8 =	vadd.s32 $0x3, v0;
	v7 =	vld.idx.msk [tilespmem:v10+s3+$0x0], $0xffff  }
0x4b: {  	s6 =	simm.s32 $0x40;
	v9 =	vadd.s32 $0x8, v6;
	s16 =	sand.u32 $0xC00, s5  }
0x4c: {  	s18 =	sand.u32 $0x70, s6;
	[tilespmem:s9+$0x200] =	vst v3;
	v10 =	vld.idx.msk [tilespmem:v1+s3+$0x0], $0xffff;
	s22 =	sadd.s32 s16, s26  }
0x4d: {  	s4 =	sor.u32 s4, s4;
	v3 =	vld.idx.msk [tilespmem:v4+s3+$0x0], $0xffff;
	v4 =	vadd.s32 $0x1, v1;
	s13 =	sadd.s32 s18, s22  }
0x4e: {  	s4 =	sor.u32 $0x380, s4;
	v11 =	vld [tilespmem:s13+$0x0];
	[tilespmem:s11+$0x100] =	vst v5;
	v5 =	vadd.s32 $0x6, v2  }
0x4f: {  	v8 =	vld.idx.msk [tilespmem:v8+s3+$0x0], $0xffff;
	[tilespmem:s4+$0x19700] =	vst v7  }
0x50: {  	s30 =	sor.u32 s21, s20;
	v7 =	vld.idx.msk [tilespmem:v9+s3+$0x0], $0xffff;
	v9 =	vadd.s32 $0x4, v0  }
0x51: {  	[tilespmem:s30+$0x19700] =	vst v10;
	v10 =	vadd.s32 $0x9, v6  }
0x52: {  	[tilespmem:s9+$0x280] =	vst v3;
	v4 =	vld.idx.msk [tilespmem:v4+s3+$0x0], $0xffff  }
0x53: {  	v12 =	vadd.s32 $0x2, v1;
	v5 =	vld.idx.msk [tilespmem:v5+s3+$0x0], $0xffff  }
0x54: {  	v3 =	vmul.u32 $0x11, v11;
	[tilespmem:s11+$0x180] =	vst v8;
	v8 =	vadd.s32 $0x7, v2  }
0x55: {  	v9 =	vld.idx.msk [tilespmem:v9+s3+$0x0], $0xffff;
	[tilespmem:s1+$0x1A700] =	vst v7  }
0x56: {  	s20 =	sadd.s32 $0x19700, s30;
	v7 =	vld.idx.msk [tilespmem:v10+s3+$0x0], $0xffff;
	v10 =	vadd.s32 $0x5, v0  }
0x57: {  	[tilespmem:s20+$0x80] =	vst v4;
	v4 =	vadd.s32 $0xA, v6  }
0x58: {  	v11 =	vld.idx.msk [tilespmem:v12+s3+$0x0], $0xffff;
	[tilespmem:s9+$0x300] =	vst v5  }
0x59: {  	s14 =	simm.s32 $0x280;
	v5 =	vld.idx.msk [tilespmem:v8+s3+$0x0], $0xffff;
	v8 =	vadd.s32 $0x3, v1  }
0x5a: {  	s15 =	simm.s32 $0x50;
	s13 =	sand.u32 $0xC00, s14;
	v12 =	vld.idx.msk [tilespmem:v3+s3+$0x0], $0xffff;
	[tilespmem:s11+$0x200] =	vst v9;
	v9 =	vadd.s32 $0x8, v2  }
0x5b: {  	s22 =	sand.u32 $0x70, s15;
	s17 =	sadd.s32 s13, s26;
	v10 =	vld.idx.msk [tilespmem:v10+s3+$0x0], $0xffff;
	[tilespmem:s1+$0x1A780] =	vst v7;
	v7 =	vadd.s32 $0x1, v3  }
0x5c: {  	s0 =	sor.u32 s0, s2;
	v13 =	vadd.s32 $0x6, v0;
	s4 =	sadd.s32 s22, s17;
	v4 =	vld.idx.msk [tilespmem:v4+s3+$0x0], $0xffff  }
0x5d: {  	s0 =	sor.u32 $0x380, s0;
	v14 =	vld [tilespmem:s4+$0x0];
	[tilespmem:s20+$0x100] =	vst v11;
	v11 =	vadd.s32 $0xB, v6  }
0x5e: {  	v8 =	vld.idx.msk [tilespmem:v8+s3+$0x0], $0xffff;
	[tilespmem:s0+$0x19700] =	vst v5;
	s0 =	sor.u32 s18, s16  }
0x5f: {  	s18 =	simm.s32 $0x300;
	v5 =	vld.idx.msk [tilespmem:v9+s3+$0x0], $0xffff;
	[tilespmem:s0+$0x19700] =	vst v12;
	v9 =	vadd.s32 $0x4, v1  }
0x60: {  	s2 =	simm.s32 $0x60;
	s9 =	sand.u32 $0xC00, s18;
	v7 =	vld.idx.msk [tilespmem:v7+s3+$0x0], $0xffff;
	[tilespmem:s11+$0x280] =	vst v10;
	v10 =	vadd.s32 $0x9, v2  }
0x61: {  	s10 =	sand.u32 $0x70, s2;
	s21 =	sadd.s32 s9, s26;
	v12 =	vld.idx.msk [tilespmem:v13+s3+$0x0], $0xffff;
	[tilespmem:s1+$0x1A800] =	vst v4;
	v13 =	vadd.s32 $0x2, v3  }
0x62: {  	v15 =	vadd.s32 $0x7, v0;
	s4 =	sadd.s32 s10, s21;
	v11 =	vld.idx.msk [tilespmem:v11+s3+$0x0], $0xffff  }
0x63: {  	v4 =	vmul.u32 $0x11, v14;
	v16 =	vld [tilespmem:s4+$0x0];
	[tilespmem:s20+$0x180] =	vst v8;
	v8 =	vadd.s32 $0xC, v6  }
0x64: {  	s4 =	sadd.s32 $0x19700, s0;
	v9 =	vld.idx.msk [tilespmem:v9+s3+$0x0], $0xffff;
	[tilespmem:s29+$0x1A700] =	vst v5  }
0x65: {  	v5 =	vld.idx.msk [tilespmem:v10+s3+$0x0], $0xffff;
	[tilespmem:s4+$0x80] =	vst v7;
	v7 =	vadd.s32 $0x5, v1  }
0x66: {  	v10 =	vld.idx.msk [tilespmem:v13+s3+$0x0], $0xffff;
	[tilespmem:s11+$0x300] =	vst v12;
	v12 =	vadd.s32 $0xA, v2  }
0x67: {  	v13 =	vld.idx.msk [tilespmem:v15+s3+$0x0], $0xffff;
	[tilespmem:s1+$0x1A880] =	vst v11;
	v11 =	vadd.s32 $0x3, v3  }
0x68: {  	v14 =	vadd.s32 $0x8, v0;
	v8 =	vld.idx.msk [tilespmem:v8+s3+$0x0], $0xffff  }
0x69: {  	v15 =	vld.idx.msk [tilespmem:v4+s3+$0x0], $0xffff;
	[tilespmem:s20+$0x200] =	vst v9;
	v9 =	vadd.s32 $0xD, v6  }
0x6a: {  	s7 =	sor.u32 s7, s8;
	v7 =	vld.idx.msk [tilespmem:v7+s3+$0x0], $0xffff;
	[tilespmem:s29+$0x1A780] =	vst v5;
	v5 =	vadd.s32 $0x1, v4  }
0x6b: {  	s7 =	sor.u32 $0x380, s7;
	v12 =	vld.idx.msk [tilespmem:v12+s3+$0x0], $0xffff;
	[tilespmem:s4+$0x100] =	vst v10;
	v10 =	vadd.s32 $0x6, v1  }
0x6c: {  	v11 =	vld.idx.msk [tilespmem:v11+s3+$0x0], $0xffff;
	[tilespmem:s7+$0x19700] =	vst v13  }
0x6d: {  	s31 =	sor.u32 s22, s13;
	v13 =	vadd.s32 $0xB, v2;
	s7 =	simm.s32 $0x380;
	v14 =	vld.idx.msk [tilespmem:v14+s3+$0x0], $0xffff;
	[tilespmem:s1+$0x1A900] =	vst v8  }
0x6e: {  	s8 =	simm.s32 $0x70;
	[tilespmem:s31+$0x19700] =	vst v15;
	v8 =	vadd.s32 $0x4, v3;
	s12 =	sand.u32 $0xC00, s7;
	v15 =	vld.idx.msk [tilespmem:v9+s3+$0x0], $0xffff  }
0x6f: {  	s13 =	sand.u32 $0x70, s8;
	s22 =	sadd.s32 s12, s26;
	v17 =	vld.idx.msk [tilespmem:v5+s3+$0x0], $0xffff;
	[tilespmem:s20+$0x280] =	vst v7;
	v7 =	vadd.s32 $0x9, v0  }
0x70: {  	s11 =	sadd.s32 s13, s22;
	v10 =	vld.idx.msk [tilespmem:v10+s3+$0x0], $0xffff;
	[tilespmem:s29+$0x1A800] =	vst v12;
	v12 =	vadd.s32 $0xE, v6  }
0x71: {  	v18 =	vadd.s32 $0x2, v4;
	v5 =	vmul.u32 $0x11, v16;
	v9 =	vld [tilespmem:s11+$0x0]  }
0x72: {  	v13 =	vld.idx.msk [tilespmem:v13+s3+$0x0], $0xffff;
	[tilespmem:s4+$0x180] =	vst v11  }
0x73: {  	v11 =	vadd.s32 $0x7, v1;
	v8 =	vld.idx.msk [tilespmem:v8+s3+$0x0], $0xffff;
	[tilespmem:s28+$0x1A700] =	vst v14  }
0x74: {  	s11 =	sadd.s32 $0x19700, s31;
	v14 =	vadd.s32 $0xC, v2;
	[tilespmem:s1+$0x1A980] =	vst v15;
	v7 =	vld.idx.msk [tilespmem:v7+s3+$0x0], $0xffff  }
0x75: {  	v15 =	vadd.s32 $0x5, v3;
	[tilespmem:s11+$0x80] =	vst v17;
	v19 =	vld.idx.msk [tilespmem:v12+s3+$0x0], $0xffff  }
0x76: {  	v20 =	vld.idx.msk [tilespmem:v18+s3+$0x0], $0xffff;
	[tilespmem:s20+$0x300] =	vst v10;
	v10 =	vadd.s32 $0xA, v0  }
0x77: {  	v6 =	vadd.s32 $0xF, v6;
	v17 =	vld.idx.msk [tilespmem:v5+s3+$0x0], $0xffff  }
0x78: {  	v16 =	vadd.s32 $0x3, v4;
	v11 =	vld.idx.msk [tilespmem:v11+s3+$0x0], $0xffff;
	[tilespmem:s29+$0x1A880] =	vst v13  }
0x79: {  	v12 =	vadd.s32 $0x8, v1;
	v13 =	vld.idx.msk [tilespmem:v14+s3+$0x0], $0xffff;
	[tilespmem:s4+$0x200] =	vst v8  }
0x7a: {  	v8 =	vadd.s32 $0xD, v2;
	v14 =	vld.idx.msk [tilespmem:v15+s3+$0x0], $0xffff;
	[tilespmem:s28+$0x1A780] =	vst v7  }
0x7b: {  	s24 =	sor.u32 s19, s24;
	v18 =	vadd.s32 $0x1, v5;
	v7 =	vld.idx.msk [tilespmem:v10+s3+$0x0], $0xffff;
	[tilespmem:s1+$0x1AA00] =	vst v19  }
0x7c: {  	s19 =	simm.s32 $0x80;
	s16 =	sor.u32 $0x380, s24;
	v15 =	vadd.s32 $0x6, v3;
	[tilespmem:s11+$0x100] =	vst v20;
	v10 =	vld.idx.msk [tilespmem:v6+s3+$0x0], $0xffff  }
.LBB2_3:
0x7d: {  	p1 =	sne.s32 s19, $0x1F0;
	v6 =	vld.idx.msk [tilespmem:v16+s3+$0x0], $0xffff;
	[tilespmem:s16+$0x19700] =	vst v11;
	v11 =	vadd.s32 $0xB, v0;
	s20 =	smov.u32 s7;
	s21 =	smov.u32 s6  }
0x7e: {  	s16 =	sor.u32 s10, s9;
	s9 =	smov.u32 s12;
	s10 =	smov.u32 s13;
	v12 =	vld.idx.msk [tilespmem:v12+s3+$0x0], $0xffff;
	[tilespmem:s29+$0x1A900] =	vst v13  }
0x7f: {  	s7 =	sadd.s32 $0x80, s7;
	s6 =	smov.u32 s15;
	s15 =	smov.u32 s2;
	v13 =	vadd.s32 $0x4, v4;
	[tilespmem:s16+$0x19700] =	vst v17;
	v8 =	vld.idx.msk [tilespmem:v8+s3+$0x0], $0xffff  }
0x80: {  	s2 =	smov.u32 s8;
	s8 =	smov.u32 s19;
	s12 =	sand.u32 $0xC00, s7;
	v16 =	vld.idx.msk [tilespmem:v18+s3+$0x0], $0xffff;
	[tilespmem:s4+$0x280] =	vst v14;
	v14 =	vadd.s32 $0x9, v1  }
0x81: {  	s13 =	sand.u32 $0x70, s19;
	s24 =	sadd.s32 s12, s26;
	v15 =	vld.idx.msk [tilespmem:v15+s3+$0x0], $0xffff;
	[tilespmem:s28+$0x1A800] =	vst v7;
	v7 =	vadd.s32 $0xE, v2  }
0x82: {  	v17 =	vadd.s32 $0x2, v5;
	s24 =	sadd.s32 s13, s24;
	v18 =	vld.idx.msk [tilespmem:v11+s3+$0x0], $0xffff;
	[tilespmem:s1+$0x1AA80] =	vst v10;
	s1 =	smov.u32 s29;
	s29 =	smov.u32 s28  }
0x83: {  	s28 =	smov.u32 s30;
	s30 =	smov.u32 s0;
	s0 =	smov.u32 s31;
	v10 =	vld [tilespmem:s24+$0x0];
	[tilespmem:s11+$0x180] =	vst v6;
	v6 =	vadd.s32 $0x7, v3  }
0x84: {  	v19 =	vmul.u32 $0x11, v9;
	s31 =	smov.u32 s16;
	v20 =	vld.idx.msk [tilespmem:v13+s3+$0x0], $0xffff;
	[tilespmem:s28+$0x1A700] =	vst v12;
	v12 =	vadd.s32 $0xC, v0  }
0x85: {  	s16 =	sadd.s32 $0x19700, s31;
	v21 =	vld.idx.msk [tilespmem:v14+s3+$0x0], $0xffff;
	[tilespmem:s1+$0x1A980] =	vst v8  }
0x86: {  	v8 =	vadd.s32 $0x5, v4;
	[tilespmem:s16+$0x80] =	vst v16;
	v22 =	vld.idx.msk [tilespmem:v7+s3+$0x0], $0xffff  }
0x87: {  	v7 =	vadd.s32 $0xA, v1;
	v23 =	vld.idx.msk [tilespmem:v17+s3+$0x0], $0xffff;
	[tilespmem:s4+$0x300] =	vst v15;
	s4 =	smov.u32 s11;
	s11 =	smov.u32 s16  }
0x88: {  	v11 =	vld.idx.msk [tilespmem:v6+s3+$0x0], $0xffff;
	[tilespmem:s29+$0x1A880] =	vst v18;
	v6 =	vadd.s32 $0xF, v2;
	v9 =	vmovc v10;
	v2 =	vmovc v0;
	v0 =	vmov v1;
	v1 =	vmov v3  }
.Ltmp0:
0x89: {  	v16 =	vadd.s32 $0x3, v5;
	v3 =	vmovc v4;
	v4 =	vmov v5;
	v5 =	vmov v19;
	v13 =	vld.idx.msk [tilespmem:v12+s3+$0x0], $0xffff;
	(pc) =	sbr.rel @p1 .LBB2_3-.Ltmp0, $4  }
0x8a: {  	v12 =	vadd.s32 $0x8, v1;
	v17 =	vld.idx.msk [tilespmem:v19+s3+$0x0], $0xffff;
	[tilespmem:s4+$0x200] =	vst v20  }
0x8b: {  	v14 =	vld.idx.msk [tilespmem:v8+s3+$0x0], $0xffff;
	[tilespmem:s28+$0x1A780] =	vst v21;
	v8 =	vadd.s32 $0xD, v2  }
0x8c: {  	s16 =	sor.u32 s5, s21;
	s5 =	smov.u32 s14;
	s14 =	smov.u32 s18;
	v18 =	vadd.s32 $0x1, v5;
	v7 =	vld.idx.msk [tilespmem:v7+s3+$0x0], $0xffff;
	[tilespmem:s1+$0x1AA00] =	vst v22  }
0x8d: {  	s19 =	sadd.s32 $0x10, s19;
	s18 =	smov.u32 s20;
	s16 =	sor.u32 $0x380, s16;
	v15 =	vadd.s32 $0x6, v3;
	[tilespmem:s11+$0x100] =	vst v23;
	v10 =	vld.idx.msk [tilespmem:v6+s3+$0x0], $0xffff  }
0x8e: {  	v6 =	vmul.u32 $0x11, v9;
	_ =	sdelay $0x5  }
0x8f: {  	v9 =	vld.idx.msk [tilespmem:v6+s3+$0x0], $0xffff  }
0x90: {  	v19 =	vadd.s32 $0x1, v6  }
0x91: {  	s24 =	sor.u32 s10, s9  }
0x92: {  	[tilespmem:s24+$0x19700] =	vst v17  }
0x93: {  	s19 =	sor.u32 s13, s12;
	v17 =	vld.idx.msk [tilespmem:v18+s3+$0x0], $0xffff  }
0x94: {  	[tilespmem:s19+$0x19700] =	vst v9;
	v9 =	vadd.s32 $0x2, v5  }
0x95: {  	v18 =	vld.idx.msk [tilespmem:v19+s3+$0x0], $0xffff  }
0x96: {  	v19 =	vadd.s32 $0x2, v6  }
0x97: {  	s9 =	sadd.s32 $0x19700, s24  }
0x98: {  	[tilespmem:s9+$0x80] =	vst v17  }
0x99: {  	s17 =	sadd.s32 $0x19700, s19;
	v9 =	vld.idx.msk [tilespmem:v9+s3+$0x0], $0xffff  }
0x9a: {  	v17 =	vadd.s32 $0x3, v5;
	[tilespmem:s17+$0x80] =	vst v18  }
0x9b: {  	v18 =	vld.idx.msk [tilespmem:v19+s3+$0x0], $0xffff  }
0x9c: {  	v19 =	vadd.s32 $0x3, v6;
	_ =	sdelay $0x1  }
0x9d: {  	v16 =	vld.idx.msk [tilespmem:v16+s3+$0x0], $0xffff;
	[tilespmem:s9+$0x100] =	vst v9  }
0x9e: {  	v9 =	vadd.s32 $0x4, v4;
	v17 =	vld.idx.msk [tilespmem:v17+s3+$0x0], $0xffff  }
0x9f: {  	[tilespmem:s17+$0x100] =	vst v18;
	v18 =	vadd.s32 $0x4, v5  }
0xa0: {  	v19 =	vld.idx.msk [tilespmem:v19+s3+$0x0], $0xffff  }
0xa1: {  	v20 =	vadd.s32 $0x4, v6  }
0xa2: {  	[tilespmem:s11+$0x180] =	vst v16  }
0xa3: {  	v9 =	vld.idx.msk [tilespmem:v9+s3+$0x0], $0xffff;
	[tilespmem:s9+$0x180] =	vst v17  }
0xa4: {  	v16 =	vadd.s32 $0x5, v4;
	v17 =	vld.idx.msk [tilespmem:v18+s3+$0x0], $0xffff  }
0xa5: {  	v18 =	vadd.s32 $0x5, v5;
	[tilespmem:s17+$0x180] =	vst v19  }
0xa6: {  	v19 =	vld.idx.msk [tilespmem:v20+s3+$0x0], $0xffff  }
0xa7: {  	v20 =	vadd.s32 $0x5, v6  }
0xa8: {  	[tilespmem:s11+$0x200] =	vst v9  }
0xa9: {  	v9 =	vld.idx.msk [tilespmem:v16+s3+$0x0], $0xffff;
	[tilespmem:s9+$0x200] =	vst v17  }
0xaa: {  	v16 =	vadd.s32 $0x6, v4;
	v17 =	vld.idx.msk [tilespmem:v18+s3+$0x0], $0xffff  }
0xab: {  	v18 =	vadd.s32 $0x6, v5;
	[tilespmem:s17+$0x200] =	vst v19  }
0xac: {  	v19 =	vld.idx.msk [tilespmem:v20+s3+$0x0], $0xffff  }
0xad: {  	[tilespmem:s4+$0x280] =	vst v14;
	v20 =	vadd.s32 $0x6, v6  }
0xae: {  	[tilespmem:s11+$0x280] =	vst v9;
	v9 =	vld.idx.msk [tilespmem:v15+s3+$0x0], $0xffff  }
0xaf: {  	v14 =	vadd.s32 $0x7, v3;
	v15 =	vld.idx.msk [tilespmem:v16+s3+$0x0], $0xffff;
	[tilespmem:s9+$0x280] =	vst v17  }
0xb0: {  	[tilespmem:s16+$0x19700] =	vst v11;
	v16 =	vadd.s32 $0x7, v4;
	v17 =	vld.idx.msk [tilespmem:v18+s3+$0x0], $0xffff  }
0xb1: {  	v11 =	vadd.s32 $0x7, v5;
	[tilespmem:s17+$0x280] =	vst v19  }
0xb2: {  	[tilespmem:s29+$0x1A900] =	vst v13;
	v18 =	vld.idx.msk [tilespmem:v20+s3+$0x0], $0xffff  }
0xb3: {  	v13 =	vadd.s32 $0x7, v6;
	[tilespmem:s4+$0x300] =	vst v9  }
0xb4: {  	v9 =	vld.idx.msk [tilespmem:v14+s3+$0x0], $0xffff;
	[tilespmem:s11+$0x300] =	vst v15  }
0xb5: {  	v14 =	vadd.s32 $0x8, v3;
	v15 =	vld.idx.msk [tilespmem:v16+s3+$0x0], $0xffff;
	[tilespmem:s9+$0x300] =	vst v17  }
0xb6: {  	[tilespmem:s28+$0x1A800] =	vst v7;
	v16 =	vadd.s32 $0x8, v4;
	v11 =	vld.idx.msk [tilespmem:v11+s3+$0x0], $0xffff  }
0xb7: {  	s20 =	sor.u32 s5, s6;
	v12 =	vld.idx.msk [tilespmem:v12+s3+$0x0], $0xffff;
	v7 =	vadd.s32 $0x8, v5;
	[tilespmem:s17+$0x300] =	vst v18  }
0xb8: {  	s22 =	sor.u32 s14, s15;
	s21 =	sor.u32 $0x380, s20;
	[tilespmem:s1+$0x1AA80] =	vst v10;
	v17 =	vadd.s32 $0xB, v0;
	v13 =	vld.idx.msk [tilespmem:v13+s3+$0x0], $0xffff  }
0xb9: {  	s2 =	sor.u32 s18, s2;
	v8 =	vld.idx.msk [tilespmem:v8+s3+$0x0], $0xffff;
	s5 =	sor.u32 $0x380, s22;
	[tilespmem:s21+$0x19700] =	vst v9;
	v9 =	vadd.s32 $0x9, v1  }
0xba: {  	s6 =	sor.u32 $0x380, s2;
	v10 =	vadd.s32 $0x8, v6;
	v14 =	vld.idx.msk [tilespmem:v14+s3+$0x0], $0xffff;
	[tilespmem:s5+$0x19700] =	vst v15  }
0xbb: {  	s7 =	sor.u32 s7, s8;
	v15 =	vadd.s32 $0x9, v3;
	v16 =	vld.idx.msk [tilespmem:v16+s3+$0x0], $0xffff;
	[tilespmem:s6+$0x19700] =	vst v11  }
0xbc: {  	s8 =	sor.u32 $0x380, s7;
	[tilespmem:s30+$0x1A700] =	vst v12;
	v11 =	vadd.s32 $0x9, v4;
	v7 =	vld.idx.msk [tilespmem:v7+s3+$0x0], $0xffff  }
0xbd: {  	v12 =	vadd.s32 $0x9, v5;
	[tilespmem:s8+$0x19700] =	vst v13;
	v13 =	vld.idx.msk [tilespmem:v17+s3+$0x0], $0xffff  }
0xbe: {  	[tilespmem:s29+$0x1A980] =	vst v8;
	v17 =	vadd.s32 $0xE, v2;
	v9 =	vld.idx.msk [tilespmem:v9+s3+$0x0], $0xffff  }
0xbf: {  	v10 =	vld.idx.msk [tilespmem:v10+s3+$0x0], $0xffff;
	[tilespmem:s0+$0x1A700] =	vst v14;
	v14 =	vadd.s32 $0xA, v1  }
0xc0: {  	v8 =	vadd.s32 $0x9, v6;
	v15 =	vld.idx.msk [tilespmem:v15+s3+$0x0], $0xffff;
	[tilespmem:s31+$0x1A700] =	vst v16  }
0xc1: {  	v16 =	vadd.s32 $0xA, v3;
	v11 =	vld.idx.msk [tilespmem:v11+s3+$0x0], $0xffff;
	[tilespmem:s24+$0x1A700] =	vst v7  }
0xc2: {  	v7 =	vadd.s32 $0xA, v4;
	v12 =	vld.idx.msk [tilespmem:v12+s3+$0x0], $0xffff;
	[tilespmem:s28+$0x1A880] =	vst v13  }
0xc3: {  	v13 =	vld.idx.msk [tilespmem:v17+s3+$0x0], $0xffff;
	[tilespmem:s30+$0x1A780] =	vst v9;
	v17 =	vadd.s32 $0xC, v0  }
0xc4: {  	[tilespmem:s19+$0x1A700] =	vst v10;
	v10 =	vadd.s32 $0xA, v5;
	v14 =	vld.idx.msk [tilespmem:v14+s3+$0x0], $0xffff  }
0xc5: {  	v8 =	vld.idx.msk [tilespmem:v8+s3+$0x0], $0xffff;
	[tilespmem:s0+$0x1A780] =	vst v15;
	v15 =	vadd.s32 $0xB, v1  }
0xc6: {  	v9 =	vadd.s32 $0xA, v6;
	v16 =	vld.idx.msk [tilespmem:v16+s3+$0x0], $0xffff;
	[tilespmem:s31+$0x1A780] =	vst v11  }
0xc7: {  	v11 =	vadd.s32 $0xB, v3;
	v7 =	vld.idx.msk [tilespmem:v7+s3+$0x0], $0xffff;
	[tilespmem:s24+$0x1A780] =	vst v12  }
0xc8: {  	v2 =	vadd.s32 $0xF, v2;
	[tilespmem:s29+$0x1AA00] =	vst v13;
	v13 =	vld.idx.msk [tilespmem:v17+s3+$0x0], $0xffff  }
0xc9: {  	v12 =	vadd.s32 $0xB, v4;
	v10 =	vld.idx.msk [tilespmem:v10+s3+$0x0], $0xffff;
	[tilespmem:s30+$0x1A800] =	vst v14  }
0xca: {  	[tilespmem:s19+$0x1A780] =	vst v8;
	v8 =	vadd.s32 $0xB, v5;
	v15 =	vld.idx.msk [tilespmem:v15+s3+$0x0], $0xffff  }
0xcb: {  	v9 =	vld.idx.msk [tilespmem:v9+s3+$0x0], $0xffff;
	[tilespmem:s0+$0x1A800] =	vst v16;
	v16 =	vadd.s32 $0xC, v1  }
0xcc: {  	v14 =	vadd.s32 $0xB, v6;
	v11 =	vld.idx.msk [tilespmem:v11+s3+$0x0], $0xffff;
	[tilespmem:s31+$0x1A800] =	vst v7  }
0xcd: {  	v2 =	vld.idx.msk [tilespmem:v2+s3+$0x0], $0xffff;
	v7 =	vadd.s32 $0xC, v3;
	[tilespmem:s28+$0x1A900] =	vst v13  }
0xce: {  	v12 =	vld.idx.msk [tilespmem:v12+s3+$0x0], $0xffff;
	[tilespmem:s24+$0x1A800] =	vst v10  }
0xcf: {  	v10 =	vadd.s32 $0xC, v4;
	v8 =	vld.idx.msk [tilespmem:v8+s3+$0x0], $0xffff;
	[tilespmem:s30+$0x1A880] =	vst v15  }
0xd0: {  	[tilespmem:s19+$0x1A800] =	vst v9;
	v9 =	vadd.s32 $0xC, v5;
	v16 =	vld.idx.msk [tilespmem:v16+s3+$0x0], $0xffff  }
0xd1: {  	v13 =	vld.idx.msk [tilespmem:v14+s3+$0x0], $0xffff;
	[tilespmem:s0+$0x1A880] =	vst v11;
	v11 =	vadd.s32 $0xD, v1  }
0xd2: {  	[tilespmem:s29+$0x1AA80] =	vst v2;
	v14 =	vadd.s32 $0xC, v6;
	v7 =	vld.idx.msk [tilespmem:v7+s3+$0x0], $0xffff  }
0xd3: {  	v15 =	vadd.s32 $0xD, v0;
	[tilespmem:s31+$0x1A880] =	vst v12  }
0xd4: {  	v12 =	vadd.s32 $0xD, v3;
	v10 =	vld.idx.msk [tilespmem:v10+s3+$0x0], $0xffff;
	[tilespmem:s24+$0x1A880] =	vst v8  }
0xd5: {  	v8 =	vadd.s32 $0xD, v4;
	v9 =	vld.idx.msk [tilespmem:v9+s3+$0x0], $0xffff;
	[tilespmem:s30+$0x1A900] =	vst v16  }
0xd6: {  	v2 =	vadd.s32 $0xD, v5;
	[tilespmem:s19+$0x1A880] =	vst v13;
	v11 =	vld.idx.msk [tilespmem:v11+s3+$0x0], $0xffff  }
0xd7: {  	v13 =	vld.idx.msk [tilespmem:v14+s3+$0x0], $0xffff;
	[tilespmem:s0+$0x1A900] =	vst v7;
	v7 =	vadd.s32 $0xE, v1  }
0xd8: {  	v14 =	vld.idx.msk [tilespmem:v15+s3+$0x0], $0xffff;
	v15 =	vadd.s32 $0xD, v6  }
0xd9: {  	v16 =	vadd.s32 $0xE, v0;
	v12 =	vld.idx.msk [tilespmem:v12+s3+$0x0], $0xffff;
	[tilespmem:s31+$0x1A900] =	vst v10  }
0xda: {  	v10 =	vadd.s32 $0xE, v3;
	v8 =	vld.idx.msk [tilespmem:v8+s3+$0x0], $0xffff;
	[tilespmem:s24+$0x1A900] =	vst v9  }
0xdb: {  	v9 =	vadd.s32 $0xE, v4;
	v2 =	vld.idx.msk [tilespmem:v2+s3+$0x0], $0xffff;
	[tilespmem:s30+$0x1A980] =	vst v11  }
0xdc: {  	[tilespmem:s19+$0x1A900] =	vst v13;
	v13 =	vadd.s32 $0xE, v5;
	v7 =	vld.idx.msk [tilespmem:v7+s3+$0x0], $0xffff  }
0xdd: {  	v1 =	vadd.s32 $0xF, v1;
	[tilespmem:s28+$0x1A980] =	vst v14;
	v14 =	vld.idx.msk [tilespmem:v15+s3+$0x0], $0xffff  }
0xde: {  	v11 =	vadd.s32 $0xE, v6;
	v15 =	vld.idx.msk [tilespmem:v16+s3+$0x0], $0xffff;
	[tilespmem:s0+$0x1A980] =	vst v12  }
0xdf: {  	v0 =	vadd.s32 $0xF, v0;
	v10 =	vld.idx.msk [tilespmem:v10+s3+$0x0], $0xffff;
	[tilespmem:s31+$0x1A980] =	vst v8  }
0xe0: {  	v3 =	vadd.s32 $0xF, v3;
	v8 =	vld.idx.msk [tilespmem:v9+s3+$0x0], $0xffff;
	[tilespmem:s24+$0x1A980] =	vst v2  }
0xe1: {  	v2 =	vadd.s32 $0xF, v4;
	v4 =	vld.idx.msk [tilespmem:v13+s3+$0x0], $0xffff;
	[tilespmem:s30+$0x1AA00] =	vst v7  }
0xe2: {  	[tilespmem:s19+$0x1A980] =	vst v14;
	v1 =	vld.idx.msk [tilespmem:v1+s3+$0x0], $0xffff  }
0xe3: {  	[tilespmem:s28+$0x1AA00] =	vst v15;
	v9 =	vld.idx.msk [tilespmem:v11+s3+$0x0], $0xffff  }
0xe4: {  	v5 =	vadd.s32 $0xF, v5;
	v0 =	vld.idx.msk [tilespmem:v0+s3+$0x0], $0xffff;
	[tilespmem:s0+$0x1AA00] =	vst v10  }
0xe5: {  	v6 =	vadd.s32 $0xF, v6;
	v3 =	vld.idx.msk [tilespmem:v3+s3+$0x0], $0xffff;
	[tilespmem:s31+$0x1AA00] =	vst v8  }
0xe6: {  	v2 =	vld.idx.msk [tilespmem:v2+s3+$0x0], $0xffff;
	[tilespmem:s24+$0x1AA00] =	vst v4  }
0xe7: {  	[tilespmem:s30+$0x1AA80] =	vst v1  }
0xe8: {  	[tilespmem:s19+$0x1AA00] =	vst v9  }
0xe9: {  	v4 =	vld.idx.msk [tilespmem:v5+s3+$0x0], $0xffff;
	[tilespmem:s28+$0x1AA80] =	vst v0  }
0xea: {  	v0 =	vld.idx.msk [tilespmem:v6+s3+$0x0], $0xffff;
	[tilespmem:s0+$0x1AA80] =	vst v3  }
0xeb: {  	[tilespmem:s31+$0x1AA80] =	vst v2  }
0xec: {  	s9 =	sshll.u32 s25, $0x15;
	s1 =	rddreg [dreg:$0x4]  }
0xed: {  	s0 =	sor.u32 s1, s9  }
0xee: {  	s10 =	rddreg [dreg:$0x2];
	s12 =	simm.s32 $0x20000;
	[tilespmem:s24+$0x1AA80] =	vst v4;
	s28 =	sshrl.u32 s0, $0x3  }
0xef: {  	s13 =	simm.s32 $0x19700;
	s11 =	simm.s32 $0x1000;
	[tilespmem:s19+$0x1AA80] =	vst v0;
	s0 =	sadd.s32 s10, s28  }
0xf0: {  	[hbm4b:s0+s11] =	stream.strided.scatter [tilespmem:s13], [sflag:$0x2], $0x2000, s12, s11, $0x38;
	[tilespmem:$0x1D700] =	vst v63  }
0xf1: {  	s4 =	simm.s32 $0x0;
	s0 =	simm.s32 @!p0 $0x3  }
0xf2: {  	s14 =	sand.u32 $0xC00, s4;
	_ =	swait.ge @!p0 [sflag:s0], $0x2000  }
0xf3: {  	s15 =	sand.u32 $0x70, s4;
	s16 =	sadd.s32 s14, s26;
	[sflag:s0] =	ssyncset.done @!p0 $0x0  }
0xf4: {  	s17 =	sadd.s32 s15, s16;
	[sflag:s0] =	ssyncadd.s32 @!p0 $0xFFFFE000  }
0xf5: {  	v0 =	vld [tilespmem:s17+$0x80];
	_ =	sdelay $0x4  }
0xf6: {  	v6 =	vmul.u32 $0x11, v0;
	_ =	sdelay $0x5  }
0xf7: {  	s0 =	simm.s32 $0x80;
	v0 =	vld.idx.msk [tilespmem:v6+s3+$0x0], $0xffff  }
0xf8: {  	s2 =	simm.s32 $0x10;
	s18 =	sand.u32 $0xC00, s0;
	v1 =	vadd.s32 $0x1, v6  }
0xf9: {  	s19 =	sand.u32 $0x70, s2;
	s20 =	sadd.s32 s18, s26  }
0xfa: {  	s7 =	sadd.s32 s19, s20  }
0xfb: {  	s1 =	sor.u32 s15, s14;
	v2 =	vld [tilespmem:s7+$0x80]  }
0xfc: {  	[tilespmem:s1+$0x1B700] =	vst v0  }
0xfd: {  	v0 =	vld.idx.msk [tilespmem:v1+s3+$0x0], $0xffff  }
0xfe: {  	v1 =	vadd.s32 $0x2, v6;
	_ =	sdelay $0x1  }
0xff: {  	v2 =	vmul.u32 $0x11, v2  }
0x100: {  	s5 =	sadd.s32 $0x1B700, s1  }
0x101: {  	[tilespmem:s5+$0x80] =	vst v0  }
0x102: {  	v0 =	vld.idx.msk [tilespmem:v1+s3+$0x0], $0xffff  }
0x103: {  	s7 =	simm.s32 $0x100;
	v1 =	vadd.s32 $0x3, v6  }
0x104: {  	s8 =	simm.s32 $0x20;
	s21 =	sand.u32 $0xC00, s7  }
0x105: {  	s22 =	sand.u32 $0x70, s8;
	s13 =	sadd.s32 s21, s26;
	v3 =	vld.idx.msk [tilespmem:v2+s3+$0x0], $0xffff  }
0x106: {  	s12 =	sadd.s32 s22, s13;
	v4 =	vadd.s32 $0x1, v2  }
0x107: {  	v5 =	vld [tilespmem:s12+$0x80];
	[tilespmem:s5+$0x100] =	vst v0  }
0x108: {  	v0 =	vld.idx.msk [tilespmem:v1+s3+$0x0], $0xffff  }
0x109: {  	s30 =	sor.u32 s19, s18;
	v1 =	vadd.s32 $0x4, v6  }
0x10a: {  	[tilespmem:s30+$0x1B700] =	vst v3  }
0x10b: {  	v3 =	vld.idx.msk [tilespmem:v4+s3+$0x0], $0xffff  }
0x10c: {  	v4 =	vadd.s32 $0x2, v2  }
0x10d: {  	[tilespmem:s5+$0x180] =	vst v0;
	v0 =	vmul.u32 $0x11, v5  }
0x10e: {  	v1 =	vld.idx.msk [tilespmem:v1+s3+$0x0], $0xffff  }
0x10f: {  	s9 =	sadd.s32 $0x1B700, s30;
	v5 =	vadd.s32 $0x5, v6  }
0x110: {  	[tilespmem:s9+$0x80] =	vst v3  }
0x111: {  	v3 =	vld.idx.msk [tilespmem:v4+s3+$0x0], $0xffff  }
0x112: {  	s24 =	simm.s32 $0x180;
	v4 =	vadd.s32 $0x3, v2  }
0x113: {  	s14 =	sand.u32 $0xC00, s24;
	s12 =	simm.s32 $0x30;
	v7 =	vld.idx.msk [tilespmem:v0+s3+$0x0], $0xffff;
	[tilespmem:s5+$0x200] =	vst v1  }
0x114: {  	s17 =	sadd.s32 s14, s26;
	s16 =	sand.u32 $0x70, s12;
	v1 =	vld.idx.msk [tilespmem:v5+s3+$0x0], $0xffff;
	v5 =	vadd.s32 $0x1, v0  }
0x115: {  	v8 =	vadd.s32 $0x6, v6;
	s6 =	sadd.s32 s16, s17  }
0x116: {  	v9 =	vld [tilespmem:s6+$0x80];
	[tilespmem:s9+$0x100] =	vst v3  }
0x117: {  	s29 =	sor.u32 s22, s21;
	v3 =	vld.idx.msk [tilespmem:v4+s3+$0x0], $0xffff  }
0x118: {  	v4 =	vadd.s32 $0x4, v2;
	[tilespmem:s29+$0x1B700] =	vst v7  }
0x119: {  	v5 =	vld.idx.msk [tilespmem:v5+s3+$0x0], $0xffff;
	[tilespmem:s5+$0x280] =	vst v1  }
0x11a: {  	v7 =	vld.idx.msk [tilespmem:v8+s3+$0x0], $0xffff;
	v8 =	vadd.s32 $0x2, v0  }
0x11b: {  	v10 =	vadd.s32 $0x7, v6  }
0x11c: {  	[tilespmem:s9+$0x180] =	vst v3;
	v1 =	vmul.u32 $0x11, v9  }
0x11d: {  	s11 =	sadd.s32 $0x1B700, s29;
	v3 =	vld.idx.msk [tilespmem:v4+s3+$0x0], $0xffff  }
0x11e: {  	v4 =	vadd.s32 $0x5, v2;
	[tilespmem:s11+$0x80] =	vst v5  }
0x11f: {  	v5 =	vld.idx.msk [tilespmem:v8+s3+$0x0], $0xffff;
	[tilespmem:s5+$0x300] =	vst v7  }
0x120: {  	s5 =	simm.s32 $0x200;
	v8 =	vadd.s32 $0x3, v0;
	v7 =	vld.idx.msk [tilespmem:v10+s3+$0x0], $0xffff  }
0x121: {  	s6 =	simm.s32 $0x40;
	v9 =	vadd.s32 $0x8, v6;
	s18 =	sand.u32 $0xC00, s5  }
0x122: {  	s20 =	sand.u32 $0x70, s6;
	[tilespmem:s9+$0x200] =	vst v3;
	v10 =	vld.idx.msk [tilespmem:v1+s3+$0x0], $0xffff;
	s22 =	sadd.s32 s18, s26  }
0x123: {  	s4 =	sor.u32 s4, s4;
	v3 =	vld.idx.msk [tilespmem:v4+s3+$0x0], $0xffff;
	v4 =	vadd.s32 $0x1, v1;
	s15 =	sadd.s32 s20, s22  }
0x124: {  	s4 =	sor.u32 $0x380, s4;
	v11 =	vld [tilespmem:s15+$0x80];
	[tilespmem:s11+$0x100] =	vst v5;
	v5 =	vadd.s32 $0x6, v2  }
0x125: {  	v8 =	vld.idx.msk [tilespmem:v8+s3+$0x0], $0xffff;
	[tilespmem:s4+$0x1B700] =	vst v7  }
0x126: {  	s31 =	sor.u32 s16, s14;
	v7 =	vld.idx.msk [tilespmem:v9+s3+$0x0], $0xffff;
	v9 =	vadd.s32 $0x4, v0  }
0x127: {  	[tilespmem:s31+$0x1B700] =	vst v10;
	v10 =	vadd.s32 $0x9, v6  }
0x128: {  	[tilespmem:s9+$0x280] =	vst v3;
	v4 =	vld.idx.msk [tilespmem:v4+s3+$0x0], $0xffff  }
0x129: {  	v12 =	vadd.s32 $0x2, v1;
	v5 =	vld.idx.msk [tilespmem:v5+s3+$0x0], $0xffff  }
0x12a: {  	v3 =	vmul.u32 $0x11, v11;
	[tilespmem:s11+$0x180] =	vst v8;
	v8 =	vadd.s32 $0x7, v2  }
0x12b: {  	v9 =	vld.idx.msk [tilespmem:v9+s3+$0x0], $0xffff;
	[tilespmem:s1+$0x1C700] =	vst v7  }
0x12c: {  	s21 =	sadd.s32 $0x1B700, s31;
	v7 =	vld.idx.msk [tilespmem:v10+s3+$0x0], $0xffff;
	v10 =	vadd.s32 $0x5, v0  }
0x12d: {  	[tilespmem:s21+$0x80] =	vst v4;
	v4 =	vadd.s32 $0xA, v6  }
0x12e: {  	v11 =	vld.idx.msk [tilespmem:v12+s3+$0x0], $0xffff;
	[tilespmem:s9+$0x300] =	vst v5  }
0x12f: {  	s14 =	simm.s32 $0x280;
	v5 =	vld.idx.msk [tilespmem:v8+s3+$0x0], $0xffff;
	v8 =	vadd.s32 $0x3, v1  }
0x130: {  	s16 =	sand.u32 $0xC00, s14;
	s15 =	simm.s32 $0x50;
	v12 =	vld.idx.msk [tilespmem:v3+s3+$0x0], $0xffff;
	[tilespmem:s11+$0x200] =	vst v9;
	v9 =	vadd.s32 $0x8, v2  }
0x131: {  	s19 =	sadd.s32 s16, s26;
	s17 =	sand.u32 $0x70, s15;
	v10 =	vld.idx.msk [tilespmem:v10+s3+$0x0], $0xffff;
	[tilespmem:s1+$0x1C780] =	vst v7;
	v7 =	vadd.s32 $0x1, v3  }
0x132: {  	s0 =	sor.u32 s0, s2;
	v13 =	vadd.s32 $0x6, v0;
	s4 =	sadd.s32 s17, s19;
	v4 =	vld.idx.msk [tilespmem:v4+s3+$0x0], $0xffff  }
0x133: {  	s0 =	sor.u32 $0x380, s0;
	v14 =	vld [tilespmem:s4+$0x80];
	[tilespmem:s21+$0x100] =	vst v11;
	v11 =	vadd.s32 $0xB, v6  }
0x134: {  	v8 =	vld.idx.msk [tilespmem:v8+s3+$0x0], $0xffff;
	[tilespmem:s0+$0x1B700] =	vst v5;
	s0 =	sor.u32 s20, s18  }
0x135: {  	s19 =	simm.s32 $0x300;
	v5 =	vld.idx.msk [tilespmem:v9+s3+$0x0], $0xffff;
	[tilespmem:s0+$0x1B700] =	vst v12;
	v9 =	vadd.s32 $0x4, v1  }
0x136: {  	s2 =	simm.s32 $0x60;
	s9 =	sand.u32 $0xC00, s19;
	v7 =	vld.idx.msk [tilespmem:v7+s3+$0x0], $0xffff;
	[tilespmem:s11+$0x280] =	vst v10;
	v10 =	vadd.s32 $0x9, v2  }
0x137: {  	s10 =	sand.u32 $0x70, s2;
	s20 =	sadd.s32 s9, s26;
	v12 =	vld.idx.msk [tilespmem:v13+s3+$0x0], $0xffff;
	[tilespmem:s1+$0x1C800] =	vst v4;
	v13 =	vadd.s32 $0x2, v3  }
0x138: {  	v15 =	vadd.s32 $0x7, v0;
	s4 =	sadd.s32 s10, s20;
	v11 =	vld.idx.msk [tilespmem:v11+s3+$0x0], $0xffff  }
0x139: {  	v16 =	vld [tilespmem:s4+$0x80];
	v4 =	vmul.u32 $0x11, v14;
	[tilespmem:s21+$0x180] =	vst v8;
	v8 =	vadd.s32 $0xC, v6  }
0x13a: {  	s4 =	sadd.s32 $0x1B700, s0;
	v9 =	vld.idx.msk [tilespmem:v9+s3+$0x0], $0xffff;
	[tilespmem:s30+$0x1C700] =	vst v5  }
0x13b: {  	v5 =	vld.idx.msk [tilespmem:v10+s3+$0x0], $0xffff;
	[tilespmem:s4+$0x80] =	vst v7;
	v7 =	vadd.s32 $0x5, v1  }
0x13c: {  	v10 =	vld.idx.msk [tilespmem:v13+s3+$0x0], $0xffff;
	[tilespmem:s11+$0x300] =	vst v12;
	v12 =	vadd.s32 $0xA, v2  }
0x13d: {  	v13 =	vld.idx.msk [tilespmem:v15+s3+$0x0], $0xffff;
	[tilespmem:s1+$0x1C880] =	vst v11;
	v11 =	vadd.s32 $0x3, v3  }
0x13e: {  	v14 =	vadd.s32 $0x8, v0;
	v8 =	vld.idx.msk [tilespmem:v8+s3+$0x0], $0xffff  }
0x13f: {  	v15 =	vld.idx.msk [tilespmem:v4+s3+$0x0], $0xffff;
	[tilespmem:s21+$0x200] =	vst v9;
	v9 =	vadd.s32 $0xD, v6  }
0x140: {  	s7 =	sor.u32 s7, s8;
	v7 =	vld.idx.msk [tilespmem:v7+s3+$0x0], $0xffff;
	[tilespmem:s30+$0x1C780] =	vst v5;
	v5 =	vadd.s32 $0x1, v4  }
0x141: {  	s7 =	sor.u32 $0x380, s7;
	v12 =	vld.idx.msk [tilespmem:v12+s3+$0x0], $0xffff;
	[tilespmem:s4+$0x100] =	vst v10;
	v10 =	vadd.s32 $0x6, v1  }
0x142: {  	v11 =	vld.idx.msk [tilespmem:v11+s3+$0x0], $0xffff;
	[tilespmem:s7+$0x1B700] =	vst v13  }
0x143: {  	s18 =	sor.u32 s17, s16;
	v13 =	vadd.s32 $0xB, v2;
	s7 =	simm.s32 $0x380;
	v14 =	vld.idx.msk [tilespmem:v14+s3+$0x0], $0xffff;
	[tilespmem:s1+$0x1C900] =	vst v8  }
0x144: {  	s8 =	simm.s32 $0x70;
	[tilespmem:s18+$0x1B700] =	vst v15;
	v8 =	vadd.s32 $0x4, v3;
	s13 =	sand.u32 $0xC00, s7;
	v15 =	vld.idx.msk [tilespmem:v9+s3+$0x0], $0xffff  }
0x145: {  	s20 =	sand.u32 $0x70, s8;
	s22 =	sadd.s32 s13, s26;
	v17 =	vld.idx.msk [tilespmem:v5+s3+$0x0], $0xffff;
	[tilespmem:s21+$0x280] =	vst v7;
	v7 =	vadd.s32 $0x9, v0  }
0x146: {  	s11 =	sadd.s32 s20, s22;
	v10 =	vld.idx.msk [tilespmem:v10+s3+$0x0], $0xffff;
	[tilespmem:s30+$0x1C800] =	vst v12;
	v12 =	vadd.s32 $0xE, v6  }
0x147: {  	v18 =	vadd.s32 $0x2, v4;
	v5 =	vmul.u32 $0x11, v16;
	v9 =	vld [tilespmem:s11+$0x80]  }
0x148: {  	v13 =	vld.idx.msk [tilespmem:v13+s3+$0x0], $0xffff;
	[tilespmem:s4+$0x180] =	vst v11  }
0x149: {  	v11 =	vadd.s32 $0x7, v1;
	v8 =	vld.idx.msk [tilespmem:v8+s3+$0x0], $0xffff;
	[tilespmem:s29+$0x1C700] =	vst v14  }
0x14a: {  	s11 =	sadd.s32 $0x1B700, s18;
	v14 =	vadd.s32 $0xC, v2;
	[tilespmem:s1+$0x1C980] =	vst v15;
	v7 =	vld.idx.msk [tilespmem:v7+s3+$0x0], $0xffff  }
0x14b: {  	v15 =	vadd.s32 $0x5, v3;
	[tilespmem:s11+$0x80] =	vst v17;
	v19 =	vld.idx.msk [tilespmem:v12+s3+$0x0], $0xffff  }
0x14c: {  	[tilespmem:s21+$0x300] =	vst v10;
	v10 =	vld.idx.msk [tilespmem:v18+s3+$0x0], $0xffff;
	v18 =	vadd.s32 $0xA, v0  }
0x14d: {  	v6 =	vadd.s32 $0xF, v6;
	v17 =	vld.idx.msk [tilespmem:v5+s3+$0x0], $0xffff  }
0x14e: {  	v16 =	vadd.s32 $0x3, v4;
	v11 =	vld.idx.msk [tilespmem:v11+s3+$0x0], $0xffff;
	[tilespmem:s30+$0x1C880] =	vst v13  }
0x14f: {  	v12 =	vadd.s32 $0x8, v1;
	v13 =	vld.idx.msk [tilespmem:v14+s3+$0x0], $0xffff;
	[tilespmem:s4+$0x200] =	vst v8  }
0x150: {  	v8 =	vadd.s32 $0xD, v2;
	v14 =	vld.idx.msk [tilespmem:v15+s3+$0x0], $0xffff;
	[tilespmem:s29+$0x1C780] =	vst v7  }
0x151: {  	s24 =	sor.u32 s24, s12;
	v7 =	vld.idx.msk [tilespmem:v18+s3+$0x0], $0xffff;
	[tilespmem:s1+$0x1CA00] =	vst v19;
	v18 =	vadd.s32 $0x1, v5  }
0x152: {  	s12 =	simm.s32 $0x80;
	s16 =	sor.u32 $0x380, s24;
	v15 =	vadd.s32 $0x6, v3;
	[tilespmem:s11+$0x100] =	vst v10;
	v10 =	vld.idx.msk [tilespmem:v6+s3+$0x0], $0xffff  }
.LBB2_5:
0x153: {  	p0 =	sne.s32 s12, $0x1F0;
	v6 =	vld.idx.msk [tilespmem:v16+s3+$0x0], $0xffff;
	[tilespmem:s16+$0x1B700] =	vst v11;
	v11 =	vadd.s32 $0xB, v0;
	s21 =	smov.u32 s7;
	s24 =	smov.u32 s6  }
0x154: {  	s16 =	sor.u32 s10, s9;
	s9 =	smov.u32 s13;
	s10 =	smov.u32 s20;
	v12 =	vld.idx.msk [tilespmem:v12+s3+$0x0], $0xffff;
	[tilespmem:s30+$0x1C900] =	vst v13  }
0x155: {  	s7 =	sadd.s32 $0x80, s7;
	s6 =	smov.u32 s15;
	s15 =	smov.u32 s2;
	v13 =	vadd.s32 $0x4, v4;
	[tilespmem:s16+$0x1B700] =	vst v17;
	v8 =	vld.idx.msk [tilespmem:v8+s3+$0x0], $0xffff  }
0x156: {  	s2 =	smov.u32 s8;
	s8 =	smov.u32 s12;
	s13 =	sand.u32 $0xC00, s7;
	v16 =	vld.idx.msk [tilespmem:v18+s3+$0x0], $0xffff;
	[tilespmem:s4+$0x280] =	vst v14;
	v14 =	vadd.s32 $0x9, v1  }
0x157: {  	s20 =	sand.u32 $0x70, s12;
	s17 =	sadd.s32 s13, s26;
	v15 =	vld.idx.msk [tilespmem:v15+s3+$0x0], $0xffff;
	[tilespmem:s29+$0x1C800] =	vst v7;
	v7 =	vadd.s32 $0xE, v2  }
0x158: {  	v17 =	vadd.s32 $0x2, v5;
	s17 =	sadd.s32 s20, s17;
	v18 =	vld.idx.msk [tilespmem:v11+s3+$0x0], $0xffff;
	[tilespmem:s1+$0x1CA80] =	vst v10;
	s1 =	smov.u32 s30;
	s30 =	smov.u32 s29  }
0x159: {  	s29 =	smov.u32 s31;
	s31 =	smov.u32 s0;
	s0 =	smov.u32 s18;
	v10 =	vld [tilespmem:s17+$0x80];
	[tilespmem:s11+$0x180] =	vst v6;
	v6 =	vadd.s32 $0x7, v3  }
0x15a: {  	v19 =	vmul.u32 $0x11, v9;
	s18 =	smov.u32 s16;
	v20 =	vld.idx.msk [tilespmem:v13+s3+$0x0], $0xffff;
	[tilespmem:s29+$0x1C700] =	vst v12;
	v12 =	vadd.s32 $0xC, v0  }
0x15b: {  	s16 =	sadd.s32 $0x1B700, s18;
	v21 =	vld.idx.msk [tilespmem:v14+s3+$0x0], $0xffff;
	[tilespmem:s1+$0x1C980] =	vst v8  }
0x15c: {  	v8 =	vadd.s32 $0x5, v4;
	[tilespmem:s16+$0x80] =	vst v16;
	v22 =	vld.idx.msk [tilespmem:v7+s3+$0x0], $0xffff  }
0x15d: {  	v7 =	vadd.s32 $0xA, v1;
	v23 =	vld.idx.msk [tilespmem:v17+s3+$0x0], $0xffff;
	[tilespmem:s4+$0x300] =	vst v15;
	s4 =	smov.u32 s11;
	s11 =	smov.u32 s16  }
0x15e: {  	v11 =	vld.idx.msk [tilespmem:v6+s3+$0x0], $0xffff;
	[tilespmem:s30+$0x1C880] =	vst v18;
	v6 =	vadd.s32 $0xF, v2;
	v9 =	vmovc v10;
	v2 =	vmovc v0;
	v0 =	vmov v1;
	v1 =	vmov v3  }
.Ltmp1:
0x15f: {  	v16 =	vadd.s32 $0x3, v5;
	v3 =	vmovc v4;
	v4 =	vmov v5;
	v5 =	vmov v19;
	v13 =	vld.idx.msk [tilespmem:v12+s3+$0x0], $0xffff;
	(pc) =	sbr.rel @p0 .LBB2_5-.Ltmp1, $4  }
0x160: {  	v12 =	vadd.s32 $0x8, v1;
	v17 =	vld.idx.msk [tilespmem:v19+s3+$0x0], $0xffff;
	[tilespmem:s4+$0x200] =	vst v20  }
0x161: {  	v14 =	vld.idx.msk [tilespmem:v8+s3+$0x0], $0xffff;
	[tilespmem:s29+$0x1C780] =	vst v21;
	v8 =	vadd.s32 $0xD, v2  }
0x162: {  	s16 =	sor.u32 s5, s24;
	s5 =	smov.u32 s14;
	s14 =	smov.u32 s19;
	v18 =	vadd.s32 $0x1, v5;
	v7 =	vld.idx.msk [tilespmem:v7+s3+$0x0], $0xffff;
	[tilespmem:s1+$0x1CA00] =	vst v22  }
0x163: {  	s12 =	sadd.s32 $0x10, s12;
	s19 =	smov.u32 s21;
	s16 =	sor.u32 $0x380, s16;
	v15 =	vadd.s32 $0x6, v3;
	[tilespmem:s11+$0x100] =	vst v23;
	v10 =	vld.idx.msk [tilespmem:v6+s3+$0x0], $0xffff  }
0x164: {  	v6 =	vmul.u32 $0x11, v9;
	_ =	sdelay $0x5  }
0x165: {  	v9 =	vld.idx.msk [tilespmem:v6+s3+$0x0], $0xffff  }
0x166: {  	v19 =	vadd.s32 $0x1, v6;
	_ =	sdelay $0x1  }
0x167: {  	s24 =	sor.u32 s10, s9  }
0x168: {  	s13 =	sor.u32 s20, s13;
	[tilespmem:s24+$0x1B700] =	vst v17  }
0x169: {  	v17 =	vld.idx.msk [tilespmem:v18+s3+$0x0], $0xffff;
	[tilespmem:s13+$0x1B700] =	vst v9  }
0x16a: {  	v9 =	vadd.s32 $0x2, v5;
	v18 =	vld.idx.msk [tilespmem:v19+s3+$0x0], $0xffff  }
0x16b: {  	v19 =	vadd.s32 $0x2, v6;
	_ =	sdelay $0x1  }
0x16c: {  	s10 =	sadd.s32 $0x1B700, s24  }
0x16d: {  	s12 =	sadd.s32 $0x1B700, s13;
	[tilespmem:s10+$0x80] =	vst v17  }
0x16e: {  	v9 =	vld.idx.msk [tilespmem:v9+s3+$0x0], $0xffff;
	[tilespmem:s12+$0x80] =	vst v18  }
0x16f: {  	v17 =	vadd.s32 $0x3, v5;
	v18 =	vld.idx.msk [tilespmem:v19+s3+$0x0], $0xffff  }
0x170: {  	v19 =	vadd.s32 $0x3, v6;
	_ =	sdelay $0x2  }
0x171: {  	v16 =	vld.idx.msk [tilespmem:v16+s3+$0x0], $0xffff;
	[tilespmem:s10+$0x100] =	vst v9  }
0x172: {  	v9 =	vadd.s32 $0x4, v4;
	v17 =	vld.idx.msk [tilespmem:v17+s3+$0x0], $0xffff;
	[tilespmem:s12+$0x100] =	vst v18  }
0x173: {  	v18 =	vadd.s32 $0x4, v5;
	v19 =	vld.idx.msk [tilespmem:v19+s3+$0x0], $0xffff  }
0x174: {  	v20 =	vadd.s32 $0x4, v6;
	_ =	sdelay $0x1  }
0x175: {  	[tilespmem:s11+$0x180] =	vst v16  }
0x176: {  	v9 =	vld.idx.msk [tilespmem:v9+s3+$0x0], $0xffff;
	[tilespmem:s10+$0x180] =	vst v17  }
0x177: {  	v16 =	vadd.s32 $0x5, v4;
	v17 =	vld.idx.msk [tilespmem:v18+s3+$0x0], $0xffff;
	[tilespmem:s12+$0x180] =	vst v19  }
0x178: {  	v18 =	vadd.s32 $0x5, v5;
	v19 =	vld.idx.msk [tilespmem:v20+s3+$0x0], $0xffff  }
0x179: {  	v20 =	vadd.s32 $0x5, v6;
	_ =	sdelay $0x1  }
0x17a: {  	[tilespmem:s11+$0x200] =	vst v9  }
0x17b: {  	v9 =	vld.idx.msk [tilespmem:v16+s3+$0x0], $0xffff;
	[tilespmem:s10+$0x200] =	vst v17  }
0x17c: {  	v16 =	vadd.s32 $0x6, v4;
	v17 =	vld.idx.msk [tilespmem:v18+s3+$0x0], $0xffff;
	[tilespmem:s12+$0x200] =	vst v19  }
0x17d: {  	v18 =	vadd.s32 $0x6, v5;
	v19 =	vld.idx.msk [tilespmem:v20+s3+$0x0], $0xffff  }
0x17e: {  	v20 =	vadd.s32 $0x6, v6  }
0x17f: {  	[tilespmem:s4+$0x280] =	vst v14  }
0x180: {  	[tilespmem:s11+$0x280] =	vst v9;
	v9 =	vld.idx.msk [tilespmem:v15+s3+$0x0], $0xffff  }
0x181: {  	v14 =	vadd.s32 $0x7, v3;
	v15 =	vld.idx.msk [tilespmem:v16+s3+$0x0], $0xffff;
	[tilespmem:s10+$0x280] =	vst v17  }
0x182: {  	v16 =	vadd.s32 $0x7, v4;
	v17 =	vld.idx.msk [tilespmem:v18+s3+$0x0], $0xffff;
	[tilespmem:s12+$0x280] =	vst v19  }
0x183: {  	[tilespmem:s16+$0x1B700] =	vst v11;
	v11 =	vadd.s32 $0x7, v5;
	v18 =	vld.idx.msk [tilespmem:v20+s3+$0x0], $0xffff  }
0x184: {  	[tilespmem:s30+$0x1C900] =	vst v13;
	v13 =	vadd.s32 $0x7, v6  }
0x185: {  	[tilespmem:s4+$0x300] =	vst v9  }
0x186: {  	v9 =	vld.idx.msk [tilespmem:v14+s3+$0x0], $0xffff;
	[tilespmem:s11+$0x300] =	vst v15  }
0x187: {  	v14 =	vadd.s32 $0x8, v3;
	v15 =	vld.idx.msk [tilespmem:v16+s3+$0x0], $0xffff;
	[tilespmem:s10+$0x300] =	vst v17  }
0x188: {  	v16 =	vadd.s32 $0x8, v4;
	v11 =	vld.idx.msk [tilespmem:v11+s3+$0x0], $0xffff;
	[tilespmem:s12+$0x300] =	vst v18  }
0x189: {  	s17 =	sor.u32 s5, s6;
	[tilespmem:s29+$0x1C800] =	vst v7;
	v7 =	vadd.s32 $0x8, v5;
	v13 =	vld.idx.msk [tilespmem:v13+s3+$0x0], $0xffff  }
0x18a: {  	s21 =	sor.u32 s14, s15;
	v12 =	vld.idx.msk [tilespmem:v12+s3+$0x0], $0xffff;
	s20 =	sor.u32 $0x380, s17;
	[tilespmem:s1+$0x1CA80] =	vst v10;
	v10 =	vadd.s32 $0x8, v6  }
0x18b: {  	s2 =	sor.u32 s19, s2;
	v8 =	vld.idx.msk [tilespmem:v8+s3+$0x0], $0xffff;
	s22 =	sor.u32 $0x380, s21;
	v17 =	vadd.s32 $0xB, v0;
	[tilespmem:s20+$0x1B700] =	vst v9  }
0x18c: {  	s2 =	sor.u32 $0x380, s2;
	s4 =	sor.u32 s7, s8;
	v9 =	vadd.s32 $0x9, v1;
	v14 =	vld.idx.msk [tilespmem:v14+s3+$0x0], $0xffff;
	[tilespmem:s22+$0x1B700] =	vst v15  }
0x18d: {  	s5 =	sor.u32 $0x380, s4;
	v15 =	vadd.s32 $0x9, v3;
	v16 =	vld.idx.msk [tilespmem:v16+s3+$0x0], $0xffff;
	[tilespmem:s2+$0x1B700] =	vst v11  }
0x18e: {  	v11 =	vadd.s32 $0x9, v4;
	v7 =	vld.idx.msk [tilespmem:v7+s3+$0x0], $0xffff;
	[tilespmem:s5+$0x1B700] =	vst v13  }
0x18f: {  	[tilespmem:s31+$0x1C700] =	vst v12;
	v12 =	vadd.s32 $0x9, v5;
	v10 =	vld.idx.msk [tilespmem:v10+s3+$0x0], $0xffff  }
0x190: {  	[tilespmem:s30+$0x1C980] =	vst v8;
	v8 =	vadd.s32 $0x9, v6;
	v13 =	vld.idx.msk [tilespmem:v17+s3+$0x0], $0xffff  }
0x191: {  	v17 =	vadd.s32 $0xE, v2;
	v9 =	vld.idx.msk [tilespmem:v9+s3+$0x0], $0xffff;
	[tilespmem:s0+$0x1C700] =	vst v14  }
0x192: {  	v14 =	vadd.s32 $0xA, v1;
	v15 =	vld.idx.msk [tilespmem:v15+s3+$0x0], $0xffff;
	[tilespmem:s18+$0x1C700] =	vst v16  }
0x193: {  	v16 =	vadd.s32 $0xA, v3;
	v11 =	vld.idx.msk [tilespmem:v11+s3+$0x0], $0xffff;
	[tilespmem:s24+$0x1C700] =	vst v7  }
0x194: {  	v7 =	vadd.s32 $0xA, v4;
	v12 =	vld.idx.msk [tilespmem:v12+s3+$0x0], $0xffff;
	[tilespmem:s13+$0x1C700] =	vst v10  }
0x195: {  	[tilespmem:s29+$0x1C880] =	vst v13;
	v10 =	vadd.s32 $0xA, v5;
	v8 =	vld.idx.msk [tilespmem:v8+s3+$0x0], $0xffff  }
0x196: {  	v13 =	vld.idx.msk [tilespmem:v17+s3+$0x0], $0xffff;
	[tilespmem:s31+$0x1C780] =	vst v9;
	v9 =	vadd.s32 $0xA, v6  }
0x197: {  	v17 =	vadd.s32 $0xC, v0;
	v14 =	vld.idx.msk [tilespmem:v14+s3+$0x0], $0xffff;
	[tilespmem:s0+$0x1C780] =	vst v15  }
0x198: {  	v15 =	vadd.s32 $0xB, v1;
	v16 =	vld.idx.msk [tilespmem:v16+s3+$0x0], $0xffff;
	[tilespmem:s18+$0x1C780] =	vst v11  }
0x199: {  	v11 =	vadd.s32 $0xB, v3;
	v7 =	vld.idx.msk [tilespmem:v7+s3+$0x0], $0xffff;
	[tilespmem:s24+$0x1C780] =	vst v12  }
0x19a: {  	v12 =	vadd.s32 $0xB, v4;
	v10 =	vld.idx.msk [tilespmem:v10+s3+$0x0], $0xffff;
	[tilespmem:s13+$0x1C780] =	vst v8  }
0x19b: {  	[tilespmem:s30+$0x1CA00] =	vst v13;
	v8 =	vadd.s32 $0xB, v5;
	v9 =	vld.idx.msk [tilespmem:v9+s3+$0x0], $0xffff  }
0x19c: {  	v13 =	vld.idx.msk [tilespmem:v17+s3+$0x0], $0xffff;
	[tilespmem:s31+$0x1C800] =	vst v14;
	v14 =	vadd.s32 $0xB, v6  }
0x19d: {  	v2 =	vadd.s32 $0xF, v2;
	v15 =	vld.idx.msk [tilespmem:v15+s3+$0x0], $0xffff;
	[tilespmem:s0+$0x1C800] =	vst v16  }
0x19e: {  	v16 =	vadd.s32 $0xC, v1;
	v11 =	vld.idx.msk [tilespmem:v11+s3+$0x0], $0xffff;
	[tilespmem:s18+$0x1C800] =	vst v7  }
0x19f: {  	v7 =	vadd.s32 $0xC, v3;
	v12 =	vld.idx.msk [tilespmem:v12+s3+$0x0], $0xffff;
	[tilespmem:s24+$0x1C800] =	vst v10  }
0x1a0: {  	v10 =	vadd.s32 $0xC, v4;
	v8 =	vld.idx.msk [tilespmem:v8+s3+$0x0], $0xffff;
	[tilespmem:s13+$0x1C800] =	vst v9  }
0x1a1: {  	[tilespmem:s29+$0x1C900] =	vst v13;
	v9 =	vadd.s32 $0xC, v5;
	v13 =	vld.idx.msk [tilespmem:v14+s3+$0x0], $0xffff  }
0x1a2: {  	v2 =	vld.idx.msk [tilespmem:v2+s3+$0x0], $0xffff;
	[tilespmem:s31+$0x1C880] =	vst v15;
	v14 =	vadd.s32 $0xC, v6  }
0x1a3: {  	v15 =	vadd.s32 $0xD, v0;
	v16 =	vld.idx.msk [tilespmem:v16+s3+$0x0], $0xffff;
	[tilespmem:s0+$0x1C880] =	vst v11  }
0x1a4: {  	v11 =	vadd.s32 $0xD, v1;
	v7 =	vld.idx.msk [tilespmem:v7+s3+$0x0], $0xffff;
	[tilespmem:s18+$0x1C880] =	vst v12  }
0x1a5: {  	v12 =	vadd.s32 $0xD, v3;
	v10 =	vld.idx.msk [tilespmem:v10+s3+$0x0], $0xffff;
	[tilespmem:s24+$0x1C880] =	vst v8  }
0x1a6: {  	v8 =	vadd.s32 $0xD, v4;
	v9 =	vld.idx.msk [tilespmem:v9+s3+$0x0], $0xffff;
	[tilespmem:s13+$0x1C880] =	vst v13  }
0x1a7: {  	[tilespmem:s30+$0x1CA80] =	vst v2;
	v2 =	vadd.s32 $0xD, v5;
	v13 =	vld.idx.msk [tilespmem:v14+s3+$0x0], $0xffff  }
0x1a8: {  	[tilespmem:s31+$0x1C900] =	vst v16;
	v14 =	vld.idx.msk [tilespmem:v15+s3+$0x0], $0xffff;
	v15 =	vadd.s32 $0xD, v6  }
0x1a9: {  	v16 =	vadd.s32 $0xE, v0;
	v11 =	vld.idx.msk [tilespmem:v11+s3+$0x0], $0xffff;
	[tilespmem:s0+$0x1C900] =	vst v7  }
0x1aa: {  	v7 =	vadd.s32 $0xE, v1;
	v12 =	vld.idx.msk [tilespmem:v12+s3+$0x0], $0xffff;
	[tilespmem:s18+$0x1C900] =	vst v10  }
0x1ab: {  	v10 =	vadd.s32 $0xE, v3;
	v8 =	vld.idx.msk [tilespmem:v8+s3+$0x0], $0xffff;
	[tilespmem:s24+$0x1C900] =	vst v9  }
0x1ac: {  	v9 =	vadd.s32 $0xE, v4;
	v2 =	vld.idx.msk [tilespmem:v2+s3+$0x0], $0xffff;
	[tilespmem:s13+$0x1C900] =	vst v13  }
0x1ad: {  	[tilespmem:s29+$0x1C980] =	vst v14;
	v13 =	vadd.s32 $0xE, v5;
	v14 =	vld.idx.msk [tilespmem:v15+s3+$0x0], $0xffff  }
0x1ae: {  	[tilespmem:s31+$0x1C980] =	vst v11;
	v11 =	vadd.s32 $0xE, v6;
	v15 =	vld.idx.msk [tilespmem:v16+s3+$0x0], $0xffff  }
0x1af: {  	v0 =	vadd.s32 $0xF, v0;
	v7 =	vld.idx.msk [tilespmem:v7+s3+$0x0], $0xffff;
	[tilespmem:s0+$0x1C980] =	vst v12  }
0x1b0: {  	v1 =	vadd.s32 $0xF, v1;
	v10 =	vld.idx.msk [tilespmem:v10+s3+$0x0], $0xffff;
	[tilespmem:s18+$0x1C980] =	vst v8  }
0x1b1: {  	v3 =	vadd.s32 $0xF, v3;
	v8 =	vld.idx.msk [tilespmem:v9+s3+$0x0], $0xffff;
	[tilespmem:s24+$0x1C980] =	vst v2  }
0x1b2: {  	v2 =	vadd.s32 $0xF, v4;
	v4 =	vld.idx.msk [tilespmem:v13+s3+$0x0], $0xffff;
	[tilespmem:s13+$0x1C980] =	vst v14  }
0x1b3: {  	v5 =	vadd.s32 $0xF, v5;
	[tilespmem:s29+$0x1CA00] =	vst v15;
	v9 =	vld.idx.msk [tilespmem:v11+s3+$0x0], $0xffff  }
0x1b4: {  	v6 =	vadd.s32 $0xF, v6;
	[tilespmem:s31+$0x1CA00] =	vst v7;
	v0 =	vld.idx.msk [tilespmem:v0+s3+$0x0], $0xffff  }
0x1b5: {  	v1 =	vld.idx.msk [tilespmem:v1+s3+$0x0], $0xffff;
	[tilespmem:s0+$0x1CA00] =	vst v10  }
0x1b6: {  	v3 =	vld.idx.msk [tilespmem:v3+s3+$0x0], $0xffff;
	[tilespmem:s18+$0x1CA00] =	vst v8  }
0x1b7: {  	v2 =	vld.idx.msk [tilespmem:v2+s3+$0x0], $0xffff;
	[tilespmem:s24+$0x1CA00] =	vst v4  }
0x1b8: {  	v4 =	vld.idx.msk [tilespmem:v5+s3+$0x0], $0xffff;
	[tilespmem:s13+$0x1CA00] =	vst v9  }
0x1b9: {  	[tilespmem:s29+$0x1CA80] =	vst v0;
	v0 =	vld.idx.msk [tilespmem:v6+s3+$0x0], $0xffff  }
0x1ba: {  	[tilespmem:s31+$0x1CA80] =	vst v1  }
0x1bb: {  	[tilespmem:s0+$0x1CA80] =	vst v3  }
0x1bc: {  	[tilespmem:s18+$0x1CA80] =	vst v2  }
0x1bd: {  	[tilespmem:s24+$0x1CA80] =	vst v4  }
0x1be: {  	s6 =	simm.s32 $0x1000;
	[tilespmem:s13+$0x1CA80] =	vst v0  }
0x1bf: {  	s9 =	simm.s32 $0x2;
	s7 =	simm.s32 $0x20000;
	s0 =	rddreg [dreg:$0x7]  }
0x1c0: {  	s8 =	simm.s32 $0x1B700;
	s4 =	simm.s32 $0x0;
	s0 =	sadd.s32 s28, s0  }
0x1c1: {  	[hbm4b:s0+s6] =	stream.strided.scatter [tilespmem:s8], [sflag:$0x3], $0x2000, s7, s6, $0x38;
	[tilespmem:$0x1D700] =	vst v63  }
0x1c2: {  	s10 =	sand.u32 $0xC00, s4;
	_ =	swait.ge [sflag:s9], $0x2000  }
0x1c3: {  	s11 =	sand.u32 $0x70, s4;
	s12 =	sadd.s32 s10, s26;
	[sflag:s9] =	ssyncset.done $0x0  }
0x1c4: {  	s0 =	sadd.s32 s11, s12;
	[sflag:s9] =	ssyncadd.s32 $0xFFFFE000  }
0x1c5: {  	v0 =	vld [tilespmem:s0+$0x100];
	_ =	sdelay $0x4  }
0x1c6: {  	v6 =	vmul.u32 $0x11, v0;
	_ =	sdelay $0x5  }
0x1c7: {  	s0 =	simm.s32 $0x80;
	v0 =	vld.idx.msk [tilespmem:v6+s3+$0x0], $0xffff  }
0x1c8: {  	s2 =	simm.s32 $0x10;
	s13 =	sand.u32 $0xC00, s0;
	v1 =	vadd.s32 $0x1, v6  }
0x1c9: {  	s14 =	sand.u32 $0x70, s2;
	s15 =	sadd.s32 s13, s26  }
0x1ca: {  	s7 =	sadd.s32 s14, s15  }
0x1cb: {  	s1 =	sor.u32 s11, s10;
	v2 =	vld [tilespmem:s7+$0x100]  }
0x1cc: {  	[tilespmem:s1+$0x19700] =	vst v0  }
0x1cd: {  	v0 =	vld.idx.msk [tilespmem:v1+s3+$0x0], $0xffff  }
0x1ce: {  	v1 =	vadd.s32 $0x2, v6;
	_ =	sdelay $0x1  }
0x1cf: {  	v2 =	vmul.u32 $0x11, v2  }
0x1d0: {  	s5 =	sadd.s32 $0x19700, s1  }
0x1d1: {  	[tilespmem:s5+$0x80] =	vst v0  }
0x1d2: {  	v0 =	vld.idx.msk [tilespmem:v1+s3+$0x0], $0xffff  }
0x1d3: {  	s7 =	simm.s32 $0x100;
	v1 =	vadd.s32 $0x3, v6  }
0x1d4: {  	s8 =	simm.s32 $0x20;
	s16 =	sand.u32 $0xC00, s7  }
0x1d5: {  	s17 =	sand.u32 $0x70, s8;
	s18 =	sadd.s32 s16, s26;
	v3 =	vld.idx.msk [tilespmem:v2+s3+$0x0], $0xffff  }
0x1d6: {  	s12 =	sadd.s32 s17, s18;
	v4 =	vadd.s32 $0x1, v2  }
0x1d7: {  	v5 =	vld [tilespmem:s12+$0x100];
	[tilespmem:s5+$0x100] =	vst v0  }
0x1d8: {  	v0 =	vld.idx.msk [tilespmem:v1+s3+$0x0], $0xffff  }
0x1d9: {  	s30 =	sor.u32 s14, s13;
	v1 =	vadd.s32 $0x4, v6  }
0x1da: {  	[tilespmem:s30+$0x19700] =	vst v3  }
0x1db: {  	v3 =	vld.idx.msk [tilespmem:v4+s3+$0x0], $0xffff  }
0x1dc: {  	v4 =	vadd.s32 $0x2, v2  }
0x1dd: {  	[tilespmem:s5+$0x180] =	vst v0;
	v0 =	vmul.u32 $0x11, v5  }
0x1de: {  	v1 =	vld.idx.msk [tilespmem:v1+s3+$0x0], $0xffff  }
0x1df: {  	s9 =	sadd.s32 $0x19700, s30;
	v5 =	vadd.s32 $0x5, v6  }
0x1e0: {  	[tilespmem:s9+$0x80] =	vst v3  }
0x1e1: {  	v3 =	vld.idx.msk [tilespmem:v4+s3+$0x0], $0xffff  }
0x1e2: {  	s6 =	simm.s32 $0x180;
	v4 =	vadd.s32 $0x3, v2  }
0x1e3: {  	s19 =	sand.u32 $0xC00, s6;
	s12 =	simm.s32 $0x30;
	v7 =	vld.idx.msk [tilespmem:v0+s3+$0x0], $0xffff;
	[tilespmem:s5+$0x200] =	vst v1  }
0x1e4: {  	s21 =	sadd.s32 s19, s26;
	s20 =	sand.u32 $0x70, s12;
	v1 =	vld.idx.msk [tilespmem:v5+s3+$0x0], $0xffff;
	v5 =	vadd.s32 $0x1, v0  }
0x1e5: {  	v8 =	vadd.s32 $0x6, v6;
	s14 =	sadd.s32 s20, s21  }
0x1e6: {  	v9 =	vld [tilespmem:s14+$0x100];
	[tilespmem:s9+$0x100] =	vst v3  }
0x1e7: {  	s29 =	sor.u32 s17, s16;
	v3 =	vld.idx.msk [tilespmem:v4+s3+$0x0], $0xffff  }
0x1e8: {  	v4 =	vadd.s32 $0x4, v2;
	[tilespmem:s29+$0x19700] =	vst v7  }
0x1e9: {  	v5 =	vld.idx.msk [tilespmem:v5+s3+$0x0], $0xffff;
	[tilespmem:s5+$0x280] =	vst v1  }
0x1ea: {  	v7 =	vld.idx.msk [tilespmem:v8+s3+$0x0], $0xffff;
	v8 =	vadd.s32 $0x2, v0  }
0x1eb: {  	v10 =	vadd.s32 $0x7, v6  }
0x1ec: {  	[tilespmem:s9+$0x180] =	vst v3;
	v1 =	vmul.u32 $0x11, v9  }
0x1ed: {  	s11 =	sadd.s32 $0x19700, s29;
	v3 =	vld.idx.msk [tilespmem:v4+s3+$0x0], $0xffff  }
0x1ee: {  	v4 =	vadd.s32 $0x5, v2;
	[tilespmem:s11+$0x80] =	vst v5  }
0x1ef: {  	v5 =	vld.idx.msk [tilespmem:v8+s3+$0x0], $0xffff;
	[tilespmem:s5+$0x300] =	vst v7  }
0x1f0: {  	s5 =	simm.s32 $0x200;
	v8 =	vadd.s32 $0x3, v0;
	v7 =	vld.idx.msk [tilespmem:v10+s3+$0x0], $0xffff  }
0x1f1: {  	s14 =	simm.s32 $0x40;
	v9 =	vadd.s32 $0x8, v6;
	s22 =	sand.u32 $0xC00, s5  }
0x1f2: {  	s17 =	sand.u32 $0x70, s14;
	[tilespmem:s9+$0x200] =	vst v3;
	v10 =	vld.idx.msk [tilespmem:v1+s3+$0x0], $0xffff;
	s24 =	sadd.s32 s22, s26  }
0x1f3: {  	s4 =	sor.u32 s4, s4;
	v3 =	vld.idx.msk [tilespmem:v4+s3+$0x0], $0xffff;
	v4 =	vadd.s32 $0x1, v1;
	s16 =	sadd.s32 s17, s24  }
0x1f4: {  	s4 =	sor.u32 $0x380, s4;
	v11 =	vld [tilespmem:s16+$0x100];
	[tilespmem:s11+$0x100] =	vst v5;
	v5 =	vadd.s32 $0x6, v2  }
0x1f5: {  	v8 =	vld.idx.msk [tilespmem:v8+s3+$0x0], $0xffff;
	[tilespmem:s4+$0x19700] =	vst v7  }
0x1f6: {  	s31 =	sor.u32 s20, s19;
	v7 =	vld.idx.msk [tilespmem:v9+s3+$0x0], $0xffff;
	v9 =	vadd.s32 $0x4, v0  }
0x1f7: {  	[tilespmem:s31+$0x19700] =	vst v10;
	v10 =	vadd.s32 $0x9, v6  }
0x1f8: {  	[tilespmem:s9+$0x280] =	vst v3;
	v4 =	vld.idx.msk [tilespmem:v4+s3+$0x0], $0xffff  }
0x1f9: {  	v12 =	vadd.s32 $0x2, v1;
	v5 =	vld.idx.msk [tilespmem:v5+s3+$0x0], $0xffff  }
0x1fa: {  	v3 =	vmul.u32 $0x11, v11;
	[tilespmem:s11+$0x180] =	vst v8;
	v8 =	vadd.s32 $0x7, v2  }
0x1fb: {  	v9 =	vld.idx.msk [tilespmem:v9+s3+$0x0], $0xffff;
	[tilespmem:s1+$0x1A700] =	vst v7  }
0x1fc: {  	s21 =	sadd.s32 $0x19700, s31;
	v7 =	vld.idx.msk [tilespmem:v10+s3+$0x0], $0xffff;
	v10 =	vadd.s32 $0x5, v0  }
0x1fd: {  	[tilespmem:s21+$0x80] =	vst v4;
	v4 =	vadd.s32 $0xA, v6  }
0x1fe: {  	v11 =	vld.idx.msk [tilespmem:v12+s3+$0x0], $0xffff;
	[tilespmem:s9+$0x300] =	vst v5  }
0x1ff: {  	s15 =	simm.s32 $0x280;
	v5 =	vld.idx.msk [tilespmem:v8+s3+$0x0], $0xffff;
	v8 =	vadd.s32 $0x3, v1  }
0x200: {  	s19 =	simm.s32 $0x50;
	s16 =	sand.u32 $0xC00, s15;
	v12 =	vld.idx.msk [tilespmem:v3+s3+$0x0], $0xffff;
	[tilespmem:s11+$0x200] =	vst v9;
	v9 =	vadd.s32 $0x8, v2  }
0x201: {  	s18 =	sand.u32 $0x70, s19;
	s20 =	sadd.s32 s16, s26;
	v10 =	vld.idx.msk [tilespmem:v10+s3+$0x0], $0xffff;
	[tilespmem:s1+$0x1A780] =	vst v7;
	v7 =	vadd.s32 $0x1, v3  }
0x202: {  	s0 =	sor.u32 s0, s2;
	v13 =	vadd.s32 $0x6, v0;
	s4 =	sadd.s32 s18, s20;
	v4 =	vld.idx.msk [tilespmem:v4+s3+$0x0], $0xffff  }
0x203: {  	s0 =	sor.u32 $0x380, s0;
	v14 =	vld [tilespmem:s4+$0x100];
	[tilespmem:s21+$0x100] =	vst v11;
	v11 =	vadd.s32 $0xB, v6  }
0x204: {  	v8 =	vld.idx.msk [tilespmem:v8+s3+$0x0], $0xffff;
	[tilespmem:s0+$0x19700] =	vst v5;
	s0 =	sor.u32 s17, s22  }
0x205: {  	s24 =	simm.s32 $0x300;
	v5 =	vld.idx.msk [tilespmem:v9+s3+$0x0], $0xffff;
	[tilespmem:s0+$0x19700] =	vst v12;
	v9 =	vadd.s32 $0x4, v1  }
0x206: {  	s2 =	simm.s32 $0x60;
	s9 =	sand.u32 $0xC00, s24;
	v7 =	vld.idx.msk [tilespmem:v7+s3+$0x0], $0xffff;
	[tilespmem:s11+$0x280] =	vst v10;
	v10 =	vadd.s32 $0x9, v2  }
0x207: {  	s10 =	sand.u32 $0x70, s2;
	s22 =	sadd.s32 s9, s26;
	v12 =	vld.idx.msk [tilespmem:v13+s3+$0x0], $0xffff;
	[tilespmem:s1+$0x1A800] =	vst v4;
	v13 =	vadd.s32 $0x2, v3  }
0x208: {  	v15 =	vadd.s32 $0x7, v0;
	s4 =	sadd.s32 s10, s22;
	v11 =	vld.idx.msk [tilespmem:v11+s3+$0x0], $0xffff  }
0x209: {  	v16 =	vld [tilespmem:s4+$0x100];
	v4 =	vmul.u32 $0x11, v14;
	[tilespmem:s21+$0x180] =	vst v8;
	v8 =	vadd.s32 $0xC, v6  }
0x20a: {  	s4 =	sadd.s32 $0x19700, s0;
	v9 =	vld.idx.msk [tilespmem:v9+s3+$0x0], $0xffff;
	[tilespmem:s30+$0x1A700] =	vst v5  }
0x20b: {  	v5 =	vld.idx.msk [tilespmem:v10+s3+$0x0], $0xffff;
	[tilespmem:s4+$0x80] =	vst v7;
	v7 =	vadd.s32 $0x5, v1  }
0x20c: {  	v10 =	vld.idx.msk [tilespmem:v13+s3+$0x0], $0xffff;
	[tilespmem:s11+$0x300] =	vst v12;
	v12 =	vadd.s32 $0xA, v2  }
0x20d: {  	v13 =	vld.idx.msk [tilespmem:v15+s3+$0x0], $0xffff;
	[tilespmem:s1+$0x1A880] =	vst v11;
	v11 =	vadd.s32 $0x3, v3  }
0x20e: {  	v14 =	vadd.s32 $0x8, v0;
	v8 =	vld.idx.msk [tilespmem:v8+s3+$0x0], $0xffff  }
0x20f: {  	v15 =	vld.idx.msk [tilespmem:v4+s3+$0x0], $0xffff;
	[tilespmem:s21+$0x200] =	vst v9;
	v9 =	vadd.s32 $0xD, v6  }
0x210: {  	s7 =	sor.u32 s7, s8;
	v7 =	vld.idx.msk [tilespmem:v7+s3+$0x0], $0xffff;
	[tilespmem:s30+$0x1A780] =	vst v5;
	v5 =	vadd.s32 $0x1, v4  }
0x211: {  	s7 =	sor.u32 $0x380, s7;
	v12 =	vld.idx.msk [tilespmem:v12+s3+$0x0], $0xffff;
	[tilespmem:s4+$0x100] =	vst v10;
	v10 =	vadd.s32 $0x6, v1  }
0x212: {  	v11 =	vld.idx.msk [tilespmem:v11+s3+$0x0], $0xffff;
	[tilespmem:s7+$0x19700] =	vst v13  }
0x213: {  	s18 =	sor.u32 s18, s16;
	v13 =	vadd.s32 $0xB, v2;
	s7 =	simm.s32 $0x380;
	v14 =	vld.idx.msk [tilespmem:v14+s3+$0x0], $0xffff;
	[tilespmem:s1+$0x1A900] =	vst v8  }
0x214: {  	s8 =	simm.s32 $0x70;
	[tilespmem:s18+$0x19700] =	vst v15;
	v15 =	vadd.s32 $0x4, v3;
	s13 =	sand.u32 $0xC00, s7;
	v9 =	vld.idx.msk [tilespmem:v9+s3+$0x0], $0xffff  }
0x215: {  	s20 =	sand.u32 $0x70, s8;
	s17 =	sadd.s32 s13, s26;
	v17 =	vld.idx.msk [tilespmem:v5+s3+$0x0], $0xffff;
	[tilespmem:s21+$0x280] =	vst v7;
	v7 =	vadd.s32 $0x9, v0  }
0x216: {  	s11 =	sadd.s32 s20, s17;
	v10 =	vld.idx.msk [tilespmem:v10+s3+$0x0], $0xffff;
	[tilespmem:s30+$0x1A800] =	vst v12;
	v12 =	vadd.s32 $0xE, v6  }
0x217: {  	v18 =	vadd.s32 $0x2, v4;
	v5 =	vmul.u32 $0x11, v16;
	v8 =	vld [tilespmem:s11+$0x100]  }
0x218: {  	v13 =	vld.idx.msk [tilespmem:v13+s3+$0x0], $0xffff;
	[tilespmem:s4+$0x180] =	vst v11  }
0x219: {  	v11 =	vadd.s32 $0x7, v1;
	v15 =	vld.idx.msk [tilespmem:v15+s3+$0x0], $0xffff;
	[tilespmem:s29+$0x1A700] =	vst v14  }
0x21a: {  	s11 =	sadd.s32 $0x19700, s18;
	v14 =	vadd.s32 $0xC, v2;
	[tilespmem:s1+$0x1A980] =	vst v9;
	v7 =	vld.idx.msk [tilespmem:v7+s3+$0x0], $0xffff  }
0x21b: {  	v9 =	vadd.s32 $0x5, v3;
	[tilespmem:s11+$0x80] =	vst v17;
	v19 =	vld.idx.msk [tilespmem:v12+s3+$0x0], $0xffff  }
0x21c: {  	v20 =	vld.idx.msk [tilespmem:v18+s3+$0x0], $0xffff;
	[tilespmem:s21+$0x300] =	vst v10;
	v18 =	vadd.s32 $0xA, v0  }
0x21d: {  	v6 =	vadd.s32 $0xF, v6;
	v17 =	vld.idx.msk [tilespmem:v5+s3+$0x0], $0xffff;
	[tilespmem:s30+$0x1A880] =	vst v13  }
0x21e: {  	v16 =	vadd.s32 $0x3, v4;
	v10 =	vld.idx.msk [tilespmem:v11+s3+$0x0], $0xffff;
	[tilespmem:s4+$0x200] =	vst v15  }
0x21f: {  	v12 =	vadd.s32 $0x8, v1;
	v13 =	vld.idx.msk [tilespmem:v14+s3+$0x0], $0xffff;
	[tilespmem:s29+$0x1A780] =	vst v7  }
0x220: {  	v14 =	vld.idx.msk [tilespmem:v9+s3+$0x0], $0xffff;
	v9 =	vadd.s32 $0xD, v2;
	[tilespmem:s1+$0x1AA00] =	vst v19  }
0x221: {  	s21 =	sor.u32 s6, s12;
	v7 =	vld.idx.msk [tilespmem:v18+s3+$0x0], $0xffff;
	v18 =	vadd.s32 $0x1, v5;
	s22 =	rddreg [dreg:$0x8]  }
0x222: {  	s12 =	simm.s32 $0x80;
	s16 =	sor.u32 $0x380, s21;
	v15 =	vadd.s32 $0x6, v3;
	[tilespmem:s11+$0x100] =	vst v20;
	v11 =	vld.idx.msk [tilespmem:v6+s3+$0x0], $0xffff;
	s6 =	sadd.s32 s28, s22  }
.LBB2_7:
0x223: {  	p0 =	sne.s32 s12, $0x1F0;
	v6 =	vld.idx.msk [tilespmem:v16+s3+$0x0], $0xffff;
	[tilespmem:s16+$0x19700] =	vst v10;
	v10 =	vadd.s32 $0xB, v0;
	s21 =	smov.u32 s7;
	s16 =	smov.u32 s14  }
0x224: {  	s17 =	sor.u32 s10, s9;
	s9 =	smov.u32 s13;
	s10 =	smov.u32 s20;
	v12 =	vld.idx.msk [tilespmem:v12+s3+$0x0], $0xffff;
	[tilespmem:s30+$0x1A900] =	vst v13  }
0x225: {  	s7 =	sadd.s32 $0x80, s7;
	s14 =	smov.u32 s19;
	s19 =	smov.u32 s2;
	v13 =	vadd.s32 $0x4, v4;
	[tilespmem:s17+$0x19700] =	vst v17;
	v9 =	vld.idx.msk [tilespmem:v9+s3+$0x0], $0xffff  }
0x226: {  	s2 =	smov.u32 s8;
	s8 =	smov.u32 s12;
	s13 =	sand.u32 $0xC00, s7;
	v16 =	vld.idx.msk [tilespmem:v18+s3+$0x0], $0xffff;
	[tilespmem:s4+$0x280] =	vst v14;
	v14 =	vadd.s32 $0x9, v1  }
0x227: {  	s20 =	sand.u32 $0x70, s12;
	s22 =	sadd.s32 s13, s26;
	v15 =	vld.idx.msk [tilespmem:v15+s3+$0x0], $0xffff;
	[tilespmem:s29+$0x1A800] =	vst v7;
	v7 =	vadd.s32 $0xE, v2  }
0x228: {  	v17 =	vadd.s32 $0x2, v5;
	s22 =	sadd.s32 s20, s22;
	v18 =	vld.idx.msk [tilespmem:v10+s3+$0x0], $0xffff;
	[tilespmem:s1+$0x1AA80] =	vst v11;
	s1 =	smov.u32 s30;
	s30 =	smov.u32 s29  }
0x229: {  	s29 =	smov.u32 s31;
	s31 =	smov.u32 s0;
	s0 =	smov.u32 s18;
	v11 =	vld [tilespmem:s22+$0x100];
	[tilespmem:s11+$0x180] =	vst v6;
	v6 =	vadd.s32 $0x7, v3  }
0x22a: {  	v19 =	vmul.u32 $0x11, v8;
	s18 =	smov.u32 s17;
	v20 =	vld.idx.msk [tilespmem:v13+s3+$0x0], $0xffff;
	[tilespmem:s29+$0x1A700] =	vst v12;
	v12 =	vadd.s32 $0xC, v0  }
0x22b: {  	s17 =	sadd.s32 $0x19700, s18;
	v21 =	vld.idx.msk [tilespmem:v14+s3+$0x0], $0xffff;
	[tilespmem:s1+$0x1A980] =	vst v9  }
0x22c: {  	v9 =	vadd.s32 $0x5, v4;
	[tilespmem:s17+$0x80] =	vst v16;
	v22 =	vld.idx.msk [tilespmem:v7+s3+$0x0], $0xffff  }
0x22d: {  	v7 =	vadd.s32 $0xA, v1;
	v23 =	vld.idx.msk [tilespmem:v17+s3+$0x0], $0xffff;
	[tilespmem:s4+$0x300] =	vst v15;
	s4 =	smov.u32 s11;
	s11 =	smov.u32 s17  }
0x22e: {  	v10 =	vld.idx.msk [tilespmem:v6+s3+$0x0], $0xffff;
	[tilespmem:s30+$0x1A880] =	vst v18;
	v6 =	vadd.s32 $0xF, v2;
	v8 =	vmovc v11;
	v2 =	vmovc v0;
	v0 =	vmov v1;
	v1 =	vmov v3  }
.Ltmp2:
0x22f: {  	v16 =	vadd.s32 $0x3, v5;
	v3 =	vmovc v4;
	v4 =	vmov v5;
	v5 =	vmov v19;
	v13 =	vld.idx.msk [tilespmem:v12+s3+$0x0], $0xffff;
	(pc) =	sbr.rel @p0 .LBB2_7-.Ltmp2, $4  }
0x230: {  	v12 =	vadd.s32 $0x8, v1;
	v17 =	vld.idx.msk [tilespmem:v19+s3+$0x0], $0xffff;
	[tilespmem:s4+$0x200] =	vst v20  }
0x231: {  	v14 =	vld.idx.msk [tilespmem:v9+s3+$0x0], $0xffff;
	[tilespmem:s29+$0x1A780] =	vst v21;
	v9 =	vadd.s32 $0xD, v2  }
0x232: {  	s16 =	sor.u32 s5, s16;
	s5 =	smov.u32 s15;
	s15 =	smov.u32 s24;
	v18 =	vadd.s32 $0x1, v5;
	v7 =	vld.idx.msk [tilespmem:v7+s3+$0x0], $0xffff;
	[tilespmem:s1+$0x1AA00] =	vst v22  }
0x233: {  	s12 =	sadd.s32 $0x10, s12;
	s24 =	smov.u32 s21;
	s16 =	sor.u32 $0x380, s16;
	v15 =	vadd.s32 $0x6, v3;
	[tilespmem:s11+$0x100] =	vst v23;
	v11 =	vld.idx.msk [tilespmem:v6+s3+$0x0], $0xffff  }
0x234: {  	v6 =	vmul.u32 $0x11, v8;
	_ =	sdelay $0x5  }
0x235: {  	v8 =	vld.idx.msk [tilespmem:v6+s3+$0x0], $0xffff  }
0x236: {  	v19 =	vadd.s32 $0x1, v6;
	_ =	sdelay $0x1  }
0x237: {  	s9 =	sor.u32 s10, s9  }
0x238: {  	s10 =	sor.u32 s20, s13;
	[tilespmem:s9+$0x19700] =	vst v17  }
0x239: {  	v17 =	vld.idx.msk [tilespmem:v18+s3+$0x0], $0xffff;
	[tilespmem:s10+$0x19700] =	vst v8  }
0x23a: {  	v8 =	vadd.s32 $0x2, v5;
	v18 =	vld.idx.msk [tilespmem:v19+s3+$0x0], $0xffff  }
0x23b: {  	v19 =	vadd.s32 $0x2, v6;
	_ =	sdelay $0x1  }
0x23c: {  	s12 =	sadd.s32 $0x19700, s9  }
0x23d: {  	s13 =	sadd.s32 $0x19700, s10;
	[tilespmem:s12+$0x80] =	vst v17  }
0x23e: {  	v8 =	vld.idx.msk [tilespmem:v8+s3+$0x0], $0xffff;
	[tilespmem:s13+$0x80] =	vst v18  }
0x23f: {  	v17 =	vadd.s32 $0x3, v5;
	v18 =	vld.idx.msk [tilespmem:v19+s3+$0x0], $0xffff  }
0x240: {  	v19 =	vadd.s32 $0x3, v6;
	_ =	sdelay $0x2  }
0x241: {  	v16 =	vld.idx.msk [tilespmem:v16+s3+$0x0], $0xffff;
	[tilespmem:s12+$0x100] =	vst v8  }
0x242: {  	v8 =	vadd.s32 $0x4, v4;
	v17 =	vld.idx.msk [tilespmem:v17+s3+$0x0], $0xffff;
	[tilespmem:s13+$0x100] =	vst v18  }
0x243: {  	v18 =	vadd.s32 $0x4, v5;
	v19 =	vld.idx.msk [tilespmem:v19+s3+$0x0], $0xffff  }
0x244: {  	v20 =	vadd.s32 $0x4, v6;
	_ =	sdelay $0x1  }
0x245: {  	[tilespmem:s11+$0x180] =	vst v16  }
0x246: {  	v8 =	vld.idx.msk [tilespmem:v8+s3+$0x0], $0xffff;
	[tilespmem:s12+$0x180] =	vst v17  }
0x247: {  	v16 =	vadd.s32 $0x5, v4;
	v17 =	vld.idx.msk [tilespmem:v18+s3+$0x0], $0xffff;
	[tilespmem:s13+$0x180] =	vst v19  }
0x248: {  	v18 =	vadd.s32 $0x5, v5;
	v19 =	vld.idx.msk [tilespmem:v20+s3+$0x0], $0xffff  }
0x249: {  	v20 =	vadd.s32 $0x5, v6;
	_ =	sdelay $0x1  }
0x24a: {  	[tilespmem:s11+$0x200] =	vst v8  }
0x24b: {  	v8 =	vld.idx.msk [tilespmem:v16+s3+$0x0], $0xffff;
	[tilespmem:s12+$0x200] =	vst v17  }
0x24c: {  	v16 =	vadd.s32 $0x6, v4;
	v17 =	vld.idx.msk [tilespmem:v18+s3+$0x0], $0xffff;
	[tilespmem:s13+$0x200] =	vst v19  }
0x24d: {  	v18 =	vadd.s32 $0x6, v5;
	v19 =	vld.idx.msk [tilespmem:v20+s3+$0x0], $0xffff  }
0x24e: {  	v20 =	vadd.s32 $0x6, v6  }
0x24f: {  	[tilespmem:s4+$0x280] =	vst v14  }
0x250: {  	[tilespmem:s11+$0x280] =	vst v8;
	v8 =	vld.idx.msk [tilespmem:v15+s3+$0x0], $0xffff  }
0x251: {  	v14 =	vadd.s32 $0x7, v3;
	v15 =	vld.idx.msk [tilespmem:v16+s3+$0x0], $0xffff;
	[tilespmem:s12+$0x280] =	vst v17  }
0x252: {  	v16 =	vadd.s32 $0x7, v4;
	v17 =	vld.idx.msk [tilespmem:v18+s3+$0x0], $0xffff;
	[tilespmem:s13+$0x280] =	vst v19  }
0x253: {  	[tilespmem:s16+$0x19700] =	vst v10;
	v10 =	vadd.s32 $0x7, v5;
	v18 =	vld.idx.msk [tilespmem:v20+s3+$0x0], $0xffff  }
0x254: {  	[tilespmem:s30+$0x1A900] =	vst v13;
	v13 =	vadd.s32 $0x7, v6  }
0x255: {  	[tilespmem:s4+$0x300] =	vst v8  }
0x256: {  	v8 =	vld.idx.msk [tilespmem:v14+s3+$0x0], $0xffff;
	[tilespmem:s11+$0x300] =	vst v15  }
0x257: {  	v14 =	vadd.s32 $0x8, v3;
	v15 =	vld.idx.msk [tilespmem:v16+s3+$0x0], $0xffff;
	[tilespmem:s12+$0x300] =	vst v17  }
0x258: {  	v16 =	vadd.s32 $0x8, v4;
	v10 =	vld.idx.msk [tilespmem:v10+s3+$0x0], $0xffff;
	[tilespmem:s13+$0x300] =	vst v18  }
0x259: {  	s17 =	sor.u32 s5, s14;
	[tilespmem:s29+$0x1A800] =	vst v7;
	v7 =	vadd.s32 $0x8, v5;
	v13 =	vld.idx.msk [tilespmem:v13+s3+$0x0], $0xffff  }
0x25a: {  	s21 =	sor.u32 s15, s19;
	v12 =	vld.idx.msk [tilespmem:v12+s3+$0x0], $0xffff;
	s20 =	sor.u32 $0x380, s17;
	[tilespmem:s1+$0x1AA80] =	vst v11;
	v11 =	vadd.s32 $0x8, v6  }
0x25b: {  	s2 =	sor.u32 s24, s2;
	v9 =	vld.idx.msk [tilespmem:v9+s3+$0x0], $0xffff;
	s22 =	sor.u32 $0x380, s21;
	v17 =	vadd.s32 $0xB, v0;
	[tilespmem:s20+$0x19700] =	vst v8  }
0x25c: {  	s2 =	sor.u32 $0x380, s2;
	s4 =	sor.u32 s7, s8;
	v8 =	vadd.s32 $0x9, v1;
	v14 =	vld.idx.msk [tilespmem:v14+s3+$0x0], $0xffff;
	[tilespmem:s22+$0x19700] =	vst v15  }
0x25d: {  	s5 =	sor.u32 $0x380, s4;
	v15 =	vadd.s32 $0x9, v3;
	v16 =	vld.idx.msk [tilespmem:v16+s3+$0x0], $0xffff;
	[tilespmem:s2+$0x19700] =	vst v10  }
0x25e: {  	v10 =	vadd.s32 $0x9, v4;
	v7 =	vld.idx.msk [tilespmem:v7+s3+$0x0], $0xffff;
	[tilespmem:s5+$0x19700] =	vst v13  }
0x25f: {  	[tilespmem:s31+$0x1A700] =	vst v12;
	v12 =	vadd.s32 $0x9, v5;
	v11 =	vld.idx.msk [tilespmem:v11+s3+$0x0], $0xffff  }
0x260: {  	[tilespmem:s30+$0x1A980] =	vst v9;
	v9 =	vadd.s32 $0x9, v6;
	v13 =	vld.idx.msk [tilespmem:v17+s3+$0x0], $0xffff  }
0x261: {  	v17 =	vadd.s32 $0xE, v2;
	v8 =	vld.idx.msk [tilespmem:v8+s3+$0x0], $0xffff;
	[tilespmem:s0+$0x1A700] =	vst v14  }
0x262: {  	v14 =	vadd.s32 $0xA, v1;
	v15 =	vld.idx.msk [tilespmem:v15+s3+$0x0], $0xffff;
	[tilespmem:s18+$0x1A700] =	vst v16  }
0x263: {  	v16 =	vadd.s32 $0xA, v3;
	v10 =	vld.idx.msk [tilespmem:v10+s3+$0x0], $0xffff;
	[tilespmem:s9+$0x1A700] =	vst v7  }
0x264: {  	v7 =	vadd.s32 $0xA, v4;
	v12 =	vld.idx.msk [tilespmem:v12+s3+$0x0], $0xffff;
	[tilespmem:s10+$0x1A700] =	vst v11  }
0x265: {  	[tilespmem:s29+$0x1A880] =	vst v13;
	v11 =	vadd.s32 $0xA, v5;
	v9 =	vld.idx.msk [tilespmem:v9+s3+$0x0], $0xffff  }
0x266: {  	v13 =	vld.idx.msk [tilespmem:v17+s3+$0x0], $0xffff;
	[tilespmem:s31+$0x1A780] =	vst v8;
	v8 =	vadd.s32 $0xA, v6  }
0x267: {  	v17 =	vadd.s32 $0xC, v0;
	v14 =	vld.idx.msk [tilespmem:v14+s3+$0x0], $0xffff;
	[tilespmem:s0+$0x1A780] =	vst v15  }
0x268: {  	v15 =	vadd.s32 $0xB, v1;
	v16 =	vld.idx.msk [tilespmem:v16+s3+$0x0], $0xffff;
	[tilespmem:s18+$0x1A780] =	vst v10  }
0x269: {  	v10 =	vadd.s32 $0xB, v3;
	v7 =	vld.idx.msk [tilespmem:v7+s3+$0x0], $0xffff;
	[tilespmem:s9+$0x1A780] =	vst v12  }
0x26a: {  	v12 =	vadd.s32 $0xB, v4;
	v11 =	vld.idx.msk [tilespmem:v11+s3+$0x0], $0xffff;
	[tilespmem:s10+$0x1A780] =	vst v9  }
0x26b: {  	[tilespmem:s30+$0x1AA00] =	vst v13;
	v9 =	vadd.s32 $0xB, v5;
	v8 =	vld.idx.msk [tilespmem:v8+s3+$0x0], $0xffff  }
0x26c: {  	v13 =	vld.idx.msk [tilespmem:v17+s3+$0x0], $0xffff;
	[tilespmem:s31+$0x1A800] =	vst v14;
	v14 =	vadd.s32 $0xB, v6  }
0x26d: {  	v2 =	vadd.s32 $0xF, v2;
	v15 =	vld.idx.msk [tilespmem:v15+s3+$0x0], $0xffff;
	[tilespmem:s0+$0x1A800] =	vst v16  }
0x26e: {  	v16 =	vadd.s32 $0xC, v1;
	v10 =	vld.idx.msk [tilespmem:v10+s3+$0x0], $0xffff;
	[tilespmem:s18+$0x1A800] =	vst v7  }
0x26f: {  	v7 =	vadd.s32 $0xC, v3;
	v12 =	vld.idx.msk [tilespmem:v12+s3+$0x0], $0xffff;
	[tilespmem:s9+$0x1A800] =	vst v11  }
0x270: {  	v11 =	vadd.s32 $0xC, v4;
	v9 =	vld.idx.msk [tilespmem:v9+s3+$0x0], $0xffff;
	[tilespmem:s10+$0x1A800] =	vst v8  }
0x271: {  	[tilespmem:s29+$0x1A900] =	vst v13;
	v8 =	vadd.s32 $0xC, v5;
	v13 =	vld.idx.msk [tilespmem:v14+s3+$0x0], $0xffff  }
0x272: {  	v2 =	vld.idx.msk [tilespmem:v2+s3+$0x0], $0xffff;
	[tilespmem:s31+$0x1A880] =	vst v15;
	v14 =	vadd.s32 $0xC, v6  }
0x273: {  	v15 =	vadd.s32 $0xD, v0;
	v16 =	vld.idx.msk [tilespmem:v16+s3+$0x0], $0xffff;
	[tilespmem:s0+$0x1A880] =	vst v10  }
0x274: {  	v10 =	vadd.s32 $0xD, v1;
	v7 =	vld.idx.msk [tilespmem:v7+s3+$0x0], $0xffff;
	[tilespmem:s18+$0x1A880] =	vst v12  }
0x275: {  	v12 =	vadd.s32 $0xD, v3;
	v11 =	vld.idx.msk [tilespmem:v11+s3+$0x0], $0xffff;
	[tilespmem:s9+$0x1A880] =	vst v9  }
0x276: {  	v9 =	vadd.s32 $0xD, v4;
	v8 =	vld.idx.msk [tilespmem:v8+s3+$0x0], $0xffff;
	[tilespmem:s10+$0x1A880] =	vst v13  }
0x277: {  	[tilespmem:s30+$0x1AA80] =	vst v2;
	v2 =	vadd.s32 $0xD, v5;
	v13 =	vld.idx.msk [tilespmem:v14+s3+$0x0], $0xffff  }
0x278: {  	[tilespmem:s31+$0x1A900] =	vst v16;
	v14 =	vld.idx.msk [tilespmem:v15+s3+$0x0], $0xffff;
	v15 =	vadd.s32 $0xD, v6  }
0x279: {  	v16 =	vadd.s32 $0xE, v0;
	v10 =	vld.idx.msk [tilespmem:v10+s3+$0x0], $0xffff;
	[tilespmem:s0+$0x1A900] =	vst v7  }
0x27a: {  	v7 =	vadd.s32 $0xE, v1;
	v12 =	vld.idx.msk [tilespmem:v12+s3+$0x0], $0xffff;
	[tilespmem:s18+$0x1A900] =	vst v11  }
0x27b: {  	v11 =	vadd.s32 $0xE, v3;
	v9 =	vld.idx.msk [tilespmem:v9+s3+$0x0], $0xffff;
	[tilespmem:s9+$0x1A900] =	vst v8  }
0x27c: {  	v8 =	vadd.s32 $0xE, v4;
	v2 =	vld.idx.msk [tilespmem:v2+s3+$0x0], $0xffff;
	[tilespmem:s10+$0x1A900] =	vst v13  }
0x27d: {  	[tilespmem:s29+$0x1A980] =	vst v14;
	v13 =	vadd.s32 $0xE, v5;
	v14 =	vld.idx.msk [tilespmem:v15+s3+$0x0], $0xffff  }
0x27e: {  	[tilespmem:s31+$0x1A980] =	vst v10;
	v10 =	vadd.s32 $0xE, v6;
	v15 =	vld.idx.msk [tilespmem:v16+s3+$0x0], $0xffff  }
0x27f: {  	v0 =	vadd.s32 $0xF, v0;
	v7 =	vld.idx.msk [tilespmem:v7+s3+$0x0], $0xffff;
	[tilespmem:s0+$0x1A980] =	vst v12  }
0x280: {  	v1 =	vadd.s32 $0xF, v1;
	v11 =	vld.idx.msk [tilespmem:v11+s3+$0x0], $0xffff;
	[tilespmem:s18+$0x1A980] =	vst v9  }
0x281: {  	v3 =	vadd.s32 $0xF, v3;
	v8 =	vld.idx.msk [tilespmem:v8+s3+$0x0], $0xffff;
	[tilespmem:s9+$0x1A980] =	vst v2  }
0x282: {  	v2 =	vadd.s32 $0xF, v4;
	v4 =	vld.idx.msk [tilespmem:v13+s3+$0x0], $0xffff;
	[tilespmem:s10+$0x1A980] =	vst v14  }
0x283: {  	v5 =	vadd.s32 $0xF, v5;
	[tilespmem:s29+$0x1AA00] =	vst v15;
	v9 =	vld.idx.msk [tilespmem:v10+s3+$0x0], $0xffff  }
0x284: {  	v6 =	vadd.s32 $0xF, v6;
	[tilespmem:s31+$0x1AA00] =	vst v7;
	v0 =	vld.idx.msk [tilespmem:v0+s3+$0x0], $0xffff  }
0x285: {  	v1 =	vld.idx.msk [tilespmem:v1+s3+$0x0], $0xffff;
	[tilespmem:s0+$0x1AA00] =	vst v11  }
0x286: {  	v3 =	vld.idx.msk [tilespmem:v3+s3+$0x0], $0xffff;
	[tilespmem:s18+$0x1AA00] =	vst v8  }
0x287: {  	v2 =	vld.idx.msk [tilespmem:v2+s3+$0x0], $0xffff;
	[tilespmem:s9+$0x1AA00] =	vst v4  }
0x288: {  	v4 =	vld.idx.msk [tilespmem:v5+s3+$0x0], $0xffff;
	[tilespmem:s10+$0x1AA00] =	vst v9  }
0x289: {  	[tilespmem:s29+$0x1AA80] =	vst v0;
	v0 =	vld.idx.msk [tilespmem:v6+s3+$0x0], $0xffff  }
0x28a: {  	[tilespmem:s31+$0x1AA80] =	vst v1  }
0x28b: {  	[tilespmem:s0+$0x1AA80] =	vst v3  }
0x28c: {  	[tilespmem:s18+$0x1AA80] =	vst v2  }
0x28d: {  	s7 =	simm.s32 $0x1000;
	[tilespmem:s9+$0x1AA80] =	vst v4  }
0x28e: {  	s8 =	simm.s32 $0x20000;
	s4 =	simm.s32 $0x0;
	s9 =	simm.s32 $0x19700;
	[tilespmem:s10+$0x1AA80] =	vst v0  }
0x28f: {  	[hbm4b:s6+s7] =	stream.strided.scatter [tilespmem:s9], [sflag:$0x2], $0x2000, s8, s7, $0x38;
	[tilespmem:$0x1D700] =	vst v63  }
0x290: {  	s10 =	sand.u32 $0xC00, s4;
	_ =	swait.ge [sflag:s23], $0x2000  }
0x291: {  	s11 =	sand.u32 $0x70, s4;
	s12 =	sadd.s32 s10, s26;
	[sflag:s23] =	ssyncset.done $0x0  }
0x292: {  	s0 =	sadd.s32 s11, s12;
	[sflag:s23] =	ssyncadd.s32 $0xFFFFE000  }
0x293: {  	v0 =	vld [tilespmem:s0+$0x180];
	_ =	sdelay $0x4  }
0x294: {  	v6 =	vmul.u32 $0x11, v0;
	_ =	sdelay $0x5  }
0x295: {  	s0 =	simm.s32 $0x80;
	v0 =	vld.idx.msk [tilespmem:v6+s3+$0x0], $0xffff  }
0x296: {  	s2 =	simm.s32 $0x10;
	s13 =	sand.u32 $0xC00, s0;
	v1 =	vadd.s32 $0x1, v6  }
0x297: {  	s14 =	sand.u32 $0x70, s2;
	s15 =	sadd.s32 s13, s26  }
0x298: {  	s7 =	sadd.s32 s14, s15  }
0x299: {  	s1 =	sor.u32 s11, s10;
	v2 =	vld [tilespmem:s7+$0x180]  }
0x29a: {  	[tilespmem:s1+$0x1B700] =	vst v0  }
0x29b: {  	v0 =	vld.idx.msk [tilespmem:v1+s3+$0x0], $0xffff  }
0x29c: {  	v1 =	vadd.s32 $0x2, v6;
	_ =	sdelay $0x1  }
0x29d: {  	v2 =	vmul.u32 $0x11, v2  }
0x29e: {  	s5 =	sadd.s32 $0x1B700, s1  }
0x29f: {  	[tilespmem:s5+$0x80] =	vst v0  }
0x2a0: {  	v0 =	vld.idx.msk [tilespmem:v1+s3+$0x0], $0xffff  }
0x2a1: {  	s7 =	simm.s32 $0x100;
	v1 =	vadd.s32 $0x3, v6  }
0x2a2: {  	s8 =	simm.s32 $0x20;
	s16 =	sand.u32 $0xC00, s7  }
0x2a3: {  	s17 =	sand.u32 $0x70, s8;
	s18 =	sadd.s32 s16, s26;
	v3 =	vld.idx.msk [tilespmem:v2+s3+$0x0], $0xffff  }
0x2a4: {  	s12 =	sadd.s32 s17, s18;
	v4 =	vadd.s32 $0x1, v2  }
0x2a5: {  	v5 =	vld [tilespmem:s12+$0x180];
	[tilespmem:s5+$0x100] =	vst v0  }
0x2a6: {  	v0 =	vld.idx.msk [tilespmem:v1+s3+$0x0], $0xffff  }
0x2a7: {  	s30 =	sor.u32 s14, s13;
	v1 =	vadd.s32 $0x4, v6  }
0x2a8: {  	[tilespmem:s30+$0x1B700] =	vst v3  }
0x2a9: {  	v3 =	vld.idx.msk [tilespmem:v4+s3+$0x0], $0xffff  }
0x2aa: {  	v4 =	vadd.s32 $0x2, v2  }
0x2ab: {  	[tilespmem:s5+$0x180] =	vst v0;
	v0 =	vmul.u32 $0x11, v5  }
0x2ac: {  	v1 =	vld.idx.msk [tilespmem:v1+s3+$0x0], $0xffff  }
0x2ad: {  	s9 =	sadd.s32 $0x1B700, s30;
	v5 =	vadd.s32 $0x5, v6  }
0x2ae: {  	[tilespmem:s9+$0x80] =	vst v3  }
0x2af: {  	v3 =	vld.idx.msk [tilespmem:v4+s3+$0x0], $0xffff  }
0x2b0: {  	s6 =	simm.s32 $0x180;
	v4 =	vadd.s32 $0x3, v2  }
0x2b1: {  	s19 =	sand.u32 $0xC00, s6;
	s12 =	simm.s32 $0x30;
	v7 =	vld.idx.msk [tilespmem:v0+s3+$0x0], $0xffff;
	[tilespmem:s5+$0x200] =	vst v1  }
0x2b2: {  	s21 =	sadd.s32 s19, s26;
	s20 =	sand.u32 $0x70, s12;
	v1 =	vld.idx.msk [tilespmem:v5+s3+$0x0], $0xffff;
	v5 =	vadd.s32 $0x1, v0  }
0x2b3: {  	v8 =	vadd.s32 $0x6, v6;
	s14 =	sadd.s32 s20, s21  }
0x2b4: {  	v9 =	vld [tilespmem:s14+$0x180];
	[tilespmem:s9+$0x100] =	vst v3  }
0x2b5: {  	s29 =	sor.u32 s17, s16;
	v3 =	vld.idx.msk [tilespmem:v4+s3+$0x0], $0xffff  }
0x2b6: {  	v4 =	vadd.s32 $0x4, v2;
	[tilespmem:s29+$0x1B700] =	vst v7  }
0x2b7: {  	v5 =	vld.idx.msk [tilespmem:v5+s3+$0x0], $0xffff;
	[tilespmem:s5+$0x280] =	vst v1  }
0x2b8: {  	v7 =	vld.idx.msk [tilespmem:v8+s3+$0x0], $0xffff;
	v8 =	vadd.s32 $0x2, v0  }
0x2b9: {  	v10 =	vadd.s32 $0x7, v6  }
0x2ba: {  	[tilespmem:s9+$0x180] =	vst v3;
	v1 =	vmul.u32 $0x11, v9  }
0x2bb: {  	s11 =	sadd.s32 $0x1B700, s29;
	v3 =	vld.idx.msk [tilespmem:v4+s3+$0x0], $0xffff  }
0x2bc: {  	v4 =	vadd.s32 $0x5, v2;
	[tilespmem:s11+$0x80] =	vst v5  }
0x2bd: {  	v5 =	vld.idx.msk [tilespmem:v8+s3+$0x0], $0xffff;
	[tilespmem:s5+$0x300] =	vst v7  }
0x2be: {  	s5 =	simm.s32 $0x200;
	v8 =	vadd.s32 $0x3, v0;
	v7 =	vld.idx.msk [tilespmem:v10+s3+$0x0], $0xffff  }
0x2bf: {  	s14 =	simm.s32 $0x40;
	v9 =	vadd.s32 $0x8, v6;
	s22 =	sand.u32 $0xC00, s5  }
0x2c0: {  	s17 =	sand.u32 $0x70, s14;
	[tilespmem:s9+$0x200] =	vst v3;
	v10 =	vld.idx.msk [tilespmem:v1+s3+$0x0], $0xffff;
	s24 =	sadd.s32 s22, s26  }
0x2c1: {  	s4 =	sor.u32 s4, s4;
	v3 =	vld.idx.msk [tilespmem:v4+s3+$0x0], $0xffff;
	v4 =	vadd.s32 $0x1, v1;
	s16 =	sadd.s32 s17, s24  }
0x2c2: {  	s4 =	sor.u32 $0x380, s4;
	v11 =	vld [tilespmem:s16+$0x180];
	[tilespmem:s11+$0x100] =	vst v5;
	v5 =	vadd.s32 $0x6, v2  }
0x2c3: {  	v8 =	vld.idx.msk [tilespmem:v8+s3+$0x0], $0xffff;
	[tilespmem:s4+$0x1B700] =	vst v7  }
0x2c4: {  	s31 =	sor.u32 s20, s19;
	v7 =	vld.idx.msk [tilespmem:v9+s3+$0x0], $0xffff;
	v9 =	vadd.s32 $0x4, v0  }
0x2c5: {  	[tilespmem:s31+$0x1B700] =	vst v10;
	v10 =	vadd.s32 $0x9, v6  }
0x2c6: {  	[tilespmem:s9+$0x280] =	vst v3;
	v4 =	vld.idx.msk [tilespmem:v4+s3+$0x0], $0xffff  }
0x2c7: {  	v12 =	vadd.s32 $0x2, v1;
	v5 =	vld.idx.msk [tilespmem:v5+s3+$0x0], $0xffff  }
0x2c8: {  	v3 =	vmul.u32 $0x11, v11;
	[tilespmem:s11+$0x180] =	vst v8;
	v8 =	vadd.s32 $0x7, v2  }
0x2c9: {  	v9 =	vld.idx.msk [tilespmem:v9+s3+$0x0], $0xffff;
	[tilespmem:s1+$0x1C700] =	vst v7  }
0x2ca: {  	s21 =	sadd.s32 $0x1B700, s31;
	v7 =	vld.idx.msk [tilespmem:v10+s3+$0x0], $0xffff;
	v10 =	vadd.s32 $0x5, v0  }
0x2cb: {  	[tilespmem:s21+$0x80] =	vst v4;
	v4 =	vadd.s32 $0xA, v6  }
0x2cc: {  	v11 =	vld.idx.msk [tilespmem:v12+s3+$0x0], $0xffff;
	[tilespmem:s9+$0x300] =	vst v5  }
0x2cd: {  	s15 =	simm.s32 $0x280;
	v5 =	vld.idx.msk [tilespmem:v8+s3+$0x0], $0xffff;
	v8 =	vadd.s32 $0x3, v1  }
0x2ce: {  	s19 =	simm.s32 $0x50;
	s16 =	sand.u32 $0xC00, s15;
	v12 =	vld.idx.msk [tilespmem:v3+s3+$0x0], $0xffff;
	[tilespmem:s11+$0x200] =	vst v9;
	v9 =	vadd.s32 $0x8, v2  }
0x2cf: {  	s18 =	sand.u32 $0x70, s19;
	s20 =	sadd.s32 s16, s26;
	v10 =	vld.idx.msk [tilespmem:v10+s3+$0x0], $0xffff;
	[tilespmem:s1+$0x1C780] =	vst v7;
	v7 =	vadd.s32 $0x1, v3  }
0x2d0: {  	s0 =	sor.u32 s0, s2;
	v13 =	vadd.s32 $0x6, v0;
	s4 =	sadd.s32 s18, s20;
	v4 =	vld.idx.msk [tilespmem:v4+s3+$0x0], $0xffff  }
0x2d1: {  	s0 =	sor.u32 $0x380, s0;
	v14 =	vld [tilespmem:s4+$0x180];
	[tilespmem:s21+$0x100] =	vst v11;
	v11 =	vadd.s32 $0xB, v6  }
0x2d2: {  	v8 =	vld.idx.msk [tilespmem:v8+s3+$0x0], $0xffff;
	[tilespmem:s0+$0x1B700] =	vst v5;
	s0 =	sor.u32 s17, s22  }
0x2d3: {  	s24 =	simm.s32 $0x300;
	v5 =	vld.idx.msk [tilespmem:v9+s3+$0x0], $0xffff;
	[tilespmem:s0+$0x1B700] =	vst v12;
	v9 =	vadd.s32 $0x4, v1  }
0x2d4: {  	s2 =	simm.s32 $0x60;
	s9 =	sand.u32 $0xC00, s24;
	v7 =	vld.idx.msk [tilespmem:v7+s3+$0x0], $0xffff;
	[tilespmem:s11+$0x280] =	vst v10;
	v10 =	vadd.s32 $0x9, v2  }
0x2d5: {  	s10 =	sand.u32 $0x70, s2;
	s22 =	sadd.s32 s9, s26;
	v12 =	vld.idx.msk [tilespmem:v13+s3+$0x0], $0xffff;
	[tilespmem:s1+$0x1C800] =	vst v4;
	v13 =	vadd.s32 $0x2, v3  }
0x2d6: {  	v15 =	vadd.s32 $0x7, v0;
	s4 =	sadd.s32 s10, s22;
	v11 =	vld.idx.msk [tilespmem:v11+s3+$0x0], $0xffff  }
0x2d7: {  	v16 =	vld [tilespmem:s4+$0x180];
	v4 =	vmul.u32 $0x11, v14;
	[tilespmem:s21+$0x180] =	vst v8;
	v8 =	vadd.s32 $0xC, v6  }
0x2d8: {  	s4 =	sadd.s32 $0x1B700, s0;
	v9 =	vld.idx.msk [tilespmem:v9+s3+$0x0], $0xffff;
	[tilespmem:s30+$0x1C700] =	vst v5  }
0x2d9: {  	v5 =	vld.idx.msk [tilespmem:v10+s3+$0x0], $0xffff;
	[tilespmem:s4+$0x80] =	vst v7;
	v7 =	vadd.s32 $0x5, v1  }
0x2da: {  	v10 =	vld.idx.msk [tilespmem:v13+s3+$0x0], $0xffff;
	[tilespmem:s11+$0x300] =	vst v12;
	v12 =	vadd.s32 $0xA, v2  }
0x2db: {  	v13 =	vld.idx.msk [tilespmem:v15+s3+$0x0], $0xffff;
	[tilespmem:s1+$0x1C880] =	vst v11;
	v11 =	vadd.s32 $0x3, v3  }
0x2dc: {  	v14 =	vadd.s32 $0x8, v0;
	v8 =	vld.idx.msk [tilespmem:v8+s3+$0x0], $0xffff  }
0x2dd: {  	v15 =	vld.idx.msk [tilespmem:v4+s3+$0x0], $0xffff;
	[tilespmem:s21+$0x200] =	vst v9;
	v9 =	vadd.s32 $0xD, v6  }
0x2de: {  	s7 =	sor.u32 s7, s8;
	v7 =	vld.idx.msk [tilespmem:v7+s3+$0x0], $0xffff;
	[tilespmem:s30+$0x1C780] =	vst v5;
	v5 =	vadd.s32 $0x1, v4  }
0x2df: {  	s7 =	sor.u32 $0x380, s7;
	v12 =	vld.idx.msk [tilespmem:v12+s3+$0x0], $0xffff;
	[tilespmem:s4+$0x100] =	vst v10;
	v10 =	vadd.s32 $0x6, v1  }
0x2e0: {  	v11 =	vld.idx.msk [tilespmem:v11+s3+$0x0], $0xffff;
	[tilespmem:s7+$0x1B700] =	vst v13  }
0x2e1: {  	s18 =	sor.u32 s18, s16;
	v13 =	vadd.s32 $0xB, v2;
	s7 =	simm.s32 $0x380;
	v14 =	vld.idx.msk [tilespmem:v14+s3+$0x0], $0xffff;
	[tilespmem:s1+$0x1C900] =	vst v8  }
0x2e2: {  	s8 =	simm.s32 $0x70;
	[tilespmem:s18+$0x1B700] =	vst v15;
	v15 =	vadd.s32 $0x4, v3;
	s13 =	sand.u32 $0xC00, s7;
	v9 =	vld.idx.msk [tilespmem:v9+s3+$0x0], $0xffff  }
0x2e3: {  	s20 =	sand.u32 $0x70, s8;
	s17 =	sadd.s32 s13, s26;
	v17 =	vld.idx.msk [tilespmem:v5+s3+$0x0], $0xffff;
	[tilespmem:s21+$0x280] =	vst v7;
	v7 =	vadd.s32 $0x9, v0  }
0x2e4: {  	s11 =	sadd.s32 s20, s17;
	v10 =	vld.idx.msk [tilespmem:v10+s3+$0x0], $0xffff;
	[tilespmem:s30+$0x1C800] =	vst v12;
	v12 =	vadd.s32 $0xE, v6  }
0x2e5: {  	v18 =	vadd.s32 $0x2, v4;
	v5 =	vmul.u32 $0x11, v16;
	v8 =	vld [tilespmem:s11+$0x180]  }
0x2e6: {  	v13 =	vld.idx.msk [tilespmem:v13+s3+$0x0], $0xffff;
	[tilespmem:s4+$0x180] =	vst v11  }
0x2e7: {  	v11 =	vadd.s32 $0x7, v1;
	v15 =	vld.idx.msk [tilespmem:v15+s3+$0x0], $0xffff;
	[tilespmem:s29+$0x1C700] =	vst v14  }
0x2e8: {  	s11 =	sadd.s32 $0x1B700, s18;
	v14 =	vadd.s32 $0xC, v2;
	[tilespmem:s1+$0x1C980] =	vst v9;
	v7 =	vld.idx.msk [tilespmem:v7+s3+$0x0], $0xffff  }
0x2e9: {  	v9 =	vadd.s32 $0x5, v3;
	[tilespmem:s11+$0x80] =	vst v17;
	v19 =	vld.idx.msk [tilespmem:v12+s3+$0x0], $0xffff  }
0x2ea: {  	v20 =	vld.idx.msk [tilespmem:v18+s3+$0x0], $0xffff;
	[tilespmem:s21+$0x300] =	vst v10;
	v18 =	vadd.s32 $0xA, v0  }
0x2eb: {  	v6 =	vadd.s32 $0xF, v6;
	v17 =	vld.idx.msk [tilespmem:v5+s3+$0x0], $0xffff;
	[tilespmem:s30+$0x1C880] =	vst v13  }
0x2ec: {  	v16 =	vadd.s32 $0x3, v4;
	v10 =	vld.idx.msk [tilespmem:v11+s3+$0x0], $0xffff;
	[tilespmem:s4+$0x200] =	vst v15  }
0x2ed: {  	v12 =	vadd.s32 $0x8, v1;
	v13 =	vld.idx.msk [tilespmem:v14+s3+$0x0], $0xffff;
	[tilespmem:s29+$0x1C780] =	vst v7  }
0x2ee: {  	v14 =	vld.idx.msk [tilespmem:v9+s3+$0x0], $0xffff;
	v9 =	vadd.s32 $0xD, v2;
	[tilespmem:s1+$0x1CA00] =	vst v19  }
0x2ef: {  	s21 =	sor.u32 s6, s12;
	v7 =	vld.idx.msk [tilespmem:v18+s3+$0x0], $0xffff;
	v18 =	vadd.s32 $0x1, v5;
	s22 =	rddreg [dreg:$0x9]  }
0x2f0: {  	s12 =	simm.s32 $0x80;
	s16 =	sor.u32 $0x380, s21;
	v15 =	vadd.s32 $0x6, v3;
	[tilespmem:s11+$0x100] =	vst v20;
	v11 =	vld.idx.msk [tilespmem:v6+s3+$0x0], $0xffff;
	s6 =	sadd.s32 s28, s22  }
.LBB2_9:
0x2f1: {  	p0 =	sne.s32 s12, $0x1F0;
	v6 =	vld.idx.msk [tilespmem:v16+s3+$0x0], $0xffff;
	[tilespmem:s16+$0x1B700] =	vst v10;
	v10 =	vadd.s32 $0xB, v0;
	s21 =	smov.u32 s7;
	s16 =	smov.u32 s14  }
0x2f2: {  	s17 =	sor.u32 s10, s9;
	s9 =	smov.u32 s13;
	s10 =	smov.u32 s20;
	v12 =	vld.idx.msk [tilespmem:v12+s3+$0x0], $0xffff;
	[tilespmem:s30+$0x1C900] =	vst v13  }
0x2f3: {  	s7 =	sadd.s32 $0x80, s7;
	s14 =	smov.u32 s19;
	s19 =	smov.u32 s2;
	v13 =	vadd.s32 $0x4, v4;
	[tilespmem:s17+$0x1B700] =	vst v17;
	v9 =	vld.idx.msk [tilespmem:v9+s3+$0x0], $0xffff  }
0x2f4: {  	s2 =	smov.u32 s8;
	s8 =	smov.u32 s12;
	s13 =	sand.u32 $0xC00, s7;
	v16 =	vld.idx.msk [tilespmem:v18+s3+$0x0], $0xffff;
	[tilespmem:s4+$0x280] =	vst v14;
	v14 =	vadd.s32 $0x9, v1  }
0x2f5: {  	s20 =	sand.u32 $0x70, s12;
	s22 =	sadd.s32 s13, s26;
	v15 =	vld.idx.msk [tilespmem:v15+s3+$0x0], $0xffff;
	[tilespmem:s29+$0x1C800] =	vst v7;
	v7 =	vadd.s32 $0xE, v2  }
0x2f6: {  	v17 =	vadd.s32 $0x2, v5;
	s22 =	sadd.s32 s20, s22;
	v18 =	vld.idx.msk [tilespmem:v10+s3+$0x0], $0xffff;
	[tilespmem:s1+$0x1CA80] =	vst v11;
	s1 =	smov.u32 s30;
	s30 =	smov.u32 s29  }
0x2f7: {  	s29 =	smov.u32 s31;
	s31 =	smov.u32 s0;
	s0 =	smov.u32 s18;
	v11 =	vld [tilespmem:s22+$0x180];
	[tilespmem:s11+$0x180] =	vst v6;
	v6 =	vadd.s32 $0x7, v3  }
0x2f8: {  	v19 =	vmul.u32 $0x11, v8;
	s18 =	smov.u32 s17;
	v20 =	vld.idx.msk [tilespmem:v13+s3+$0x0], $0xffff;
	[tilespmem:s29+$0x1C700] =	vst v12;
	v12 =	vadd.s32 $0xC, v0  }
0x2f9: {  	s17 =	sadd.s32 $0x1B700, s18;
	v21 =	vld.idx.msk [tilespmem:v14+s3+$0x0], $0xffff;
	[tilespmem:s1+$0x1C980] =	vst v9  }
0x2fa: {  	v9 =	vadd.s32 $0x5, v4;
	[tilespmem:s17+$0x80] =	vst v16;
	v22 =	vld.idx.msk [tilespmem:v7+s3+$0x0], $0xffff  }
0x2fb: {  	v7 =	vadd.s32 $0xA, v1;
	v23 =	vld.idx.msk [tilespmem:v17+s3+$0x0], $0xffff;
	[tilespmem:s4+$0x300] =	vst v15;
	s4 =	smov.u32 s11;
	s11 =	smov.u32 s17  }
0x2fc: {  	v10 =	vld.idx.msk [tilespmem:v6+s3+$0x0], $0xffff;
	[tilespmem:s30+$0x1C880] =	vst v18;
	v6 =	vadd.s32 $0xF, v2;
	v8 =	vmovc v11;
	v2 =	vmovc v0;
	v0 =	vmov v1;
	v1 =	vmov v3  }
.Ltmp3:
0x2fd: {  	v16 =	vadd.s32 $0x3, v5;
	v3 =	vmovc v4;
	v4 =	vmov v5;
	v5 =	vmov v19;
	v13 =	vld.idx.msk [tilespmem:v12+s3+$0x0], $0xffff;
	(pc) =	sbr.rel @p0 .LBB2_9-.Ltmp3, $4  }
0x2fe: {  	v12 =	vadd.s32 $0x8, v1;
	v17 =	vld.idx.msk [tilespmem:v19+s3+$0x0], $0xffff;
	[tilespmem:s4+$0x200] =	vst v20  }
0x2ff: {  	v14 =	vld.idx.msk [tilespmem:v9+s3+$0x0], $0xffff;
	[tilespmem:s29+$0x1C780] =	vst v21;
	v9 =	vadd.s32 $0xD, v2  }
0x300: {  	s16 =	sor.u32 s5, s16;
	s5 =	smov.u32 s15;
	s15 =	smov.u32 s24;
	v18 =	vadd.s32 $0x1, v5;
	v7 =	vld.idx.msk [tilespmem:v7+s3+$0x0], $0xffff;
	[tilespmem:s1+$0x1CA00] =	vst v22  }
0x301: {  	s12 =	sadd.s32 $0x10, s12;
	s24 =	smov.u32 s21;
	s16 =	sor.u32 $0x380, s16;
	v15 =	vadd.s32 $0x6, v3;
	[tilespmem:s11+$0x100] =	vst v23;
	v11 =	vld.idx.msk [tilespmem:v6+s3+$0x0], $0xffff  }
0x302: {  	v6 =	vmul.u32 $0x11, v8;
	_ =	sdelay $0x5  }
0x303: {  	v8 =	vld.idx.msk [tilespmem:v6+s3+$0x0], $0xffff  }
0x304: {  	v19 =	vadd.s32 $0x1, v6;
	_ =	sdelay $0x1  }
0x305: {  	s9 =	sor.u32 s10, s9  }
0x306: {  	s10 =	sor.u32 s20, s13;
	[tilespmem:s9+$0x1B700] =	vst v17  }
0x307: {  	v17 =	vld.idx.msk [tilespmem:v18+s3+$0x0], $0xffff;
	[tilespmem:s10+$0x1B700] =	vst v8  }
0x308: {  	v8 =	vadd.s32 $0x2, v5;
	v18 =	vld.idx.msk [tilespmem:v19+s3+$0x0], $0xffff  }
0x309: {  	v19 =	vadd.s32 $0x2, v6;
	_ =	sdelay $0x1  }
0x30a: {  	s12 =	sadd.s32 $0x1B700, s9  }
0x30b: {  	s13 =	sadd.s32 $0x1B700, s10;
	[tilespmem:s12+$0x80] =	vst v17  }
0x30c: {  	v8 =	vld.idx.msk [tilespmem:v8+s3+$0x0], $0xffff;
	[tilespmem:s13+$0x80] =	vst v18  }
0x30d: {  	v17 =	vadd.s32 $0x3, v5;
	v18 =	vld.idx.msk [tilespmem:v19+s3+$0x0], $0xffff  }
0x30e: {  	v19 =	vadd.s32 $0x3, v6;
	_ =	sdelay $0x2  }
0x30f: {  	v16 =	vld.idx.msk [tilespmem:v16+s3+$0x0], $0xffff;
	[tilespmem:s12+$0x100] =	vst v8  }
0x310: {  	v8 =	vadd.s32 $0x4, v4;
	v17 =	vld.idx.msk [tilespmem:v17+s3+$0x0], $0xffff;
	[tilespmem:s13+$0x100] =	vst v18  }
0x311: {  	v18 =	vadd.s32 $0x4, v5;
	v19 =	vld.idx.msk [tilespmem:v19+s3+$0x0], $0xffff  }
0x312: {  	v20 =	vadd.s32 $0x4, v6;
	_ =	sdelay $0x1  }
0x313: {  	[tilespmem:s11+$0x180] =	vst v16  }
0x314: {  	v8 =	vld.idx.msk [tilespmem:v8+s3+$0x0], $0xffff;
	[tilespmem:s12+$0x180] =	vst v17  }
0x315: {  	v16 =	vadd.s32 $0x5, v4;
	v17 =	vld.idx.msk [tilespmem:v18+s3+$0x0], $0xffff;
	[tilespmem:s13+$0x180] =	vst v19  }
0x316: {  	v18 =	vadd.s32 $0x5, v5;
	v19 =	vld.idx.msk [tilespmem:v20+s3+$0x0], $0xffff  }
0x317: {  	v20 =	vadd.s32 $0x5, v6;
	_ =	sdelay $0x1  }
0x318: {  	[tilespmem:s11+$0x200] =	vst v8  }
0x319: {  	v8 =	vld.idx.msk [tilespmem:v16+s3+$0x0], $0xffff;
	[tilespmem:s12+$0x200] =	vst v17  }
0x31a: {  	v16 =	vadd.s32 $0x6, v4;
	v17 =	vld.idx.msk [tilespmem:v18+s3+$0x0], $0xffff;
	[tilespmem:s13+$0x200] =	vst v19  }
0x31b: {  	v18 =	vadd.s32 $0x6, v5;
	v19 =	vld.idx.msk [tilespmem:v20+s3+$0x0], $0xffff  }
0x31c: {  	v20 =	vadd.s32 $0x6, v6  }
0x31d: {  	[tilespmem:s4+$0x280] =	vst v14  }
0x31e: {  	[tilespmem:s11+$0x280] =	vst v8;
	v8 =	vld.idx.msk [tilespmem:v15+s3+$0x0], $0xffff  }
0x31f: {  	v14 =	vadd.s32 $0x7, v3;
	v15 =	vld.idx.msk [tilespmem:v16+s3+$0x0], $0xffff;
	[tilespmem:s12+$0x280] =	vst v17  }
0x320: {  	v16 =	vadd.s32 $0x7, v4;
	v17 =	vld.idx.msk [tilespmem:v18+s3+$0x0], $0xffff;
	[tilespmem:s13+$0x280] =	vst v19  }
0x321: {  	[tilespmem:s16+$0x1B700] =	vst v10;
	v10 =	vadd.s32 $0x7, v5;
	v18 =	vld.idx.msk [tilespmem:v20+s3+$0x0], $0xffff  }
0x322: {  	[tilespmem:s30+$0x1C900] =	vst v13;
	v13 =	vadd.s32 $0x7, v6  }
0x323: {  	[tilespmem:s4+$0x300] =	vst v8  }
0x324: {  	v8 =	vld.idx.msk [tilespmem:v14+s3+$0x0], $0xffff;
	[tilespmem:s11+$0x300] =	vst v15  }
0x325: {  	v14 =	vadd.s32 $0x8, v3;
	v15 =	vld.idx.msk [tilespmem:v16+s3+$0x0], $0xffff;
	[tilespmem:s12+$0x300] =	vst v17  }
0x326: {  	v16 =	vadd.s32 $0x8, v4;
	v10 =	vld.idx.msk [tilespmem:v10+s3+$0x0], $0xffff;
	[tilespmem:s13+$0x300] =	vst v18  }
0x327: {  	s16 =	sor.u32 s5, s14;
	[tilespmem:s29+$0x1C800] =	vst v7;
	v7 =	vadd.s32 $0x8, v5;
	v13 =	vld.idx.msk [tilespmem:v13+s3+$0x0], $0xffff  }
0x328: {  	s20 =	sor.u32 s15, s19;
	v12 =	vld.idx.msk [tilespmem:v12+s3+$0x0], $0xffff;
	s17 =	sor.u32 $0x380, s16;
	[tilespmem:s1+$0x1CA80] =	vst v11;
	v11 =	vadd.s32 $0x8, v6  }
0x329: {  	s2 =	sor.u32 s24, s2;
	v9 =	vld.idx.msk [tilespmem:v9+s3+$0x0], $0xffff;
	s21 =	sor.u32 $0x380, s20;
	v17 =	vadd.s32 $0xB, v0;
	[tilespmem:s17+$0x1B700] =	vst v8  }
0x32a: {  	s24 =	sor.u32 s7, s8;
	s22 =	sor.u32 $0x380, s2;
	v8 =	vadd.s32 $0x9, v1;
	v14 =	vld.idx.msk [tilespmem:v14+s3+$0x0], $0xffff;
	[tilespmem:s21+$0x1B700] =	vst v15  }
0x32b: {  	s4 =	sor.u32 $0x380, s24;
	v15 =	vadd.s32 $0x9, v3;
	v16 =	vld.idx.msk [tilespmem:v16+s3+$0x0], $0xffff;
	[tilespmem:s22+$0x1B700] =	vst v10  }
0x32c: {  	v10 =	vadd.s32 $0x9, v4;
	v7 =	vld.idx.msk [tilespmem:v7+s3+$0x0], $0xffff;
	[tilespmem:s4+$0x1B700] =	vst v13  }
0x32d: {  	[tilespmem:s31+$0x1C700] =	vst v12;
	v12 =	vadd.s32 $0x9, v5;
	v11 =	vld.idx.msk [tilespmem:v11+s3+$0x0], $0xffff  }
0x32e: {  	[tilespmem:s30+$0x1C980] =	vst v9;
	v9 =	vadd.s32 $0x9, v6;
	v13 =	vld.idx.msk [tilespmem:v17+s3+$0x0], $0xffff  }
0x32f: {  	v17 =	vadd.s32 $0xE, v2;
	v8 =	vld.idx.msk [tilespmem:v8+s3+$0x0], $0xffff;
	[tilespmem:s0+$0x1C700] =	vst v14  }
0x330: {  	v14 =	vadd.s32 $0xA, v1;
	v15 =	vld.idx.msk [tilespmem:v15+s3+$0x0], $0xffff;
	[tilespmem:s18+$0x1C700] =	vst v16  }
0x331: {  	v16 =	vadd.s32 $0xA, v3;
	v10 =	vld.idx.msk [tilespmem:v10+s3+$0x0], $0xffff;
	[tilespmem:s9+$0x1C700] =	vst v7  }
0x332: {  	v7 =	vadd.s32 $0xA, v4;
	v12 =	vld.idx.msk [tilespmem:v12+s3+$0x0], $0xffff;
	[tilespmem:s10+$0x1C700] =	vst v11  }
0x333: {  	[tilespmem:s29+$0x1C880] =	vst v13;
	v11 =	vadd.s32 $0xA, v5;
	v9 =	vld.idx.msk [tilespmem:v9+s3+$0x0], $0xffff  }
0x334: {  	v13 =	vld.idx.msk [tilespmem:v17+s3+$0x0], $0xffff;
	[tilespmem:s31+$0x1C780] =	vst v8;
	v8 =	vadd.s32 $0xA, v6  }
0x335: {  	v17 =	vadd.s32 $0xC, v0;
	v14 =	vld.idx.msk [tilespmem:v14+s3+$0x0], $0xffff;
	[tilespmem:s0+$0x1C780] =	vst v15  }
0x336: {  	v15 =	vadd.s32 $0xB, v1;
	v16 =	vld.idx.msk [tilespmem:v16+s3+$0x0], $0xffff;
	[tilespmem:s18+$0x1C780] =	vst v10  }
0x337: {  	v10 =	vadd.s32 $0xB, v3;
	v7 =	vld.idx.msk [tilespmem:v7+s3+$0x0], $0xffff;
	[tilespmem:s9+$0x1C780] =	vst v12  }
0x338: {  	v12 =	vadd.s32 $0xB, v4;
	v11 =	vld.idx.msk [tilespmem:v11+s3+$0x0], $0xffff;
	[tilespmem:s10+$0x1C780] =	vst v9  }
0x339: {  	[tilespmem:s30+$0x1CA00] =	vst v13;
	v9 =	vadd.s32 $0xB, v5;
	v8 =	vld.idx.msk [tilespmem:v8+s3+$0x0], $0xffff  }
0x33a: {  	v13 =	vld.idx.msk [tilespmem:v17+s3+$0x0], $0xffff;
	[tilespmem:s31+$0x1C800] =	vst v14;
	v14 =	vadd.s32 $0xB, v6  }
0x33b: {  	v2 =	vadd.s32 $0xF, v2;
	v15 =	vld.idx.msk [tilespmem:v15+s3+$0x0], $0xffff;
	[tilespmem:s0+$0x1C800] =	vst v16  }
0x33c: {  	v16 =	vadd.s32 $0xC, v1;
	v10 =	vld.idx.msk [tilespmem:v10+s3+$0x0], $0xffff;
	[tilespmem:s18+$0x1C800] =	vst v7  }
0x33d: {  	v7 =	vadd.s32 $0xC, v3;
	v12 =	vld.idx.msk [tilespmem:v12+s3+$0x0], $0xffff;
	[tilespmem:s9+$0x1C800] =	vst v11  }
0x33e: {  	v11 =	vadd.s32 $0xC, v4;
	v9 =	vld.idx.msk [tilespmem:v9+s3+$0x0], $0xffff;
	[tilespmem:s10+$0x1C800] =	vst v8  }
0x33f: {  	[tilespmem:s29+$0x1C900] =	vst v13;
	v8 =	vadd.s32 $0xC, v5;
	v13 =	vld.idx.msk [tilespmem:v14+s3+$0x0], $0xffff  }
0x340: {  	v2 =	vld.idx.msk [tilespmem:v2+s3+$0x0], $0xffff;
	[tilespmem:s31+$0x1C880] =	vst v15;
	v14 =	vadd.s32 $0xC, v6  }
0x341: {  	v15 =	vadd.s32 $0xD, v0;
	v16 =	vld.idx.msk [tilespmem:v16+s3+$0x0], $0xffff;
	[tilespmem:s0+$0x1C880] =	vst v10  }
0x342: {  	v10 =	vadd.s32 $0xD, v1;
	v7 =	vld.idx.msk [tilespmem:v7+s3+$0x0], $0xffff;
	[tilespmem:s18+$0x1C880] =	vst v12  }
0x343: {  	v12 =	vadd.s32 $0xD, v3;
	v11 =	vld.idx.msk [tilespmem:v11+s3+$0x0], $0xffff;
	[tilespmem:s9+$0x1C880] =	vst v9  }
0x344: {  	v9 =	vadd.s32 $0xD, v4;
	v8 =	vld.idx.msk [tilespmem:v8+s3+$0x0], $0xffff;
	[tilespmem:s10+$0x1C880] =	vst v13  }
0x345: {  	[tilespmem:s30+$0x1CA80] =	vst v2;
	v2 =	vadd.s32 $0xD, v5;
	v13 =	vld.idx.msk [tilespmem:v14+s3+$0x0], $0xffff  }
0x346: {  	[tilespmem:s31+$0x1C900] =	vst v16;
	v14 =	vld.idx.msk [tilespmem:v15+s3+$0x0], $0xffff;
	v15 =	vadd.s32 $0xD, v6  }
0x347: {  	v16 =	vadd.s32 $0xE, v0;
	v10 =	vld.idx.msk [tilespmem:v10+s3+$0x0], $0xffff;
	[tilespmem:s0+$0x1C900] =	vst v7  }
0x348: {  	v7 =	vadd.s32 $0xE, v1;
	v12 =	vld.idx.msk [tilespmem:v12+s3+$0x0], $0xffff;
	[tilespmem:s18+$0x1C900] =	vst v11  }
0x349: {  	v11 =	vadd.s32 $0xE, v3;
	v9 =	vld.idx.msk [tilespmem:v9+s3+$0x0], $0xffff;
	[tilespmem:s9+$0x1C900] =	vst v8  }
0x34a: {  	v8 =	vadd.s32 $0xE, v4;
	v2 =	vld.idx.msk [tilespmem:v2+s3+$0x0], $0xffff;
	[tilespmem:s10+$0x1C900] =	vst v13  }
0x34b: {  	[tilespmem:s29+$0x1C980] =	vst v14;
	v13 =	vadd.s32 $0xE, v5;
	v14 =	vld.idx.msk [tilespmem:v15+s3+$0x0], $0xffff  }
0x34c: {  	[tilespmem:s31+$0x1C980] =	vst v10;
	v10 =	vadd.s32 $0xE, v6;
	v15 =	vld.idx.msk [tilespmem:v16+s3+$0x0], $0xffff  }
0x34d: {  	v0 =	vadd.s32 $0xF, v0;
	v7 =	vld.idx.msk [tilespmem:v7+s3+$0x0], $0xffff;
	[tilespmem:s0+$0x1C980] =	vst v12  }
0x34e: {  	v1 =	vadd.s32 $0xF, v1;
	v11 =	vld.idx.msk [tilespmem:v11+s3+$0x0], $0xffff;
	[tilespmem:s18+$0x1C980] =	vst v9  }
0x34f: {  	v3 =	vadd.s32 $0xF, v3;
	v8 =	vld.idx.msk [tilespmem:v8+s3+$0x0], $0xffff;
	[tilespmem:s9+$0x1C980] =	vst v2  }
0x350: {  	v2 =	vadd.s32 $0xF, v4;
	v4 =	vld.idx.msk [tilespmem:v13+s3+$0x0], $0xffff;
	[tilespmem:s10+$0x1C980] =	vst v14  }
0x351: {  	v5 =	vadd.s32 $0xF, v5;
	[tilespmem:s29+$0x1CA00] =	vst v15;
	v9 =	vld.idx.msk [tilespmem:v10+s3+$0x0], $0xffff  }
0x352: {  	v6 =	vadd.s32 $0xF, v6;
	[tilespmem:s31+$0x1CA00] =	vst v7;
	v0 =	vld.idx.msk [tilespmem:v0+s3+$0x0], $0xffff  }
0x353: {  	v1 =	vld.idx.msk [tilespmem:v1+s3+$0x0], $0xffff;
	[tilespmem:s0+$0x1CA00] =	vst v11  }
0x354: {  	v3 =	vld.idx.msk [tilespmem:v3+s3+$0x0], $0xffff;
	[tilespmem:s18+$0x1CA00] =	vst v8  }
0x355: {  	v2 =	vld.idx.msk [tilespmem:v2+s3+$0x0], $0xffff;
	[tilespmem:s9+$0x1CA00] =	vst v4  }
0x356: {  	v4 =	vld.idx.msk [tilespmem:v5+s3+$0x0], $0xffff;
	[tilespmem:s10+$0x1CA00] =	vst v9  }
0x357: {  	[tilespmem:s29+$0x1CA80] =	vst v0;
	v0 =	vld.idx.msk [tilespmem:v6+s3+$0x0], $0xffff  }
0x358: {  	[tilespmem:s31+$0x1CA80] =	vst v1  }
0x359: {  	[tilespmem:s0+$0x1CA80] =	vst v3  }
0x35a: {  	[tilespmem:s18+$0x1CA80] =	vst v2  }
0x35b: {  	s5 =	simm.s32 $0x1000;
	s7 =	simm.s32 $0x20000;
	[tilespmem:s9+$0x1CA80] =	vst v4  }
0x35c: {  	s8 =	simm.s32 $0x1B700;
	s4 =	simm.s32 $0x0;
	s9 =	simm.s32 $0x2;
	[tilespmem:s10+$0x1CA80] =	vst v0  }
0x35d: {  	[hbm4b:s6+s5] =	stream.strided.scatter [tilespmem:s8], [sflag:$0x3], $0x2000, s7, s5, $0x38;
	[tilespmem:$0x1D700] =	vst v63  }
0x35e: {  	s10 =	sand.u32 $0xC00, s4;
	_ =	swait.ge [sflag:s9], $0x2000  }
0x35f: {  	s11 =	sand.u32 $0x70, s4;
	s12 =	sadd.s32 s10, s26;
	[sflag:s9] =	ssyncset.done $0x0  }
0x360: {  	s0 =	sadd.s32 s11, s12;
	[sflag:s9] =	ssyncadd.s32 $0xFFFFE000  }
0x361: {  	v0 =	vld [tilespmem:s0+$0x200];
	_ =	sdelay $0x4  }
0x362: {  	v6 =	vmul.u32 $0x11, v0;
	_ =	sdelay $0x5  }
0x363: {  	s0 =	simm.s32 $0x80;
	v0 =	vld.idx.msk [tilespmem:v6+s3+$0x0], $0xffff  }
0x364: {  	s2 =	simm.s32 $0x10;
	s13 =	sand.u32 $0xC00, s0;
	v1 =	vadd.s32 $0x1, v6  }
0x365: {  	s14 =	sand.u32 $0x70, s2;
	s15 =	sadd.s32 s13, s26  }
0x366: {  	s7 =	sadd.s32 s14, s15  }
0x367: {  	s1 =	sor.u32 s11, s10;
	v2 =	vld [tilespmem:s7+$0x200]  }
0x368: {  	[tilespmem:s1+$0x19700] =	vst v0  }
0x369: {  	v0 =	vld.idx.msk [tilespmem:v1+s3+$0x0], $0xffff  }
0x36a: {  	v1 =	vadd.s32 $0x2, v6;
	_ =	sdelay $0x1  }
0x36b: {  	v2 =	vmul.u32 $0x11, v2  }
0x36c: {  	s5 =	sadd.s32 $0x19700, s1  }
0x36d: {  	[tilespmem:s5+$0x80] =	vst v0  }
0x36e: {  	v0 =	vld.idx.msk [tilespmem:v1+s3+$0x0], $0xffff  }
0x36f: {  	s7 =	simm.s32 $0x100;
	v1 =	vadd.s32 $0x3, v6  }
0x370: {  	s8 =	simm.s32 $0x20;
	s16 =	sand.u32 $0xC00, s7  }
0x371: {  	s17 =	sand.u32 $0x70, s8;
	s18 =	sadd.s32 s16, s26;
	v3 =	vld.idx.msk [tilespmem:v2+s3+$0x0], $0xffff  }
0x372: {  	s12 =	sadd.s32 s17, s18;
	v4 =	vadd.s32 $0x1, v2  }
0x373: {  	v5 =	vld [tilespmem:s12+$0x200];
	[tilespmem:s5+$0x100] =	vst v0  }
0x374: {  	v0 =	vld.idx.msk [tilespmem:v1+s3+$0x0], $0xffff  }
0x375: {  	s30 =	sor.u32 s14, s13;
	v1 =	vadd.s32 $0x4, v6  }
0x376: {  	[tilespmem:s30+$0x19700] =	vst v3  }
0x377: {  	v3 =	vld.idx.msk [tilespmem:v4+s3+$0x0], $0xffff  }
0x378: {  	v4 =	vadd.s32 $0x2, v2  }
0x379: {  	[tilespmem:s5+$0x180] =	vst v0;
	v0 =	vmul.u32 $0x11, v5  }
0x37a: {  	v1 =	vld.idx.msk [tilespmem:v1+s3+$0x0], $0xffff  }
0x37b: {  	s9 =	sadd.s32 $0x19700, s30;
	v5 =	vadd.s32 $0x5, v6  }
0x37c: {  	[tilespmem:s9+$0x80] =	vst v3  }
0x37d: {  	v3 =	vld.idx.msk [tilespmem:v4+s3+$0x0], $0xffff  }
0x37e: {  	s6 =	simm.s32 $0x180;
	v4 =	vadd.s32 $0x3, v2  }
0x37f: {  	s19 =	sand.u32 $0xC00, s6;
	s12 =	simm.s32 $0x30;
	v7 =	vld.idx.msk [tilespmem:v0+s3+$0x0], $0xffff;
	[tilespmem:s5+$0x200] =	vst v1  }
0x380: {  	s21 =	sadd.s32 s19, s26;
	s20 =	sand.u32 $0x70, s12;
	v1 =	vld.idx.msk [tilespmem:v5+s3+$0x0], $0xffff;
	v5 =	vadd.s32 $0x1, v0  }
0x381: {  	v8 =	vadd.s32 $0x6, v6;
	s14 =	sadd.s32 s20, s21  }
0x382: {  	v9 =	vld [tilespmem:s14+$0x200];
	[tilespmem:s9+$0x100] =	vst v3  }
0x383: {  	s29 =	sor.u32 s17, s16;
	v3 =	vld.idx.msk [tilespmem:v4+s3+$0x0], $0xffff  }
0x384: {  	v4 =	vadd.s32 $0x4, v2;
	[tilespmem:s29+$0x19700] =	vst v7  }
0x385: {  	v5 =	vld.idx.msk [tilespmem:v5+s3+$0x0], $0xffff;
	[tilespmem:s5+$0x280] =	vst v1  }
0x386: {  	v7 =	vld.idx.msk [tilespmem:v8+s3+$0x0], $0xffff;
	v8 =	vadd.s32 $0x2, v0  }
0x387: {  	v10 =	vadd.s32 $0x7, v6  }
0x388: {  	[tilespmem:s9+$0x180] =	vst v3;
	v1 =	vmul.u32 $0x11, v9  }
0x389: {  	s11 =	sadd.s32 $0x19700, s29;
	v3 =	vld.idx.msk [tilespmem:v4+s3+$0x0], $0xffff  }
0x38a: {  	v4 =	vadd.s32 $0x5, v2;
	[tilespmem:s11+$0x80] =	vst v5  }
0x38b: {  	v5 =	vld.idx.msk [tilespmem:v8+s3+$0x0], $0xffff;
	[tilespmem:s5+$0x300] =	vst v7  }
0x38c: {  	s5 =	simm.s32 $0x200;
	v8 =	vadd.s32 $0x3, v0;
	v7 =	vld.idx.msk [tilespmem:v10+s3+$0x0], $0xffff  }
0x38d: {  	s14 =	simm.s32 $0x40;
	v9 =	vadd.s32 $0x8, v6;
	s22 =	sand.u32 $0xC00, s5  }
0x38e: {  	s17 =	sand.u32 $0x70, s14;
	[tilespmem:s9+$0x200] =	vst v3;
	v10 =	vld.idx.msk [tilespmem:v1+s3+$0x0], $0xffff;
	s24 =	sadd.s32 s22, s26  }
0x38f: {  	s4 =	sor.u32 s4, s4;
	v3 =	vld.idx.msk [tilespmem:v4+s3+$0x0], $0xffff;
	v4 =	vadd.s32 $0x1, v1;
	s16 =	sadd.s32 s17, s24  }
0x390: {  	s4 =	sor.u32 $0x380, s4;
	v11 =	vld [tilespmem:s16+$0x200];
	[tilespmem:s11+$0x100] =	vst v5;
	v5 =	vadd.s32 $0x6, v2  }
0x391: {  	v8 =	vld.idx.msk [tilespmem:v8+s3+$0x0], $0xffff;
	[tilespmem:s4+$0x19700] =	vst v7  }
0x392: {  	s31 =	sor.u32 s20, s19;
	v7 =	vld.idx.msk [tilespmem:v9+s3+$0x0], $0xffff;
	v9 =	vadd.s32 $0x4, v0  }
0x393: {  	[tilespmem:s31+$0x19700] =	vst v10;
	v10 =	vadd.s32 $0x9, v6  }
0x394: {  	[tilespmem:s9+$0x280] =	vst v3;
	v4 =	vld.idx.msk [tilespmem:v4+s3+$0x0], $0xffff  }
0x395: {  	v12 =	vadd.s32 $0x2, v1;
	v5 =	vld.idx.msk [tilespmem:v5+s3+$0x0], $0xffff  }
0x396: {  	v3 =	vmul.u32 $0x11, v11;
	[tilespmem:s11+$0x180] =	vst v8;
	v8 =	vadd.s32 $0x7, v2  }
0x397: {  	v9 =	vld.idx.msk [tilespmem:v9+s3+$0x0], $0xffff;
	[tilespmem:s1+$0x1A700] =	vst v7  }
0x398: {  	s21 =	sadd.s32 $0x19700, s31;
	v7 =	vld.idx.msk [tilespmem:v10+s3+$0x0], $0xffff;
	v10 =	vadd.s32 $0x5, v0  }
0x399: {  	[tilespmem:s21+$0x80] =	vst v4;
	v4 =	vadd.s32 $0xA, v6  }
0x39a: {  	v11 =	vld.idx.msk [tilespmem:v12+s3+$0x0], $0xffff;
	[tilespmem:s9+$0x300] =	vst v5  }
0x39b: {  	s15 =	simm.s32 $0x280;
	v5 =	vld.idx.msk [tilespmem:v8+s3+$0x0], $0xffff;
	v8 =	vadd.s32 $0x3, v1  }
0x39c: {  	s19 =	simm.s32 $0x50;
	s16 =	sand.u32 $0xC00, s15;
	v12 =	vld.idx.msk [tilespmem:v3+s3+$0x0], $0xffff;
	[tilespmem:s11+$0x200] =	vst v9;
	v9 =	vadd.s32 $0x8, v2  }
0x39d: {  	s18 =	sand.u32 $0x70, s19;
	s20 =	sadd.s32 s16, s26;
	v10 =	vld.idx.msk [tilespmem:v10+s3+$0x0], $0xffff;
	[tilespmem:s1+$0x1A780] =	vst v7;
	v7 =	vadd.s32 $0x1, v3  }
0x39e: {  	s0 =	sor.u32 s0, s2;
	v13 =	vadd.s32 $0x6, v0;
	s4 =	sadd.s32 s18, s20;
	v4 =	vld.idx.msk [tilespmem:v4+s3+$0x0], $0xffff  }
0x39f: {  	s0 =	sor.u32 $0x380, s0;
	v14 =	vld [tilespmem:s4+$0x200];
	[tilespmem:s21+$0x100] =	vst v11;
	v11 =	vadd.s32 $0xB, v6  }
0x3a0: {  	v8 =	vld.idx.msk [tilespmem:v8+s3+$0x0], $0xffff;
	[tilespmem:s0+$0x19700] =	vst v5;
	s0 =	sor.u32 s17, s22  }
0x3a1: {  	s24 =	simm.s32 $0x300;
	v5 =	vld.idx.msk [tilespmem:v9+s3+$0x0], $0xffff;
	[tilespmem:s0+$0x19700] =	vst v12;
	v9 =	vadd.s32 $0x4, v1  }
0x3a2: {  	s2 =	simm.s32 $0x60;
	s9 =	sand.u32 $0xC00, s24;
	v7 =	vld.idx.msk [tilespmem:v7+s3+$0x0], $0xffff;
	[tilespmem:s11+$0x280] =	vst v10;
	v10 =	vadd.s32 $0x9, v2  }
0x3a3: {  	s10 =	sand.u32 $0x70, s2;
	s22 =	sadd.s32 s9, s26;
	v12 =	vld.idx.msk [tilespmem:v13+s3+$0x0], $0xffff;
	[tilespmem:s1+$0x1A800] =	vst v4;
	v13 =	vadd.s32 $0x2, v3  }
0x3a4: {  	v15 =	vadd.s32 $0x7, v0;
	s4 =	sadd.s32 s10, s22;
	v11 =	vld.idx.msk [tilespmem:v11+s3+$0x0], $0xffff  }
0x3a5: {  	v16 =	vld [tilespmem:s4+$0x200];
	v4 =	vmul.u32 $0x11, v14;
	[tilespmem:s21+$0x180] =	vst v8;
	v8 =	vadd.s32 $0xC, v6  }
0x3a6: {  	s4 =	sadd.s32 $0x19700, s0;
	v9 =	vld.idx.msk [tilespmem:v9+s3+$0x0], $0xffff;
	[tilespmem:s30+$0x1A700] =	vst v5  }
0x3a7: {  	v5 =	vld.idx.msk [tilespmem:v10+s3+$0x0], $0xffff;
	[tilespmem:s4+$0x80] =	vst v7;
	v7 =	vadd.s32 $0x5, v1  }
0x3a8: {  	v10 =	vld.idx.msk [tilespmem:v13+s3+$0x0], $0xffff;
	[tilespmem:s11+$0x300] =	vst v12;
	v12 =	vadd.s32 $0xA, v2  }
0x3a9: {  	v13 =	vld.idx.msk [tilespmem:v15+s3+$0x0], $0xffff;
	[tilespmem:s1+$0x1A880] =	vst v11;
	v11 =	vadd.s32 $0x3, v3  }
0x3aa: {  	v14 =	vadd.s32 $0x8, v0;
	v8 =	vld.idx.msk [tilespmem:v8+s3+$0x0], $0xffff  }
0x3ab: {  	v15 =	vld.idx.msk [tilespmem:v4+s3+$0x0], $0xffff;
	[tilespmem:s21+$0x200] =	vst v9;
	v9 =	vadd.s32 $0xD, v6  }
0x3ac: {  	s7 =	sor.u32 s7, s8;
	v7 =	vld.idx.msk [tilespmem:v7+s3+$0x0], $0xffff;
	[tilespmem:s30+$0x1A780] =	vst v5;
	v5 =	vadd.s32 $0x1, v4  }
0x3ad: {  	s7 =	sor.u32 $0x380, s7;
	v12 =	vld.idx.msk [tilespmem:v12+s3+$0x0], $0xffff;
	[tilespmem:s4+$0x100] =	vst v10;
	v10 =	vadd.s32 $0x6, v1  }
0x3ae: {  	v11 =	vld.idx.msk [tilespmem:v11+s3+$0x0], $0xffff;
	[tilespmem:s7+$0x19700] =	vst v13  }
0x3af: {  	s18 =	sor.u32 s18, s16;
	v13 =	vadd.s32 $0xB, v2;
	s7 =	simm.s32 $0x380;
	v14 =	vld.idx.msk [tilespmem:v14+s3+$0x0], $0xffff;
	[tilespmem:s1+$0x1A900] =	vst v8  }
0x3b0: {  	s8 =	simm.s32 $0x70;
	[tilespmem:s18+$0x19700] =	vst v15;
	v15 =	vadd.s32 $0x4, v3;
	s13 =	sand.u32 $0xC00, s7;
	v9 =	vld.idx.msk [tilespmem:v9+s3+$0x0], $0xffff  }
0x3b1: {  	s20 =	sand.u32 $0x70, s8;
	s17 =	sadd.s32 s13, s26;
	v17 =	vld.idx.msk [tilespmem:v5+s3+$0x0], $0xffff;
	[tilespmem:s21+$0x280] =	vst v7;
	v7 =	vadd.s32 $0x9, v0  }
0x3b2: {  	s11 =	sadd.s32 s20, s17;
	v10 =	vld.idx.msk [tilespmem:v10+s3+$0x0], $0xffff;
	[tilespmem:s30+$0x1A800] =	vst v12;
	v12 =	vadd.s32 $0xE, v6  }
0x3b3: {  	v18 =	vadd.s32 $0x2, v4;
	v5 =	vmul.u32 $0x11, v16;
	v8 =	vld [tilespmem:s11+$0x200]  }
0x3b4: {  	v13 =	vld.idx.msk [tilespmem:v13+s3+$0x0], $0xffff;
	[tilespmem:s4+$0x180] =	vst v11  }
0x3b5: {  	v11 =	vadd.s32 $0x7, v1;
	v15 =	vld.idx.msk [tilespmem:v15+s3+$0x0], $0xffff;
	[tilespmem:s29+$0x1A700] =	vst v14  }
0x3b6: {  	s11 =	sadd.s32 $0x19700, s18;
	v14 =	vadd.s32 $0xC, v2;
	[tilespmem:s1+$0x1A980] =	vst v9;
	v7 =	vld.idx.msk [tilespmem:v7+s3+$0x0], $0xffff  }
0x3b7: {  	v9 =	vadd.s32 $0x5, v3;
	[tilespmem:s11+$0x80] =	vst v17;
	v19 =	vld.idx.msk [tilespmem:v12+s3+$0x0], $0xffff  }
0x3b8: {  	v20 =	vld.idx.msk [tilespmem:v18+s3+$0x0], $0xffff;
	[tilespmem:s21+$0x300] =	vst v10;
	v18 =	vadd.s32 $0xA, v0  }
0x3b9: {  	v6 =	vadd.s32 $0xF, v6;
	v17 =	vld.idx.msk [tilespmem:v5+s3+$0x0], $0xffff;
	[tilespmem:s30+$0x1A880] =	vst v13  }
0x3ba: {  	v16 =	vadd.s32 $0x3, v4;
	v10 =	vld.idx.msk [tilespmem:v11+s3+$0x0], $0xffff;
	[tilespmem:s4+$0x200] =	vst v15  }
0x3bb: {  	v12 =	vadd.s32 $0x8, v1;
	v13 =	vld.idx.msk [tilespmem:v14+s3+$0x0], $0xffff;
	[tilespmem:s29+$0x1A780] =	vst v7  }
0x3bc: {  	v14 =	vld.idx.msk [tilespmem:v9+s3+$0x0], $0xffff;
	v9 =	vadd.s32 $0xD, v2;
	[tilespmem:s1+$0x1AA00] =	vst v19  }
0x3bd: {  	s21 =	sor.u32 s6, s12;
	v7 =	vld.idx.msk [tilespmem:v18+s3+$0x0], $0xffff;
	v18 =	vadd.s32 $0x1, v5;
	s22 =	rddreg [dreg:$0xa]  }
0x3be: {  	s12 =	simm.s32 $0x80;
	s16 =	sor.u32 $0x380, s21;
	v15 =	vadd.s32 $0x6, v3;
	[tilespmem:s11+$0x100] =	vst v20;
	v11 =	vld.idx.msk [tilespmem:v6+s3+$0x0], $0xffff;
	s6 =	sadd.s32 s28, s22  }
.LBB2_11:
0x3bf: {  	p0 =	sne.s32 s12, $0x1F0;
	v6 =	vld.idx.msk [tilespmem:v16+s3+$0x0], $0xffff;
	[tilespmem:s16+$0x19700] =	vst v10;
	v10 =	vadd.s32 $0xB, v0;
	s21 =	smov.u32 s7;
	s16 =	smov.u32 s14  }
0x3c0: {  	s17 =	sor.u32 s10, s9;
	s9 =	smov.u32 s13;
	s10 =	smov.u32 s20;
	v12 =	vld.idx.msk [tilespmem:v12+s3+$0x0], $0xffff;
	[tilespmem:s30+$0x1A900] =	vst v13  }
0x3c1: {  	s7 =	sadd.s32 $0x80, s7;
	s14 =	smov.u32 s19;
	s19 =	smov.u32 s2;
	v13 =	vadd.s32 $0x4, v4;
	[tilespmem:s17+$0x19700] =	vst v17;
	v9 =	vld.idx.msk [tilespmem:v9+s3+$0x0], $0xffff  }
0x3c2: {  	s2 =	smov.u32 s8;
	s8 =	smov.u32 s12;
	s13 =	sand.u32 $0xC00, s7;
	v16 =	vld.idx.msk [tilespmem:v18+s3+$0x0], $0xffff;
	[tilespmem:s4+$0x280] =	vst v14;
	v14 =	vadd.s32 $0x9, v1  }
0x3c3: {  	s20 =	sand.u32 $0x70, s12;
	s22 =	sadd.s32 s13, s26;
	v15 =	vld.idx.msk [tilespmem:v15+s3+$0x0], $0xffff;
	[tilespmem:s29+$0x1A800] =	vst v7;
	v7 =	vadd.s32 $0xE, v2  }
0x3c4: {  	v17 =	vadd.s32 $0x2, v5;
	s22 =	sadd.s32 s20, s22;
	v18 =	vld.idx.msk [tilespmem:v10+s3+$0x0], $0xffff;
	[tilespmem:s1+$0x1AA80] =	vst v11;
	s1 =	smov.u32 s30;
	s30 =	smov.u32 s29  }
0x3c5: {  	s29 =	smov.u32 s31;
	s31 =	smov.u32 s0;
	s0 =	smov.u32 s18;
	v11 =	vld [tilespmem:s22+$0x200];
	[tilespmem:s11+$0x180] =	vst v6;
	v6 =	vadd.s32 $0x7, v3  }
0x3c6: {  	v19 =	vmul.u32 $0x11, v8;
	s18 =	smov.u32 s17;
	v20 =	vld.idx.msk [tilespmem:v13+s3+$0x0], $0xffff;
	[tilespmem:s29+$0x1A700] =	vst v12;
	v12 =	vadd.s32 $0xC, v0  }
0x3c7: {  	s17 =	sadd.s32 $0x19700, s18;
	v21 =	vld.idx.msk [tilespmem:v14+s3+$0x0], $0xffff;
	[tilespmem:s1+$0x1A980] =	vst v9  }
0x3c8: {  	v9 =	vadd.s32 $0x5, v4;
	[tilespmem:s17+$0x80] =	vst v16;
	v22 =	vld.idx.msk [tilespmem:v7+s3+$0x0], $0xffff  }
0x3c9: {  	v7 =	vadd.s32 $0xA, v1;
	v23 =	vld.idx.msk [tilespmem:v17+s3+$0x0], $0xffff;
	[tilespmem:s4+$0x300] =	vst v15;
	s4 =	smov.u32 s11;
	s11 =	smov.u32 s17  }
0x3ca: {  	v10 =	vld.idx.msk [tilespmem:v6+s3+$0x0], $0xffff;
	[tilespmem:s30+$0x1A880] =	vst v18;
	v6 =	vadd.s32 $0xF, v2;
	v8 =	vmovc v11;
	v2 =	vmovc v0;
	v0 =	vmov v1;
	v1 =	vmov v3  }
.Ltmp4:
0x3cb: {  	v16 =	vadd.s32 $0x3, v5;
	v3 =	vmovc v4;
	v4 =	vmov v5;
	v5 =	vmov v19;
	v13 =	vld.idx.msk [tilespmem:v12+s3+$0x0], $0xffff;
	(pc) =	sbr.rel @p0 .LBB2_11-.Ltmp4, $4  }
0x3cc: {  	v12 =	vadd.s32 $0x8, v1;
	v17 =	vld.idx.msk [tilespmem:v19+s3+$0x0], $0xffff;
	[tilespmem:s4+$0x200] =	vst v20  }
0x3cd: {  	v14 =	vld.idx.msk [tilespmem:v9+s3+$0x0], $0xffff;
	[tilespmem:s29+$0x1A780] =	vst v21;
	v9 =	vadd.s32 $0xD, v2  }
0x3ce: {  	s16 =	sor.u32 s5, s16;
	s5 =	smov.u32 s15;
	s15 =	smov.u32 s24;
	v18 =	vadd.s32 $0x1, v5;
	v7 =	vld.idx.msk [tilespmem:v7+s3+$0x0], $0xffff;
	[tilespmem:s1+$0x1AA00] =	vst v22  }
0x3cf: {  	s12 =	sadd.s32 $0x10, s12;
	s24 =	smov.u32 s21;
	s16 =	sor.u32 $0x380, s16;
	v15 =	vadd.s32 $0x6, v3;
	[tilespmem:s11+$0x100] =	vst v23;
	v11 =	vld.idx.msk [tilespmem:v6+s3+$0x0], $0xffff  }
0x3d0: {  	v6 =	vmul.u32 $0x11, v8;
	_ =	sdelay $0x5  }
0x3d1: {  	v8 =	vld.idx.msk [tilespmem:v6+s3+$0x0], $0xffff  }
0x3d2: {  	v19 =	vadd.s32 $0x1, v6;
	_ =	sdelay $0x1  }
0x3d3: {  	s9 =	sor.u32 s10, s9  }
0x3d4: {  	s10 =	sor.u32 s20, s13;
	[tilespmem:s9+$0x19700] =	vst v17  }
0x3d5: {  	v17 =	vld.idx.msk [tilespmem:v18+s3+$0x0], $0xffff;
	[tilespmem:s10+$0x19700] =	vst v8  }
0x3d6: {  	v8 =	vadd.s32 $0x2, v5;
	v18 =	vld.idx.msk [tilespmem:v19+s3+$0x0], $0xffff  }
0x3d7: {  	v19 =	vadd.s32 $0x2, v6;
	_ =	sdelay $0x1  }
0x3d8: {  	s12 =	sadd.s32 $0x19700, s9  }
0x3d9: {  	s13 =	sadd.s32 $0x19700, s10;
	[tilespmem:s12+$0x80] =	vst v17  }
0x3da: {  	v8 =	vld.idx.msk [tilespmem:v8+s3+$0x0], $0xffff;
	[tilespmem:s13+$0x80] =	vst v18  }
0x3db: {  	v17 =	vadd.s32 $0x3, v5;
	v18 =	vld.idx.msk [tilespmem:v19+s3+$0x0], $0xffff  }
0x3dc: {  	v19 =	vadd.s32 $0x3, v6;
	_ =	sdelay $0x2  }
0x3dd: {  	v16 =	vld.idx.msk [tilespmem:v16+s3+$0x0], $0xffff;
	[tilespmem:s12+$0x100] =	vst v8  }
0x3de: {  	v8 =	vadd.s32 $0x4, v4;
	v17 =	vld.idx.msk [tilespmem:v17+s3+$0x0], $0xffff;
	[tilespmem:s13+$0x100] =	vst v18  }
0x3df: {  	v18 =	vadd.s32 $0x4, v5;
	v19 =	vld.idx.msk [tilespmem:v19+s3+$0x0], $0xffff  }
0x3e0: {  	v20 =	vadd.s32 $0x4, v6;
	_ =	sdelay $0x1  }
0x3e1: {  	[tilespmem:s11+$0x180] =	vst v16  }
0x3e2: {  	v8 =	vld.idx.msk [tilespmem:v8+s3+$0x0], $0xffff;
	[tilespmem:s12+$0x180] =	vst v17  }
0x3e3: {  	v16 =	vadd.s32 $0x5, v4;
	v17 =	vld.idx.msk [tilespmem:v18+s3+$0x0], $0xffff;
	[tilespmem:s13+$0x180] =	vst v19  }
0x3e4: {  	v18 =	vadd.s32 $0x5, v5;
	v19 =	vld.idx.msk [tilespmem:v20+s3+$0x0], $0xffff  }
0x3e5: {  	v20 =	vadd.s32 $0x5, v6;
	_ =	sdelay $0x1  }
0x3e6: {  	[tilespmem:s11+$0x200] =	vst v8  }
0x3e7: {  	v8 =	vld.idx.msk [tilespmem:v16+s3+$0x0], $0xffff;
	[tilespmem:s12+$0x200] =	vst v17  }
0x3e8: {  	v16 =	vadd.s32 $0x6, v4;
	v17 =	vld.idx.msk [tilespmem:v18+s3+$0x0], $0xffff;
	[tilespmem:s13+$0x200] =	vst v19  }
0x3e9: {  	v18 =	vadd.s32 $0x6, v5;
	v19 =	vld.idx.msk [tilespmem:v20+s3+$0x0], $0xffff  }
0x3ea: {  	v20 =	vadd.s32 $0x6, v6  }
0x3eb: {  	[tilespmem:s4+$0x280] =	vst v14  }
0x3ec: {  	[tilespmem:s11+$0x280] =	vst v8;
	v8 =	vld.idx.msk [tilespmem:v15+s3+$0x0], $0xffff  }
0x3ed: {  	v14 =	vadd.s32 $0x7, v3;
	v15 =	vld.idx.msk [tilespmem:v16+s3+$0x0], $0xffff;
	[tilespmem:s12+$0x280] =	vst v17  }
0x3ee: {  	v16 =	vadd.s32 $0x7, v4;
	v17 =	vld.idx.msk [tilespmem:v18+s3+$0x0], $0xffff;
	[tilespmem:s13+$0x280] =	vst v19  }
0x3ef: {  	[tilespmem:s16+$0x19700] =	vst v10;
	v10 =	vadd.s32 $0x7, v5;
	v18 =	vld.idx.msk [tilespmem:v20+s3+$0x0], $0xffff  }
0x3f0: {  	[tilespmem:s30+$0x1A900] =	vst v13;
	v13 =	vadd.s32 $0x7, v6  }
0x3f1: {  	[tilespmem:s4+$0x300] =	vst v8  }
0x3f2: {  	v8 =	vld.idx.msk [tilespmem:v14+s3+$0x0], $0xffff;
	[tilespmem:s11+$0x300] =	vst v15  }
0x3f3: {  	v14 =	vadd.s32 $0x8, v3;
	v15 =	vld.idx.msk [tilespmem:v16+s3+$0x0], $0xffff;
	[tilespmem:s12+$0x300] =	vst v17  }
0x3f4: {  	v16 =	vadd.s32 $0x8, v4;
	v10 =	vld.idx.msk [tilespmem:v10+s3+$0x0], $0xffff;
	[tilespmem:s13+$0x300] =	vst v18  }
0x3f5: {  	s17 =	sor.u32 s5, s14;
	[tilespmem:s29+$0x1A800] =	vst v7;
	v7 =	vadd.s32 $0x8, v5;
	v13 =	vld.idx.msk [tilespmem:v13+s3+$0x0], $0xffff  }
0x3f6: {  	s21 =	sor.u32 s15, s19;
	v12 =	vld.idx.msk [tilespmem:v12+s3+$0x0], $0xffff;
	s20 =	sor.u32 $0x380, s17;
	[tilespmem:s1+$0x1AA80] =	vst v11;
	v11 =	vadd.s32 $0x8, v6  }
0x3f7: {  	s2 =	sor.u32 s24, s2;
	v9 =	vld.idx.msk [tilespmem:v9+s3+$0x0], $0xffff;
	s22 =	sor.u32 $0x380, s21;
	v17 =	vadd.s32 $0xB, v0;
	[tilespmem:s20+$0x19700] =	vst v8  }
0x3f8: {  	s2 =	sor.u32 $0x380, s2;
	s4 =	sor.u32 s7, s8;
	v8 =	vadd.s32 $0x9, v1;
	v14 =	vld.idx.msk [tilespmem:v14+s3+$0x0], $0xffff;
	[tilespmem:s22+$0x19700] =	vst v15  }
0x3f9: {  	s5 =	sor.u32 $0x380, s4;
	v15 =	vadd.s32 $0x9, v3;
	v16 =	vld.idx.msk [tilespmem:v16+s3+$0x0], $0xffff;
	[tilespmem:s2+$0x19700] =	vst v10  }
0x3fa: {  	v10 =	vadd.s32 $0x9, v4;
	v7 =	vld.idx.msk [tilespmem:v7+s3+$0x0], $0xffff;
	[tilespmem:s5+$0x19700] =	vst v13  }
0x3fb: {  	[tilespmem:s31+$0x1A700] =	vst v12;
	v12 =	vadd.s32 $0x9, v5;
	v11 =	vld.idx.msk [tilespmem:v11+s3+$0x0], $0xffff  }
0x3fc: {  	[tilespmem:s30+$0x1A980] =	vst v9;
	v9 =	vadd.s32 $0x9, v6;
	v13 =	vld.idx.msk [tilespmem:v17+s3+$0x0], $0xffff  }
0x3fd: {  	v17 =	vadd.s32 $0xE, v2;
	v8 =	vld.idx.msk [tilespmem:v8+s3+$0x0], $0xffff;
	[tilespmem:s0+$0x1A700] =	vst v14  }
0x3fe: {  	v14 =	vadd.s32 $0xA, v1;
	v15 =	vld.idx.msk [tilespmem:v15+s3+$0x0], $0xffff;
	[tilespmem:s18+$0x1A700] =	vst v16  }
0x3ff: {  	v16 =	vadd.s32 $0xA, v3;
	v10 =	vld.idx.msk [tilespmem:v10+s3+$0x0], $0xffff;
	[tilespmem:s9+$0x1A700] =	vst v7  }
0x400: {  	v7 =	vadd.s32 $0xA, v4;
	v12 =	vld.idx.msk [tilespmem:v12+s3+$0x0], $0xffff;
	[tilespmem:s10+$0x1A700] =	vst v11  }
0x401: {  	[tilespmem:s29+$0x1A880] =	vst v13;
	v11 =	vadd.s32 $0xA, v5;
	v9 =	vld.idx.msk [tilespmem:v9+s3+$0x0], $0xffff  }
0x402: {  	v13 =	vld.idx.msk [tilespmem:v17+s3+$0x0], $0xffff;
	[tilespmem:s31+$0x1A780] =	vst v8;
	v8 =	vadd.s32 $0xA, v6  }
0x403: {  	v17 =	vadd.s32 $0xC, v0;
	v14 =	vld.idx.msk [tilespmem:v14+s3+$0x0], $0xffff;
	[tilespmem:s0+$0x1A780] =	vst v15  }
0x404: {  	v15 =	vadd.s32 $0xB, v1;
	v16 =	vld.idx.msk [tilespmem:v16+s3+$0x0], $0xffff;
	[tilespmem:s18+$0x1A780] =	vst v10  }
0x405: {  	v10 =	vadd.s32 $0xB, v3;
	v7 =	vld.idx.msk [tilespmem:v7+s3+$0x0], $0xffff;
	[tilespmem:s9+$0x1A780] =	vst v12  }
0x406: {  	v12 =	vadd.s32 $0xB, v4;
	v11 =	vld.idx.msk [tilespmem:v11+s3+$0x0], $0xffff;
	[tilespmem:s10+$0x1A780] =	vst v9  }
0x407: {  	[tilespmem:s30+$0x1AA00] =	vst v13;
	v9 =	vadd.s32 $0xB, v5;
	v8 =	vld.idx.msk [tilespmem:v8+s3+$0x0], $0xffff  }
0x408: {  	v13 =	vld.idx.msk [tilespmem:v17+s3+$0x0], $0xffff;
	[tilespmem:s31+$0x1A800] =	vst v14;
	v14 =	vadd.s32 $0xB, v6  }
0x409: {  	v2 =	vadd.s32 $0xF, v2;
	v15 =	vld.idx.msk [tilespmem:v15+s3+$0x0], $0xffff;
	[tilespmem:s0+$0x1A800] =	vst v16  }
0x40a: {  	v16 =	vadd.s32 $0xC, v1;
	v10 =	vld.idx.msk [tilespmem:v10+s3+$0x0], $0xffff;
	[tilespmem:s18+$0x1A800] =	vst v7  }
0x40b: {  	v7 =	vadd.s32 $0xC, v3;
	v12 =	vld.idx.msk [tilespmem:v12+s3+$0x0], $0xffff;
	[tilespmem:s9+$0x1A800] =	vst v11  }
0x40c: {  	v11 =	vadd.s32 $0xC, v4;
	v9 =	vld.idx.msk [tilespmem:v9+s3+$0x0], $0xffff;
	[tilespmem:s10+$0x1A800] =	vst v8  }
0x40d: {  	[tilespmem:s29+$0x1A900] =	vst v13;
	v8 =	vadd.s32 $0xC, v5;
	v13 =	vld.idx.msk [tilespmem:v14+s3+$0x0], $0xffff  }
0x40e: {  	v2 =	vld.idx.msk [tilespmem:v2+s3+$0x0], $0xffff;
	[tilespmem:s31+$0x1A880] =	vst v15;
	v14 =	vadd.s32 $0xC, v6  }
0x40f: {  	v15 =	vadd.s32 $0xD, v0;
	v16 =	vld.idx.msk [tilespmem:v16+s3+$0x0], $0xffff;
	[tilespmem:s0+$0x1A880] =	vst v10  }
0x410: {  	v10 =	vadd.s32 $0xD, v1;
	v7 =	vld.idx.msk [tilespmem:v7+s3+$0x0], $0xffff;
	[tilespmem:s18+$0x1A880] =	vst v12  }
0x411: {  	v12 =	vadd.s32 $0xD, v3;
	v11 =	vld.idx.msk [tilespmem:v11+s3+$0x0], $0xffff;
	[tilespmem:s9+$0x1A880] =	vst v9  }
0x412: {  	v9 =	vadd.s32 $0xD, v4;
	v8 =	vld.idx.msk [tilespmem:v8+s3+$0x0], $0xffff;
	[tilespmem:s10+$0x1A880] =	vst v13  }
0x413: {  	[tilespmem:s30+$0x1AA80] =	vst v2;
	v2 =	vadd.s32 $0xD, v5;
	v13 =	vld.idx.msk [tilespmem:v14+s3+$0x0], $0xffff  }
0x414: {  	[tilespmem:s31+$0x1A900] =	vst v16;
	v14 =	vld.idx.msk [tilespmem:v15+s3+$0x0], $0xffff;
	v15 =	vadd.s32 $0xD, v6  }
0x415: {  	v16 =	vadd.s32 $0xE, v0;
	v10 =	vld.idx.msk [tilespmem:v10+s3+$0x0], $0xffff;
	[tilespmem:s0+$0x1A900] =	vst v7  }
0x416: {  	v7 =	vadd.s32 $0xE, v1;
	v12 =	vld.idx.msk [tilespmem:v12+s3+$0x0], $0xffff;
	[tilespmem:s18+$0x1A900] =	vst v11  }
0x417: {  	v11 =	vadd.s32 $0xE, v3;
	v9 =	vld.idx.msk [tilespmem:v9+s3+$0x0], $0xffff;
	[tilespmem:s9+$0x1A900] =	vst v8  }
0x418: {  	v8 =	vadd.s32 $0xE, v4;
	v2 =	vld.idx.msk [tilespmem:v2+s3+$0x0], $0xffff;
	[tilespmem:s10+$0x1A900] =	vst v13  }
0x419: {  	[tilespmem:s29+$0x1A980] =	vst v14;
	v13 =	vadd.s32 $0xE, v5;
	v14 =	vld.idx.msk [tilespmem:v15+s3+$0x0], $0xffff  }
0x41a: {  	[tilespmem:s31+$0x1A980] =	vst v10;
	v10 =	vadd.s32 $0xE, v6;
	v15 =	vld.idx.msk [tilespmem:v16+s3+$0x0], $0xffff  }
0x41b: {  	v0 =	vadd.s32 $0xF, v0;
	v7 =	vld.idx.msk [tilespmem:v7+s3+$0x0], $0xffff;
	[tilespmem:s0+$0x1A980] =	vst v12  }
0x41c: {  	v1 =	vadd.s32 $0xF, v1;
	v11 =	vld.idx.msk [tilespmem:v11+s3+$0x0], $0xffff;
	[tilespmem:s18+$0x1A980] =	vst v9  }
0x41d: {  	v3 =	vadd.s32 $0xF, v3;
	v8 =	vld.idx.msk [tilespmem:v8+s3+$0x0], $0xffff;
	[tilespmem:s9+$0x1A980] =	vst v2  }
0x41e: {  	v2 =	vadd.s32 $0xF, v4;
	v4 =	vld.idx.msk [tilespmem:v13+s3+$0x0], $0xffff;
	[tilespmem:s10+$0x1A980] =	vst v14  }
0x41f: {  	v5 =	vadd.s32 $0xF, v5;
	[tilespmem:s29+$0x1AA00] =	vst v15;
	v9 =	vld.idx.msk [tilespmem:v10+s3+$0x0], $0xffff  }
0x420: {  	v6 =	vadd.s32 $0xF, v6;
	[tilespmem:s31+$0x1AA00] =	vst v7;
	v0 =	vld.idx.msk [tilespmem:v0+s3+$0x0], $0xffff  }
0x421: {  	v1 =	vld.idx.msk [tilespmem:v1+s3+$0x0], $0xffff;
	[tilespmem:s0+$0x1AA00] =	vst v11  }
0x422: {  	v3 =	vld.idx.msk [tilespmem:v3+s3+$0x0], $0xffff;
	[tilespmem:s18+$0x1AA00] =	vst v8  }
0x423: {  	v2 =	vld.idx.msk [tilespmem:v2+s3+$0x0], $0xffff;
	[tilespmem:s9+$0x1AA00] =	vst v4  }
0x424: {  	v4 =	vld.idx.msk [tilespmem:v5+s3+$0x0], $0xffff;
	[tilespmem:s10+$0x1AA00] =	vst v9  }
0x425: {  	[tilespmem:s29+$0x1AA80] =	vst v0;
	v0 =	vld.idx.msk [tilespmem:v6+s3+$0x0], $0xffff  }
0x426: {  	[tilespmem:s31+$0x1AA80] =	vst v1  }
0x427: {  	[tilespmem:s0+$0x1AA80] =	vst v3  }
0x428: {  	[tilespmem:s18+$0x1AA80] =	vst v2  }
0x429: {  	s7 =	simm.s32 $0x1000;
	[tilespmem:s9+$0x1AA80] =	vst v4  }
0x42a: {  	s8 =	simm.s32 $0x20000;
	s4 =	simm.s32 $0x0;
	s9 =	simm.s32 $0x19700;
	[tilespmem:s10+$0x1AA80] =	vst v0  }
0x42b: {  	[hbm4b:s6+s7] =	stream.strided.scatter [tilespmem:s9], [sflag:$0x2], $0x2000, s8, s7, $0x38;
	[tilespmem:$0x1D700] =	vst v63  }
0x42c: {  	s10 =	sand.u32 $0xC00, s4;
	_ =	swait.ge [sflag:s23], $0x2000  }
0x42d: {  	s11 =	sand.u32 $0x70, s4;
	s12 =	sadd.s32 s10, s26;
	[sflag:s23] =	ssyncset.done $0x0  }
0x42e: {  	s0 =	sadd.s32 s11, s12;
	[sflag:s23] =	ssyncadd.s32 $0xFFFFE000  }
0x42f: {  	v0 =	vld [tilespmem:s0+$0x280];
	_ =	sdelay $0x4  }
0x430: {  	v6 =	vmul.u32 $0x11, v0;
	_ =	sdelay $0x5  }
0x431: {  	s0 =	simm.s32 $0x80;
	v0 =	vld.idx.msk [tilespmem:v6+s3+$0x0], $0xffff  }
0x432: {  	s2 =	simm.s32 $0x10;
	s13 =	sand.u32 $0xC00, s0;
	v1 =	vadd.s32 $0x1, v6  }
0x433: {  	s14 =	sand.u32 $0x70, s2;
	s15 =	sadd.s32 s13, s26  }
0x434: {  	s7 =	sadd.s32 s14, s15  }
0x435: {  	s1 =	sor.u32 s11, s10;
	v2 =	vld [tilespmem:s7+$0x280]  }
0x436: {  	[tilespmem:s1+$0x1B700] =	vst v0  }
0x437: {  	v0 =	vld.idx.msk [tilespmem:v1+s3+$0x0], $0xffff  }
0x438: {  	v1 =	vadd.s32 $0x2, v6;
	_ =	sdelay $0x1  }
0x439: {  	v2 =	vmul.u32 $0x11, v2  }
0x43a: {  	s5 =	sadd.s32 $0x1B700, s1  }
0x43b: {  	[tilespmem:s5+$0x80] =	vst v0  }
0x43c: {  	v0 =	vld.idx.msk [tilespmem:v1+s3+$0x0], $0xffff  }
0x43d: {  	s7 =	simm.s32 $0x100;
	v1 =	vadd.s32 $0x3, v6  }
0x43e: {  	s8 =	simm.s32 $0x20;
	s16 =	sand.u32 $0xC00, s7  }
0x43f: {  	s17 =	sand.u32 $0x70, s8;
	s18 =	sadd.s32 s16, s26;
	v3 =	vld.idx.msk [tilespmem:v2+s3+$0x0], $0xffff  }
0x440: {  	s12 =	sadd.s32 s17, s18;
	v4 =	vadd.s32 $0x1, v2  }
0x441: {  	v5 =	vld [tilespmem:s12+$0x280];
	[tilespmem:s5+$0x100] =	vst v0  }
0x442: {  	v0 =	vld.idx.msk [tilespmem:v1+s3+$0x0], $0xffff  }
0x443: {  	s30 =	sor.u32 s14, s13;
	v1 =	vadd.s32 $0x4, v6  }
0x444: {  	[tilespmem:s30+$0x1B700] =	vst v3  }
0x445: {  	v3 =	vld.idx.msk [tilespmem:v4+s3+$0x0], $0xffff  }
0x446: {  	v4 =	vadd.s32 $0x2, v2  }
0x447: {  	[tilespmem:s5+$0x180] =	vst v0;
	v0 =	vmul.u32 $0x11, v5  }
0x448: {  	v1 =	vld.idx.msk [tilespmem:v1+s3+$0x0], $0xffff  }
0x449: {  	s9 =	sadd.s32 $0x1B700, s30;
	v5 =	vadd.s32 $0x5, v6  }
0x44a: {  	[tilespmem:s9+$0x80] =	vst v3  }
0x44b: {  	v3 =	vld.idx.msk [tilespmem:v4+s3+$0x0], $0xffff  }
0x44c: {  	s6 =	simm.s32 $0x180;
	v4 =	vadd.s32 $0x3, v2  }
0x44d: {  	s19 =	sand.u32 $0xC00, s6;
	s12 =	simm.s32 $0x30;
	v7 =	vld.idx.msk [tilespmem:v0+s3+$0x0], $0xffff;
	[tilespmem:s5+$0x200] =	vst v1  }
0x44e: {  	s21 =	sadd.s32 s19, s26;
	s20 =	sand.u32 $0x70, s12;
	v1 =	vld.idx.msk [tilespmem:v5+s3+$0x0], $0xffff;
	v5 =	vadd.s32 $0x1, v0  }
0x44f: {  	v8 =	vadd.s32 $0x6, v6;
	s14 =	sadd.s32 s20, s21  }
0x450: {  	v9 =	vld [tilespmem:s14+$0x280];
	[tilespmem:s9+$0x100] =	vst v3  }
0x451: {  	s29 =	sor.u32 s17, s16;
	v3 =	vld.idx.msk [tilespmem:v4+s3+$0x0], $0xffff  }
0x452: {  	v4 =	vadd.s32 $0x4, v2;
	[tilespmem:s29+$0x1B700] =	vst v7  }
0x453: {  	v5 =	vld.idx.msk [tilespmem:v5+s3+$0x0], $0xffff;
	[tilespmem:s5+$0x280] =	vst v1  }
0x454: {  	v7 =	vld.idx.msk [tilespmem:v8+s3+$0x0], $0xffff;
	v8 =	vadd.s32 $0x2, v0  }
0x455: {  	v10 =	vadd.s32 $0x7, v6  }
0x456: {  	[tilespmem:s9+$0x180] =	vst v3;
	v1 =	vmul.u32 $0x11, v9  }
0x457: {  	s11 =	sadd.s32 $0x1B700, s29;
	v3 =	vld.idx.msk [tilespmem:v4+s3+$0x0], $0xffff  }
0x458: {  	v4 =	vadd.s32 $0x5, v2;
	[tilespmem:s11+$0x80] =	vst v5  }
0x459: {  	v5 =	vld.idx.msk [tilespmem:v8+s3+$0x0], $0xffff;
	[tilespmem:s5+$0x300] =	vst v7  }
0x45a: {  	s5 =	simm.s32 $0x200;
	v8 =	vadd.s32 $0x3, v0;
	v7 =	vld.idx.msk [tilespmem:v10+s3+$0x0], $0xffff  }
0x45b: {  	s14 =	simm.s32 $0x40;
	v9 =	vadd.s32 $0x8, v6;
	s22 =	sand.u32 $0xC00, s5  }
0x45c: {  	s17 =	sand.u32 $0x70, s14;
	[tilespmem:s9+$0x200] =	vst v3;
	v10 =	vld.idx.msk [tilespmem:v1+s3+$0x0], $0xffff;
	s24 =	sadd.s32 s22, s26  }
0x45d: {  	s4 =	sor.u32 s4, s4;
	v3 =	vld.idx.msk [tilespmem:v4+s3+$0x0], $0xffff;
	v4 =	vadd.s32 $0x1, v1;
	s16 =	sadd.s32 s17, s24  }
0x45e: {  	s4 =	sor.u32 $0x380, s4;
	v11 =	vld [tilespmem:s16+$0x280];
	[tilespmem:s11+$0x100] =	vst v5;
	v5 =	vadd.s32 $0x6, v2  }
0x45f: {  	v8 =	vld.idx.msk [tilespmem:v8+s3+$0x0], $0xffff;
	[tilespmem:s4+$0x1B700] =	vst v7  }
0x460: {  	s31 =	sor.u32 s20, s19;
	v7 =	vld.idx.msk [tilespmem:v9+s3+$0x0], $0xffff;
	v9 =	vadd.s32 $0x4, v0  }
0x461: {  	[tilespmem:s31+$0x1B700] =	vst v10;
	v10 =	vadd.s32 $0x9, v6  }
0x462: {  	[tilespmem:s9+$0x280] =	vst v3;
	v4 =	vld.idx.msk [tilespmem:v4+s3+$0x0], $0xffff  }
0x463: {  	v12 =	vadd.s32 $0x2, v1;
	v5 =	vld.idx.msk [tilespmem:v5+s3+$0x0], $0xffff  }
0x464: {  	v3 =	vmul.u32 $0x11, v11;
	[tilespmem:s11+$0x180] =	vst v8;
	v8 =	vadd.s32 $0x7, v2  }
0x465: {  	v9 =	vld.idx.msk [tilespmem:v9+s3+$0x0], $0xffff;
	[tilespmem:s1+$0x1C700] =	vst v7  }
0x466: {  	s21 =	sadd.s32 $0x1B700, s31;
	v7 =	vld.idx.msk [tilespmem:v10+s3+$0x0], $0xffff;
	v10 =	vadd.s32 $0x5, v0  }
0x467: {  	[tilespmem:s21+$0x80] =	vst v4;
	v4 =	vadd.s32 $0xA, v6  }
0x468: {  	v11 =	vld.idx.msk [tilespmem:v12+s3+$0x0], $0xffff;
	[tilespmem:s9+$0x300] =	vst v5  }
0x469: {  	s15 =	simm.s32 $0x280;
	v5 =	vld.idx.msk [tilespmem:v8+s3+$0x0], $0xffff;
	v8 =	vadd.s32 $0x3, v1  }
0x46a: {  	s19 =	simm.s32 $0x50;
	s16 =	sand.u32 $0xC00, s15;
	v12 =	vld.idx.msk [tilespmem:v3+s3+$0x0], $0xffff;
	[tilespmem:s11+$0x200] =	vst v9;
	v9 =	vadd.s32 $0x8, v2  }
0x46b: {  	s18 =	sand.u32 $0x70, s19;
	s20 =	sadd.s32 s16, s26;
	v10 =	vld.idx.msk [tilespmem:v10+s3+$0x0], $0xffff;
	[tilespmem:s1+$0x1C780] =	vst v7;
	v7 =	vadd.s32 $0x1, v3  }
0x46c: {  	s0 =	sor.u32 s0, s2;
	v13 =	vadd.s32 $0x6, v0;
	s4 =	sadd.s32 s18, s20;
	v4 =	vld.idx.msk [tilespmem:v4+s3+$0x0], $0xffff  }
0x46d: {  	s0 =	sor.u32 $0x380, s0;
	v14 =	vld [tilespmem:s4+$0x280];
	[tilespmem:s21+$0x100] =	vst v11;
	v11 =	vadd.s32 $0xB, v6  }
0x46e: {  	v8 =	vld.idx.msk [tilespmem:v8+s3+$0x0], $0xffff;
	[tilespmem:s0+$0x1B700] =	vst v5;
	s0 =	sor.u32 s17, s22  }
0x46f: {  	s24 =	simm.s32 $0x300;
	v5 =	vld.idx.msk [tilespmem:v9+s3+$0x0], $0xffff;
	[tilespmem:s0+$0x1B700] =	vst v12;
	v9 =	vadd.s32 $0x4, v1  }
0x470: {  	s2 =	simm.s32 $0x60;
	s9 =	sand.u32 $0xC00, s24;
	v7 =	vld.idx.msk [tilespmem:v7+s3+$0x0], $0xffff;
	[tilespmem:s11+$0x280] =	vst v10;
	v10 =	vadd.s32 $0x9, v2  }
0x471: {  	s10 =	sand.u32 $0x70, s2;
	s22 =	sadd.s32 s9, s26;
	v12 =	vld.idx.msk [tilespmem:v13+s3+$0x0], $0xffff;
	[tilespmem:s1+$0x1C800] =	vst v4;
	v13 =	vadd.s32 $0x2, v3  }
0x472: {  	v15 =	vadd.s32 $0x7, v0;
	s4 =	sadd.s32 s10, s22;
	v11 =	vld.idx.msk [tilespmem:v11+s3+$0x0], $0xffff  }
0x473: {  	v16 =	vld [tilespmem:s4+$0x280];
	v4 =	vmul.u32 $0x11, v14;
	[tilespmem:s21+$0x180] =	vst v8;
	v8 =	vadd.s32 $0xC, v6  }
0x474: {  	s4 =	sadd.s32 $0x1B700, s0;
	v9 =	vld.idx.msk [tilespmem:v9+s3+$0x0], $0xffff;
	[tilespmem:s30+$0x1C700] =	vst v5  }
0x475: {  	v5 =	vld.idx.msk [tilespmem:v10+s3+$0x0], $0xffff;
	[tilespmem:s4+$0x80] =	vst v7;
	v7 =	vadd.s32 $0x5, v1  }
0x476: {  	v10 =	vld.idx.msk [tilespmem:v13+s3+$0x0], $0xffff;
	[tilespmem:s11+$0x300] =	vst v12;
	v12 =	vadd.s32 $0xA, v2  }
0x477: {  	v13 =	vld.idx.msk [tilespmem:v15+s3+$0x0], $0xffff;
	[tilespmem:s1+$0x1C880] =	vst v11;
	v11 =	vadd.s32 $0x3, v3  }
0x478: {  	v14 =	vadd.s32 $0x8, v0;
	v8 =	vld.idx.msk [tilespmem:v8+s3+$0x0], $0xffff  }
0x479: {  	v15 =	vld.idx.msk [tilespmem:v4+s3+$0x0], $0xffff;
	[tilespmem:s21+$0x200] =	vst v9;
	v9 =	vadd.s32 $0xD, v6  }
0x47a: {  	s7 =	sor.u32 s7, s8;
	v7 =	vld.idx.msk [tilespmem:v7+s3+$0x0], $0xffff;
	[tilespmem:s30+$0x1C780] =	vst v5;
	v5 =	vadd.s32 $0x1, v4  }
0x47b: {  	s7 =	sor.u32 $0x380, s7;
	v12 =	vld.idx.msk [tilespmem:v12+s3+$0x0], $0xffff;
	[tilespmem:s4+$0x100] =	vst v10;
	v10 =	vadd.s32 $0x6, v1  }
0x47c: {  	v11 =	vld.idx.msk [tilespmem:v11+s3+$0x0], $0xffff;
	[tilespmem:s7+$0x1B700] =	vst v13  }
0x47d: {  	s18 =	sor.u32 s18, s16;
	v13 =	vadd.s32 $0xB, v2;
	s7 =	simm.s32 $0x380;
	v14 =	vld.idx.msk [tilespmem:v14+s3+$0x0], $0xffff;
	[tilespmem:s1+$0x1C900] =	vst v8  }
0x47e: {  	s8 =	simm.s32 $0x70;
	[tilespmem:s18+$0x1B700] =	vst v15;
	v15 =	vadd.s32 $0x4, v3;
	s13 =	sand.u32 $0xC00, s7;
	v9 =	vld.idx.msk [tilespmem:v9+s3+$0x0], $0xffff  }
0x47f: {  	s20 =	sand.u32 $0x70, s8;
	s17 =	sadd.s32 s13, s26;
	v17 =	vld.idx.msk [tilespmem:v5+s3+$0x0], $0xffff;
	[tilespmem:s21+$0x280] =	vst v7;
	v7 =	vadd.s32 $0x9, v0  }
0x480: {  	s11 =	sadd.s32 s20, s17;
	v10 =	vld.idx.msk [tilespmem:v10+s3+$0x0], $0xffff;
	[tilespmem:s30+$0x1C800] =	vst v12;
	v12 =	vadd.s32 $0xE, v6  }
0x481: {  	v18 =	vadd.s32 $0x2, v4;
	v5 =	vmul.u32 $0x11, v16;
	v8 =	vld [tilespmem:s11+$0x280]  }
0x482: {  	v13 =	vld.idx.msk [tilespmem:v13+s3+$0x0], $0xffff;
	[tilespmem:s4+$0x180] =	vst v11  }
0x483: {  	v11 =	vadd.s32 $0x7, v1;
	v15 =	vld.idx.msk [tilespmem:v15+s3+$0x0], $0xffff;
	[tilespmem:s29+$0x1C700] =	vst v14  }
0x484: {  	s11 =	sadd.s32 $0x1B700, s18;
	v14 =	vadd.s32 $0xC, v2;
	[tilespmem:s1+$0x1C980] =	vst v9;
	v7 =	vld.idx.msk [tilespmem:v7+s3+$0x0], $0xffff  }
0x485: {  	v9 =	vadd.s32 $0x5, v3;
	[tilespmem:s11+$0x80] =	vst v17;
	v19 =	vld.idx.msk [tilespmem:v12+s3+$0x0], $0xffff  }
0x486: {  	v20 =	vld.idx.msk [tilespmem:v18+s3+$0x0], $0xffff;
	[tilespmem:s21+$0x300] =	vst v10;
	v18 =	vadd.s32 $0xA, v0  }
0x487: {  	v6 =	vadd.s32 $0xF, v6;
	v17 =	vld.idx.msk [tilespmem:v5+s3+$0x0], $0xffff;
	[tilespmem:s30+$0x1C880] =	vst v13  }
0x488: {  	v16 =	vadd.s32 $0x3, v4;
	v10 =	vld.idx.msk [tilespmem:v11+s3+$0x0], $0xffff;
	[tilespmem:s4+$0x200] =	vst v15  }
0x489: {  	v12 =	vadd.s32 $0x8, v1;
	v13 =	vld.idx.msk [tilespmem:v14+s3+$0x0], $0xffff;
	[tilespmem:s29+$0x1C780] =	vst v7  }
0x48a: {  	v14 =	vld.idx.msk [tilespmem:v9+s3+$0x0], $0xffff;
	v9 =	vadd.s32 $0xD, v2;
	[tilespmem:s1+$0x1CA00] =	vst v19  }
0x48b: {  	s21 =	sor.u32 s6, s12;
	v7 =	vld.idx.msk [tilespmem:v18+s3+$0x0], $0xffff;
	v18 =	vadd.s32 $0x1, v5;
	s22 =	rddreg [dreg:$0xb]  }
0x48c: {  	s12 =	simm.s32 $0x80;
	s16 =	sor.u32 $0x380, s21;
	v15 =	vadd.s32 $0x6, v3;
	[tilespmem:s11+$0x100] =	vst v20;
	v11 =	vld.idx.msk [tilespmem:v6+s3+$0x0], $0xffff;
	s6 =	sadd.s32 s28, s22  }
.LBB2_13:
0x48d: {  	p0 =	sne.s32 s12, $0x1F0;
	v6 =	vld.idx.msk [tilespmem:v16+s3+$0x0], $0xffff;
	[tilespmem:s16+$0x1B700] =	vst v10;
	v10 =	vadd.s32 $0xB, v0;
	s21 =	smov.u32 s7;
	s16 =	smov.u32 s14  }
0x48e: {  	s17 =	sor.u32 s10, s9;
	s9 =	smov.u32 s13;
	s10 =	smov.u32 s20;
	v12 =	vld.idx.msk [tilespmem:v12+s3+$0x0], $0xffff;
	[tilespmem:s30+$0x1C900] =	vst v13  }
0x48f: {  	s7 =	sadd.s32 $0x80, s7;
	s14 =	smov.u32 s19;
	s19 =	smov.u32 s2;
	v13 =	vadd.s32 $0x4, v4;
	[tilespmem:s17+$0x1B700] =	vst v17;
	v9 =	vld.idx.msk [tilespmem:v9+s3+$0x0], $0xffff  }
0x490: {  	s2 =	smov.u32 s8;
	s8 =	smov.u32 s12;
	s13 =	sand.u32 $0xC00, s7;
	v16 =	vld.idx.msk [tilespmem:v18+s3+$0x0], $0xffff;
	[tilespmem:s4+$0x280] =	vst v14;
	v14 =	vadd.s32 $0x9, v1  }
0x491: {  	s20 =	sand.u32 $0x70, s12;
	s22 =	sadd.s32 s13, s26;
	v15 =	vld.idx.msk [tilespmem:v15+s3+$0x0], $0xffff;
	[tilespmem:s29+$0x1C800] =	vst v7;
	v7 =	vadd.s32 $0xE, v2  }
0x492: {  	v17 =	vadd.s32 $0x2, v5;
	s22 =	sadd.s32 s20, s22;
	v18 =	vld.idx.msk [tilespmem:v10+s3+$0x0], $0xffff;
	[tilespmem:s1+$0x1CA80] =	vst v11;
	s1 =	smov.u32 s30;
	s30 =	smov.u32 s29  }
0x493: {  	s29 =	smov.u32 s31;
	s31 =	smov.u32 s0;
	s0 =	smov.u32 s18;
	v11 =	vld [tilespmem:s22+$0x280];
	[tilespmem:s11+$0x180] =	vst v6;
	v6 =	vadd.s32 $0x7, v3  }
0x494: {  	v19 =	vmul.u32 $0x11, v8;
	s18 =	smov.u32 s17;
	v20 =	vld.idx.msk [tilespmem:v13+s3+$0x0], $0xffff;
	[tilespmem:s29+$0x1C700] =	vst v12;
	v12 =	vadd.s32 $0xC, v0  }
0x495: {  	s17 =	sadd.s32 $0x1B700, s18;
	v21 =	vld.idx.msk [tilespmem:v14+s3+$0x0], $0xffff;
	[tilespmem:s1+$0x1C980] =	vst v9  }
0x496: {  	v9 =	vadd.s32 $0x5, v4;
	[tilespmem:s17+$0x80] =	vst v16;
	v22 =	vld.idx.msk [tilespmem:v7+s3+$0x0], $0xffff  }
0x497: {  	v7 =	vadd.s32 $0xA, v1;
	v23 =	vld.idx.msk [tilespmem:v17+s3+$0x0], $0xffff;
	[tilespmem:s4+$0x300] =	vst v15;
	s4 =	smov.u32 s11;
	s11 =	smov.u32 s17  }
0x498: {  	v10 =	vld.idx.msk [tilespmem:v6+s3+$0x0], $0xffff;
	[tilespmem:s30+$0x1C880] =	vst v18;
	v6 =	vadd.s32 $0xF, v2;
	v8 =	vmovc v11;
	v2 =	vmovc v0;
	v0 =	vmov v1;
	v1 =	vmov v3  }
.Ltmp5:
0x499: {  	v16 =	vadd.s32 $0x3, v5;
	v3 =	vmovc v4;
	v4 =	vmov v5;
	v5 =	vmov v19;
	v13 =	vld.idx.msk [tilespmem:v12+s3+$0x0], $0xffff;
	(pc) =	sbr.rel @p0 .LBB2_13-.Ltmp5, $4  }
0x49a: {  	v12 =	vadd.s32 $0x8, v1;
	v17 =	vld.idx.msk [tilespmem:v19+s3+$0x0], $0xffff;
	[tilespmem:s4+$0x200] =	vst v20  }
0x49b: {  	v14 =	vld.idx.msk [tilespmem:v9+s3+$0x0], $0xffff;
	[tilespmem:s29+$0x1C780] =	vst v21;
	v9 =	vadd.s32 $0xD, v2  }
0x49c: {  	s16 =	sor.u32 s5, s16;
	s5 =	smov.u32 s15;
	s15 =	smov.u32 s24;
	v18 =	vadd.s32 $0x1, v5;
	v7 =	vld.idx.msk [tilespmem:v7+s3+$0x0], $0xffff;
	[tilespmem:s1+$0x1CA00] =	vst v22  }
0x49d: {  	s12 =	sadd.s32 $0x10, s12;
	s24 =	smov.u32 s21;
	s16 =	sor.u32 $0x380, s16;
	v15 =	vadd.s32 $0x6, v3;
	[tilespmem:s11+$0x100] =	vst v23;
	v11 =	vld.idx.msk [tilespmem:v6+s3+$0x0], $0xffff  }
0x49e: {  	v6 =	vmul.u32 $0x11, v8;
	_ =	sdelay $0x5  }
0x49f: {  	v8 =	vld.idx.msk [tilespmem:v6+s3+$0x0], $0xffff  }
0x4a0: {  	v19 =	vadd.s32 $0x1, v6;
	_ =	sdelay $0x1  }
0x4a1: {  	s9 =	sor.u32 s10, s9  }
0x4a2: {  	s10 =	sor.u32 s20, s13;
	[tilespmem:s9+$0x1B700] =	vst v17  }
0x4a3: {  	v17 =	vld.idx.msk [tilespmem:v18+s3+$0x0], $0xffff;
	[tilespmem:s10+$0x1B700] =	vst v8  }
0x4a4: {  	v8 =	vadd.s32 $0x2, v5;
	v18 =	vld.idx.msk [tilespmem:v19+s3+$0x0], $0xffff  }
0x4a5: {  	v19 =	vadd.s32 $0x2, v6;
	_ =	sdelay $0x1  }
0x4a6: {  	s12 =	sadd.s32 $0x1B700, s9  }
0x4a7: {  	s13 =	sadd.s32 $0x1B700, s10;
	[tilespmem:s12+$0x80] =	vst v17  }
0x4a8: {  	v8 =	vld.idx.msk [tilespmem:v8+s3+$0x0], $0xffff;
	[tilespmem:s13+$0x80] =	vst v18  }
0x4a9: {  	v17 =	vadd.s32 $0x3, v5;
	v18 =	vld.idx.msk [tilespmem:v19+s3+$0x0], $0xffff  }
0x4aa: {  	v19 =	vadd.s32 $0x3, v6;
	_ =	sdelay $0x2  }
0x4ab: {  	v16 =	vld.idx.msk [tilespmem:v16+s3+$0x0], $0xffff;
	[tilespmem:s12+$0x100] =	vst v8  }
0x4ac: {  	v8 =	vadd.s32 $0x4, v4;
	v17 =	vld.idx.msk [tilespmem:v17+s3+$0x0], $0xffff;
	[tilespmem:s13+$0x100] =	vst v18  }
0x4ad: {  	v18 =	vadd.s32 $0x4, v5;
	v19 =	vld.idx.msk [tilespmem:v19+s3+$0x0], $0xffff  }
0x4ae: {  	v20 =	vadd.s32 $0x4, v6;
	_ =	sdelay $0x1  }
0x4af: {  	[tilespmem:s11+$0x180] =	vst v16  }
0x4b0: {  	v8 =	vld.idx.msk [tilespmem:v8+s3+$0x0], $0xffff;
	[tilespmem:s12+$0x180] =	vst v17  }
0x4b1: {  	v16 =	vadd.s32 $0x5, v4;
	v17 =	vld.idx.msk [tilespmem:v18+s3+$0x0], $0xffff;
	[tilespmem:s13+$0x180] =	vst v19  }
0x4b2: {  	v18 =	vadd.s32 $0x5, v5;
	v19 =	vld.idx.msk [tilespmem:v20+s3+$0x0], $0xffff  }
0x4b3: {  	v20 =	vadd.s32 $0x5, v6;
	_ =	sdelay $0x1  }
0x4b4: {  	[tilespmem:s11+$0x200] =	vst v8  }
0x4b5: {  	v8 =	vld.idx.msk [tilespmem:v16+s3+$0x0], $0xffff;
	[tilespmem:s12+$0x200] =	vst v17  }
0x4b6: {  	v16 =	vadd.s32 $0x6, v4;
	v17 =	vld.idx.msk [tilespmem:v18+s3+$0x0], $0xffff;
	[tilespmem:s13+$0x200] =	vst v19  }
0x4b7: {  	v18 =	vadd.s32 $0x6, v5;
	v19 =	vld.idx.msk [tilespmem:v20+s3+$0x0], $0xffff  }
0x4b8: {  	v20 =	vadd.s32 $0x6, v6  }
0x4b9: {  	[tilespmem:s4+$0x280] =	vst v14  }
0x4ba: {  	[tilespmem:s11+$0x280] =	vst v8;
	v8 =	vld.idx.msk [tilespmem:v15+s3+$0x0], $0xffff  }
0x4bb: {  	v14 =	vadd.s32 $0x7, v3;
	v15 =	vld.idx.msk [tilespmem:v16+s3+$0x0], $0xffff;
	[tilespmem:s12+$0x280] =	vst v17  }
0x4bc: {  	v16 =	vadd.s32 $0x7, v4;
	v17 =	vld.idx.msk [tilespmem:v18+s3+$0x0], $0xffff;
	[tilespmem:s13+$0x280] =	vst v19  }
0x4bd: {  	[tilespmem:s16+$0x1B700] =	vst v10;
	v10 =	vadd.s32 $0x7, v5;
	v18 =	vld.idx.msk [tilespmem:v20+s3+$0x0], $0xffff  }
0x4be: {  	[tilespmem:s30+$0x1C900] =	vst v13;
	v13 =	vadd.s32 $0x7, v6  }
0x4bf: {  	[tilespmem:s4+$0x300] =	vst v8  }
0x4c0: {  	v8 =	vld.idx.msk [tilespmem:v14+s3+$0x0], $0xffff;
	[tilespmem:s11+$0x300] =	vst v15  }
0x4c1: {  	v14 =	vadd.s32 $0x8, v3;
	v15 =	vld.idx.msk [tilespmem:v16+s3+$0x0], $0xffff;
	[tilespmem:s12+$0x300] =	vst v17  }
0x4c2: {  	v16 =	vadd.s32 $0x8, v4;
	v10 =	vld.idx.msk [tilespmem:v10+s3+$0x0], $0xffff;
	[tilespmem:s13+$0x300] =	vst v18  }
0x4c3: {  	s16 =	sor.u32 s5, s14;
	[tilespmem:s29+$0x1C800] =	vst v7;
	v7 =	vadd.s32 $0x8, v5;
	v13 =	vld.idx.msk [tilespmem:v13+s3+$0x0], $0xffff  }
0x4c4: {  	s20 =	sor.u32 s15, s19;
	v12 =	vld.idx.msk [tilespmem:v12+s3+$0x0], $0xffff;
	s17 =	sor.u32 $0x380, s16;
	[tilespmem:s1+$0x1CA80] =	vst v11;
	v11 =	vadd.s32 $0x8, v6  }
0x4c5: {  	s2 =	sor.u32 s24, s2;
	v9 =	vld.idx.msk [tilespmem:v9+s3+$0x0], $0xffff;
	s21 =	sor.u32 $0x380, s20;
	v17 =	vadd.s32 $0xB, v0;
	[tilespmem:s17+$0x1B700] =	vst v8  }
0x4c6: {  	s24 =	sor.u32 s7, s8;
	s22 =	sor.u32 $0x380, s2;
	v8 =	vadd.s32 $0x9, v1;
	v14 =	vld.idx.msk [tilespmem:v14+s3+$0x0], $0xffff;
	[tilespmem:s21+$0x1B700] =	vst v15  }
0x4c7: {  	s4 =	sor.u32 $0x380, s24;
	v15 =	vadd.s32 $0x9, v3;
	v16 =	vld.idx.msk [tilespmem:v16+s3+$0x0], $0xffff;
	[tilespmem:s22+$0x1B700] =	vst v10  }
0x4c8: {  	v10 =	vadd.s32 $0x9, v4;
	v7 =	vld.idx.msk [tilespmem:v7+s3+$0x0], $0xffff;
	[tilespmem:s4+$0x1B700] =	vst v13  }
0x4c9: {  	[tilespmem:s31+$0x1C700] =	vst v12;
	v12 =	vadd.s32 $0x9, v5;
	v11 =	vld.idx.msk [tilespmem:v11+s3+$0x0], $0xffff  }
0x4ca: {  	[tilespmem:s30+$0x1C980] =	vst v9;
	v9 =	vadd.s32 $0x9, v6;
	v13 =	vld.idx.msk [tilespmem:v17+s3+$0x0], $0xffff  }
0x4cb: {  	v17 =	vadd.s32 $0xE, v2;
	v8 =	vld.idx.msk [tilespmem:v8+s3+$0x0], $0xffff;
	[tilespmem:s0+$0x1C700] =	vst v14  }
0x4cc: {  	v14 =	vadd.s32 $0xA, v1;
	v15 =	vld.idx.msk [tilespmem:v15+s3+$0x0], $0xffff;
	[tilespmem:s18+$0x1C700] =	vst v16  }
0x4cd: {  	v16 =	vadd.s32 $0xA, v3;
	v10 =	vld.idx.msk [tilespmem:v10+s3+$0x0], $0xffff;
	[tilespmem:s9+$0x1C700] =	vst v7  }
0x4ce: {  	v7 =	vadd.s32 $0xA, v4;
	v12 =	vld.idx.msk [tilespmem:v12+s3+$0x0], $0xffff;
	[tilespmem:s10+$0x1C700] =	vst v11  }
0x4cf: {  	[tilespmem:s29+$0x1C880] =	vst v13;
	v11 =	vadd.s32 $0xA, v5;
	v9 =	vld.idx.msk [tilespmem:v9+s3+$0x0], $0xffff  }
0x4d0: {  	v13 =	vld.idx.msk [tilespmem:v17+s3+$0x0], $0xffff;
	[tilespmem:s31+$0x1C780] =	vst v8;
	v8 =	vadd.s32 $0xA, v6  }
0x4d1: {  	v17 =	vadd.s32 $0xC, v0;
	v14 =	vld.idx.msk [tilespmem:v14+s3+$0x0], $0xffff;
	[tilespmem:s0+$0x1C780] =	vst v15  }
0x4d2: {  	v15 =	vadd.s32 $0xB, v1;
	v16 =	vld.idx.msk [tilespmem:v16+s3+$0x0], $0xffff;
	[tilespmem:s18+$0x1C780] =	vst v10  }
0x4d3: {  	v10 =	vadd.s32 $0xB, v3;
	v7 =	vld.idx.msk [tilespmem:v7+s3+$0x0], $0xffff;
	[tilespmem:s9+$0x1C780] =	vst v12  }
0x4d4: {  	v12 =	vadd.s32 $0xB, v4;
	v11 =	vld.idx.msk [tilespmem:v11+s3+$0x0], $0xffff;
	[tilespmem:s10+$0x1C780] =	vst v9  }
0x4d5: {  	[tilespmem:s30+$0x1CA00] =	vst v13;
	v9 =	vadd.s32 $0xB, v5;
	v8 =	vld.idx.msk [tilespmem:v8+s3+$0x0], $0xffff  }
0x4d6: {  	v13 =	vld.idx.msk [tilespmem:v17+s3+$0x0], $0xffff;
	[tilespmem:s31+$0x1C800] =	vst v14;
	v14 =	vadd.s32 $0xB, v6  }
0x4d7: {  	v2 =	vadd.s32 $0xF, v2;
	v15 =	vld.idx.msk [tilespmem:v15+s3+$0x0], $0xffff;
	[tilespmem:s0+$0x1C800] =	vst v16  }
0x4d8: {  	v16 =	vadd.s32 $0xC, v1;
	v10 =	vld.idx.msk [tilespmem:v10+s3+$0x0], $0xffff;
	[tilespmem:s18+$0x1C800] =	vst v7  }
0x4d9: {  	v7 =	vadd.s32 $0xC, v3;
	v12 =	vld.idx.msk [tilespmem:v12+s3+$0x0], $0xffff;
	[tilespmem:s9+$0x1C800] =	vst v11  }
0x4da: {  	v11 =	vadd.s32 $0xC, v4;
	v9 =	vld.idx.msk [tilespmem:v9+s3+$0x0], $0xffff;
	[tilespmem:s10+$0x1C800] =	vst v8  }
0x4db: {  	[tilespmem:s29+$0x1C900] =	vst v13;
	v8 =	vadd.s32 $0xC, v5;
	v13 =	vld.idx.msk [tilespmem:v14+s3+$0x0], $0xffff  }
0x4dc: {  	v2 =	vld.idx.msk [tilespmem:v2+s3+$0x0], $0xffff;
	[tilespmem:s31+$0x1C880] =	vst v15;
	v14 =	vadd.s32 $0xC, v6  }
0x4dd: {  	v15 =	vadd.s32 $0xD, v0;
	v16 =	vld.idx.msk [tilespmem:v16+s3+$0x0], $0xffff;
	[tilespmem:s0+$0x1C880] =	vst v10  }
0x4de: {  	v10 =	vadd.s32 $0xD, v1;
	v7 =	vld.idx.msk [tilespmem:v7+s3+$0x0], $0xffff;
	[tilespmem:s18+$0x1C880] =	vst v12  }
0x4df: {  	v12 =	vadd.s32 $0xD, v3;
	v11 =	vld.idx.msk [tilespmem:v11+s3+$0x0], $0xffff;
	[tilespmem:s9+$0x1C880] =	vst v9  }
0x4e0: {  	v9 =	vadd.s32 $0xD, v4;
	v8 =	vld.idx.msk [tilespmem:v8+s3+$0x0], $0xffff;
	[tilespmem:s10+$0x1C880] =	vst v13  }
0x4e1: {  	[tilespmem:s30+$0x1CA80] =	vst v2;
	v2 =	vadd.s32 $0xD, v5;
	v13 =	vld.idx.msk [tilespmem:v14+s3+$0x0], $0xffff  }
0x4e2: {  	[tilespmem:s31+$0x1C900] =	vst v16;
	v14 =	vld.idx.msk [tilespmem:v15+s3+$0x0], $0xffff;
	v15 =	vadd.s32 $0xD, v6  }
0x4e3: {  	v16 =	vadd.s32 $0xE, v0;
	v10 =	vld.idx.msk [tilespmem:v10+s3+$0x0], $0xffff;
	[tilespmem:s0+$0x1C900] =	vst v7  }
0x4e4: {  	v7 =	vadd.s32 $0xE, v1;
	v12 =	vld.idx.msk [tilespmem:v12+s3+$0x0], $0xffff;
	[tilespmem:s18+$0x1C900] =	vst v11  }
0x4e5: {  	v11 =	vadd.s32 $0xE, v3;
	v9 =	vld.idx.msk [tilespmem:v9+s3+$0x0], $0xffff;
	[tilespmem:s9+$0x1C900] =	vst v8  }
0x4e6: {  	v8 =	vadd.s32 $0xE, v4;
	v2 =	vld.idx.msk [tilespmem:v2+s3+$0x0], $0xffff;
	[tilespmem:s10+$0x1C900] =	vst v13  }
0x4e7: {  	[tilespmem:s29+$0x1C980] =	vst v14;
	v13 =	vadd.s32 $0xE, v5;
	v14 =	vld.idx.msk [tilespmem:v15+s3+$0x0], $0xffff  }
0x4e8: {  	[tilespmem:s31+$0x1C980] =	vst v10;
	v10 =	vadd.s32 $0xE, v6;
	v15 =	vld.idx.msk [tilespmem:v16+s3+$0x0], $0xffff  }
0x4e9: {  	v0 =	vadd.s32 $0xF, v0;
	v7 =	vld.idx.msk [tilespmem:v7+s3+$0x0], $0xffff;
	[tilespmem:s0+$0x1C980] =	vst v12  }
0x4ea: {  	v1 =	vadd.s32 $0xF, v1;
	v11 =	vld.idx.msk [tilespmem:v11+s3+$0x0], $0xffff;
	[tilespmem:s18+$0x1C980] =	vst v9  }
0x4eb: {  	v3 =	vadd.s32 $0xF, v3;
	v8 =	vld.idx.msk [tilespmem:v8+s3+$0x0], $0xffff;
	[tilespmem:s9+$0x1C980] =	vst v2  }
0x4ec: {  	v2 =	vadd.s32 $0xF, v4;
	v4 =	vld.idx.msk [tilespmem:v13+s3+$0x0], $0xffff;
	[tilespmem:s10+$0x1C980] =	vst v14  }
0x4ed: {  	v5 =	vadd.s32 $0xF, v5;
	[tilespmem:s29+$0x1CA00] =	vst v15;
	v9 =	vld.idx.msk [tilespmem:v10+s3+$0x0], $0xffff  }
0x4ee: {  	v6 =	vadd.s32 $0xF, v6;
	[tilespmem:s31+$0x1CA00] =	vst v7;
	v0 =	vld.idx.msk [tilespmem:v0+s3+$0x0], $0xffff  }
0x4ef: {  	v1 =	vld.idx.msk [tilespmem:v1+s3+$0x0], $0xffff;
	[tilespmem:s0+$0x1CA00] =	vst v11  }
0x4f0: {  	v3 =	vld.idx.msk [tilespmem:v3+s3+$0x0], $0xffff;
	[tilespmem:s18+$0x1CA00] =	vst v8  }
0x4f1: {  	v2 =	vld.idx.msk [tilespmem:v2+s3+$0x0], $0xffff;
	[tilespmem:s9+$0x1CA00] =	vst v4  }
0x4f2: {  	v4 =	vld.idx.msk [tilespmem:v5+s3+$0x0], $0xffff;
	[tilespmem:s10+$0x1CA00] =	vst v9  }
0x4f3: {  	[tilespmem:s29+$0x1CA80] =	vst v0;
	v0 =	vld.idx.msk [tilespmem:v6+s3+$0x0], $0xffff  }
0x4f4: {  	[tilespmem:s31+$0x1CA80] =	vst v1  }
0x4f5: {  	[tilespmem:s0+$0x1CA80] =	vst v3  }
0x4f6: {  	[tilespmem:s18+$0x1CA80] =	vst v2  }
0x4f7: {  	s5 =	simm.s32 $0x1000;
	s7 =	simm.s32 $0x20000;
	[tilespmem:s9+$0x1CA80] =	vst v4  }
0x4f8: {  	s8 =	simm.s32 $0x1B700;
	s4 =	simm.s32 $0x0;
	s9 =	simm.s32 $0x2;
	[tilespmem:s10+$0x1CA80] =	vst v0  }
0x4f9: {  	[hbm4b:s6+s5] =	stream.strided.scatter [tilespmem:s8], [sflag:$0x3], $0x2000, s7, s5, $0x38;
	[tilespmem:$0x1D700] =	vst v63  }
0x4fa: {  	s10 =	sand.u32 $0xC00, s4;
	_ =	swait.ge [sflag:s9], $0x2000  }
0x4fb: {  	s11 =	sand.u32 $0x70, s4;
	s12 =	sadd.s32 s10, s26;
	[sflag:s9] =	ssyncset.done $0x0  }
0x4fc: {  	s0 =	sadd.s32 s11, s12;
	[sflag:s9] =	ssyncadd.s32 $0xFFFFE000  }
0x4fd: {  	v0 =	vld [tilespmem:s0+$0x300];
	_ =	sdelay $0x4  }
0x4fe: {  	v6 =	vmul.u32 $0x11, v0;
	_ =	sdelay $0x5  }
0x4ff: {  	s0 =	simm.s32 $0x80;
	v0 =	vld.idx.msk [tilespmem:v6+s3+$0x0], $0xffff  }
0x500: {  	s2 =	simm.s32 $0x10;
	s13 =	sand.u32 $0xC00, s0;
	v1 =	vadd.s32 $0x1, v6  }
0x501: {  	s14 =	sand.u32 $0x70, s2;
	s15 =	sadd.s32 s13, s26  }
0x502: {  	s7 =	sadd.s32 s14, s15  }
0x503: {  	s1 =	sor.u32 s11, s10;
	v2 =	vld [tilespmem:s7+$0x300]  }
0x504: {  	[tilespmem:s1+$0x19700] =	vst v0  }
0x505: {  	v0 =	vld.idx.msk [tilespmem:v1+s3+$0x0], $0xffff  }
0x506: {  	v1 =	vadd.s32 $0x2, v6;
	_ =	sdelay $0x1  }
0x507: {  	v2 =	vmul.u32 $0x11, v2  }
0x508: {  	s5 =	sadd.s32 $0x19700, s1  }
0x509: {  	[tilespmem:s5+$0x80] =	vst v0  }
0x50a: {  	v0 =	vld.idx.msk [tilespmem:v1+s3+$0x0], $0xffff  }
0x50b: {  	s7 =	simm.s32 $0x100;
	v1 =	vadd.s32 $0x3, v6  }
0x50c: {  	s8 =	simm.s32 $0x20;
	s16 =	sand.u32 $0xC00, s7  }
0x50d: {  	s17 =	sand.u32 $0x70, s8;
	s18 =	sadd.s32 s16, s26;
	v3 =	vld.idx.msk [tilespmem:v2+s3+$0x0], $0xffff  }
0x50e: {  	s12 =	sadd.s32 s17, s18;
	v4 =	vadd.s32 $0x1, v2  }
0x50f: {  	v5 =	vld [tilespmem:s12+$0x300];
	[tilespmem:s5+$0x100] =	vst v0  }
0x510: {  	v0 =	vld.idx.msk [tilespmem:v1+s3+$0x0], $0xffff  }
0x511: {  	s30 =	sor.u32 s14, s13;
	v1 =	vadd.s32 $0x4, v6  }
0x512: {  	[tilespmem:s30+$0x19700] =	vst v3  }
0x513: {  	v3 =	vld.idx.msk [tilespmem:v4+s3+$0x0], $0xffff  }
0x514: {  	v4 =	vadd.s32 $0x2, v2  }
0x515: {  	[tilespmem:s5+$0x180] =	vst v0;
	v0 =	vmul.u32 $0x11, v5  }
0x516: {  	v1 =	vld.idx.msk [tilespmem:v1+s3+$0x0], $0xffff  }
0x517: {  	s9 =	sadd.s32 $0x19700, s30;
	v5 =	vadd.s32 $0x5, v6  }
0x518: {  	[tilespmem:s9+$0x80] =	vst v3  }
0x519: {  	v3 =	vld.idx.msk [tilespmem:v4+s3+$0x0], $0xffff  }
0x51a: {  	s6 =	simm.s32 $0x180;
	v4 =	vadd.s32 $0x3, v2  }
0x51b: {  	s19 =	sand.u32 $0xC00, s6;
	s12 =	simm.s32 $0x30;
	v7 =	vld.idx.msk [tilespmem:v0+s3+$0x0], $0xffff;
	[tilespmem:s5+$0x200] =	vst v1  }
0x51c: {  	s21 =	sadd.s32 s19, s26;
	s20 =	sand.u32 $0x70, s12;
	v1 =	vld.idx.msk [tilespmem:v5+s3+$0x0], $0xffff;
	v5 =	vadd.s32 $0x1, v0  }
0x51d: {  	v8 =	vadd.s32 $0x6, v6;
	s14 =	sadd.s32 s20, s21  }
0x51e: {  	v9 =	vld [tilespmem:s14+$0x300];
	[tilespmem:s9+$0x100] =	vst v3  }
0x51f: {  	s29 =	sor.u32 s17, s16;
	v3 =	vld.idx.msk [tilespmem:v4+s3+$0x0], $0xffff  }
0x520: {  	v4 =	vadd.s32 $0x4, v2;
	[tilespmem:s29+$0x19700] =	vst v7  }
0x521: {  	v5 =	vld.idx.msk [tilespmem:v5+s3+$0x0], $0xffff;
	[tilespmem:s5+$0x280] =	vst v1  }
0x522: {  	v7 =	vld.idx.msk [tilespmem:v8+s3+$0x0], $0xffff;
	v8 =	vadd.s32 $0x2, v0  }
0x523: {  	v10 =	vadd.s32 $0x7, v6  }
0x524: {  	[tilespmem:s9+$0x180] =	vst v3;
	v1 =	vmul.u32 $0x11, v9  }
0x525: {  	s11 =	sadd.s32 $0x19700, s29;
	v3 =	vld.idx.msk [tilespmem:v4+s3+$0x0], $0xffff  }
0x526: {  	v4 =	vadd.s32 $0x5, v2;
	[tilespmem:s11+$0x80] =	vst v5  }
0x527: {  	v5 =	vld.idx.msk [tilespmem:v8+s3+$0x0], $0xffff;
	[tilespmem:s5+$0x300] =	vst v7  }
0x528: {  	s5 =	simm.s32 $0x200;
	v8 =	vadd.s32 $0x3, v0;
	v7 =	vld.idx.msk [tilespmem:v10+s3+$0x0], $0xffff  }
0x529: {  	s14 =	simm.s32 $0x40;
	v9 =	vadd.s32 $0x8, v6;
	s22 =	sand.u32 $0xC00, s5  }
0x52a: {  	s17 =	sand.u32 $0x70, s14;
	[tilespmem:s9+$0x200] =	vst v3;
	v10 =	vld.idx.msk [tilespmem:v1+s3+$0x0], $0xffff;
	s24 =	sadd.s32 s22, s26  }
0x52b: {  	s4 =	sor.u32 s4, s4;
	v3 =	vld.idx.msk [tilespmem:v4+s3+$0x0], $0xffff;
	v4 =	vadd.s32 $0x1, v1;
	s16 =	sadd.s32 s17, s24  }
0x52c: {  	s4 =	sor.u32 $0x380, s4;
	v11 =	vld [tilespmem:s16+$0x300];
	[tilespmem:s11+$0x100] =	vst v5;
	v5 =	vadd.s32 $0x6, v2  }
0x52d: {  	v8 =	vld.idx.msk [tilespmem:v8+s3+$0x0], $0xffff;
	[tilespmem:s4+$0x19700] =	vst v7  }
0x52e: {  	s31 =	sor.u32 s20, s19;
	v7 =	vld.idx.msk [tilespmem:v9+s3+$0x0], $0xffff;
	v9 =	vadd.s32 $0x4, v0  }
0x52f: {  	[tilespmem:s31+$0x19700] =	vst v10;
	v10 =	vadd.s32 $0x9, v6  }
0x530: {  	[tilespmem:s9+$0x280] =	vst v3;
	v4 =	vld.idx.msk [tilespmem:v4+s3+$0x0], $0xffff  }
0x531: {  	v12 =	vadd.s32 $0x2, v1;
	v5 =	vld.idx.msk [tilespmem:v5+s3+$0x0], $0xffff  }
0x532: {  	v3 =	vmul.u32 $0x11, v11;
	[tilespmem:s11+$0x180] =	vst v8;
	v8 =	vadd.s32 $0x7, v2  }
0x533: {  	v9 =	vld.idx.msk [tilespmem:v9+s3+$0x0], $0xffff;
	[tilespmem:s1+$0x1A700] =	vst v7  }
0x534: {  	s21 =	sadd.s32 $0x19700, s31;
	v7 =	vld.idx.msk [tilespmem:v10+s3+$0x0], $0xffff;
	v10 =	vadd.s32 $0x5, v0  }
0x535: {  	[tilespmem:s21+$0x80] =	vst v4;
	v4 =	vadd.s32 $0xA, v6  }
0x536: {  	v11 =	vld.idx.msk [tilespmem:v12+s3+$0x0], $0xffff;
	[tilespmem:s9+$0x300] =	vst v5  }
0x537: {  	s15 =	simm.s32 $0x280;
	v5 =	vld.idx.msk [tilespmem:v8+s3+$0x0], $0xffff;
	v8 =	vadd.s32 $0x3, v1  }
0x538: {  	s19 =	simm.s32 $0x50;
	s16 =	sand.u32 $0xC00, s15;
	v12 =	vld.idx.msk [tilespmem:v3+s3+$0x0], $0xffff;
	[tilespmem:s11+$0x200] =	vst v9;
	v9 =	vadd.s32 $0x8, v2  }
0x539: {  	s18 =	sand.u32 $0x70, s19;
	s20 =	sadd.s32 s16, s26;
	v10 =	vld.idx.msk [tilespmem:v10+s3+$0x0], $0xffff;
	[tilespmem:s1+$0x1A780] =	vst v7;
	v7 =	vadd.s32 $0x1, v3  }
0x53a: {  	s0 =	sor.u32 s0, s2;
	v13 =	vadd.s32 $0x6, v0;
	s4 =	sadd.s32 s18, s20;
	v4 =	vld.idx.msk [tilespmem:v4+s3+$0x0], $0xffff  }
0x53b: {  	s0 =	sor.u32 $0x380, s0;
	v14 =	vld [tilespmem:s4+$0x300];
	[tilespmem:s21+$0x100] =	vst v11;
	v11 =	vadd.s32 $0xB, v6  }
0x53c: {  	v8 =	vld.idx.msk [tilespmem:v8+s3+$0x0], $0xffff;
	[tilespmem:s0+$0x19700] =	vst v5;
	s0 =	sor.u32 s17, s22  }
0x53d: {  	s24 =	simm.s32 $0x300;
	v5 =	vld.idx.msk [tilespmem:v9+s3+$0x0], $0xffff;
	[tilespmem:s0+$0x19700] =	vst v12;
	v9 =	vadd.s32 $0x4, v1  }
0x53e: {  	s2 =	simm.s32 $0x60;
	s9 =	sand.u32 $0xC00, s24;
	v7 =	vld.idx.msk [tilespmem:v7+s3+$0x0], $0xffff;
	[tilespmem:s11+$0x280] =	vst v10;
	v10 =	vadd.s32 $0x9, v2  }
0x53f: {  	s10 =	sand.u32 $0x70, s2;
	s22 =	sadd.s32 s9, s26;
	v12 =	vld.idx.msk [tilespmem:v13+s3+$0x0], $0xffff;
	[tilespmem:s1+$0x1A800] =	vst v4;
	v13 =	vadd.s32 $0x2, v3  }
0x540: {  	v15 =	vadd.s32 $0x7, v0;
	s4 =	sadd.s32 s10, s22;
	v11 =	vld.idx.msk [tilespmem:v11+s3+$0x0], $0xffff  }
0x541: {  	v16 =	vld [tilespmem:s4+$0x300];
	v4 =	vmul.u32 $0x11, v14;
	[tilespmem:s21+$0x180] =	vst v8;
	v8 =	vadd.s32 $0xC, v6  }
0x542: {  	s4 =	sadd.s32 $0x19700, s0;
	v9 =	vld.idx.msk [tilespmem:v9+s3+$0x0], $0xffff;
	[tilespmem:s30+$0x1A700] =	vst v5  }
0x543: {  	v5 =	vld.idx.msk [tilespmem:v10+s3+$0x0], $0xffff;
	[tilespmem:s4+$0x80] =	vst v7;
	v7 =	vadd.s32 $0x5, v1  }
0x544: {  	v10 =	vld.idx.msk [tilespmem:v13+s3+$0x0], $0xffff;
	[tilespmem:s11+$0x300] =	vst v12;
	v12 =	vadd.s32 $0xA, v2  }
0x545: {  	v13 =	vld.idx.msk [tilespmem:v15+s3+$0x0], $0xffff;
	[tilespmem:s1+$0x1A880] =	vst v11;
	v11 =	vadd.s32 $0x3, v3  }
0x546: {  	v14 =	vadd.s32 $0x8, v0;
	v8 =	vld.idx.msk [tilespmem:v8+s3+$0x0], $0xffff  }
0x547: {  	v15 =	vld.idx.msk [tilespmem:v4+s3+$0x0], $0xffff;
	[tilespmem:s21+$0x200] =	vst v9;
	v9 =	vadd.s32 $0xD, v6  }
0x548: {  	s7 =	sor.u32 s7, s8;
	v7 =	vld.idx.msk [tilespmem:v7+s3+$0x0], $0xffff;
	[tilespmem:s30+$0x1A780] =	vst v5;
	v5 =	vadd.s32 $0x1, v4  }
0x549: {  	s7 =	sor.u32 $0x380, s7;
	v12 =	vld.idx.msk [tilespmem:v12+s3+$0x0], $0xffff;
	[tilespmem:s4+$0x100] =	vst v10;
	v10 =	vadd.s32 $0x6, v1  }
0x54a: {  	v11 =	vld.idx.msk [tilespmem:v11+s3+$0x0], $0xffff;
	[tilespmem:s7+$0x19700] =	vst v13  }
0x54b: {  	s18 =	sor.u32 s18, s16;
	v13 =	vadd.s32 $0xB, v2;
	s7 =	simm.s32 $0x380;
	v14 =	vld.idx.msk [tilespmem:v14+s3+$0x0], $0xffff;
	[tilespmem:s1+$0x1A900] =	vst v8  }
0x54c: {  	s8 =	simm.s32 $0x70;
	[tilespmem:s18+$0x19700] =	vst v15;
	v15 =	vadd.s32 $0x4, v3;
	s13 =	sand.u32 $0xC00, s7;
	v9 =	vld.idx.msk [tilespmem:v9+s3+$0x0], $0xffff  }
0x54d: {  	s20 =	sand.u32 $0x70, s8;
	s17 =	sadd.s32 s13, s26;
	v17 =	vld.idx.msk [tilespmem:v5+s3+$0x0], $0xffff;
	[tilespmem:s21+$0x280] =	vst v7;
	v7 =	vadd.s32 $0x9, v0  }
0x54e: {  	s11 =	sadd.s32 s20, s17;
	v10 =	vld.idx.msk [tilespmem:v10+s3+$0x0], $0xffff;
	[tilespmem:s30+$0x1A800] =	vst v12;
	v12 =	vadd.s32 $0xE, v6  }
0x54f: {  	v18 =	vadd.s32 $0x2, v4;
	v5 =	vmul.u32 $0x11, v16;
	v8 =	vld [tilespmem:s11+$0x300]  }
0x550: {  	v13 =	vld.idx.msk [tilespmem:v13+s3+$0x0], $0xffff;
	[tilespmem:s4+$0x180] =	vst v11  }
0x551: {  	v11 =	vadd.s32 $0x7, v1;
	v15 =	vld.idx.msk [tilespmem:v15+s3+$0x0], $0xffff;
	[tilespmem:s29+$0x1A700] =	vst v14  }
0x552: {  	s11 =	sadd.s32 $0x19700, s18;
	v14 =	vadd.s32 $0xC, v2;
	[tilespmem:s1+$0x1A980] =	vst v9;
	v7 =	vld.idx.msk [tilespmem:v7+s3+$0x0], $0xffff  }
0x553: {  	v9 =	vadd.s32 $0x5, v3;
	[tilespmem:s11+$0x80] =	vst v17;
	v19 =	vld.idx.msk [tilespmem:v12+s3+$0x0], $0xffff  }
0x554: {  	v20 =	vld.idx.msk [tilespmem:v18+s3+$0x0], $0xffff;
	[tilespmem:s21+$0x300] =	vst v10;
	v18 =	vadd.s32 $0xA, v0  }
0x555: {  	v6 =	vadd.s32 $0xF, v6;
	v17 =	vld.idx.msk [tilespmem:v5+s3+$0x0], $0xffff;
	[tilespmem:s30+$0x1A880] =	vst v13  }
0x556: {  	v16 =	vadd.s32 $0x3, v4;
	v10 =	vld.idx.msk [tilespmem:v11+s3+$0x0], $0xffff;
	[tilespmem:s4+$0x200] =	vst v15  }
0x557: {  	v12 =	vadd.s32 $0x8, v1;
	v13 =	vld.idx.msk [tilespmem:v14+s3+$0x0], $0xffff;
	[tilespmem:s29+$0x1A780] =	vst v7  }
0x558: {  	v14 =	vld.idx.msk [tilespmem:v9+s3+$0x0], $0xffff;
	v9 =	vadd.s32 $0xD, v2;
	[tilespmem:s1+$0x1AA00] =	vst v19  }
0x559: {  	s21 =	sor.u32 s6, s12;
	v7 =	vld.idx.msk [tilespmem:v18+s3+$0x0], $0xffff;
	v18 =	vadd.s32 $0x1, v5;
	s22 =	rddreg [dreg:$0xc]  }
0x55a: {  	s12 =	simm.s32 $0x80;
	s16 =	sor.u32 $0x380, s21;
	v15 =	vadd.s32 $0x6, v3;
	[tilespmem:s11+$0x100] =	vst v20;
	v11 =	vld.idx.msk [tilespmem:v6+s3+$0x0], $0xffff;
	s6 =	sadd.s32 s28, s22  }
.LBB2_15:
0x55b: {  	p0 =	sne.s32 s12, $0x1F0;
	v6 =	vld.idx.msk [tilespmem:v16+s3+$0x0], $0xffff;
	[tilespmem:s16+$0x19700] =	vst v10;
	v10 =	vadd.s32 $0xB, v0;
	s21 =	smov.u32 s7;
	s16 =	smov.u32 s14  }
0x55c: {  	s17 =	sor.u32 s10, s9;
	s9 =	smov.u32 s13;
	s10 =	smov.u32 s20;
	v12 =	vld.idx.msk [tilespmem:v12+s3+$0x0], $0xffff;
	[tilespmem:s30+$0x1A900] =	vst v13  }
0x55d: {  	s7 =	sadd.s32 $0x80, s7;
	s14 =	smov.u32 s19;
	s19 =	smov.u32 s2;
	v13 =	vadd.s32 $0x4, v4;
	[tilespmem:s17+$0x19700] =	vst v17;
	v9 =	vld.idx.msk [tilespmem:v9+s3+$0x0], $0xffff  }
0x55e: {  	s2 =	smov.u32 s8;
	s8 =	smov.u32 s12;
	s13 =	sand.u32 $0xC00, s7;
	v16 =	vld.idx.msk [tilespmem:v18+s3+$0x0], $0xffff;
	[tilespmem:s4+$0x280] =	vst v14;
	v14 =	vadd.s32 $0x9, v1  }
0x55f: {  	s20 =	sand.u32 $0x70, s12;
	s22 =	sadd.s32 s13, s26;
	v15 =	vld.idx.msk [tilespmem:v15+s3+$0x0], $0xffff;
	[tilespmem:s29+$0x1A800] =	vst v7;
	v7 =	vadd.s32 $0xE, v2  }
0x560: {  	v17 =	vadd.s32 $0x2, v5;
	s22 =	sadd.s32 s20, s22;
	v18 =	vld.idx.msk [tilespmem:v10+s3+$0x0], $0xffff;
	[tilespmem:s1+$0x1AA80] =	vst v11;
	s1 =	smov.u32 s30;
	s30 =	smov.u32 s29  }
0x561: {  	s29 =	smov.u32 s31;
	s31 =	smov.u32 s0;
	s0 =	smov.u32 s18;
	v11 =	vld [tilespmem:s22+$0x300];
	[tilespmem:s11+$0x180] =	vst v6;
	v6 =	vadd.s32 $0x7, v3  }
0x562: {  	v19 =	vmul.u32 $0x11, v8;
	s18 =	smov.u32 s17;
	v20 =	vld.idx.msk [tilespmem:v13+s3+$0x0], $0xffff;
	[tilespmem:s29+$0x1A700] =	vst v12;
	v12 =	vadd.s32 $0xC, v0  }
0x563: {  	s17 =	sadd.s32 $0x19700, s18;
	v21 =	vld.idx.msk [tilespmem:v14+s3+$0x0], $0xffff;
	[tilespmem:s1+$0x1A980] =	vst v9  }
0x564: {  	v9 =	vadd.s32 $0x5, v4;
	[tilespmem:s17+$0x80] =	vst v16;
	v22 =	vld.idx.msk [tilespmem:v7+s3+$0x0], $0xffff  }
0x565: {  	v7 =	vadd.s32 $0xA, v1;
	v23 =	vld.idx.msk [tilespmem:v17+s3+$0x0], $0xffff;
	[tilespmem:s4+$0x300] =	vst v15;
	s4 =	smov.u32 s11;
	s11 =	smov.u32 s17  }
0x566: {  	v10 =	vld.idx.msk [tilespmem:v6+s3+$0x0], $0xffff;
	[tilespmem:s30+$0x1A880] =	vst v18;
	v6 =	vadd.s32 $0xF, v2;
	v8 =	vmovc v11;
	v2 =	vmovc v0;
	v0 =	vmov v1;
	v1 =	vmov v3  }
.Ltmp6:
0x567: {  	v16 =	vadd.s32 $0x3, v5;
	v3 =	vmovc v4;
	v4 =	vmov v5;
	v5 =	vmov v19;
	v13 =	vld.idx.msk [tilespmem:v12+s3+$0x0], $0xffff;
	(pc) =	sbr.rel @p0 .LBB2_15-.Ltmp6, $4  }
0x568: {  	v12 =	vadd.s32 $0x8, v1;
	v17 =	vld.idx.msk [tilespmem:v19+s3+$0x0], $0xffff;
	[tilespmem:s4+$0x200] =	vst v20  }
0x569: {  	v14 =	vld.idx.msk [tilespmem:v9+s3+$0x0], $0xffff;
	[tilespmem:s29+$0x1A780] =	vst v21;
	v9 =	vadd.s32 $0xD, v2  }
0x56a: {  	s16 =	sor.u32 s5, s16;
	s5 =	smov.u32 s15;
	s15 =	smov.u32 s24;
	v18 =	vadd.s32 $0x1, v5;
	v7 =	vld.idx.msk [tilespmem:v7+s3+$0x0], $0xffff;
	[tilespmem:s1+$0x1AA00] =	vst v22  }
0x56b: {  	s12 =	sadd.s32 $0x10, s12;
	s24 =	smov.u32 s21;
	s16 =	sor.u32 $0x380, s16;
	v15 =	vadd.s32 $0x6, v3;
	[tilespmem:s11+$0x100] =	vst v23;
	v11 =	vld.idx.msk [tilespmem:v6+s3+$0x0], $0xffff  }
0x56c: {  	v6 =	vmul.u32 $0x11, v8;
	_ =	sdelay $0x5  }
0x56d: {  	v8 =	vld.idx.msk [tilespmem:v6+s3+$0x0], $0xffff  }
0x56e: {  	v19 =	vadd.s32 $0x1, v6;
	_ =	sdelay $0x1  }
0x56f: {  	s9 =	sor.u32 s10, s9  }
0x570: {  	s10 =	sor.u32 s20, s13;
	[tilespmem:s9+$0x19700] =	vst v17  }
0x571: {  	v17 =	vld.idx.msk [tilespmem:v18+s3+$0x0], $0xffff;
	[tilespmem:s10+$0x19700] =	vst v8  }
0x572: {  	v8 =	vadd.s32 $0x2, v5;
	v18 =	vld.idx.msk [tilespmem:v19+s3+$0x0], $0xffff  }
0x573: {  	v19 =	vadd.s32 $0x2, v6;
	_ =	sdelay $0x1  }
0x574: {  	s12 =	sadd.s32 $0x19700, s9  }
0x575: {  	s13 =	sadd.s32 $0x19700, s10;
	[tilespmem:s12+$0x80] =	vst v17  }
0x576: {  	v8 =	vld.idx.msk [tilespmem:v8+s3+$0x0], $0xffff;
	[tilespmem:s13+$0x80] =	vst v18  }
0x577: {  	v17 =	vadd.s32 $0x3, v5;
	v18 =	vld.idx.msk [tilespmem:v19+s3+$0x0], $0xffff  }
0x578: {  	v19 =	vadd.s32 $0x3, v6;
	_ =	sdelay $0x2  }
0x579: {  	v16 =	vld.idx.msk [tilespmem:v16+s3+$0x0], $0xffff;
	[tilespmem:s12+$0x100] =	vst v8  }
0x57a: {  	v8 =	vadd.s32 $0x4, v4;
	v17 =	vld.idx.msk [tilespmem:v17+s3+$0x0], $0xffff;
	[tilespmem:s13+$0x100] =	vst v18  }
0x57b: {  	v18 =	vadd.s32 $0x4, v5;
	v19 =	vld.idx.msk [tilespmem:v19+s3+$0x0], $0xffff  }
0x57c: {  	v20 =	vadd.s32 $0x4, v6;
	_ =	sdelay $0x1  }
0x57d: {  	[tilespmem:s11+$0x180] =	vst v16  }
0x57e: {  	v8 =	vld.idx.msk [tilespmem:v8+s3+$0x0], $0xffff;
	[tilespmem:s12+$0x180] =	vst v17  }
0x57f: {  	v16 =	vadd.s32 $0x5, v4;
	v17 =	vld.idx.msk [tilespmem:v18+s3+$0x0], $0xffff;
	[tilespmem:s13+$0x180] =	vst v19  }
0x580: {  	v18 =	vadd.s32 $0x5, v5;
	v19 =	vld.idx.msk [tilespmem:v20+s3+$0x0], $0xffff  }
0x581: {  	v20 =	vadd.s32 $0x5, v6;
	_ =	sdelay $0x1  }
0x582: {  	[tilespmem:s11+$0x200] =	vst v8  }
0x583: {  	v8 =	vld.idx.msk [tilespmem:v16+s3+$0x0], $0xffff;
	[tilespmem:s12+$0x200] =	vst v17  }
0x584: {  	v16 =	vadd.s32 $0x6, v4;
	v17 =	vld.idx.msk [tilespmem:v18+s3+$0x0], $0xffff;
	[tilespmem:s13+$0x200] =	vst v19  }
0x585: {  	v18 =	vadd.s32 $0x6, v5;
	v19 =	vld.idx.msk [tilespmem:v20+s3+$0x0], $0xffff  }
0x586: {  	v20 =	vadd.s32 $0x6, v6  }
0x587: {  	[tilespmem:s4+$0x280] =	vst v14  }
0x588: {  	[tilespmem:s11+$0x280] =	vst v8;
	v8 =	vld.idx.msk [tilespmem:v15+s3+$0x0], $0xffff  }
0x589: {  	v14 =	vadd.s32 $0x7, v3;
	v15 =	vld.idx.msk [tilespmem:v16+s3+$0x0], $0xffff;
	[tilespmem:s12+$0x280] =	vst v17  }
0x58a: {  	v16 =	vadd.s32 $0x7, v4;
	v17 =	vld.idx.msk [tilespmem:v18+s3+$0x0], $0xffff;
	[tilespmem:s13+$0x280] =	vst v19  }
0x58b: {  	[tilespmem:s16+$0x19700] =	vst v10;
	v10 =	vadd.s32 $0x7, v5;
	v18 =	vld.idx.msk [tilespmem:v20+s3+$0x0], $0xffff  }
0x58c: {  	[tilespmem:s30+$0x1A900] =	vst v13;
	v13 =	vadd.s32 $0x7, v6  }
0x58d: {  	[tilespmem:s4+$0x300] =	vst v8  }
0x58e: {  	v8 =	vld.idx.msk [tilespmem:v14+s3+$0x0], $0xffff;
	[tilespmem:s11+$0x300] =	vst v15  }
0x58f: {  	v14 =	vadd.s32 $0x8, v3;
	v15 =	vld.idx.msk [tilespmem:v16+s3+$0x0], $0xffff;
	[tilespmem:s12+$0x300] =	vst v17  }
0x590: {  	v16 =	vadd.s32 $0x8, v4;
	v10 =	vld.idx.msk [tilespmem:v10+s3+$0x0], $0xffff;
	[tilespmem:s13+$0x300] =	vst v18  }
0x591: {  	s17 =	sor.u32 s5, s14;
	[tilespmem:s29+$0x1A800] =	vst v7;
	v7 =	vadd.s32 $0x8, v5;
	v13 =	vld.idx.msk [tilespmem:v13+s3+$0x0], $0xffff  }
0x592: {  	s21 =	sor.u32 s15, s19;
	v12 =	vld.idx.msk [tilespmem:v12+s3+$0x0], $0xffff;
	s20 =	sor.u32 $0x380, s17;
	[tilespmem:s1+$0x1AA80] =	vst v11;
	v11 =	vadd.s32 $0x8, v6  }
0x593: {  	s2 =	sor.u32 s24, s2;
	v9 =	vld.idx.msk [tilespmem:v9+s3+$0x0], $0xffff;
	s22 =	sor.u32 $0x380, s21;
	v17 =	vadd.s32 $0xB, v0;
	[tilespmem:s20+$0x19700] =	vst v8  }
0x594: {  	s2 =	sor.u32 $0x380, s2;
	s4 =	sor.u32 s7, s8;
	v8 =	vadd.s32 $0x9, v1;
	v14 =	vld.idx.msk [tilespmem:v14+s3+$0x0], $0xffff;
	[tilespmem:s22+$0x19700] =	vst v15  }
0x595: {  	s5 =	sor.u32 $0x380, s4;
	v15 =	vadd.s32 $0x9, v3;
	v16 =	vld.idx.msk [tilespmem:v16+s3+$0x0], $0xffff;
	[tilespmem:s2+$0x19700] =	vst v10  }
0x596: {  	v10 =	vadd.s32 $0x9, v4;
	v7 =	vld.idx.msk [tilespmem:v7+s3+$0x0], $0xffff;
	[tilespmem:s5+$0x19700] =	vst v13  }
0x597: {  	[tilespmem:s31+$0x1A700] =	vst v12;
	v12 =	vadd.s32 $0x9, v5;
	v11 =	vld.idx.msk [tilespmem:v11+s3+$0x0], $0xffff  }
0x598: {  	[tilespmem:s30+$0x1A980] =	vst v9;
	v9 =	vadd.s32 $0x9, v6;
	v13 =	vld.idx.msk [tilespmem:v17+s3+$0x0], $0xffff  }
0x599: {  	v17 =	vadd.s32 $0xE, v2;
	v8 =	vld.idx.msk [tilespmem:v8+s3+$0x0], $0xffff;
	[tilespmem:s0+$0x1A700] =	vst v14  }
0x59a: {  	v14 =	vadd.s32 $0xA, v1;
	v15 =	vld.idx.msk [tilespmem:v15+s3+$0x0], $0xffff;
	[tilespmem:s18+$0x1A700] =	vst v16  }
0x59b: {  	v16 =	vadd.s32 $0xA, v3;
	v10 =	vld.idx.msk [tilespmem:v10+s3+$0x0], $0xffff;
	[tilespmem:s9+$0x1A700] =	vst v7  }
0x59c: {  	v7 =	vadd.s32 $0xA, v4;
	v12 =	vld.idx.msk [tilespmem:v12+s3+$0x0], $0xffff;
	[tilespmem:s10+$0x1A700] =	vst v11  }
0x59d: {  	[tilespmem:s29+$0x1A880] =	vst v13;
	v11 =	vadd.s32 $0xA, v5;
	v9 =	vld.idx.msk [tilespmem:v9+s3+$0x0], $0xffff  }
0x59e: {  	v13 =	vld.idx.msk [tilespmem:v17+s3+$0x0], $0xffff;
	[tilespmem:s31+$0x1A780] =	vst v8;
	v8 =	vadd.s32 $0xA, v6  }
0x59f: {  	v17 =	vadd.s32 $0xC, v0;
	v14 =	vld.idx.msk [tilespmem:v14+s3+$0x0], $0xffff;
	[tilespmem:s0+$0x1A780] =	vst v15  }
0x5a0: {  	v15 =	vadd.s32 $0xB, v1;
	v16 =	vld.idx.msk [tilespmem:v16+s3+$0x0], $0xffff;
	[tilespmem:s18+$0x1A780] =	vst v10  }
0x5a1: {  	v10 =	vadd.s32 $0xB, v3;
	v7 =	vld.idx.msk [tilespmem:v7+s3+$0x0], $0xffff;
	[tilespmem:s9+$0x1A780] =	vst v12  }
0x5a2: {  	v12 =	vadd.s32 $0xB, v4;
	v11 =	vld.idx.msk [tilespmem:v11+s3+$0x0], $0xffff;
	[tilespmem:s10+$0x1A780] =	vst v9  }
0x5a3: {  	[tilespmem:s30+$0x1AA00] =	vst v13;
	v9 =	vadd.s32 $0xB, v5;
	v8 =	vld.idx.msk [tilespmem:v8+s3+$0x0], $0xffff  }
0x5a4: {  	v13 =	vld.idx.msk [tilespmem:v17+s3+$0x0], $0xffff;
	[tilespmem:s31+$0x1A800] =	vst v14;
	v14 =	vadd.s32 $0xB, v6  }
0x5a5: {  	v2 =	vadd.s32 $0xF, v2;
	v15 =	vld.idx.msk [tilespmem:v15+s3+$0x0], $0xffff;
	[tilespmem:s0+$0x1A800] =	vst v16  }
0x5a6: {  	v16 =	vadd.s32 $0xC, v1;
	v10 =	vld.idx.msk [tilespmem:v10+s3+$0x0], $0xffff;
	[tilespmem:s18+$0x1A800] =	vst v7  }
0x5a7: {  	v7 =	vadd.s32 $0xC, v3;
	v12 =	vld.idx.msk [tilespmem:v12+s3+$0x0], $0xffff;
	[tilespmem:s9+$0x1A800] =	vst v11  }
0x5a8: {  	v11 =	vadd.s32 $0xC, v4;
	v9 =	vld.idx.msk [tilespmem:v9+s3+$0x0], $0xffff;
	[tilespmem:s10+$0x1A800] =	vst v8  }
0x5a9: {  	[tilespmem:s29+$0x1A900] =	vst v13;
	v8 =	vadd.s32 $0xC, v5;
	v13 =	vld.idx.msk [tilespmem:v14+s3+$0x0], $0xffff  }
0x5aa: {  	v2 =	vld.idx.msk [tilespmem:v2+s3+$0x0], $0xffff;
	[tilespmem:s31+$0x1A880] =	vst v15;
	v14 =	vadd.s32 $0xC, v6  }
0x5ab: {  	v15 =	vadd.s32 $0xD, v0;
	v16 =	vld.idx.msk [tilespmem:v16+s3+$0x0], $0xffff;
	[tilespmem:s0+$0x1A880] =	vst v10  }
0x5ac: {  	v10 =	vadd.s32 $0xD, v1;
	v7 =	vld.idx.msk [tilespmem:v7+s3+$0x0], $0xffff;
	[tilespmem:s18+$0x1A880] =	vst v12  }
0x5ad: {  	v12 =	vadd.s32 $0xD, v3;
	v11 =	vld.idx.msk [tilespmem:v11+s3+$0x0], $0xffff;
	[tilespmem:s9+$0x1A880] =	vst v9  }
0x5ae: {  	v9 =	vadd.s32 $0xD, v4;
	v8 =	vld.idx.msk [tilespmem:v8+s3+$0x0], $0xffff;
	[tilespmem:s10+$0x1A880] =	vst v13  }
0x5af: {  	[tilespmem:s30+$0x1AA80] =	vst v2;
	v2 =	vadd.s32 $0xD, v5;
	v13 =	vld.idx.msk [tilespmem:v14+s3+$0x0], $0xffff  }
0x5b0: {  	[tilespmem:s31+$0x1A900] =	vst v16;
	v14 =	vld.idx.msk [tilespmem:v15+s3+$0x0], $0xffff;
	v15 =	vadd.s32 $0xD, v6  }
0x5b1: {  	v16 =	vadd.s32 $0xE, v0;
	v10 =	vld.idx.msk [tilespmem:v10+s3+$0x0], $0xffff;
	[tilespmem:s0+$0x1A900] =	vst v7  }
0x5b2: {  	v7 =	vadd.s32 $0xE, v1;
	v12 =	vld.idx.msk [tilespmem:v12+s3+$0x0], $0xffff;
	[tilespmem:s18+$0x1A900] =	vst v11  }
0x5b3: {  	v11 =	vadd.s32 $0xE, v3;
	v9 =	vld.idx.msk [tilespmem:v9+s3+$0x0], $0xffff;
	[tilespmem:s9+$0x1A900] =	vst v8  }
0x5b4: {  	v8 =	vadd.s32 $0xE, v4;
	v2 =	vld.idx.msk [tilespmem:v2+s3+$0x0], $0xffff;
	[tilespmem:s10+$0x1A900] =	vst v13  }
0x5b5: {  	[tilespmem:s29+$0x1A980] =	vst v14;
	v13 =	vadd.s32 $0xE, v5;
	v14 =	vld.idx.msk [tilespmem:v15+s3+$0x0], $0xffff  }
0x5b6: {  	[tilespmem:s31+$0x1A980] =	vst v10;
	v10 =	vadd.s32 $0xE, v6;
	v15 =	vld.idx.msk [tilespmem:v16+s3+$0x0], $0xffff  }
0x5b7: {  	v0 =	vadd.s32 $0xF, v0;
	v7 =	vld.idx.msk [tilespmem:v7+s3+$0x0], $0xffff;
	[tilespmem:s0+$0x1A980] =	vst v12  }
0x5b8: {  	v1 =	vadd.s32 $0xF, v1;
	v11 =	vld.idx.msk [tilespmem:v11+s3+$0x0], $0xffff;
	[tilespmem:s18+$0x1A980] =	vst v9  }
0x5b9: {  	v3 =	vadd.s32 $0xF, v3;
	v8 =	vld.idx.msk [tilespmem:v8+s3+$0x0], $0xffff;
	[tilespmem:s9+$0x1A980] =	vst v2  }
0x5ba: {  	v2 =	vadd.s32 $0xF, v4;
	v4 =	vld.idx.msk [tilespmem:v13+s3+$0x0], $0xffff;
	[tilespmem:s10+$0x1A980] =	vst v14  }
0x5bb: {  	v5 =	vadd.s32 $0xF, v5;
	[tilespmem:s29+$0x1AA00] =	vst v15;
	v9 =	vld.idx.msk [tilespmem:v10+s3+$0x0], $0xffff  }
0x5bc: {  	v6 =	vadd.s32 $0xF, v6;
	[tilespmem:s31+$0x1AA00] =	vst v7;
	v0 =	vld.idx.msk [tilespmem:v0+s3+$0x0], $0xffff  }
0x5bd: {  	v1 =	vld.idx.msk [tilespmem:v1+s3+$0x0], $0xffff;
	[tilespmem:s0+$0x1AA00] =	vst v11  }
0x5be: {  	v3 =	vld.idx.msk [tilespmem:v3+s3+$0x0], $0xffff;
	[tilespmem:s18+$0x1AA00] =	vst v8  }
0x5bf: {  	v2 =	vld.idx.msk [tilespmem:v2+s3+$0x0], $0xffff;
	[tilespmem:s9+$0x1AA00] =	vst v4  }
0x5c0: {  	v4 =	vld.idx.msk [tilespmem:v5+s3+$0x0], $0xffff;
	[tilespmem:s10+$0x1AA00] =	vst v9  }
0x5c1: {  	[tilespmem:s29+$0x1AA80] =	vst v0;
	v0 =	vld.idx.msk [tilespmem:v6+s3+$0x0], $0xffff  }
0x5c2: {  	[tilespmem:s31+$0x1AA80] =	vst v1  }
0x5c3: {  	[tilespmem:s0+$0x1AA80] =	vst v3  }
0x5c4: {  	[tilespmem:s18+$0x1AA80] =	vst v2  }
0x5c5: {  	s7 =	simm.s32 $0x1000;
	[tilespmem:s9+$0x1AA80] =	vst v4  }
0x5c6: {  	s8 =	simm.s32 $0x20000;
	s4 =	simm.s32 $0x0;
	s9 =	simm.s32 $0x19700;
	[tilespmem:s10+$0x1AA80] =	vst v0  }
0x5c7: {  	[hbm4b:s6+s7] =	stream.strided.scatter [tilespmem:s9], [sflag:$0x2], $0x2000, s8, s7, $0x38;
	[tilespmem:$0x1D700] =	vst v63  }
0x5c8: {  	s10 =	sand.u32 $0xC00, s4;
	_ =	swait.ge [sflag:s23], $0x2000  }
0x5c9: {  	s11 =	sand.u32 $0x70, s4;
	s12 =	sadd.s32 s10, s26;
	[sflag:s23] =	ssyncset.done $0x0  }
0x5ca: {  	s0 =	sadd.s32 s11, s12;
	[sflag:s23] =	ssyncadd.s32 $0xFFFFE000  }
0x5cb: {  	v0 =	vld [tilespmem:s0+$0x380];
	_ =	sdelay $0x4  }
0x5cc: {  	v6 =	vmul.u32 $0x11, v0;
	_ =	sdelay $0x5  }
0x5cd: {  	s0 =	simm.s32 $0x80;
	v0 =	vld.idx.msk [tilespmem:v6+s3+$0x0], $0xffff  }
0x5ce: {  	s2 =	simm.s32 $0x10;
	s13 =	sand.u32 $0xC00, s0;
	v1 =	vadd.s32 $0x1, v6  }
0x5cf: {  	s14 =	sand.u32 $0x70, s2;
	s15 =	sadd.s32 s13, s26  }
0x5d0: {  	s7 =	sadd.s32 s14, s15  }
0x5d1: {  	s1 =	sor.u32 s11, s10;
	v2 =	vld [tilespmem:s7+$0x380]  }
0x5d2: {  	[tilespmem:s1+$0x1B700] =	vst v0  }
0x5d3: {  	v0 =	vld.idx.msk [tilespmem:v1+s3+$0x0], $0xffff  }
0x5d4: {  	v1 =	vadd.s32 $0x2, v6;
	_ =	sdelay $0x1  }
0x5d5: {  	v3 =	vmul.u32 $0x11, v2  }
0x5d6: {  	s5 =	sadd.s32 $0x1B700, s1  }
0x5d7: {  	[tilespmem:s5+$0x80] =	vst v0  }
0x5d8: {  	v0 =	vld.idx.msk [tilespmem:v1+s3+$0x0], $0xffff  }
0x5d9: {  	s7 =	simm.s32 $0x100;
	v1 =	vadd.s32 $0x3, v6  }
0x5da: {  	s8 =	simm.s32 $0x20;
	s16 =	sand.u32 $0xC00, s7  }
0x5db: {  	s17 =	sand.u32 $0x70, s8;
	s18 =	sadd.s32 s16, s26;
	v2 =	vld.idx.msk [tilespmem:v3+s3+$0x0], $0xffff  }
0x5dc: {  	s12 =	sadd.s32 s17, s18;
	v4 =	vadd.s32 $0x1, v3  }
0x5dd: {  	v5 =	vld [tilespmem:s12+$0x380];
	[tilespmem:s5+$0x100] =	vst v0  }
0x5de: {  	v0 =	vld.idx.msk [tilespmem:v1+s3+$0x0], $0xffff  }
0x5df: {  	s31 =	sor.u32 s14, s13;
	v1 =	vadd.s32 $0x4, v6  }
0x5e0: {  	[tilespmem:s31+$0x1B700] =	vst v2  }
0x5e1: {  	v2 =	vld.idx.msk [tilespmem:v4+s3+$0x0], $0xffff  }
0x5e2: {  	v4 =	vadd.s32 $0x2, v3  }
0x5e3: {  	[tilespmem:s5+$0x180] =	vst v0;
	v0 =	vmul.u32 $0x11, v5  }
0x5e4: {  	v1 =	vld.idx.msk [tilespmem:v1+s3+$0x0], $0xffff  }
0x5e5: {  	s9 =	sadd.s32 $0x1B700, s31;
	v5 =	vadd.s32 $0x5, v6  }
0x5e6: {  	[tilespmem:s9+$0x80] =	vst v2  }
0x5e7: {  	v2 =	vld.idx.msk [tilespmem:v4+s3+$0x0], $0xffff  }
0x5e8: {  	s6 =	simm.s32 $0x180;
	v4 =	vadd.s32 $0x3, v3  }
0x5e9: {  	s19 =	sand.u32 $0xC00, s6;
	s12 =	simm.s32 $0x30;
	v7 =	vld.idx.msk [tilespmem:v0+s3+$0x0], $0xffff;
	[tilespmem:s5+$0x200] =	vst v1  }
0x5ea: {  	s21 =	sadd.s32 s19, s26;
	s20 =	sand.u32 $0x70, s12;
	v1 =	vld.idx.msk [tilespmem:v5+s3+$0x0], $0xffff;
	v5 =	vadd.s32 $0x1, v0  }
0x5eb: {  	v8 =	vadd.s32 $0x6, v6;
	s14 =	sadd.s32 s20, s21  }
0x5ec: {  	v9 =	vld [tilespmem:s14+$0x380];
	[tilespmem:s9+$0x100] =	vst v2  }
0x5ed: {  	s29 =	sor.u32 s17, s16;
	v2 =	vld.idx.msk [tilespmem:v4+s3+$0x0], $0xffff  }
0x5ee: {  	v4 =	vadd.s32 $0x4, v3;
	[tilespmem:s29+$0x1B700] =	vst v7  }
0x5ef: {  	v5 =	vld.idx.msk [tilespmem:v5+s3+$0x0], $0xffff;
	[tilespmem:s5+$0x280] =	vst v1  }
0x5f0: {  	v7 =	vld.idx.msk [tilespmem:v8+s3+$0x0], $0xffff;
	v8 =	vadd.s32 $0x2, v0  }
0x5f1: {  	v10 =	vadd.s32 $0x7, v6  }
0x5f2: {  	[tilespmem:s9+$0x180] =	vst v2;
	v1 =	vmul.u32 $0x11, v9  }
0x5f3: {  	s11 =	sadd.s32 $0x1B700, s29;
	v2 =	vld.idx.msk [tilespmem:v4+s3+$0x0], $0xffff  }
0x5f4: {  	v4 =	vadd.s32 $0x5, v3;
	[tilespmem:s11+$0x80] =	vst v5  }
0x5f5: {  	v5 =	vld.idx.msk [tilespmem:v8+s3+$0x0], $0xffff;
	[tilespmem:s5+$0x300] =	vst v7  }
0x5f6: {  	s5 =	simm.s32 $0x200;
	v8 =	vadd.s32 $0x3, v0;
	v7 =	vld.idx.msk [tilespmem:v10+s3+$0x0], $0xffff  }
0x5f7: {  	s14 =	simm.s32 $0x40;
	v9 =	vadd.s32 $0x8, v6;
	s22 =	sand.u32 $0xC00, s5  }
0x5f8: {  	s17 =	sand.u32 $0x70, s14;
	[tilespmem:s9+$0x200] =	vst v2;
	v10 =	vld.idx.msk [tilespmem:v1+s3+$0x0], $0xffff;
	s24 =	sadd.s32 s22, s26  }
0x5f9: {  	s4 =	sor.u32 s4, s4;
	v2 =	vld.idx.msk [tilespmem:v4+s3+$0x0], $0xffff;
	v4 =	vadd.s32 $0x1, v1;
	s16 =	sadd.s32 s17, s24  }
0x5fa: {  	s4 =	sor.u32 $0x380, s4;
	v11 =	vld [tilespmem:s16+$0x380];
	[tilespmem:s11+$0x100] =	vst v5;
	v5 =	vadd.s32 $0x6, v3  }
0x5fb: {  	v8 =	vld.idx.msk [tilespmem:v8+s3+$0x0], $0xffff;
	[tilespmem:s4+$0x1B700] =	vst v7  }
0x5fc: {  	s30 =	sor.u32 s20, s19;
	v7 =	vld.idx.msk [tilespmem:v9+s3+$0x0], $0xffff;
	v9 =	vadd.s32 $0x4, v0  }
0x5fd: {  	[tilespmem:s30+$0x1B700] =	vst v10;
	v10 =	vadd.s32 $0x9, v6  }
0x5fe: {  	[tilespmem:s9+$0x280] =	vst v2;
	v4 =	vld.idx.msk [tilespmem:v4+s3+$0x0], $0xffff  }
0x5ff: {  	v12 =	vadd.s32 $0x2, v1;
	v5 =	vld.idx.msk [tilespmem:v5+s3+$0x0], $0xffff  }
0x600: {  	v2 =	vmul.u32 $0x11, v11;
	[tilespmem:s11+$0x180] =	vst v8;
	v8 =	vadd.s32 $0x7, v3  }
0x601: {  	v9 =	vld.idx.msk [tilespmem:v9+s3+$0x0], $0xffff;
	[tilespmem:s1+$0x1C700] =	vst v7  }
0x602: {  	s21 =	sadd.s32 $0x1B700, s30;
	v7 =	vld.idx.msk [tilespmem:v10+s3+$0x0], $0xffff;
	v10 =	vadd.s32 $0x5, v0  }
0x603: {  	[tilespmem:s21+$0x80] =	vst v4;
	v4 =	vadd.s32 $0xA, v6  }
0x604: {  	v11 =	vld.idx.msk [tilespmem:v12+s3+$0x0], $0xffff;
	[tilespmem:s9+$0x300] =	vst v5  }
0x605: {  	s15 =	simm.s32 $0x280;
	v5 =	vld.idx.msk [tilespmem:v8+s3+$0x0], $0xffff;
	v8 =	vadd.s32 $0x3, v1  }
0x606: {  	s19 =	simm.s32 $0x50;
	s16 =	sand.u32 $0xC00, s15;
	v12 =	vld.idx.msk [tilespmem:v2+s3+$0x0], $0xffff;
	[tilespmem:s11+$0x200] =	vst v9;
	v9 =	vadd.s32 $0x8, v3  }
0x607: {  	s18 =	sand.u32 $0x70, s19;
	s20 =	sadd.s32 s16, s26;
	v10 =	vld.idx.msk [tilespmem:v10+s3+$0x0], $0xffff;
	[tilespmem:s1+$0x1C780] =	vst v7;
	v7 =	vadd.s32 $0x1, v2  }
0x608: {  	s0 =	sor.u32 s0, s2;
	v13 =	vadd.s32 $0x6, v0;
	s4 =	sadd.s32 s18, s20;
	v4 =	vld.idx.msk [tilespmem:v4+s3+$0x0], $0xffff  }
0x609: {  	s0 =	sor.u32 $0x380, s0;
	v14 =	vld [tilespmem:s4+$0x380];
	[tilespmem:s21+$0x100] =	vst v11;
	v11 =	vadd.s32 $0xB, v6  }
0x60a: {  	v8 =	vld.idx.msk [tilespmem:v8+s3+$0x0], $0xffff;
	[tilespmem:s0+$0x1B700] =	vst v5;
	s0 =	sor.u32 s17, s22  }
0x60b: {  	s24 =	simm.s32 $0x300;
	v5 =	vld.idx.msk [tilespmem:v9+s3+$0x0], $0xffff;
	[tilespmem:s0+$0x1B700] =	vst v12;
	v9 =	vadd.s32 $0x4, v1  }
0x60c: {  	s2 =	simm.s32 $0x60;
	s9 =	sand.u32 $0xC00, s24;
	v7 =	vld.idx.msk [tilespmem:v7+s3+$0x0], $0xffff;
	[tilespmem:s11+$0x280] =	vst v10;
	v10 =	vadd.s32 $0x9, v3  }
0x60d: {  	s10 =	sand.u32 $0x70, s2;
	s22 =	sadd.s32 s9, s26;
	v12 =	vld.idx.msk [tilespmem:v13+s3+$0x0], $0xffff;
	[tilespmem:s1+$0x1C800] =	vst v4;
	v13 =	vadd.s32 $0x2, v2  }
0x60e: {  	v15 =	vadd.s32 $0x7, v0;
	s4 =	sadd.s32 s10, s22;
	v11 =	vld.idx.msk [tilespmem:v11+s3+$0x0], $0xffff  }
0x60f: {  	v16 =	vld [tilespmem:s4+$0x380];
	v4 =	vmul.u32 $0x11, v14;
	[tilespmem:s21+$0x180] =	vst v8;
	v8 =	vadd.s32 $0xC, v6  }
0x610: {  	s4 =	sadd.s32 $0x1B700, s0;
	v9 =	vld.idx.msk [tilespmem:v9+s3+$0x0], $0xffff;
	[tilespmem:s31+$0x1C700] =	vst v5  }
0x611: {  	v5 =	vld.idx.msk [tilespmem:v10+s3+$0x0], $0xffff;
	[tilespmem:s4+$0x80] =	vst v7;
	v7 =	vadd.s32 $0x5, v1  }
0x612: {  	v10 =	vld.idx.msk [tilespmem:v13+s3+$0x0], $0xffff;
	[tilespmem:s11+$0x300] =	vst v12;
	v12 =	vadd.s32 $0xA, v3  }
0x613: {  	v13 =	vld.idx.msk [tilespmem:v15+s3+$0x0], $0xffff;
	[tilespmem:s1+$0x1C880] =	vst v11;
	v11 =	vadd.s32 $0x3, v2  }
0x614: {  	v14 =	vadd.s32 $0x8, v0;
	v8 =	vld.idx.msk [tilespmem:v8+s3+$0x0], $0xffff  }
0x615: {  	v15 =	vld.idx.msk [tilespmem:v4+s3+$0x0], $0xffff;
	[tilespmem:s21+$0x200] =	vst v9;
	v9 =	vadd.s32 $0xD, v6  }
0x616: {  	s7 =	sor.u32 s7, s8;
	v7 =	vld.idx.msk [tilespmem:v7+s3+$0x0], $0xffff;
	[tilespmem:s31+$0x1C780] =	vst v5;
	v5 =	vadd.s32 $0x1, v4  }
0x617: {  	s7 =	sor.u32 $0x380, s7;
	v12 =	vld.idx.msk [tilespmem:v12+s3+$0x0], $0xffff;
	[tilespmem:s4+$0x100] =	vst v10;
	v10 =	vadd.s32 $0x6, v1  }
0x618: {  	v11 =	vld.idx.msk [tilespmem:v11+s3+$0x0], $0xffff;
	[tilespmem:s7+$0x1B700] =	vst v13  }
0x619: {  	s18 =	sor.u32 s18, s16;
	v13 =	vadd.s32 $0xB, v3;
	s7 =	simm.s32 $0x380;
	v14 =	vld.idx.msk [tilespmem:v14+s3+$0x0], $0xffff;
	[tilespmem:s1+$0x1C900] =	vst v8  }
0x61a: {  	s8 =	simm.s32 $0x70;
	[tilespmem:s18+$0x1B700] =	vst v15;
	v8 =	vadd.s32 $0x4, v2;
	s13 =	sand.u32 $0xC00, s7;
	v15 =	vld.idx.msk [tilespmem:v9+s3+$0x0], $0xffff  }
0x61b: {  	s20 =	sand.u32 $0x70, s8;
	s17 =	sadd.s32 s13, s26;
	v17 =	vld.idx.msk [tilespmem:v5+s3+$0x0], $0xffff;
	[tilespmem:s21+$0x280] =	vst v7;
	v7 =	vadd.s32 $0x9, v0  }
0x61c: {  	s11 =	sadd.s32 s20, s17;
	v10 =	vld.idx.msk [tilespmem:v10+s3+$0x0], $0xffff;
	[tilespmem:s31+$0x1C800] =	vst v12;
	v12 =	vadd.s32 $0xE, v6  }
0x61d: {  	v18 =	vadd.s32 $0x2, v4;
	v5 =	vmul.u32 $0x11, v16;
	v9 =	vld [tilespmem:s11+$0x380]  }
0x61e: {  	v13 =	vld.idx.msk [tilespmem:v13+s3+$0x0], $0xffff;
	[tilespmem:s4+$0x180] =	vst v11  }
0x61f: {  	v11 =	vadd.s32 $0x7, v1;
	v8 =	vld.idx.msk [tilespmem:v8+s3+$0x0], $0xffff;
	[tilespmem:s29+$0x1C700] =	vst v14  }
0x620: {  	s11 =	sadd.s32 $0x1B700, s18;
	v14 =	vadd.s32 $0xC, v3;
	[tilespmem:s1+$0x1C980] =	vst v15;
	v7 =	vld.idx.msk [tilespmem:v7+s3+$0x0], $0xffff  }
0x621: {  	v15 =	vadd.s32 $0x5, v2;
	[tilespmem:s11+$0x80] =	vst v17;
	v19 =	vld.idx.msk [tilespmem:v12+s3+$0x0], $0xffff  }
0x622: {  	[tilespmem:s21+$0x300] =	vst v10;
	v20 =	vld.idx.msk [tilespmem:v18+s3+$0x0], $0xffff;
	v18 =	vadd.s32 $0xA, v0  }
0x623: {  	v6 =	vadd.s32 $0xF, v6;
	v17 =	vld.idx.msk [tilespmem:v5+s3+$0x0], $0xffff;
	[tilespmem:s31+$0x1C880] =	vst v13  }
0x624: {  	v16 =	vadd.s32 $0x3, v4;
	v10 =	vld.idx.msk [tilespmem:v11+s3+$0x0], $0xffff;
	[tilespmem:s4+$0x200] =	vst v8  }
0x625: {  	v12 =	vld.idx.msk [tilespmem:v14+s3+$0x0], $0xffff;
	v8 =	vadd.s32 $0x8, v1;
	[tilespmem:s29+$0x1C780] =	vst v7  }
0x626: {  	v14 =	vadd.s32 $0xD, v3;
	v13 =	vld.idx.msk [tilespmem:v15+s3+$0x0], $0xffff;
	[tilespmem:s1+$0x1CA00] =	vst v19  }
0x627: {  	s21 =	sor.u32 s6, s12;
	v7 =	vld.idx.msk [tilespmem:v18+s3+$0x0], $0xffff;
	v18 =	vadd.s32 $0x1, v5;
	s22 =	rddreg [dreg:$0xd]  }
0x628: {  	s12 =	simm.s32 $0x80;
	s16 =	sor.u32 $0x380, s21;
	v15 =	vadd.s32 $0x6, v2;
	[tilespmem:s11+$0x100] =	vst v20;
	v11 =	vld.idx.msk [tilespmem:v6+s3+$0x0], $0xffff;
	s6 =	sadd.s32 s28, s22  }
.LBB2_17:
0x629: {  	p0 =	sne.s32 s12, $0x1F0;
	v6 =	vld.idx.msk [tilespmem:v16+s3+$0x0], $0xffff;
	[tilespmem:s16+$0x1B700] =	vst v10;
	v10 =	vadd.s32 $0xB, v0;
	s21 =	smov.u32 s7;
	s16 =	smov.u32 s14  }
0x62a: {  	s17 =	sor.u32 s10, s9;
	s9 =	smov.u32 s13;
	s10 =	smov.u32 s20;
	v8 =	vld.idx.msk [tilespmem:v8+s3+$0x0], $0xffff;
	[tilespmem:s31+$0x1C900] =	vst v12  }
0x62b: {  	s7 =	sadd.s32 $0x80, s7;
	s14 =	smov.u32 s19;
	s19 =	smov.u32 s2;
	v12 =	vadd.s32 $0x4, v4;
	[tilespmem:s17+$0x1B700] =	vst v17;
	v14 =	vld.idx.msk [tilespmem:v14+s3+$0x0], $0xffff  }
0x62c: {  	s2 =	smov.u32 s8;
	s8 =	smov.u32 s12;
	s13 =	sand.u32 $0xC00, s7;
	v16 =	vld.idx.msk [tilespmem:v18+s3+$0x0], $0xffff;
	[tilespmem:s4+$0x280] =	vst v13;
	v13 =	vadd.s32 $0x9, v1  }
0x62d: {  	s20 =	sand.u32 $0x70, s12;
	s22 =	sadd.s32 s13, s26;
	v15 =	vld.idx.msk [tilespmem:v15+s3+$0x0], $0xffff;
	[tilespmem:s29+$0x1C800] =	vst v7;
	v7 =	vadd.s32 $0xE, v3  }
0x62e: {  	v17 =	vadd.s32 $0x2, v5;
	s22 =	sadd.s32 s20, s22;
	v18 =	vld.idx.msk [tilespmem:v10+s3+$0x0], $0xffff;
	[tilespmem:s1+$0x1CA80] =	vst v11;
	s1 =	smov.u32 s31;
	s31 =	smov.u32 s29  }
0x62f: {  	s29 =	smov.u32 s30;
	s30 =	smov.u32 s0;
	s0 =	smov.u32 s18;
	v11 =	vld [tilespmem:s22+$0x380];
	[tilespmem:s11+$0x180] =	vst v6;
	v6 =	vadd.s32 $0x7, v2  }
0x630: {  	v19 =	vmul.u32 $0x11, v9;
	s18 =	smov.u32 s17;
	v20 =	vld.idx.msk [tilespmem:v12+s3+$0x0], $0xffff;
	[tilespmem:s29+$0x1C700] =	vst v8;
	v8 =	vadd.s32 $0xC, v0  }
0x631: {  	s17 =	sadd.s32 $0x1B700, s18;
	v21 =	vld.idx.msk [tilespmem:v13+s3+$0x0], $0xffff;
	[tilespmem:s1+$0x1C980] =	vst v14  }
0x632: {  	v13 =	vadd.s32 $0x5, v4;
	[tilespmem:s17+$0x80] =	vst v16;
	v22 =	vld.idx.msk [tilespmem:v7+s3+$0x0], $0xffff  }
0x633: {  	v7 =	vadd.s32 $0xA, v1;
	v23 =	vld.idx.msk [tilespmem:v17+s3+$0x0], $0xffff;
	[tilespmem:s4+$0x300] =	vst v15;
	s4 =	smov.u32 s11;
	s11 =	smov.u32 s17  }
0x634: {  	v10 =	vld.idx.msk [tilespmem:v6+s3+$0x0], $0xffff;
	[tilespmem:s31+$0x1C880] =	vst v18;
	v6 =	vadd.s32 $0xF, v3;
	v9 =	vmovc v11;
	v3 =	vmovc v0;
	v0 =	vmov v1;
	v1 =	vmov v2  }
.Ltmp7:
0x635: {  	v16 =	vadd.s32 $0x3, v5;
	v2 =	vmovc v4;
	v4 =	vmov v5;
	v5 =	vmov v19;
	v12 =	vld.idx.msk [tilespmem:v8+s3+$0x0], $0xffff;
	(pc) =	sbr.rel @p0 .LBB2_17-.Ltmp7, $4  }
0x636: {  	v8 =	vadd.s32 $0x8, v1;
	v17 =	vld.idx.msk [tilespmem:v19+s3+$0x0], $0xffff;
	[tilespmem:s4+$0x200] =	vst v20  }
0x637: {  	v14 =	vadd.s32 $0xD, v3;
	v13 =	vld.idx.msk [tilespmem:v13+s3+$0x0], $0xffff;
	[tilespmem:s29+$0x1C780] =	vst v21  }
0x638: {  	s16 =	sor.u32 s5, s16;
	s5 =	smov.u32 s15;
	s15 =	smov.u32 s24;
	v18 =	vadd.s32 $0x1, v5;
	v7 =	vld.idx.msk [tilespmem:v7+s3+$0x0], $0xffff;
	[tilespmem:s1+$0x1CA00] =	vst v22  }
0x639: {  	s12 =	sadd.s32 $0x10, s12;
	s24 =	smov.u32 s21;
	s16 =	sor.u32 $0x380, s16;
	v15 =	vadd.s32 $0x6, v2;
	[tilespmem:s11+$0x100] =	vst v23;
	v11 =	vld.idx.msk [tilespmem:v6+s3+$0x0], $0xffff  }
0x63a: {  	v6 =	vmul.u32 $0x11, v9;
	_ =	sdelay $0x5  }
0x63b: {  	v9 =	vld.idx.msk [tilespmem:v6+s3+$0x0], $0xffff  }
0x63c: {  	v19 =	vadd.s32 $0x1, v6;
	_ =	sdelay $0x1  }
0x63d: {  	s9 =	sor.u32 s10, s9  }
0x63e: {  	s21 =	sor.u32 s20, s13;
	[tilespmem:s9+$0x1B700] =	vst v17  }
0x63f: {  	v17 =	vld.idx.msk [tilespmem:v18+s3+$0x0], $0xffff;
	[tilespmem:s21+$0x1B700] =	vst v9  }
0x640: {  	v32 =	vadd.s32 $0x2, v5;
	v33 =	vld.idx.msk [tilespmem:v19+s3+$0x0], $0xffff  }
0x641: {  	v34 =	vadd.s32 $0x2, v6;
	_ =	sdelay $0x1  }
0x642: {  	s12 =	sadd.s32 $0x1B700, s9  }
0x643: {  	s13 =	sadd.s32 $0x1B700, s21;
	[tilespmem:s12+$0x80] =	vst v17  }
0x644: {  	v9 =	vld.idx.msk [tilespmem:v32+s3+$0x0], $0xffff;
	[tilespmem:s13+$0x80] =	vst v33  }
0x645: {  	v35 =	vadd.s32 $0x3, v5;
	v18 =	vld.idx.msk [tilespmem:v34+s3+$0x0], $0xffff  }
0x646: {  	v36 =	vadd.s32 $0x3, v6;
	_ =	sdelay $0x2  }
0x647: {  	v16 =	vld.idx.msk [tilespmem:v16+s3+$0x0], $0xffff;
	[tilespmem:s12+$0x100] =	vst v9  }
0x648: {  	v37 =	vadd.s32 $0x4, v4;
	v17 =	vld.idx.msk [tilespmem:v35+s3+$0x0], $0xffff;
	[tilespmem:s13+$0x100] =	vst v18  }
0x649: {  	v38 =	vadd.s32 $0x4, v5;
	v19 =	vld.idx.msk [tilespmem:v36+s3+$0x0], $0xffff  }
0x64a: {  	v20 =	vadd.s32 $0x4, v6;
	_ =	sdelay $0x1  }
0x64b: {  	[tilespmem:s11+$0x180] =	vst v16  }
0x64c: {  	v9 =	vld.idx.msk [tilespmem:v37+s3+$0x0], $0xffff;
	[tilespmem:s12+$0x180] =	vst v17  }
0x64d: {  	v39 =	vadd.s32 $0x5, v4;
	v17 =	vld.idx.msk [tilespmem:v38+s3+$0x0], $0xffff;
	[tilespmem:s13+$0x180] =	vst v19  }
0x64e: {  	v40 =	vadd.s32 $0x5, v5;
	v19 =	vld.idx.msk [tilespmem:v20+s3+$0x0], $0xffff  }
0x64f: {  	v41 =	vadd.s32 $0x5, v6;
	_ =	sdelay $0x1  }
0x650: {  	[tilespmem:s11+$0x200] =	vst v9  }
0x651: {  	v9 =	vld.idx.msk [tilespmem:v39+s3+$0x0], $0xffff;
	[tilespmem:s12+$0x200] =	vst v17  }
0x652: {  	v42 =	vadd.s32 $0x6, v4;
	v17 =	vld.idx.msk [tilespmem:v40+s3+$0x0], $0xffff;
	[tilespmem:s13+$0x200] =	vst v19  }
0x653: {  	v43 =	vadd.s32 $0x6, v5;
	v19 =	vld.idx.msk [tilespmem:v41+s3+$0x0], $0xffff  }
0x654: {  	v44 =	vadd.s32 $0x6, v6  }
0x655: {  	[tilespmem:s4+$0x280] =	vst v13  }
0x656: {  	v45 =	vld.idx.msk [tilespmem:v15+s3+$0x0], $0xffff;
	[tilespmem:s11+$0x280] =	vst v9  }
0x657: {  	v46 =	vadd.s32 $0x7, v2;
	v47 =	vld.idx.msk [tilespmem:v42+s3+$0x0], $0xffff;
	[tilespmem:s12+$0x280] =	vst v17  }
0x658: {  	v48 =	vadd.s32 $0x7, v4;
	v17 =	vld.idx.msk [tilespmem:v43+s3+$0x0], $0xffff;
	[tilespmem:s13+$0x280] =	vst v19  }
0x659: {  	[tilespmem:s31+$0x1C900] =	vst v12;
	v49 =	vadd.s32 $0x7, v5;
	v50 =	vld.idx.msk [tilespmem:v44+s3+$0x0], $0xffff  }
0x65a: {  	[tilespmem:s16+$0x1B700] =	vst v10;
	v52 =	vadd.s32 $0x7, v6  }
0x65b: {  	v51 =	vld.idx.msk [tilespmem:v14+s3+$0x0], $0xffff;
	[tilespmem:s4+$0x300] =	vst v45  }
0x65c: {  	v53 =	vadd.s32 $0xE, v3;
	v13 =	vld.idx.msk [tilespmem:v46+s3+$0x0], $0xffff;
	[tilespmem:s11+$0x300] =	vst v47  }
0x65d: {  	v54 =	vadd.s32 $0x8, v2;
	v16 =	vld.idx.msk [tilespmem:v48+s3+$0x0], $0xffff;
	[tilespmem:s12+$0x300] =	vst v17  }
0x65e: {  	v55 =	vadd.s32 $0x8, v4;
	v12 =	vld.idx.msk [tilespmem:v49+s3+$0x0], $0xffff;
	[tilespmem:s13+$0x300] =	vst v50  }
0x65f: {  	s22 =	sor.u32 s5, s14;
	v56 =	vadd.s32 $0x8, v5;
	[tilespmem:s1+$0x1CA80] =	vst v11;
	v14 =	vld.idx.msk [tilespmem:v52+s3+$0x0], $0xffff  }
0x660: {  	s26 =	sor.u32 s15, s19;
	v8 =	vld.idx.msk [tilespmem:v8+s3+$0x0], $0xffff;
	v57 =	vadd.s32 $0x8, v6;
	[tilespmem:s31+$0x1C980] =	vst v51;
	s4 =	sor.u32 $0x380, s22  }
0x661: {  	s2 =	sor.u32 s24, s2;
	v59 =	vadd.s32 $0x9, v1;
	s1 =	sor.u32 $0x380, s26;
	[tilespmem:s4+$0x1B700] =	vst v13;
	v9 =	vld.idx.msk [tilespmem:v53+s3+$0x0], $0xffff  }
0x662: {  	v58 =	vadd.s32 $0xF, v3;
	s28 =	sor.u32 s7, s8;
	s2 =	sor.u32 $0x380, s2;
	v15 =	vld.idx.msk [tilespmem:v54+s3+$0x0], $0xffff;
	[tilespmem:s1+$0x1B700] =	vst v16  }
0x663: {  	v60 =	vadd.s32 $0x9, v2;
	s1 =	sor.u32 $0x380, s28;
	v16 =	vld.idx.msk [tilespmem:v55+s3+$0x0], $0xffff;
	[tilespmem:s2+$0x1B700] =	vst v12  }
0x664: {  	v61 =	vadd.s32 $0x9, v4;
	v10 =	vld.idx.msk [tilespmem:v56+s3+$0x0], $0xffff;
	[tilespmem:s1+$0x1B700] =	vst v14  }
0x665: {  	v62 =	vadd.s32 $0x9, v5;
	[tilespmem:s30+$0x1C700] =	vst v8;
	v11 =	vld.idx.msk [tilespmem:v57+s3+$0x0], $0xffff  }
0x666: {  	v63 =	vadd.s32 $0x9, v6;
	v13 =	vld.idx.msk [tilespmem:v59+s3+$0x0], $0xffff;
	[tilespmem:s31+$0x1CA00] =	vst v9  }
0x667: {  	[tilespmem:s0+$0x1C700] =	vst v15;
	v3 =	vld.idx.msk [tilespmem:v58+s3+$0x0], $0xffff  }
0x668: {  	v20 =	vadd.s32 $0xA, v1;
	[tilespmem:s18+$0x1C700] =	vst v16;
	v12 =	vld.idx.msk [tilespmem:v60+s3+$0x0], $0xffff  }
0x669: {  	v21 =	vadd.s32 $0xA, v2;
	[tilespmem:s9+$0x1C700] =	vst v10;
	v14 =	vld.idx.msk [tilespmem:v61+s3+$0x0], $0xffff  }
0x66a: {  	v22 =	vadd.s32 $0xA, v4;
	v9 =	vld.idx.msk [tilespmem:v62+s3+$0x0], $0xffff;
	[tilespmem:s21+$0x1C700] =	vst v11  }
0x66b: {  	v23 =	vadd.s32 $0xA, v5;
	[tilespmem:s30+$0x1C780] =	vst v13;
	v8 =	vld.idx.msk [tilespmem:v63+s3+$0x0], $0xffff  }
0x66c: {  	v24 =	vadd.s32 $0xA, v6;
	[tilespmem:s31+$0x1CA80] =	vst v3  }
0x66d: {  	v25 =	vadd.s32 $0xB, v0;
	v15 =	vld.idx.msk [tilespmem:v20+s3+$0x0], $0xffff;
	[tilespmem:s0+$0x1C780] =	vst v12  }
0x66e: {  	v26 =	vadd.s32 $0xB, v1;
	v16 =	vld.idx.msk [tilespmem:v21+s3+$0x0], $0xffff;
	[tilespmem:s18+$0x1C780] =	vst v14  }
0x66f: {  	v27 =	vadd.s32 $0xB, v2;
	[tilespmem:s9+$0x1C780] =	vst v9;
	v10 =	vld.idx.msk [tilespmem:v22+s3+$0x0], $0xffff  }
0x670: {  	v28 =	vadd.s32 $0xB, v4;
	v3 =	vld.idx.msk [tilespmem:v23+s3+$0x0], $0xffff;
	[tilespmem:s21+$0x1C780] =	vst v8  }
0x671: {  	v29 =	vadd.s32 $0xB, v5;
	[tilespmem:s29+$0x1C800] =	vst v7;
	v8 =	vld.idx.msk [tilespmem:v24+s3+$0x0], $0xffff  }
0x672: {  	v31 =	vadd.s32 $0xB, v6;
	v30 =	vld.idx.msk [tilespmem:v25+s3+$0x0], $0xffff;
	[tilespmem:s30+$0x1C800] =	vst v15  }
0x673: {  	v32 =	vadd.s32 $0xC, v0;
	v12 =	vld.idx.msk [tilespmem:v26+s3+$0x0], $0xffff;
	[tilespmem:s0+$0x1C800] =	vst v16  }
0x674: {  	v33 =	vadd.s32 $0xC, v1;
	v14 =	vld.idx.msk [tilespmem:v27+s3+$0x0], $0xffff;
	[tilespmem:s18+$0x1C800] =	vst v10  }
0x675: {  	v34 =	vadd.s32 $0xC, v2;
	[tilespmem:s9+$0x1C800] =	vst v3;
	v9 =	vld.idx.msk [tilespmem:v28+s3+$0x0], $0xffff  }
0x676: {  	v35 =	vadd.s32 $0xC, v4;
	v7 =	vld.idx.msk [tilespmem:v29+s3+$0x0], $0xffff;
	[tilespmem:s21+$0x1C800] =	vst v8  }
0x677: {  	[tilespmem:s29+$0x1C880] =	vst v30;
	v36 =	vadd.s32 $0xC, v5;
	v37 =	vld.idx.msk [tilespmem:v31+s3+$0x0], $0xffff  }
0x678: {  	v39 =	vadd.s32 $0xC, v6;
	v38 =	vld.idx.msk [tilespmem:v32+s3+$0x0], $0xffff;
	[tilespmem:s30+$0x1C880] =	vst v12  }
0x679: {  	v40 =	vadd.s32 $0xD, v0;
	v16 =	vld.idx.msk [tilespmem:v33+s3+$0x0], $0xffff;
	[tilespmem:s0+$0x1C880] =	vst v14  }
0x67a: {  	v41 =	vadd.s32 $0xD, v1;
	v10 =	vld.idx.msk [tilespmem:v34+s3+$0x0], $0xffff;
	[tilespmem:s18+$0x1C880] =	vst v9  }
0x67b: {  	v42 =	vadd.s32 $0xD, v2;
	[tilespmem:s9+$0x1C880] =	vst v7;
	v3 =	vld.idx.msk [tilespmem:v35+s3+$0x0], $0xffff  }
0x67c: {  	v43 =	vadd.s32 $0xD, v4;
	v8 =	vld.idx.msk [tilespmem:v36+s3+$0x0], $0xffff;
	[tilespmem:s21+$0x1C880] =	vst v37  }
0x67d: {  	[tilespmem:s29+$0x1C900] =	vst v38;
	v44 =	vadd.s32 $0xD, v5;
	v12 =	vld.idx.msk [tilespmem:v39+s3+$0x0], $0xffff  }
0x67e: {  	v45 =	vadd.s32 $0xD, v6;
	v13 =	vld.idx.msk [tilespmem:v40+s3+$0x0], $0xffff;
	[tilespmem:s30+$0x1C900] =	vst v16  }
0x67f: {  	v46 =	vadd.s32 $0xE, v0;
	v14 =	vld.idx.msk [tilespmem:v41+s3+$0x0], $0xffff;
	[tilespmem:s0+$0x1C900] =	vst v10  }
0x680: {  	v47 =	vadd.s32 $0xE, v1;
	v9 =	vld.idx.msk [tilespmem:v42+s3+$0x0], $0xffff;
	[tilespmem:s18+$0x1C900] =	vst v3  }
0x681: {  	v48 =	vadd.s32 $0xE, v2;
	[tilespmem:s9+$0x1C900] =	vst v8;
	v7 =	vld.idx.msk [tilespmem:v43+s3+$0x0], $0xffff  }
0x682: {  	v49 =	vadd.s32 $0xE, v4;
	v11 =	vld.idx.msk [tilespmem:v44+s3+$0x0], $0xffff;
	[tilespmem:s21+$0x1C900] =	vst v12  }
0x683: {  	[tilespmem:s29+$0x1C980] =	vst v13;
	v50 =	vadd.s32 $0xE, v5;
	v51 =	vld.idx.msk [tilespmem:v45+s3+$0x0], $0xffff  }
0x684: {  	v53 =	vadd.s32 $0xE, v6;
	v52 =	vld.idx.msk [tilespmem:v46+s3+$0x0], $0xffff;
	[tilespmem:s30+$0x1C980] =	vst v14  }
0x685: {  	v54 =	vadd.s32 $0xF, v0;
	v10 =	vld.idx.msk [tilespmem:v47+s3+$0x0], $0xffff;
	[tilespmem:s0+$0x1C980] =	vst v9  }
0x686: {  	v55 =	vadd.s32 $0xF, v1;
	v3 =	vld.idx.msk [tilespmem:v48+s3+$0x0], $0xffff;
	[tilespmem:s18+$0x1C980] =	vst v7  }
0x687: {  	v56 =	vadd.s32 $0xF, v2;
	[tilespmem:s9+$0x1C980] =	vst v11;
	v7 =	vld.idx.msk [tilespmem:v49+s3+$0x0], $0xffff  }
0x688: {  	v57 =	vadd.s32 $0xF, v4;
	v58 =	vld.idx.msk [tilespmem:v50+s3+$0x0], $0xffff;
	[tilespmem:s21+$0x1C980] =	vst v51  }
0x689: {  	v59 =	vadd.s32 $0xF, v5;
	[tilespmem:s29+$0x1CA00] =	vst v52;
	v60 =	vld.idx.msk [tilespmem:v53+s3+$0x0], $0xffff  }
0x68a: {  	v6 =	vadd.s32 $0xF, v6;
	v0 =	vld.idx.msk [tilespmem:v54+s3+$0x0], $0xffff;
	[tilespmem:s30+$0x1CA00] =	vst v10  }
0x68b: {  	v1 =	vld.idx.msk [tilespmem:v55+s3+$0x0], $0xffff;
	[tilespmem:s0+$0x1CA00] =	vst v3  }
0x68c: {  	v2 =	vld.idx.msk [tilespmem:v56+s3+$0x0], $0xffff;
	[tilespmem:s18+$0x1CA00] =	vst v7  }
0x68d: {  	[tilespmem:s9+$0x1CA00] =	vst v58;
	v61 =	vld.idx.msk [tilespmem:v57+s3+$0x0], $0xffff  }
0x68e: {  	v62 =	vld.idx.msk [tilespmem:v59+s3+$0x0], $0xffff;
	[tilespmem:s21+$0x1CA00] =	vst v60  }
0x68f: {  	s25 =	sadd.s32 $0x1, s25;
	[tilespmem:s29+$0x1CA80] =	vst v0;
	v63 =	vld.idx.msk [tilespmem:v6+s3+$0x0], $0xffff  }
0x690: {  	p0 =	sne.s32 s25, $0x19;
	[tilespmem:s30+$0x1CA80] =	vst v1  }
.Ltmp8:
0x691: {  	[tilespmem:s0+$0x1CA80] =	vst v2;
	(pc) =	sbr.rel @p0 .LBB2_2-.Ltmp8, $4  }
0x692: {  	[tilespmem:s18+$0x1CA80] =	vst v61  }
0x693: {  	[tilespmem:s9+$0x1CA80] =	vst v62  }
0x694: {  	s31 =	simm.s32 $0x1B700;
	s29 =	simm.s32 $0x1000;
	s30 =	simm.s32 $0x20000;
	[tilespmem:s21+$0x1CA80] =	vst v63  }
0x695: {  	[hbm4b:s6+s29] =	stream.strided.scatter [tilespmem:s31], [sflag:$0x3], $0x2000, s30, s29, $0x38;
	[tilespmem:$0x1D700] =	vst v63  }
0x696: {  	s0 =	simm.s32 $0x2  }
0x697: {  	_ =	swait.ge [sflag:s0], $0x2000  }
0x698: {  	[sflag:s0] =	ssyncset.done $0x0  }
0x699: {  	[sflag:s0] =	ssyncadd.s32 $0xFFFFE000  }
0x69a: {  	_ =	swait.ge [sflag:s23], $0x2000  }
0x69b: {  	s1 =	rddreg [dreg:$0xf]  }
0x69c: {  	s31 =	rddreg [dreg:$0xe];
	s1 =	sadd.s32 $0x1, s1  }
0x69d: {  	p0 =	sne.s32 s1, s31  }
.Ltmp9:
0x69e: {  	_ = 	snop;
	(pc) =	sbr.rel @p0 .LBB2_1-.Ltmp9, $3  }
0x69f: {  	_ =	sdelay $0x1  }
0x6a0: {  	[sflag:s23] =	ssyncset.done $0x0  }
0x6a1: {  	[sflag:s23] =	ssyncadd.s32 $0xFFFFE000  }
0x6a2: {  	_ =	sfence.sel $0x180000  }
0x6a3: {  	[bflag:$0x0] =	sbarrier.arrive $0xFFFF  }
0x6a4: {  	_ =	strace $0x90000047  }
0x6a5: {  	s0 =	stileid.u32;
	[bflag:$0x2] =	sbarrier.arrive $0xFFFF  }
0x6a6: {  	p0 =	sne.s32 s0, $0x0;
	s0 =	rddreg [dreg:$0x3]  }
0x6a7: {  	s0 =	sadd.s32 @!p0 $0x100000, s0  }
0x6a8: {  	[sflag:s0] =	ssyncadd.tile.s32 @!p0 $0x1;
	_ =	shalt  }
.Lfunc_end2:
_tile_overlayer_lowered:
.L_overlay_start_2:
0x6a9: {  	(tag) =	ssettag $0x2  }
0x6aa: {  	s0 =	rddreg [dreg:$0x0];
	s2 =	stileid.u32  }
0x6ab: {  	s1 =	rddreg [dreg:$0x1];
	p0 =	sne.s32 s2, $0x0  }
0x6ac: {  	s3 =	rddreg [dreg:$0x2];
	[bflag:$0x3] =	sbarrier.arrive $0xFFFF;
	s2 =	simm.s32 @!p0 $0x1C04  }
0x6ad: {  	[timem:s3], [sflag:s2] =	dma.local @!p0 [hbm:s0], s1  }
0x6ae: {  	s0 =	simm.s32 @!p0 $0x4  }
0x6af: {  	_ =	swait.ge @!p0 [sflag:s0], s1  }
0x6b0: {  	s1 =	ssub.s32 @!p0 $0x0, s1;
	[sflag:s0] =	ssyncset.done @!p0 $0x0  }
0x6b1: {  	[sflag:s0] =	ssyncadd.s32 @!p0 s1  }
0x6b2: {  	[bflag:$0x3] =	sbarrier.arrive $0xFFFF  }
0x6b3: {  	_ =	shalt  }

</sc_bundles>
